<compile_context>
chip_gen: v7x
topology: tpu7x:2x2x1
jax: 0.10.2.dev20260603
libtpu: 0.0.44.dev20260713+nightly
codegen_flags: <defaults>
</compile_context>

<pallas_src>
import functools

import jax
import jax.numpy as jnp
from jax import lax
from jax.experimental import pallas as pl
from jax.experimental.pallas import tpu as pltpu
from jax.experimental.pallas import tpu_sc as plsc

N_LATLON = 65160
N_GRAPH = 5882
IN_DIM = 78
D = 128

E_PAD = 65280
G_PAD = 5888
LAT_E = N_GRAPH * 7
LAT_PAD = 41472

_NC, _NS = 2, 16
_NW = _NC * _NS
PER_W = E_PAD // _NW
CH = 120
NCH = PER_W // CH
ROWS_PER_TILE = G_PAD // _NS

_f32 = jnp.float32


def _silu(x):
    return x * (1.0 / (1.0 + jnp.exp(-x)))


def _ln(x, g, b):
    mu = jnp.mean(x, axis=-1, keepdims=True)
    xc = x - mu
    var = jnp.mean(xc * xc, axis=-1, keepdims=True)
    return xc * lax.rsqrt(var + 1e-5) * g + b


def _dot(a, b):
    return jnp.dot(a, b, preferred_element_type=_f32)


def _dotT(a, b):
    return lax.dot_general(a, b, (((0,), (0,)), ((), ())),
                           preferred_element_type=_f32)



def _h3_encoder_body(x_ref, w1, w2, w3, b1, b2, b3, g, b, out_ref):
    h = _silu(_dot(x_ref[...], w1[...]) + b1[...])
    h = _silu(_dot(h, w2[...]) + b2[...])
    h = _dot(h, w3[...]) + b3[...]
    out_ref[...] = _ln(h, g[...], b[...])


def _edge_pipeline_body(feat_ref, attr_ref, dst_ref,
                        nw1, nw2, nw3, nb1, nb2, nb3, ng, nb,
                        ew1, ew2, ew3, eb1, eb2, eb3, eg, eb,
                        gw1s, gw1d, gw1e, gw2, gw3, gb1, gb2, gb3, gg, gb,
                        out_ref):
    h = _silu(_dotT(feat_ref[...], nw1[...]) + nb1[...])
    h = _silu(_dot(h, nw2[...]) + nb2[...])
    h = _dot(h, nw3[...]) + nb3[...]
    src = _ln(h, ng[...], nb[...])
    eh = _silu(_dotT(attr_ref[...], ew1[...]) + eb1[...])
    eh = _silu(_dot(eh, ew2[...]) + eb2[...])
    eh = _dot(eh, ew3[...]) + eb3[...]
    e = _ln(eh, eg[...], eb[...])
    d = dst_ref[...]
    u = _silu(_dot(src, gw1s[...]) + _dot(d, gw1d[...]) + _dot(e, gw1e[...]) + gb1[...])
    u = _silu(_dot(u, gw2[...]) + gb2[...])
    u = _dot(u, gw3[...]) + gb3[...]
    out_ref[...] = _ln(u, gg[...], gb[...]) + e


def _node_update_body(h3_ref, agg_ref,
                      w1n, w1a, w2, w3, b1, b2, b3, g, b, out_ref):
    h3 = h3_ref[...]
    agg = agg_ref[0] + agg_ref[1]
    h = _silu(_dot(h3, w1n[...]) + _dot(agg, w1a[...]) + b1[...])
    h = _silu(_dot(h, w2[...]) + b2[...])
    h = _dot(h, w3[...]) + b3[...]
    out_ref[...] = (_ln(h, g[...], b[...]) + h3)[:N_GRAPH]


def _lat_encoder_body(attr_ref, w1, w2, w3, b1, b2, b3, g, b, out_ref):
    h = _silu(_dotT(attr_ref[...], w1[...]) + b1[...])
    h = _silu(_dot(h, w2[...]) + b2[...])
    h = _dot(h, w3[...]) + b3[...]
    out_ref[...] = _ln(h, g[...], b[...])


def _const_spec(shape):
    return pl.BlockSpec(shape, lambda i: tuple(0 for _ in shape))


def _row_spec(blk, cols):
    return pl.BlockSpec((blk, cols), lambda i: (i, 0))


def _col_spec(rows, blk):
    return pl.BlockSpec((rows, blk), lambda i: (0, i))



def _make_gather():
    mesh = plsc.VectorSubcoreMesh(core_axis_name="c", subcore_axis_name="s",
                                  num_cores=_NC, num_subcores=_NS)

    @functools.partial(
        pl.kernel,
        out_type=jax.ShapeDtypeStruct((E_PAD, D), _f32),
        mesh=mesh,
        scratch_types=[
            pltpu.VMEM((CH,), jnp.int32),
            pltpu.VMEM((CH,), jnp.int32),
            pltpu.VMEM((CH, D), _f32),
            pltpu.VMEM((CH, D), _f32),
            pltpu.SemaphoreType.DMA,
            pltpu.SemaphoreType.DMA,
            pltpu.SemaphoreType.DMA,
            pltpu.SemaphoreType.DMA,
            pltpu.SemaphoreType.DMA,
            pltpu.SemaphoreType.DMA,
        ],
        compiler_params=pltpu.CompilerParams(use_tc_tiling_on_sc=True),
    )
    def gather_k(table, idx, out, idxb0, idxb1, rows0, rows1,
                 i0, i1, g0, g1, w0, w1):
        wid = lax.axis_index("s") * _NC + lax.axis_index("c")
        base = wid * PER_W
        idxb = (idxb0, idxb1)
        rows = (rows0, rows1)
        isem = (i0, i1)
        gsem = (g0, g1)
        wsem = (w0, w1)
        i = [None, None]
        w = [None, None]
        i[0] = pltpu.async_copy(idx.at[pl.ds(base, CH)], idxb[0], isem[0])
        for c in range(NCH):
            s = c % 2
            o = (c + 1) % 2
            if c + 1 < NCH:
                i[o] = pltpu.async_copy(
                    idx.at[pl.ds(base + (c + 1) * CH, CH)], idxb[o], isem[o])
            i[s].wait()
            if w[s] is not None:
                w[s].wait()
            pltpu.async_copy(table.at[idxb[s]], rows[s], gsem[s]).wait()
            w[s] = pltpu.async_copy(rows[s], out.at[pl.ds(base + c * CH, CH)],
                                    wsem[s])
        w[(NCH - 1) % 2].wait()
        if NCH > 1:
            w[NCH % 2].wait()

    return gather_k


def _make_scatter():
    mesh = plsc.VectorSubcoreMesh(core_axis_name="c", subcore_axis_name="s",
                                  num_cores=_NC, num_subcores=_NS)

    @functools.partial(
        pl.kernel,
        out_type=jax.ShapeDtypeStruct((_NC, G_PAD, D), _f32),
        mesh=mesh,
        scratch_types=[
            pltpu.VMEM((CH,), jnp.int32),
            pltpu.VMEM((CH,), jnp.int32),
            pltpu.VMEM((CH, D), _f32),
            pltpu.VMEM((CH, D), _f32),
            pltpu.VMEM_SHARED((G_PAD, D), _f32),
            pltpu.SemaphoreType.DMA,
            pltpu.SemaphoreType.DMA,
            pltpu.SemaphoreType.DMA,
            pltpu.SemaphoreType.DMA,
            pltpu.SemaphoreType.DMA,
            pltpu.SemaphoreType.DMA,
        ],
        compiler_params=pltpu.CompilerParams(use_tc_tiling_on_sc=True),
    )
    def scatter_k(eupd, idx, zeros, out, idxb0, idxb1, rows0, rows1, agg_sh,
                  i0, i1, r0s, r1s, a0, a1):
        cid = lax.axis_index("c")
        sid = lax.axis_index("s")
        wid = sid * _NC + cid
        zr = sid * ROWS_PER_TILE
        pltpu.sync_copy(zeros, agg_sh.at[pl.ds(zr, ROWS_PER_TILE)])
        plsc.subcore_barrier()
        base = wid * PER_W
        idxb = (idxb0, idxb1)
        rows = (rows0, rows1)
        isem = (i0, i1)
        rsem = (r0s, r1s)
        asem = (a0, a1)
        i = [None, None]
        r = [None, None]
        a = [None, None]
        i[0] = pltpu.async_copy(idx.at[pl.ds(base, CH)], idxb[0], isem[0])
        r[0] = pltpu.async_copy(eupd.at[pl.ds(base, CH)], rows[0], rsem[0])
        for c in range(NCH):
            s = c % 2
            o = (c + 1) % 2
            if c + 1 < NCH:
                if a[o] is not None:
                    a[o].wait()
                i[o] = pltpu.async_copy(
                    idx.at[pl.ds(base + (c + 1) * CH, CH)], idxb[o], isem[o])
                r[o] = pltpu.async_copy(
                    eupd.at[pl.ds(base + (c + 1) * CH, CH)], rows[o], rsem[o])
            i[s].wait()
            r[s].wait()
            a[s] = pltpu.async_copy(rows[s], agg_sh.at[idxb[s]], asem[s],
                                    add=True)
        a[(NCH - 1) % 2].wait()
        if NCH > 1:
            a[NCH % 2].wait()
        plsc.subcore_barrier()
        pltpu.sync_copy(agg_sh.at[pl.ds(zr, ROWS_PER_TILE)],
                        out.at[cid, pl.ds(zr, ROWS_PER_TILE)])

    return scatter_k


_gather = functools.cache(_make_gather)
_scatter = functools.cache(_make_scatter)



def _mlp_args(p):
    ws = [w for w in p["Ws"]]
    bs = [b.reshape(1, D) for b in p["bs"]]
    return ws, bs, p["g"].reshape(1, D), p["b"].reshape(1, D)


def kernel(features, h3_nodes, enc_edge_attr, lat_edge_attr, params,
           enc_edge_index, lat_edge_index):
    featsT = features.reshape(N_LATLON, IN_DIM).T
    attrT = enc_edge_attr.T
    latT = lat_edge_attr.T
    h3_pad = jnp.pad(h3_nodes, ((0, G_PAD - N_GRAPH), (0, 0)))
    idx = enc_edge_index[1] - N_LATLON
    idx_pad = jnp.pad(idx, (0, E_PAD - N_LATLON), constant_values=N_GRAPH)

    nws, nbs, ng, nb = _mlp_args(params["node_encoder"])
    ews, ebs, eg, eb = _mlp_args(params["edge_encoder"])
    lws, lbs, lg, lb = _mlp_args(params["latent_edge_encoder"])
    gws, gbs, gg, gb = _mlp_args(params["gp_edge_mlp"])
    gw1s, gw1d, gw1e = gws[0][:D], gws[0][D:2 * D], gws[0][2 * D:]
    pws, pbs, pg, pb = _mlp_args(params["gp_node_mlp"])
    pw1n, pw1a = pws[0][:D], pws[0][D:]

    h3_emb = pl.pallas_call(
        _h3_encoder_body,
        grid=(1,),
        in_specs=[_const_spec((G_PAD, IN_DIM)),
                  _const_spec((IN_DIM, D)), _const_spec((D, D)), _const_spec((D, D)),
                  _const_spec((1, D)), _const_spec((1, D)), _const_spec((1, D)),
                  _const_spec((1, D)), _const_spec((1, D))],
        out_specs=_const_spec((G_PAD, D)),
        out_shape=jax.ShapeDtypeStruct((G_PAD, D), _f32),
    )(h3_pad, nws[0], nws[1], nws[2], nbs[0], nbs[1], nbs[2], ng, nb)

    dst_emb = _gather()(h3_emb, idx_pad)

    LBLK = 512
    lat_e = pl.pallas_call(
        _lat_encoder_body,
        grid=(pl.cdiv(LAT_E, LBLK),),
        in_specs=[_col_spec(2, LBLK),
                  _const_spec((2, D)), _const_spec((D, D)), _const_spec((D, D)),
                  _const_spec((1, D)), _const_spec((1, D)), _const_spec((1, D)),
                  _const_spec((1, D)), _const_spec((1, D))],
        out_specs=_row_spec(LBLK, D),
        out_shape=jax.ShapeDtypeStruct((LAT_E, D), _f32),
    )(latT, lws[0], lws[1], lws[2], lbs[0], lbs[1], lbs[2], lg, lb)

    BLK = 640
    e_upd = pl.pallas_call(
        _edge_pipeline_body,
        grid=(E_PAD // BLK,),
        in_specs=[_col_spec(IN_DIM, BLK), _col_spec(2, BLK), _row_spec(BLK, D),
                  _const_spec((IN_DIM, D)), _const_spec((D, D)), _const_spec((D, D)),
                  _const_spec((1, D)), _const_spec((1, D)), _const_spec((1, D)),
                  _const_spec((1, D)), _const_spec((1, D)),
                  _const_spec((2, D)), _const_spec((D, D)), _const_spec((D, D)),
                  _const_spec((1, D)), _const_spec((1, D)), _const_spec((1, D)),
                  _const_spec((1, D)), _const_spec((1, D)),
                  _const_spec((D, D)), _const_spec((D, D)), _const_spec((D, D)),
                  _const_spec((D, D)), _const_spec((D, D)),
                  _const_spec((1, D)), _const_spec((1, D)), _const_spec((1, D)),
                  _const_spec((1, D)), _const_spec((1, D))],
        out_specs=_row_spec(BLK, D),
        out_shape=jax.ShapeDtypeStruct((E_PAD, D), _f32),
    )(featsT, attrT, dst_emb,
      nws[0], nws[1], nws[2], nbs[0], nbs[1], nbs[2], ng, nb,
      ews[0], ews[1], ews[2], ebs[0], ebs[1], ebs[2], eg, eb,
      gw1s, gw1d, gw1e, gws[1], gws[2], gbs[0], gbs[1], gbs[2], gg, gb)

    zeros = jnp.zeros((ROWS_PER_TILE, D), _f32)
    agg2 = _scatter()(e_upd, idx_pad, zeros)

    out_h3 = pl.pallas_call(
        _node_update_body,
        grid=(1,),
        in_specs=[_const_spec((G_PAD, D)), _const_spec((_NC, G_PAD, D)),
                  _const_spec((D, D)), _const_spec((D, D)), _const_spec((D, D)),
                  _const_spec((D, D)),
                  _const_spec((1, D)), _const_spec((1, D)), _const_spec((1, D)),
                  _const_spec((1, D)), _const_spec((1, D))],
        out_specs=_const_spec((N_GRAPH, D)),
        out_shape=jax.ShapeDtypeStruct((N_GRAPH, D), _f32),
    )(h3_emb, agg2, pw1n, pw1a, pws[1], pws[2], pbs[0], pbs[1], pbs[2], pg, pb)

    return out_h3, lat_edge_index, lat_e

# --- scband reference (transcript-rebuilt; emitter-appended) ---
"""Pipeline reference for scband-encoder-26628797235385 (READ-ONLY COPY).

The authoritative reference and input builder live on the scoring server;
editing this copy changes nothing except your own understanding.
"""

import jax, jax.numpy as jnp
import numpy as np

N_LATLON = 65160
N_GRAPH = 5882
IN_DIM = 78
OUT_DIM = 128
EDGE_DIM = 128
HID = 128
B = 1
E_ENC = N_LATLON
E_LAT = N_GRAPH * 7


def _mlp_params(key, in_dim, out_dim, hid, n_hidden):
    dims = [in_dim] + [hid] * n_hidden + [out_dim]
    Ws, bs = [], []
    for i in range(len(dims) - 1):
        key, k = jax.random.split(key)
        Ws.append(jax.random.normal(k, (dims[i], dims[i + 1]), jnp.float32) * (1.0 / np.sqrt(dims[i])))
        bs.append(jnp.zeros((dims[i + 1],), jnp.float32))
    return {"Ws": Ws, "bs": bs, "g": jnp.ones((out_dim,), jnp.float32), "b": jnp.zeros((out_dim,), jnp.float32)}


def _mlp_apply(p, x):
    n = len(p["Ws"])
    for i in range(n - 1):
        x = jax.nn.silu(x @ p["Ws"][i] + p["bs"][i])
    x = x @ p["Ws"][-1] + p["bs"][-1]
    mu = jnp.mean(x, axis=-1, keepdims=True)
    var = jnp.var(x, axis=-1, keepdims=True)
    return (x - mu) / jnp.sqrt(var + 1e-5) * p["g"] + p["b"]


def setup_inputs(seed: int = 0) -> dict:
    key = jax.random.key(seed)
    ks = jax.random.split(key, 12)
    features = jax.random.normal(ks[0], (B, N_LATLON, IN_DIM), jnp.float32)
    h3_nodes = jnp.zeros((N_GRAPH, IN_DIM), jnp.float32)
    # encoder bipartite graph: each lat/lon point -> one h3 node
    enc_src = jnp.arange(N_LATLON, dtype=jnp.int32)
    enc_dst = N_LATLON + jax.random.randint(ks[1], (E_ENC,), 0, N_GRAPH, dtype=jnp.int32)
    enc_dst = enc_dst.at[-1].set(N_LATLON + N_GRAPH - 1)  # ensure max index = n_total-1 (matches torch batch-offset behavior)
    enc_edge_index = jnp.stack([enc_src, enc_dst], axis=0)
    theta = jax.random.uniform(ks[2], (E_ENC,), jnp.float32, 0.0, np.pi)
    enc_edge_attr = jnp.stack([jnp.sin(theta), jnp.cos(theta)], axis=-1)
    # latent graph: ~7 neighbors per h3 node
    lat_src = jnp.repeat(jnp.arange(N_GRAPH, dtype=jnp.int32), 7)
    lat_dst = jax.random.randint(ks[3], (E_LAT,), 0, N_GRAPH, dtype=jnp.int32)
    lat_dst = lat_dst.at[-1].set(N_GRAPH - 1)
    lat_edge_index = jnp.stack([lat_src, lat_dst], axis=0)
    ltheta = jax.random.uniform(ks[4], (E_LAT,), jnp.float32, 0.0, np.pi)
    lat_edge_attr = jnp.stack([jnp.sin(ltheta), jnp.cos(ltheta)], axis=-1)
    params = {
        "node_encoder": _mlp_params(ks[5], IN_DIM, OUT_DIM, HID, 2),
        "edge_encoder": _mlp_params(ks[6], 2, EDGE_DIM, HID, 2),
        "latent_edge_encoder": _mlp_params(ks[7], 2, EDGE_DIM, HID, 2),
        "gp_edge_mlp": _mlp_params(ks[8], 2 * OUT_DIM + EDGE_DIM, EDGE_DIM, HID, 2),
        "gp_node_mlp": _mlp_params(ks[9], OUT_DIM + EDGE_DIM, OUT_DIM, HID, 2),
    }
    return {
        "features": features,
        "h3_nodes": h3_nodes,
        "enc_edge_attr": enc_edge_attr,
        "lat_edge_attr": lat_edge_attr,
        "params": params,
        "enc_edge_index": enc_edge_index,
        "lat_edge_index": lat_edge_index,
    }


def reference(features, h3_nodes, enc_edge_attr, lat_edge_attr, params, enc_edge_index, lat_edge_index):
    batch = features.shape[0]
    # concat learned-zero h3 nodes, flatten batch
    feats = jnp.concatenate([features, jnp.broadcast_to(h3_nodes[None], (batch,) + h3_nodes.shape)], axis=1)
    feats = feats.reshape(-1, feats.shape[-1])
    out = _mlp_apply(params["node_encoder"], feats)
    e = _mlp_apply(params["edge_encoder"], enc_edge_attr)
    e = jnp.tile(e, (batch, 1))
    mx = jnp.max(enc_edge_index)
    ei = jnp.concatenate([enc_edge_index + i * mx + i for i in range(batch)], axis=1)
    # GraphProcessor, 1 message-passing iteration: edge update + residual, scatter-add agg, node update + residual
    src = out[ei[0]]
    dst = out[ei[1]]
    e_upd = _mlp_apply(params["gp_edge_mlp"], jnp.concatenate([src, dst, e], axis=-1)) + e
    agg = jnp.zeros_like(out).at[ei[1]].add(e_upd)
    out = _mlp_apply(params["gp_node_mlp"], jnp.concatenate([out, agg], axis=-1)) + out
    out = out.reshape(batch, -1, out.shape[-1])
    out = out[:, N_LATLON:, :]
    out = out.reshape(-1, out.shape[-1])
    lmx = jnp.max(lat_edge_index)
    lat_ei = jnp.concatenate([lat_edge_index + i * lmx + i for i in range(batch)], axis=1)
    lat_e = _mlp_apply(params["latent_edge_encoder"], jnp.tile(lat_edge_attr, (batch, 1)))
    return out, lat_ei, lat_e

if __name__ == "__main__":
    import jax
    _d = setup_inputs()
    print(jax.jit(kernel)(*tuple(_d.values())))

</pallas_src>

<mosaic_0001>
#map = affine_map<(d0, d1) -> (0, 0)>
#map1 = affine_map<(d0, d1) -> (0)>
module attributes {stable_mosaic.version = 14 : i64} {
  func.func @gather_k(%arg0: i32, %arg1: i32, %arg2: memref<5888x128xf32, #tpu.memory_space<hbm>>, %arg3: memref<65280xi32, #tpu.memory_space<hbm>>, %arg4: memref<65280x128xf32, #tpu.memory_space<hbm>>, %arg5: memref<120xi32, #tpu.memory_space<vmem>>, %arg6: memref<120xi32, #tpu.memory_space<vmem>>, %arg7: memref<120x128xf32, #tpu.memory_space<vmem>>, %arg8: memref<120x128xf32, #tpu.memory_space<vmem>>, %arg9: memref<!tpu.dma_semaphore, #tpu.memory_space<semaphore_mem>>, %arg10: memref<!tpu.dma_semaphore, #tpu.memory_space<semaphore_mem>>, %arg11: memref<!tpu.dma_semaphore, #tpu.memory_space<semaphore_mem>>, %arg12: memref<!tpu.dma_semaphore, #tpu.memory_space<semaphore_mem>>, %arg13: memref<!tpu.dma_semaphore, #tpu.memory_space<semaphore_mem>>, %arg14: memref<!tpu.dma_semaphore, #tpu.memory_space<semaphore_mem>>) attributes {dimension_semantics = [#tpu.dimension_semantics<core_parallel>, #tpu.dimension_semantics<subcore_parallel>], iteration_bounds = array<i64: 2, 16>, scalar_prefetch = 0 : i64, scratch_operands = 10 : i64, tpu.core_type = #tpu.core_type<sc_vector_subcore>, window_params = [{transform_indices = #map}, {transform_indices = #map1}, {transform_indices = #map}]} {
    %mul3A = arith.constant 2 : i32
    %mul3A_0 = arith.muli %arg1, %mul3A : i32
    %add3A = arith.addi %mul3A_0, %arg0 : i32
    %mul3A_1 = arith.constant 2040 : i32
    %mul3A_2 = arith.muli %add3A, %mul3A_1 : i32
    %dma_start3A = tpu.memref_slice %arg3[%mul3A_2] : memref<65280xi32, #tpu.memory_space<hbm>> -> memref<120xi32, #tpu.memory_space<hbm>>
    %dma_start3A_3 = tpu.memref_slice %arg3[%mul3A_2] : memref<65280xi32, #tpu.memory_space<hbm>> -> memref<120xi32, #tpu.memory_space<hbm>>
    tpu.enqueue_dma source(%dma_start3A_3 : memref<120xi32, #tpu.memory_space<hbm>>) target(%arg5 : memref<120xi32, #tpu.memory_space<vmem>>) target_semaphore(%arg9 : memref<!tpu.dma_semaphore, #tpu.memory_space<semaphore_mem>>)
    %add3A_4 = arith.constant 120 : i32
    %add3A_5 = arith.addi %mul3A_2, %add3A_4 : i32
    %dma_start3A_6 = tpu.memref_slice %arg3[%add3A_5] : memref<65280xi32, #tpu.memory_space<hbm>> -> memref<120xi32, #tpu.memory_space<hbm>>
    %dma_start3A_7 = tpu.memref_slice %arg3[%add3A_5] : memref<65280xi32, #tpu.memory_space<hbm>> -> memref<120xi32, #tpu.memory_space<hbm>>
    tpu.enqueue_dma source(%dma_start3A_7 : memref<120xi32, #tpu.memory_space<hbm>>) target(%arg6 : memref<120xi32, #tpu.memory_space<vmem>>) target_semaphore(%arg10 : memref<!tpu.dma_semaphore, #tpu.memory_space<semaphore_mem>>)
    %dma_wait3A = tpu.memref_slice %arg3[%mul3A_2] : memref<65280xi32, #tpu.memory_space<hbm>> -> memref<120xi32, #tpu.memory_space<hbm>>
    %dma_wait3A_8 = tpu.memref_slice %arg3[%mul3A_2] : memref<65280xi32, #tpu.memory_space<hbm>> -> memref<120xi32, #tpu.memory_space<hbm>>
    tpu.wait_dma2 semaphore(%arg9 : memref<!tpu.dma_semaphore, #tpu.memory_space<semaphore_mem>>) src(%dma_wait3A_8 : memref<120xi32, #tpu.memory_space<hbm>>) dst(%arg5 : memref<120xi32, #tpu.memory_space<vmem>>)
    %dma_start3A_9 = arith.constant 0 : i32
    %dma_start3A_10 = arith.constant 0 : i32
    %dma_start3A_11 = tpu.memref_slice %arg2[%dma_start3A_9, %dma_start3A_10] : memref<5888x128xf32, #tpu.memory_space<hbm>> -> memref<5888x128xf32, #tpu.memory_space<hbm>>
    tpu.enqueue_indirect_dma source(%dma_start3A_11 : memref<5888x128xf32, #tpu.memory_space<hbm>>) target(%arg7 : memref<120x128xf32, #tpu.memory_space<vmem>>) offsets(%arg5 : memref<120xi32, #tpu.memory_space<vmem>>) semaphore(%arg11 : memref<!tpu.dma_semaphore, #tpu.memory_space<semaphore_mem>>)
    %dma_wait3A_12 = arith.constant 0 : i32
    %dma_wait3A_13 = arith.constant 0 : i32
    %dma_wait3A_14 = tpu.memref_slice %arg2[%dma_wait3A_12, %dma_wait3A_13] : memref<5888x128xf32, #tpu.memory_space<hbm>> -> memref<5888x128xf32, #tpu.memory_space<hbm>>
    tpu.wait_indirect_dma semaphore(%arg11 : memref<!tpu.dma_semaphore, #tpu.memory_space<semaphore_mem>>) src(%dma_wait3A_14 : memref<5888x128xf32, #tpu.memory_space<hbm>>) dst(%arg7 : memref<120x128xf32, #tpu.memory_space<vmem>>)
    %add3A_15 = arith.constant 0 : i32
    %add3A_16 = arith.addi %mul3A_2, %add3A_15 : i32
    %dma_start3A_17 = arith.constant 0 : i32
    %dma_start3A_18 = tpu.memref_slice %arg4[%add3A_16, %dma_start3A_17] : memref<65280x128xf32, #tpu.memory_space<hbm>> -> memref<120x128xf32, #tpu.memory_space<hbm>>
    %dma_start3A_19 = arith.constant 0 : i32
    %dma_start3A_20 = tpu.memref_slice %arg4[%add3A_16, %dma_start3A_19] : memref<65280x128xf32, #tpu.memory_space<hbm>> -> memref<120x128xf32, #tpu.memory_space<hbm>>
    tpu.enqueue_dma source(%arg7 : memref<120x128xf32, #tpu.memory_space<vmem>>) target(%dma_start3A_20 : memref<120x128xf32, #tpu.memory_space<hbm>>) target_semaphore(%arg13 : memref<!tpu.dma_semaphore, #tpu.memory_space<semaphore_mem>>)
    %add3A_21 = arith.constant 240 : i32
    %add3A_22 = arith.addi %mul3A_2, %add3A_21 : i32
    %dma_start3A_23 = tpu.memref_slice %arg3[%add3A_22] : memref<65280xi32, #tpu.memory_space<hbm>> -> memref<120xi32, #tpu.memory_space<hbm>>
    %dma_start3A_24 = tpu.memref_slice %arg3[%add3A_22] : memref<65280xi32, #tpu.memory_space<hbm>> -> memref<120xi32, #tpu.memory_space<hbm>>
    tpu.enqueue_dma source(%dma_start3A_24 : memref<120xi32, #tpu.memory_space<hbm>>) target(%arg5 : memref<120xi32, #tpu.memory_space<vmem>>) target_semaphore(%arg9 : memref<!tpu.dma_semaphore, #tpu.memory_space<semaphore_mem>>)
    %dma_wait3A_25 = tpu.memref_slice %arg3[%add3A_5] : memref<65280xi32, #tpu.memory_space<hbm>> -> memref<120xi32, #tpu.memory_space<hbm>>
    %dma_wait3A_26 = tpu.memref_slice %arg3[%add3A_5] : memref<65280xi32, #tpu.memory_space<hbm>> -> memref<120xi32, #tpu.memory_space<hbm>>
    tpu.wait_dma2 semaphore(%arg10 : memref<!tpu.dma_semaphore, #tpu.memory_space<semaphore_mem>>) src(%dma_wait3A_26 : memref<120xi32, #tpu.memory_space<hbm>>) dst(%arg6 : memref<120xi32, #tpu.memory_space<vmem>>)
    %dma_start3A_27 = arith.constant 0 : i32
    %dma_start3A_28 = arith.constant 0 : i32
    %dma_start3A_29 = tpu.memref_slice %arg2[%dma_start3A_27, %dma_start3A_28] : memref<5888x128xf32, #tpu.memory_space<hbm>> -> memref<5888x128xf32, #tpu.memory_space<hbm>>
    tpu.enqueue_indirect_dma source(%dma_start3A_29 : memref<5888x128xf32, #tpu.memory_space<hbm>>) target(%arg8 : memref<120x128xf32, #tpu.memory_space<vmem>>) offsets(%arg6 : memref<120xi32, #tpu.memory_space<vmem>>) semaphore(%arg12 : memref<!tpu.dma_semaphore, #tpu.memory_space<semaphore_mem>>)
    %dma_wait3A_30 = arith.constant 0 : i32
    %dma_wait3A_31 = arith.constant 0 : i32
    %dma_wait3A_32 = tpu.memref_slice %arg2[%dma_wait3A_30, %dma_wait3A_31] : memref<5888x128xf32, #tpu.memory_space<hbm>> -> memref<5888x128xf32, #tpu.memory_space<hbm>>
    tpu.wait_indirect_dma semaphore(%arg12 : memref<!tpu.dma_semaphore, #tpu.memory_space<semaphore_mem>>) src(%dma_wait3A_32 : memref<5888x128xf32, #tpu.memory_space<hbm>>) dst(%arg8 : memref<120x128xf32, #tpu.memory_space<vmem>>)
    %add3A_33 = arith.constant 120 : i32
    %add3A_34 = arith.addi %mul3A_2, %add3A_33 : i32
    %dma_start3A_35 = arith.constant 0 : i32
    %dma_start3A_36 = tpu.memref_slice %arg4[%add3A_34, %dma_start3A_35] : memref<65280x128xf32, #tpu.memory_space<hbm>> -> memref<120x128xf32, #tpu.memory_space<hbm>>
    %dma_start3A_37 = arith.constant 0 : i32
    %dma_start3A_38 = tpu.memref_slice %arg4[%add3A_34, %dma_start3A_37] : memref<65280x128xf32, #tpu.memory_space<hbm>> -> memref<120x128xf32, #tpu.memory_space<hbm>>
    tpu.enqueue_dma source(%arg8 : memref<120x128xf32, #tpu.memory_space<vmem>>) target(%dma_start3A_38 : memref<120x128xf32, #tpu.memory_space<hbm>>) target_semaphore(%arg14 : memref<!tpu.dma_semaphore, #tpu.memory_space<semaphore_mem>>)
    %add3A_39 = arith.constant 360 : i32
    %add3A_40 = arith.addi %mul3A_2, %add3A_39 : i32
    %dma_start3A_41 = tpu.memref_slice %arg3[%add3A_40] : memref<65280xi32, #tpu.memory_space<hbm>> -> memref<120xi32, #tpu.memory_space<hbm>>
    %dma_start3A_42 = tpu.memref_slice %arg3[%add3A_40] : memref<65280xi32, #tpu.memory_space<hbm>> -> memref<120xi32, #tpu.memory_space<hbm>>
    tpu.enqueue_dma source(%dma_start3A_42 : memref<120xi32, #tpu.memory_space<hbm>>) target(%arg6 : memref<120xi32, #tpu.memory_space<vmem>>) target_semaphore(%arg10 : memref<!tpu.dma_semaphore, #tpu.memory_space<semaphore_mem>>)
    %dma_wait3A_43 = tpu.memref_slice %arg3[%add3A_22] : memref<65280xi32, #tpu.memory_space<hbm>> -> memref<120xi32, #tpu.memory_space<hbm>>
    %dma_wait3A_44 = tpu.memref_slice %arg3[%add3A_22] : memref<65280xi32, #tpu.memory_space<hbm>> -> memref<120xi32, #tpu.memory_space<hbm>>
    tpu.wait_dma2 semaphore(%arg9 : memref<!tpu.dma_semaphore, #tpu.memory_space<semaphore_mem>>) src(%dma_wait3A_44 : memref<120xi32, #tpu.memory_space<hbm>>) dst(%arg5 : memref<120xi32, #tpu.memory_space<vmem>>)
    %dma_wait3A_45 = arith.constant 0 : i32
    %dma_wait3A_46 = tpu.memref_slice %arg4[%add3A_16, %dma_wait3A_45] : memref<65280x128xf32, #tpu.memory_space<hbm>> -> memref<120x128xf32, #tpu.memory_space<hbm>>
    %dma_wait3A_47 = arith.constant 0 : i32
    %dma_wait3A_48 = tpu.memref_slice %arg4[%add3A_16, %dma_wait3A_47] : memref<65280x128xf32, #tpu.memory_space<hbm>> -> memref<120x128xf32, #tpu.memory_space<hbm>>
    tpu.wait_dma2 semaphore(%arg13 : memref<!tpu.dma_semaphore, #tpu.memory_space<semaphore_mem>>) src(%arg7 : memref<120x128xf32, #tpu.memory_space<vmem>>) dst(%dma_wait3A_48 : memref<120x128xf32, #tpu.memory_space<hbm>>)
    %dma_start3A_49 = arith.constant 0 : i32
    %dma_start3A_50 = arith.constant 0 : i32
    %dma_start3A_51 = tpu.memref_slice %arg2[%dma_start3A_49, %dma_start3A_50] : memref<5888x128xf32, #tpu.memory_space<hbm>> -> memref<5888x128xf32, #tpu.memory_space<hbm>>
    tpu.enqueue_indirect_dma source(%dma_start3A_51 : memref<5888x128xf32, #tpu.memory_space<hbm>>) target(%arg7 : memref<120x128xf32, #tpu.memory_space<vmem>>) offsets(%arg5 : memref<120xi32, #tpu.memory_space<vmem>>) semaphore(%arg11 : memref<!tpu.dma_semaphore, #tpu.memory_space<semaphore_mem>>)
    %dma_wait3A_52 = arith.constant 0 : i32
    %dma_wait3A_53 = arith.constant 0 : i32
    %dma_wait3A_54 = tpu.memref_slice %arg2[%dma_wait3A_52, %dma_wait3A_53] : memref<5888x128xf32, #tpu.memory_space<hbm>> -> memref<5888x128xf32, #tpu.memory_space<hbm>>
    tpu.wait_indirect_dma semaphore(%arg11 : memref<!tpu.dma_semaphore, #tpu.memory_space<semaphore_mem>>) src(%dma_wait3A_54 : memref<5888x128xf32, #tpu.memory_space<hbm>>) dst(%arg7 : memref<120x128xf32, #tpu.memory_space<vmem>>)
    %add3A_55 = arith.constant 240 : i32
    %add3A_56 = arith.addi %mul3A_2, %add3A_55 : i32
    %dma_start3A_57 = arith.constant 0 : i32
    %dma_start3A_58 = tpu.memref_slice %arg4[%add3A_56, %dma_start3A_57] : memref<65280x128xf32, #tpu.memory_space<hbm>> -> memref<120x128xf32, #tpu.memory_space<hbm>>
    %dma_start3A_59 = arith.constant 0 : i32
    %dma_start3A_60 = tpu.memref_slice %arg4[%add3A_56, %dma_start3A_59] : memref<65280x128xf32, #tpu.memory_space<hbm>> -> memref<120x128xf32, #tpu.memory_space<hbm>>
    tpu.enqueue_dma source(%arg7 : memref<120x128xf32, #tpu.memory_space<vmem>>) target(%dma_start3A_60 : memref<120x128xf32, #tpu.memory_space<hbm>>) target_semaphore(%arg13 : memref<!tpu.dma_semaphore, #tpu.memory_space<semaphore_mem>>)
    %add3A_61 = arith.constant 480 : i32
    %add3A_62 = arith.addi %mul3A_2, %add3A_61 : i32
    %dma_start3A_63 = tpu.memref_slice %arg3[%add3A_62] : memref<65280xi32, #tpu.memory_space<hbm>> -> memref<120xi32, #tpu.memory_space<hbm>>
    %dma_start3A_64 = tpu.memref_slice %arg3[%add3A_62] : memref<65280xi32, #tpu.memory_space<hbm>> -> memref<120xi32, #tpu.memory_space<hbm>>
    tpu.enqueue_dma source(%dma_start3A_64 : memref<120xi32, #tpu.memory_space<hbm>>) target(%arg5 : memref<120xi32, #tpu.memory_space<vmem>>) target_semaphore(%arg9 : memref<!tpu.dma_semaphore, #tpu.memory_space<semaphore_mem>>)
    %dma_wait3A_65 = tpu.memref_slice %arg3[%add3A_40] : memref<65280xi32, #tpu.memory_space<hbm>> -> memref<120xi32, #tpu.memory_space<hbm>>
    %dma_wait3A_66 = tpu.memref_slice %arg3[%add3A_40] : memref<65280xi32, #tpu.memory_space<hbm>> -> memref<120xi32, #tpu.memory_space<hbm>>
    tpu.wait_dma2 semaphore(%arg10 : memref<!tpu.dma_semaphore, #tpu.memory_space<semaphore_mem>>) src(%dma_wait3A_66 : memref<120xi32, #tpu.memory_space<hbm>>) dst(%arg6 : memref<120xi32, #tpu.memory_space<vmem>>)
    %dma_wait3A_67 = arith.constant 0 : i32
    %dma_wait3A_68 = tpu.memref_slice %arg4[%add3A_34, %dma_wait3A_67] : memref<65280x128xf32, #tpu.memory_space<hbm>> -> memref<120x128xf32, #tpu.memory_space<hbm>>
    %dma_wait3A_69 = arith.constant 0 : i32
    %dma_wait3A_70 = tpu.memref_slice %arg4[%add3A_34, %dma_wait3A_69] : memref<65280x128xf32, #tpu.memory_space<hbm>> -> memref<120x128xf32, #tpu.memory_space<hbm>>
    tpu.wait_dma2 semaphore(%arg14 : memref<!tpu.dma_semaphore, #tpu.memory_space<semaphore_mem>>) src(%arg8 : memref<120x128xf32, #tpu.memory_space<vmem>>) dst(%dma_wait3A_70 : memref<120x128xf32, #tpu.memory_space<hbm>>)
    %dma_start3A_71 = arith.constant 0 : i32
    %dma_start3A_72 = arith.constant 0 : i32
    %dma_start3A_73 = tpu.memref_slice %arg2[%dma_start3A_71, %dma_start3A_72] : memref<5888x128xf32, #tpu.memory_space<hbm>> -> memref<5888x128xf32, #tpu.memory_space<hbm>>
    tpu.enqueue_indirect_dma source(%dma_start3A_73 : memref<5888x128xf32, #tpu.memory_space<hbm>>) target(%arg8 : memref<120x128xf32, #tpu.memory_space<vmem>>) offsets(%arg6 : memref<120xi32, #tpu.memory_space<vmem>>) semaphore(%arg12 : memref<!tpu.dma_semaphore, #tpu.memory_space<semaphore_mem>>)
    %dma_wait3A_74 = arith.constant 0 : i32
    %dma_wait3A_75 = arith.constant 0 : i32
    %dma_wait3A_76 = tpu.memref_slice %arg2[%dma_wait3A_74, %dma_wait3A_75] : memref<5888x128xf32, #tpu.memory_space<hbm>> -> memref<5888x128xf32, #tpu.memory_space<hbm>>
    tpu.wait_indirect_dma semaphore(%arg12 : memref<!tpu.dma_semaphore, #tpu.memory_space<semaphore_mem>>) src(%dma_wait3A_76 : memref<5888x128xf32, #tpu.memory_space<hbm>>) dst(%arg8 : memref<120x128xf32, #tpu.memory_space<vmem>>)
    %add3A_77 = arith.constant 360 : i32
    %add3A_78 = arith.addi %mul3A_2, %add3A_77 : i32
    %dma_start3A_79 = arith.constant 0 : i32
    %dma_start3A_80 = tpu.memref_slice %arg4[%add3A_78, %dma_start3A_79] : memref<65280x128xf32, #tpu.memory_space<hbm>> -> memref<120x128xf32, #tpu.memory_space<hbm>>
    %dma_start3A_81 = arith.constant 0 : i32
    %dma_start3A_82 = tpu.memref_slice %arg4[%add3A_78, %dma_start3A_81] : memref<65280x128xf32, #tpu.memory_space<hbm>> -> memref<120x128xf32, #tpu.memory_space<hbm>>
    tpu.enqueue_dma source(%arg8 : memref<120x128xf32, #tpu.memory_space<vmem>>) target(%dma_start3A_82 : memref<120x128xf32, #tpu.memory_space<hbm>>) target_semaphore(%arg14 : memref<!tpu.dma_semaphore, #tpu.memory_space<semaphore_mem>>)
    %add3A_83 = arith.constant 600 : i32
    %add3A_84 = arith.addi %mul3A_2, %add3A_83 : i32
    %dma_start3A_85 = tpu.memref_slice %arg3[%add3A_84] : memref<65280xi32, #tpu.memory_space<hbm>> -> memref<120xi32, #tpu.memory_space<hbm>>
    %dma_start3A_86 = tpu.memref_slice %arg3[%add3A_84] : memref<65280xi32, #tpu.memory_space<hbm>> -> memref<120xi32, #tpu.memory_space<hbm>>
    tpu.enqueue_dma source(%dma_start3A_86 : memref<120xi32, #tpu.memory_space<hbm>>) target(%arg6 : memref<120xi32, #tpu.memory_space<vmem>>) target_semaphore(%arg10 : memref<!tpu.dma_semaphore, #tpu.memory_space<semaphore_mem>>)
    %dma_wait3A_87 = tpu.memref_slice %arg3[%add3A_62] : memref<65280xi32, #tpu.memory_space<hbm>> -> memref<120xi32, #tpu.memory_space<hbm>>
    %dma_wait3A_88 = tpu.memref_slice %arg3[%add3A_62] : memref<65280xi32, #tpu.memory_space<hbm>> -> memref<120xi32, #tpu.memory_space<hbm>>
    tpu.wait_dma2 semaphore(%arg9 : memref<!tpu.dma_semaphore, #tpu.memory_space<semaphore_mem>>) src(%dma_wait3A_88 : memref<120xi32, #tpu.memory_space<hbm>>) dst(%arg5 : memref<120xi32, #tpu.memory_space<vmem>>)
    %dma_wait3A_89 = arith.constant 0 : i32
    %dma_wait3A_90 = tpu.memref_slice %arg4[%add3A_56, %dma_wait3A_89] : memref<65280x128xf32, #tpu.memory_space<hbm>> -> memref<120x128xf32, #tpu.memory_space<hbm>>
    %dma_wait3A_91 = arith.constant 0 : i32
    %dma_wait3A_92 = tpu.memref_slice %arg4[%add3A_56, %dma_wait3A_91] : memref<65280x128xf32, #tpu.memory_space<hbm>> -> memref<120x128xf32, #tpu.memory_space<hbm>>
    tpu.wait_dma2 semaphore(%arg13 : memref<!tpu.dma_semaphore, #tpu.memory_space<semaphore_mem>>) src(%arg7 : memref<120x128xf32, #tpu.memory_space<vmem>>) dst(%dma_wait3A_92 : memref<120x128xf32, #tpu.memory_space<hbm>>)
    %dma_start3A_93 = arith.constant 0 : i32
    %dma_start3A_94 = arith.constant 0 : i32
    %dma_start3A_95 = tpu.memref_slice %arg2[%dma_start3A_93, %dma_start3A_94] : memref<5888x128xf32, #tpu.memory_space<hbm>> -> memref<5888x128xf32, #tpu.memory_space<hbm>>
    tpu.enqueue_indirect_dma source(%dma_start3A_95 : memref<5888x128xf32, #tpu.memory_space<hbm>>) target(%arg7 : memref<120x128xf32, #tpu.memory_space<vmem>>) offsets(%arg5 : memref<120xi32, #tpu.memory_space<vmem>>) semaphore(%arg11 : memref<!tpu.dma_semaphore, #tpu.memory_space<semaphore_mem>>)
    %dma_wait3A_96 = arith.constant 0 : i32
    %dma_wait3A_97 = arith.constant 0 : i32
    %dma_wait3A_98 = tpu.memref_slice %arg2[%dma_wait3A_96, %dma_wait3A_97] : memref<5888x128xf32, #tpu.memory_space<hbm>> -> memref<5888x128xf32, #tpu.memory_space<hbm>>
    tpu.wait_indirect_dma semaphore(%arg11 : memref<!tpu.dma_semaphore, #tpu.memory_space<semaphore_mem>>) src(%dma_wait3A_98 : memref<5888x128xf32, #tpu.memory_space<hbm>>) dst(%arg7 : memref<120x128xf32, #tpu.memory_space<vmem>>)
    %add3A_99 = arith.constant 480 : i32
    %add3A_100 = arith.addi %mul3A_2, %add3A_99 : i32
    %dma_start3A_101 = arith.constant 0 : i32
    %dma_start3A_102 = tpu.memref_slice %arg4[%add3A_100, %dma_start3A_101] : memref<65280x128xf32, #tpu.memory_space<hbm>> -> memref<120x128xf32, #tpu.memory_space<hbm>>
    %dma_start3A_103 = arith.constant 0 : i32
    %dma_start3A_104 = tpu.memref_slice %arg4[%add3A_100, %dma_start3A_103] : memref<65280x128xf32, #tpu.memory_space<hbm>> -> memref<120x128xf32, #tpu.memory_space<hbm>>
    tpu.enqueue_dma source(%arg7 : memref<120x128xf32, #tpu.memory_space<vmem>>) target(%dma_start3A_104 : memref<120x128xf32, #tpu.memory_space<hbm>>) target_semaphore(%arg13 : memref<!tpu.dma_semaphore, #tpu.memory_space<semaphore_mem>>)
    %add3A_105 = arith.constant 720 : i32
    %add3A_106 = arith.addi %mul3A_2, %add3A_105 : i32
    %dma_start3A_107 = tpu.memref_slice %arg3[%add3A_106] : memref<65280xi32, #tpu.memory_space<hbm>> -> memref<120xi32, #tpu.memory_space<hbm>>
    %dma_start3A_108 = tpu.memref_slice %arg3[%add3A_106] : memref<65280xi32, #tpu.memory_space<hbm>> -> memref<120xi32, #tpu.memory_space<hbm>>
    tpu.enqueue_dma source(%dma_start3A_108 : memref<120xi32, #tpu.memory_space<hbm>>) target(%arg5 : memref<120xi32, #tpu.memory_space<vmem>>) target_semaphore(%arg9 : memref<!tpu.dma_semaphore, #tpu.memory_space<semaphore_mem>>)
    %dma_wait3A_109 = tpu.memref_slice %arg3[%add3A_84] : memref<65280xi32, #tpu.memory_space<hbm>> -> memref<120xi32, #tpu.memory_space<hbm>>
    %dma_wait3A_110 = tpu.memref_slice %arg3[%add3A_84] : memref<65280xi32, #tpu.memory_space<hbm>> -> memref<120xi32, #tpu.memory_space<hbm>>
    tpu.wait_dma2 semaphore(%arg10 : memref<!tpu.dma_semaphore, #tpu.memory_space<semaphore_mem>>) src(%dma_wait3A_110 : memref<120xi32, #tpu.memory_space<hbm>>) dst(%arg6 : memref<120xi32, #tpu.memory_space<vmem>>)
    %dma_wait3A_111 = arith.constant 0 : i32
    %dma_wait3A_112 = tpu.memref_slice %arg4[%add3A_78, %dma_wait3A_111] : memref<65280x128xf32, #tpu.memory_space<hbm>> -> memref<120x128xf32, #tpu.memory_space<hbm>>
    %dma_wait3A_113 = arith.constant 0 : i32
    %dma_wait3A_114 = tpu.memref_slice %arg4[%add3A_78, %dma_wait3A_113] : memref<65280x128xf32, #tpu.memory_space<hbm>> -> memref<120x128xf32, #tpu.memory_space<hbm>>
    tpu.wait_dma2 semaphore(%arg14 : memref<!tpu.dma_semaphore, #tpu.memory_space<semaphore_mem>>) src(%arg8 : memref<120x128xf32, #tpu.memory_space<vmem>>) dst(%dma_wait3A_114 : memref<120x128xf32, #tpu.memory_space<hbm>>)
    %dma_start3A_115 = arith.constant 0 : i32
    %dma_start3A_116 = arith.constant 0 : i32
    %dma_start3A_117 = tpu.memref_slice %arg2[%dma_start3A_115, %dma_start3A_116] : memref<5888x128xf32, #tpu.memory_space<hbm>> -> memref<5888x128xf32, #tpu.memory_space<hbm>>
    tpu.enqueue_indirect_dma source(%dma_start3A_117 : memref<5888x128xf32, #tpu.memory_space<hbm>>) target(%arg8 : memref<120x128xf32, #tpu.memory_space<vmem>>) offsets(%arg6 : memref<120xi32, #tpu.memory_space<vmem>>) semaphore(%arg12 : memref<!tpu.dma_semaphore, #tpu.memory_space<semaphore_mem>>)
    %dma_wait3A_118 = arith.constant 0 : i32
    %dma_wait3A_119 = arith.constant 0 : i32
    %dma_wait3A_120 = tpu.memref_slice %arg2[%dma_wait3A_118, %dma_wait3A_119] : memref<5888x128xf32, #tpu.memory_space<hbm>> -> memref<5888x128xf32, #tpu.memory_space<hbm>>
    tpu.wait_indirect_dma semaphore(%arg12 : memref<!tpu.dma_semaphore, #tpu.memory_space<semaphore_mem>>) src(%dma_wait3A_120 : memref<5888x128xf32, #tpu.memory_space<hbm>>) dst(%arg8 : memref<120x128xf32, #tpu.memory_space<vmem>>)
    %add3A_121 = arith.constant 600 : i32
    %add3A_122 = arith.addi %mul3A_2, %add3A_121 : i32
    %dma_start3A_123 = arith.constant 0 : i32
    %dma_start3A_124 = tpu.memref_slice %arg4[%add3A_122, %dma_start3A_123] : memref<65280x128xf32, #tpu.memory_space<hbm>> -> memref<120x128xf32, #tpu.memory_space<hbm>>
    %dma_start3A_125 = arith.constant 0 : i32
    %dma_start3A_126 = tpu.memref_slice %arg4[%add3A_122, %dma_start3A_125] : memref<65280x128xf32, #tpu.memory_space<hbm>> -> memref<120x128xf32, #tpu.memory_space<hbm>>
    tpu.enqueue_dma source(%arg8 : memref<120x128xf32, #tpu.memory_space<vmem>>) target(%dma_start3A_126 : memref<120x128xf32, #tpu.memory_space<hbm>>) target_semaphore(%arg14 : memref<!tpu.dma_semaphore, #tpu.memory_space<semaphore_mem>>)
    %add3A_127 = arith.constant 840 : i32
    %add3A_128 = arith.addi %mul3A_2, %add3A_127 : i32
    %dma_start3A_129 = tpu.memref_slice %arg3[%add3A_128] : memref<65280xi32, #tpu.memory_space<hbm>> -> memref<120xi32, #tpu.memory_space<hbm>>
    %dma_start3A_130 = tpu.memref_slice %arg3[%add3A_128] : memref<65280xi32, #tpu.memory_space<hbm>> -> memref<120xi32, #tpu.memory_space<hbm>>
    tpu.enqueue_dma source(%dma_start3A_130 : memref<120xi32, #tpu.memory_space<hbm>>) target(%arg6 : memref<120xi32, #tpu.memory_space<vmem>>) target_semaphore(%arg10 : memref<!tpu.dma_semaphore, #tpu.memory_space<semaphore_mem>>)
    %dma_wait3A_131 = tpu.memref_slice %arg3[%add3A_106] : memref<65280xi32, #tpu.memory_space<hbm>> -> memref<120xi32, #tpu.memory_space<hbm>>
    %dma_wait3A_132 = tpu.memref_slice %arg3[%add3A_106] : memref<65280xi32, #tpu.memory_space<hbm>> -> memref<120xi32, #tpu.memory_space<hbm>>
    tpu.wait_dma2 semaphore(%arg9 : memref<!tpu.dma_semaphore, #tpu.memory_space<semaphore_mem>>) src(%dma_wait3A_132 : memref<120xi32, #tpu.memory_space<hbm>>) dst(%arg5 : memref<120xi32, #tpu.memory_space<vmem>>)
    %dma_wait3A_133 = arith.constant 0 : i32
    %dma_wait3A_134 = tpu.memref_slice %arg4[%add3A_100, %dma_wait3A_133] : memref<65280x128xf32, #tpu.memory_space<hbm>> -> memref<120x128xf32, #tpu.memory_space<hbm>>
    %dma_wait3A_135 = arith.constant 0 : i32
    %dma_wait3A_136 = tpu.memref_slice %arg4[%add3A_100, %dma_wait3A_135] : memref<65280x128xf32, #tpu.memory_space<hbm>> -> memref<120x128xf32, #tpu.memory_space<hbm>>
    tpu.wait_dma2 semaphore(%arg13 : memref<!tpu.dma_semaphore, #tpu.memory_space<semaphore_mem>>) src(%arg7 : memref<120x128xf32, #tpu.memory_space<vmem>>) dst(%dma_wait3A_136 : memref<120x128xf32, #tpu.memory_space<hbm>>)
    %dma_start3A_137 = arith.constant 0 : i32
    %dma_start3A_138 = arith.constant 0 : i32
    %dma_start3A_139 = tpu.memref_slice %arg2[%dma_start3A_137, %dma_start3A_138] : memref<5888x128xf32, #tpu.memory_space<hbm>> -> memref<5888x128xf32, #tpu.memory_space<hbm>>
    tpu.enqueue_indirect_dma source(%dma_start3A_139 : memref<5888x128xf32, #tpu.memory_space<hbm>>) target(%arg7 : memref<120x128xf32, #tpu.memory_space<vmem>>) offsets(%arg5 : memref<120xi32, #tpu.memory_space<vmem>>) semaphore(%arg11 : memref<!tpu.dma_semaphore, #tpu.memory_space<semaphore_mem>>)
    %dma_wait3A_140 = arith.constant 0 : i32
    %dma_wait3A_141 = arith.constant 0 : i32
    %dma_wait3A_142 = tpu.memref_slice %arg2[%dma_wait3A_140, %dma_wait3A_141] : memref<5888x128xf32, #tpu.memory_space<hbm>> -> memref<5888x128xf32, #tpu.memory_space<hbm>>
    tpu.wait_indirect_dma semaphore(%arg11 : memref<!tpu.dma_semaphore, #tpu.memory_space<semaphore_mem>>) src(%dma_wait3A_142 : memref<5888x128xf32, #tpu.memory_space<hbm>>) dst(%arg7 : memref<120x128xf32, #tpu.memory_space<vmem>>)
    %add3A_143 = arith.constant 720 : i32
    %add3A_144 = arith.addi %mul3A_2, %add3A_143 : i32
    %dma_start3A_145 = arith.constant 0 : i32
    %dma_start3A_146 = tpu.memref_slice %arg4[%add3A_144, %dma_start3A_145] : memref<65280x128xf32, #tpu.memory_space<hbm>> -> memref<120x128xf32, #tpu.memory_space<hbm>>
    %dma_start3A_147 = arith.constant 0 : i32
    %dma_start3A_148 = tpu.memref_slice %arg4[%add3A_144, %dma_start3A_147] : memref<65280x128xf32, #tpu.memory_space<hbm>> -> memref<120x128xf32, #tpu.memory_space<hbm>>
    tpu.enqueue_dma source(%arg7 : memref<120x128xf32, #tpu.memory_space<vmem>>) target(%dma_start3A_148 : memref<120x128xf32, #tpu.memory_space<hbm>>) target_semaphore(%arg13 : memref<!tpu.dma_semaphore, #tpu.memory_space<semaphore_mem>>)
    %add3A_149 = arith.constant 960 : i32
    %add3A_150 = arith.addi %mul3A_2, %add3A_149 : i32
    %dma_start3A_151 = tpu.memref_slice %arg3[%add3A_150] : memref<65280xi32, #tpu.memory_space<hbm>> -> memref<120xi32, #tpu.memory_space<hbm>>
    %dma_start3A_152 = tpu.memref_slice %arg3[%add3A_150] : memref<65280xi32, #tpu.memory_space<hbm>> -> memref<120xi32, #tpu.memory_space<hbm>>
    tpu.enqueue_dma source(%dma_start3A_152 : memref<120xi32, #tpu.memory_space<hbm>>) target(%arg5 : memref<120xi32, #tpu.memory_space<vmem>>) target_semaphore(%arg9 : memref<!tpu.dma_semaphore, #tpu.memory_space<semaphore_mem>>)
    %dma_wait3A_153 = tpu.memref_slice %arg3[%add3A_128] : memref<65280xi32, #tpu.memory_space<hbm>> -> memref<120xi32, #tpu.memory_space<hbm>>
    %dma_wait3A_154 = tpu.memref_slice %arg3[%add3A_128] : memref<65280xi32, #tpu.memory_space<hbm>> -> memref<120xi32, #tpu.memory_space<hbm>>
    tpu.wait_dma2 semaphore(%arg10 : memref<!tpu.dma_semaphore, #tpu.memory_space<semaphore_mem>>) src(%dma_wait3A_154 : memref<120xi32, #tpu.memory_space<hbm>>) dst(%arg6 : memref<120xi32, #tpu.memory_space<vmem>>)
    %dma_wait3A_155 = arith.constant 0 : i32
    %dma_wait3A_156 = tpu.memref_slice %arg4[%add3A_122, %dma_wait3A_155] : memref<65280x128xf32, #tpu.memory_space<hbm>> -> memref<120x128xf32, #tpu.memory_space<hbm>>
    %dma_wait3A_157 = arith.constant 0 : i32
    %dma_wait3A_158 = tpu.memref_slice %arg4[%add3A_122, %dma_wait3A_157] : memref<65280x128xf32, #tpu.memory_space<hbm>> -> memref<120x128xf32, #tpu.memory_space<hbm>>
    tpu.wait_dma2 semaphore(%arg14 : memref<!tpu.dma_semaphore, #tpu.memory_space<semaphore_mem>>) src(%arg8 : memref<120x128xf32, #tpu.memory_space<vmem>>) dst(%dma_wait3A_158 : memref<120x128xf32, #tpu.memory_space<hbm>>)
    %dma_start3A_159 = arith.constant 0 : i32
    %dma_start3A_160 = arith.constant 0 : i32
    %dma_start3A_161 = tpu.memref_slice %arg2[%dma_start3A_159, %dma_start3A_160] : memref<5888x128xf32, #tpu.memory_space<hbm>> -> memref<5888x128xf32, #tpu.memory_space<hbm>>
    tpu.enqueue_indirect_dma source(%dma_start3A_161 : memref<5888x128xf32, #tpu.memory_space<hbm>>) target(%arg8 : memref<120x128xf32, #tpu.memory_space<vmem>>) offsets(%arg6 : memref<120xi32, #tpu.memory_space<vmem>>) semaphore(%arg12 : memref<!tpu.dma_semaphore, #tpu.memory_space<semaphore_mem>>)
    %dma_wait3A_162 = arith.constant 0 : i32
    %dma_wait3A_163 = arith.constant 0 : i32
    %dma_wait3A_164 = tpu.memref_slice %arg2[%dma_wait3A_162, %dma_wait3A_163] : memref<5888x128xf32, #tpu.memory_space<hbm>> -> memref<5888x128xf32, #tpu.memory_space<hbm>>
    tpu.wait_indirect_dma semaphore(%arg12 : memref<!tpu.dma_semaphore, #tpu.memory_space<semaphore_mem>>) src(%dma_wait3A_164 : memref<5888x128xf32, #tpu.memory_space<hbm>>) dst(%arg8 : memref<120x128xf32, #tpu.memory_space<vmem>>)
    %add3A_165 = arith.constant 840 : i32
    %add3A_166 = arith.addi %mul3A_2, %add3A_165 : i32
    %dma_start3A_167 = arith.constant 0 : i32
    %dma_start3A_168 = tpu.memref_slice %arg4[%add3A_166, %dma_start3A_167] : memref<65280x128xf32, #tpu.memory_space<hbm>> -> memref<120x128xf32, #tpu.memory_space<hbm>>
    %dma_start3A_169 = arith.constant 0 : i32
    %dma_start3A_170 = tpu.memref_slice %arg4[%add3A_166, %dma_start3A_169] : memref<65280x128xf32, #tpu.memory_space<hbm>> -> memref<120x128xf32, #tpu.memory_space<hbm>>
    tpu.enqueue_dma source(%arg8 : memref<120x128xf32, #tpu.memory_space<vmem>>) target(%dma_start3A_170 : memref<120x128xf32, #tpu.memory_space<hbm>>) target_semaphore(%arg14 : memref<!tpu.dma_semaphore, #tpu.memory_space<semaphore_mem>>)
    %add3A_171 = arith.constant 1080 : i32
    %add3A_172 = arith.addi %mul3A_2, %add3A_171 : i32
    %dma_start3A_173 = tpu.memref_slice %arg3[%add3A_172] : memref<65280xi32, #tpu.memory_space<hbm>> -> memref<120xi32, #tpu.memory_space<hbm>>
    %dma_start3A_174 = tpu.memref_slice %arg3[%add3A_172] : memref<65280xi32, #tpu.memory_space<hbm>> -> memref<120xi32, #tpu.memory_space<hbm>>
    tpu.enqueue_dma source(%dma_start3A_174 : memref<120xi32, #tpu.memory_space<hbm>>) target(%arg6 : memref<120xi32, #tpu.memory_space<vmem>>) target_semaphore(%arg10 : memref<!tpu.dma_semaphore, #tpu.memory_space<semaphore_mem>>)
    %dma_wait3A_175 = tpu.memref_slice %arg3[%add3A_150] : memref<65280xi32, #tpu.memory_space<hbm>> -> memref<120xi32, #tpu.memory_space<hbm>>
    %dma_wait3A_176 = tpu.memref_slice %arg3[%add3A_150] : memref<65280xi32, #tpu.memory_space<hbm>> -> memref<120xi32, #tpu.memory_space<hbm>>
    tpu.wait_dma2 semaphore(%arg9 : memref<!tpu.dma_semaphore, #tpu.memory_space<semaphore_mem>>) src(%dma_wait3A_176 : memref<120xi32, #tpu.memory_space<hbm>>) dst(%arg5 : memref<120xi32, #tpu.memory_space<vmem>>)
    %dma_wait3A_177 = arith.constant 0 : i32
    %dma_wait3A_178 = tpu.memref_slice %arg4[%add3A_144, %dma_wait3A_177] : memref<65280x128xf32, #tpu.memory_space<hbm>> -> memref<120x128xf32, #tpu.memory_space<hbm>>
    %dma_wait3A_179 = arith.constant 0 : i32
    %dma_wait3A_180 = tpu.memref_slice %arg4[%add3A_144, %dma_wait3A_179] : memref<65280x128xf32, #tpu.memory_space<hbm>> -> memref<120x128xf32, #tpu.memory_space<hbm>>
    tpu.wait_dma2 semaphore(%arg13 : memref<!tpu.dma_semaphore, #tpu.memory_space<semaphore_mem>>) src(%arg7 : memref<120x128xf32, #tpu.memory_space<vmem>>) dst(%dma_wait3A_180 : memref<120x128xf32, #tpu.memory_space<hbm>>)
    %dma_start3A_181 = arith.constant 0 : i32
    %dma_start3A_182 = arith.constant 0 : i32
    %dma_start3A_183 = tpu.memref_slice %arg2[%dma_start3A_181, %dma_start3A_182] : memref<5888x128xf32, #tpu.memory_space<hbm>> -> memref<5888x128xf32, #tpu.memory_space<hbm>>
    tpu.enqueue_indirect_dma source(%dma_start3A_183 : memref<5888x128xf32, #tpu.memory_space<hbm>>) target(%arg7 : memref<120x128xf32, #tpu.memory_space<vmem>>) offsets(%arg5 : memref<120xi32, #tpu.memory_space<vmem>>) semaphore(%arg11 : memref<!tpu.dma_semaphore, #tpu.memory_space<semaphore_mem>>)
    %dma_wait3A_184 = arith.constant 0 : i32
    %dma_wait3A_185 = arith.constant 0 : i32
    %dma_wait3A_186 = tpu.memref_slice %arg2[%dma_wait3A_184, %dma_wait3A_185] : memref<5888x128xf32, #tpu.memory_space<hbm>> -> memref<5888x128xf32, #tpu.memory_space<hbm>>
    tpu.wait_indirect_dma semaphore(%arg11 : memref<!tpu.dma_semaphore, #tpu.memory_space<semaphore_mem>>) src(%dma_wait3A_186 : memref<5888x128xf32, #tpu.memory_space<hbm>>) dst(%arg7 : memref<120x128xf32, #tpu.memory_space<vmem>>)
    %add3A_187 = arith.constant 960 : i32
    %add3A_188 = arith.addi %mul3A_2, %add3A_187 : i32
    %dma_start3A_189 = arith.constant 0 : i32
    %dma_start3A_190 = tpu.memref_slice %arg4[%add3A_188, %dma_start3A_189] : memref<65280x128xf32, #tpu.memory_space<hbm>> -> memref<120x128xf32, #tpu.memory_space<hbm>>
    %dma_start3A_191 = arith.constant 0 : i32
    %dma_start3A_192 = tpu.memref_slice %arg4[%add3A_188, %dma_start3A_191] : memref<65280x128xf32, #tpu.memory_space<hbm>> -> memref<120x128xf32, #tpu.memory_space<hbm>>
    tpu.enqueue_dma source(%arg7 : memref<120x128xf32, #tpu.memory_space<vmem>>) target(%dma_start3A_192 : memref<120x128xf32, #tpu.memory_space<hbm>>) target_semaphore(%arg13 : memref<!tpu.dma_semaphore, #tpu.memory_space<semaphore_mem>>)
    %add3A_193 = arith.constant 1200 : i32
    %add3A_194 = arith.addi %mul3A_2, %add3A_193 : i32
    %dma_start3A_195 = tpu.memref_slice %arg3[%add3A_194] : memref<65280xi32, #tpu.memory_space<hbm>> -> memref<120xi32, #tpu.memory_space<hbm>>
    %dma_start3A_196 = tpu.memref_slice %arg3[%add3A_194] : memref<65280xi32, #tpu.memory_space<hbm>> -> memref<120xi32, #tpu.memory_space<hbm>>
    tpu.enqueue_dma source(%dma_start3A_196 : memref<120xi32, #tpu.memory_space<hbm>>) target(%arg5 : memref<120xi32, #tpu.memory_space<vmem>>) target_semaphore(%arg9 : memref<!tpu.dma_semaphore, #tpu.memory_space<semaphore_mem>>)
    %dma_wait3A_197 = tpu.memref_slice %arg3[%add3A_172] : memref<65280xi32, #tpu.memory_space<hbm>> -> memref<120xi32, #tpu.memory_space<hbm>>
    %dma_wait3A_198 = tpu.memref_slice %arg3[%add3A_172] : memref<65280xi32, #tpu.memory_space<hbm>> -> memref<120xi32, #tpu.memory_space<hbm>>
    tpu.wait_dma2 semaphore(%arg10 : memref<!tpu.dma_semaphore, #tpu.memory_space<semaphore_mem>>) src(%dma_wait3A_198 : memref<120xi32, #tpu.memory_space<hbm>>) dst(%arg6 : memref<120xi32, #tpu.memory_space<vmem>>)
    %dma_wait3A_199 = arith.constant 0 : i32
    %dma_wait3A_200 = tpu.memref_slice %arg4[%add3A_166, %dma_wait3A_199] : memref<65280x128xf32, #tpu.memory_space<hbm>> -> memref<120x128xf32, #tpu.memory_space<hbm>>
    %dma_wait3A_201 = arith.constant 0 : i32
    %dma_wait3A_202 = tpu.memref_slice %arg4[%add3A_166, %dma_wait3A_201] : memref<65280x128xf32, #tpu.memory_space<hbm>> -> memref<120x128xf32, #tpu.memory_space<hbm>>
    tpu.wait_dma2 semaphore(%arg14 : memref<!tpu.dma_semaphore, #tpu.memory_space<semaphore_mem>>) src(%arg8 : memref<120x128xf32, #tpu.memory_space<vmem>>) dst(%dma_wait3A_202 : memref<120x128xf32, #tpu.memory_space<hbm>>)
    %dma_start3A_203 = arith.constant 0 : i32
    %dma_start3A_204 = arith.constant 0 : i32
    %dma_start3A_205 = tpu.memref_slice %arg2[%dma_start3A_203, %dma_start3A_204] : memref<5888x128xf32, #tpu.memory_space<hbm>> -> memref<5888x128xf32, #tpu.memory_space<hbm>>
    tpu.enqueue_indirect_dma source(%dma_start3A_205 : memref<5888x128xf32, #tpu.memory_space<hbm>>) target(%arg8 : memref<120x128xf32, #tpu.memory_space<vmem>>) offsets(%arg6 : memref<120xi32, #tpu.memory_space<vmem>>) semaphore(%arg12 : memref<!tpu.dma_semaphore, #tpu.memory_space<semaphore_mem>>)
    %dma_wait3A_206 = arith.constant 0 : i32
    %dma_wait3A_207 = arith.constant 0 : i32
    %dma_wait3A_208 = tpu.memref_slice %arg2[%dma_wait3A_206, %dma_wait3A_207] : memref<5888x128xf32, #tpu.memory_space<hbm>> -> memref<5888x128xf32, #tpu.memory_space<hbm>>
    tpu.wait_indirect_dma semaphore(%arg12 : memref<!tpu.dma_semaphore, #tpu.memory_space<semaphore_mem>>) src(%dma_wait3A_208 : memref<5888x128xf32, #tpu.memory_space<hbm>>) dst(%arg8 : memref<120x128xf32, #tpu.memory_space<vmem>>)
    %add3A_209 = arith.constant 1080 : i32
    %add3A_210 = arith.addi %mul3A_2, %add3A_209 : i32
    %dma_start3A_211 = arith.constant 0 : i32
    %dma_start3A_212 = tpu.memref_slice %arg4[%add3A_210, %dma_start3A_211] : memref<65280x128xf32, #tpu.memory_space<hbm>> -> memref<120x128xf32, #tpu.memory_space<hbm>>
    %dma_start3A_213 = arith.constant 0 : i32
    %dma_start3A_214 = tpu.memref_slice %arg4[%add3A_210, %dma_start3A_213] : memref<65280x128xf32, #tpu.memory_space<hbm>> -> memref<120x128xf32, #tpu.memory_space<hbm>>
    tpu.enqueue_dma source(%arg8 : memref<120x128xf32, #tpu.memory_space<vmem>>) target(%dma_start3A_214 : memref<120x128xf32, #tpu.memory_space<hbm>>) target_semaphore(%arg14 : memref<!tpu.dma_semaphore, #tpu.memory_space<semaphore_mem>>)
    %add3A_215 = arith.constant 1320 : i32
    %add3A_216 = arith.addi %mul3A_2, %add3A_215 : i32
    %dma_start3A_217 = tpu.memref_slice %arg3[%add3A_216] : memref<65280xi32, #tpu.memory_space<hbm>> -> memref<120xi32, #tpu.memory_space<hbm>>
    %dma_start3A_218 = tpu.memref_slice %arg3[%add3A_216] : memref<65280xi32, #tpu.memory_space<hbm>> -> memref<120xi32, #tpu.memory_space<hbm>>
    tpu.enqueue_dma source(%dma_start3A_218 : memref<120xi32, #tpu.memory_space<hbm>>) target(%arg6 : memref<120xi32, #tpu.memory_space<vmem>>) target_semaphore(%arg10 : memref<!tpu.dma_semaphore, #tpu.memory_space<semaphore_mem>>)
    %dma_wait3A_219 = tpu.memref_slice %arg3[%add3A_194] : memref<65280xi32, #tpu.memory_space<hbm>> -> memref<120xi32, #tpu.memory_space<hbm>>
    %dma_wait3A_220 = tpu.memref_slice %arg3[%add3A_194] : memref<65280xi32, #tpu.memory_space<hbm>> -> memref<120xi32, #tpu.memory_space<hbm>>
    tpu.wait_dma2 semaphore(%arg9 : memref<!tpu.dma_semaphore, #tpu.memory_space<semaphore_mem>>) src(%dma_wait3A_220 : memref<120xi32, #tpu.memory_space<hbm>>) dst(%arg5 : memref<120xi32, #tpu.memory_space<vmem>>)
    %dma_wait3A_221 = arith.constant 0 : i32
    %dma_wait3A_222 = tpu.memref_slice %arg4[%add3A_188, %dma_wait3A_221] : memref<65280x128xf32, #tpu.memory_space<hbm>> -> memref<120x128xf32, #tpu.memory_space<hbm>>
    %dma_wait3A_223 = arith.constant 0 : i32
    %dma_wait3A_224 = tpu.memref_slice %arg4[%add3A_188, %dma_wait3A_223] : memref<65280x128xf32, #tpu.memory_space<hbm>> -> memref<120x128xf32, #tpu.memory_space<hbm>>
    tpu.wait_dma2 semaphore(%arg13 : memref<!tpu.dma_semaphore, #tpu.memory_space<semaphore_mem>>) src(%arg7 : memref<120x128xf32, #tpu.memory_space<vmem>>) dst(%dma_wait3A_224 : memref<120x128xf32, #tpu.memory_space<hbm>>)
    %dma_start3A_225 = arith.constant 0 : i32
    %dma_start3A_226 = arith.constant 0 : i32
    %dma_start3A_227 = tpu.memref_slice %arg2[%dma_start3A_225, %dma_start3A_226] : memref<5888x128xf32, #tpu.memory_space<hbm>> -> memref<5888x128xf32, #tpu.memory_space<hbm>>
    tpu.enqueue_indirect_dma source(%dma_start3A_227 : memref<5888x128xf32, #tpu.memory_space<hbm>>) target(%arg7 : memref<120x128xf32, #tpu.memory_space<vmem>>) offsets(%arg5 : memref<120xi32, #tpu.memory_space<vmem>>) semaphore(%arg11 : memref<!tpu.dma_semaphore, #tpu.memory_space<semaphore_mem>>)
    %dma_wait3A_228 = arith.constant 0 : i32
    %dma_wait3A_229 = arith.constant 0 : i32
    %dma_wait3A_230 = tpu.memref_slice %arg2[%dma_wait3A_228, %dma_wait3A_229] : memref<5888x128xf32, #tpu.memory_space<hbm>> -> memref<5888x128xf32, #tpu.memory_space<hbm>>
    tpu.wait_indirect_dma semaphore(%arg11 : memref<!tpu.dma_semaphore, #tpu.memory_space<semaphore_mem>>) src(%dma_wait3A_230 : memref<5888x128xf32, #tpu.memory_space<hbm>>) dst(%arg7 : memref<120x128xf32, #tpu.memory_space<vmem>>)
    %add3A_231 = arith.constant 1200 : i32
    %add3A_232 = arith.addi %mul3A_2, %add3A_231 : i32
    %dma_start3A_233 = arith.constant 0 : i32
    %dma_start3A_234 = tpu.memref_slice %arg4[%add3A_232, %dma_start3A_233] : memref<65280x128xf32, #tpu.memory_space<hbm>> -> memref<120x128xf32, #tpu.memory_space<hbm>>
    %dma_start3A_235 = arith.constant 0 : i32
    %dma_start3A_236 = tpu.memref_slice %arg4[%add3A_232, %dma_start3A_235] : memref<65280x128xf32, #tpu.memory_space<hbm>> -> memref<120x128xf32, #tpu.memory_space<hbm>>
    tpu.enqueue_dma source(%arg7 : memref<120x128xf32, #tpu.memory_space<vmem>>) target(%dma_start3A_236 : memref<120x128xf32, #tpu.memory_space<hbm>>) target_semaphore(%arg13 : memref<!tpu.dma_semaphore, #tpu.memory_space<semaphore_mem>>)
    %add3A_237 = arith.constant 1440 : i32
    %add3A_238 = arith.addi %mul3A_2, %add3A_237 : i32
    %dma_start3A_239 = tpu.memref_slice %arg3[%add3A_238] : memref<65280xi32, #tpu.memory_space<hbm>> -> memref<120xi32, #tpu.memory_space<hbm>>
    %dma_start3A_240 = tpu.memref_slice %arg3[%add3A_238] : memref<65280xi32, #tpu.memory_space<hbm>> -> memref<120xi32, #tpu.memory_space<hbm>>
    tpu.enqueue_dma source(%dma_start3A_240 : memref<120xi32, #tpu.memory_space<hbm>>) target(%arg5 : memref<120xi32, #tpu.memory_space<vmem>>) target_semaphore(%arg9 : memref<!tpu.dma_semaphore, #tpu.memory_space<semaphore_mem>>)
    %dma_wait3A_241 = tpu.memref_slice %arg3[%add3A_216] : memref<65280xi32, #tpu.memory_space<hbm>> -> memref<120xi32, #tpu.memory_space<hbm>>
    %dma_wait3A_242 = tpu.memref_slice %arg3[%add3A_216] : memref<65280xi32, #tpu.memory_space<hbm>> -> memref<120xi32, #tpu.memory_space<hbm>>
    tpu.wait_dma2 semaphore(%arg10 : memref<!tpu.dma_semaphore, #tpu.memory_space<semaphore_mem>>) src(%dma_wait3A_242 : memref<120xi32, #tpu.memory_space<hbm>>) dst(%arg6 : memref<120xi32, #tpu.memory_space<vmem>>)
    %dma_wait3A_243 = arith.constant 0 : i32
    %dma_wait3A_244 = tpu.memref_slice %arg4[%add3A_210, %dma_wait3A_243] : memref<65280x128xf32, #tpu.memory_space<hbm>> -> memref<120x128xf32, #tpu.memory_space<hbm>>
    %dma_wait3A_245 = arith.constant 0 : i32
    %dma_wait3A_246 = tpu.memref_slice %arg4[%add3A_210, %dma_wait3A_245] : memref<65280x128xf32, #tpu.memory_space<hbm>> -> memref<120x128xf32, #tpu.memory_space<hbm>>
    tpu.wait_dma2 semaphore(%arg14 : memref<!tpu.dma_semaphore, #tpu.memory_space<semaphore_mem>>) src(%arg8 : memref<120x128xf32, #tpu.memory_space<vmem>>) dst(%dma_wait3A_246 : memref<120x128xf32, #tpu.memory_space<hbm>>)
    %dma_start3A_247 = arith.constant 0 : i32
    %dma_start3A_248 = arith.constant 0 : i32
    %dma_start3A_249 = tpu.memref_slice %arg2[%dma_start3A_247, %dma_start3A_248] : memref<5888x128xf32, #tpu.memory_space<hbm>> -> memref<5888x128xf32, #tpu.memory_space<hbm>>
    tpu.enqueue_indirect_dma source(%dma_start3A_249 : memref<5888x128xf32, #tpu.memory_space<hbm>>) target(%arg8 : memref<120x128xf32, #tpu.memory_space<vmem>>) offsets(%arg6 : memref<120xi32, #tpu.memory_space<vmem>>) semaphore(%arg12 : memref<!tpu.dma_semaphore, #tpu.memory_space<semaphore_mem>>)
    %dma_wait3A_250 = arith.constant 0 : i32
    %dma_wait3A_251 = arith.constant 0 : i32
    %dma_wait3A_252 = tpu.memref_slice %arg2[%dma_wait3A_250, %dma_wait3A_251] : memref<5888x128xf32, #tpu.memory_space<hbm>> -> memref<5888x128xf32, #tpu.memory_space<hbm>>
    tpu.wait_indirect_dma semaphore(%arg12 : memref<!tpu.dma_semaphore, #tpu.memory_space<semaphore_mem>>) src(%dma_wait3A_252 : memref<5888x128xf32, #tpu.memory_space<hbm>>) dst(%arg8 : memref<120x128xf32, #tpu.memory_space<vmem>>)
    %add3A_253 = arith.constant 1320 : i32
    %add3A_254 = arith.addi %mul3A_2, %add3A_253 : i32
    %dma_start3A_255 = arith.constant 0 : i32
    %dma_start3A_256 = tpu.memref_slice %arg4[%add3A_254, %dma_start3A_255] : memref<65280x128xf32, #tpu.memory_space<hbm>> -> memref<120x128xf32, #tpu.memory_space<hbm>>
    %dma_start3A_257 = arith.constant 0 : i32
    %dma_start3A_258 = tpu.memref_slice %arg4[%add3A_254, %dma_start3A_257] : memref<65280x128xf32, #tpu.memory_space<hbm>> -> memref<120x128xf32, #tpu.memory_space<hbm>>
    tpu.enqueue_dma source(%arg8 : memref<120x128xf32, #tpu.memory_space<vmem>>) target(%dma_start3A_258 : memref<120x128xf32, #tpu.memory_space<hbm>>) target_semaphore(%arg14 : memref<!tpu.dma_semaphore, #tpu.memory_space<semaphore_mem>>)
    %add3A_259 = arith.constant 1560 : i32
    %add3A_260 = arith.addi %mul3A_2, %add3A_259 : i32
    %dma_start3A_261 = tpu.memref_slice %arg3[%add3A_260] : memref<65280xi32, #tpu.memory_space<hbm>> -> memref<120xi32, #tpu.memory_space<hbm>>
    %dma_start3A_262 = tpu.memref_slice %arg3[%add3A_260] : memref<65280xi32, #tpu.memory_space<hbm>> -> memref<120xi32, #tpu.memory_space<hbm>>
    tpu.enqueue_dma source(%dma_start3A_262 : memref<120xi32, #tpu.memory_space<hbm>>) target(%arg6 : memref<120xi32, #tpu.memory_space<vmem>>) target_semaphore(%arg10 : memref<!tpu.dma_semaphore, #tpu.memory_space<semaphore_mem>>)
    %dma_wait3A_263 = tpu.memref_slice %arg3[%add3A_238] : memref<65280xi32, #tpu.memory_space<hbm>> -> memref<120xi32, #tpu.memory_space<hbm>>
    %dma_wait3A_264 = tpu.memref_slice %arg3[%add3A_238] : memref<65280xi32, #tpu.memory_space<hbm>> -> memref<120xi32, #tpu.memory_space<hbm>>
    tpu.wait_dma2 semaphore(%arg9 : memref<!tpu.dma_semaphore, #tpu.memory_space<semaphore_mem>>) src(%dma_wait3A_264 : memref<120xi32, #tpu.memory_space<hbm>>) dst(%arg5 : memref<120xi32, #tpu.memory_space<vmem>>)
    %dma_wait3A_265 = arith.constant 0 : i32
    %dma_wait3A_266 = tpu.memref_slice %arg4[%add3A_232, %dma_wait3A_265] : memref<65280x128xf32, #tpu.memory_space<hbm>> -> memref<120x128xf32, #tpu.memory_space<hbm>>
    %dma_wait3A_267 = arith.constant 0 : i32
    %dma_wait3A_268 = tpu.memref_slice %arg4[%add3A_232, %dma_wait3A_267] : memref<65280x128xf32, #tpu.memory_space<hbm>> -> memref<120x128xf32, #tpu.memory_space<hbm>>
    tpu.wait_dma2 semaphore(%arg13 : memref<!tpu.dma_semaphore, #tpu.memory_space<semaphore_mem>>) src(%arg7 : memref<120x128xf32, #tpu.memory_space<vmem>>) dst(%dma_wait3A_268 : memref<120x128xf32, #tpu.memory_space<hbm>>)
    %dma_start3A_269 = arith.constant 0 : i32
    %dma_start3A_270 = arith.constant 0 : i32
    %dma_start3A_271 = tpu.memref_slice %arg2[%dma_start3A_269, %dma_start3A_270] : memref<5888x128xf32, #tpu.memory_space<hbm>> -> memref<5888x128xf32, #tpu.memory_space<hbm>>
    tpu.enqueue_indirect_dma source(%dma_start3A_271 : memref<5888x128xf32, #tpu.memory_space<hbm>>) target(%arg7 : memref<120x128xf32, #tpu.memory_space<vmem>>) offsets(%arg5 : memref<120xi32, #tpu.memory_space<vmem>>) semaphore(%arg11 : memref<!tpu.dma_semaphore, #tpu.memory_space<semaphore_mem>>)
    %dma_wait3A_272 = arith.constant 0 : i32
    %dma_wait3A_273 = arith.constant 0 : i32
    %dma_wait3A_274 = tpu.memref_slice %arg2[%dma_wait3A_272, %dma_wait3A_273] : memref<5888x128xf32, #tpu.memory_space<hbm>> -> memref<5888x128xf32, #tpu.memory_space<hbm>>
    tpu.wait_indirect_dma semaphore(%arg11 : memref<!tpu.dma_semaphore, #tpu.memory_space<semaphore_mem>>) src(%dma_wait3A_274 : memref<5888x128xf32, #tpu.memory_space<hbm>>) dst(%arg7 : memref<120x128xf32, #tpu.memory_space<vmem>>)
    %add3A_275 = arith.constant 1440 : i32
    %add3A_276 = arith.addi %mul3A_2, %add3A_275 : i32
    %dma_start3A_277 = arith.constant 0 : i32
    %dma_start3A_278 = tpu.memref_slice %arg4[%add3A_276, %dma_start3A_277] : memref<65280x128xf32, #tpu.memory_space<hbm>> -> memref<120x128xf32, #tpu.memory_space<hbm>>
    %dma_start3A_279 = arith.constant 0 : i32
    %dma_start3A_280 = tpu.memref_slice %arg4[%add3A_276, %dma_start3A_279] : memref<65280x128xf32, #tpu.memory_space<hbm>> -> memref<120x128xf32, #tpu.memory_space<hbm>>
    tpu.enqueue_dma source(%arg7 : memref<120x128xf32, #tpu.memory_space<vmem>>) target(%dma_start3A_280 : memref<120x128xf32, #tpu.memory_space<hbm>>) target_semaphore(%arg13 : memref<!tpu.dma_semaphore, #tpu.memory_space<semaphore_mem>>)
    %add3A_281 = arith.constant 1680 : i32
    %add3A_282 = arith.addi %mul3A_2, %add3A_281 : i32
    %dma_start3A_283 = tpu.memref_slice %arg3[%add3A_282] : memref<65280xi32, #tpu.memory_space<hbm>> -> memref<120xi32, #tpu.memory_space<hbm>>
    %dma_start3A_284 = tpu.memref_slice %arg3[%add3A_282] : memref<65280xi32, #tpu.memory_space<hbm>> -> memref<120xi32, #tpu.memory_space<hbm>>
    tpu.enqueue_dma source(%dma_start3A_284 : memref<120xi32, #tpu.memory_space<hbm>>) target(%arg5 : memref<120xi32, #tpu.memory_space<vmem>>) target_semaphore(%arg9 : memref<!tpu.dma_semaphore, #tpu.memory_space<semaphore_mem>>)
    %dma_wait3A_285 = tpu.memref_slice %arg3[%add3A_260] : memref<65280xi32, #tpu.memory_space<hbm>> -> memref<120xi32, #tpu.memory_space<hbm>>
    %dma_wait3A_286 = tpu.memref_slice %arg3[%add3A_260] : memref<65280xi32, #tpu.memory_space<hbm>> -> memref<120xi32, #tpu.memory_space<hbm>>
    tpu.wait_dma2 semaphore(%arg10 : memref<!tpu.dma_semaphore, #tpu.memory_space<semaphore_mem>>) src(%dma_wait3A_286 : memref<120xi32, #tpu.memory_space<hbm>>) dst(%arg6 : memref<120xi32, #tpu.memory_space<vmem>>)
    %dma_wait3A_287 = arith.constant 0 : i32
    %dma_wait3A_288 = tpu.memref_slice %arg4[%add3A_254, %dma_wait3A_287] : memref<65280x128xf32, #tpu.memory_space<hbm>> -> memref<120x128xf32, #tpu.memory_space<hbm>>
    %dma_wait3A_289 = arith.constant 0 : i32
    %dma_wait3A_290 = tpu.memref_slice %arg4[%add3A_254, %dma_wait3A_289] : memref<65280x128xf32, #tpu.memory_space<hbm>> -> memref<120x128xf32, #tpu.memory_space<hbm>>
    tpu.wait_dma2 semaphore(%arg14 : memref<!tpu.dma_semaphore, #tpu.memory_space<semaphore_mem>>) src(%arg8 : memref<120x128xf32, #tpu.memory_space<vmem>>) dst(%dma_wait3A_290 : memref<120x128xf32, #tpu.memory_space<hbm>>)
    %dma_start3A_291 = arith.constant 0 : i32
    %dma_start3A_292 = arith.constant 0 : i32
    %dma_start3A_293 = tpu.memref_slice %arg2[%dma_start3A_291, %dma_start3A_292] : memref<5888x128xf32, #tpu.memory_space<hbm>> -> memref<5888x128xf32, #tpu.memory_space<hbm>>
    tpu.enqueue_indirect_dma source(%dma_start3A_293 : memref<5888x128xf32, #tpu.memory_space<hbm>>) target(%arg8 : memref<120x128xf32, #tpu.memory_space<vmem>>) offsets(%arg6 : memref<120xi32, #tpu.memory_space<vmem>>) semaphore(%arg12 : memref<!tpu.dma_semaphore, #tpu.memory_space<semaphore_mem>>)
    %dma_wait3A_294 = arith.constant 0 : i32
    %dma_wait3A_295 = arith.constant 0 : i32
    %dma_wait3A_296 = tpu.memref_slice %arg2[%dma_wait3A_294, %dma_wait3A_295] : memref<5888x128xf32, #tpu.memory_space<hbm>> -> memref<5888x128xf32, #tpu.memory_space<hbm>>
    tpu.wait_indirect_dma semaphore(%arg12 : memref<!tpu.dma_semaphore, #tpu.memory_space<semaphore_mem>>) src(%dma_wait3A_296 : memref<5888x128xf32, #tpu.memory_space<hbm>>) dst(%arg8 : memref<120x128xf32, #tpu.memory_space<vmem>>)
    %add3A_297 = arith.constant 1560 : i32
    %add3A_298 = arith.addi %mul3A_2, %add3A_297 : i32
    %dma_start3A_299 = arith.constant 0 : i32
    %dma_start3A_300 = tpu.memref_slice %arg4[%add3A_298, %dma_start3A_299] : memref<65280x128xf32, #tpu.memory_space<hbm>> -> memref<120x128xf32, #tpu.memory_space<hbm>>
    %dma_start3A_301 = arith.constant 0 : i32
    %dma_start3A_302 = tpu.memref_slice %arg4[%add3A_298, %dma_start3A_301] : memref<65280x128xf32, #tpu.memory_space<hbm>> -> memref<120x128xf32, #tpu.memory_space<hbm>>
    tpu.enqueue_dma source(%arg8 : memref<120x128xf32, #tpu.memory_space<vmem>>) target(%dma_start3A_302 : memref<120x128xf32, #tpu.memory_space<hbm>>) target_semaphore(%arg14 : memref<!tpu.dma_semaphore, #tpu.memory_space<semaphore_mem>>)
    %add3A_303 = arith.constant 1800 : i32
    %add3A_304 = arith.addi %mul3A_2, %add3A_303 : i32
    %dma_start3A_305 = tpu.memref_slice %arg3[%add3A_304] : memref<65280xi32, #tpu.memory_space<hbm>> -> memref<120xi32, #tpu.memory_space<hbm>>
    %dma_start3A_306 = tpu.memref_slice %arg3[%add3A_304] : memref<65280xi32, #tpu.memory_space<hbm>> -> memref<120xi32, #tpu.memory_space<hbm>>
    tpu.enqueue_dma source(%dma_start3A_306 : memref<120xi32, #tpu.memory_space<hbm>>) target(%arg6 : memref<120xi32, #tpu.memory_space<vmem>>) target_semaphore(%arg10 : memref<!tpu.dma_semaphore, #tpu.memory_space<semaphore_mem>>)
    %dma_wait3A_307 = tpu.memref_slice %arg3[%add3A_282] : memref<65280xi32, #tpu.memory_space<hbm>> -> memref<120xi32, #tpu.memory_space<hbm>>
    %dma_wait3A_308 = tpu.memref_slice %arg3[%add3A_282] : memref<65280xi32, #tpu.memory_space<hbm>> -> memref<120xi32, #tpu.memory_space<hbm>>
    tpu.wait_dma2 semaphore(%arg9 : memref<!tpu.dma_semaphore, #tpu.memory_space<semaphore_mem>>) src(%dma_wait3A_308 : memref<120xi32, #tpu.memory_space<hbm>>) dst(%arg5 : memref<120xi32, #tpu.memory_space<vmem>>)
    %dma_wait3A_309 = arith.constant 0 : i32
    %dma_wait3A_310 = tpu.memref_slice %arg4[%add3A_276, %dma_wait3A_309] : memref<65280x128xf32, #tpu.memory_space<hbm>> -> memref<120x128xf32, #tpu.memory_space<hbm>>
    %dma_wait3A_311 = arith.constant 0 : i32
    %dma_wait3A_312 = tpu.memref_slice %arg4[%add3A_276, %dma_wait3A_311] : memref<65280x128xf32, #tpu.memory_space<hbm>> -> memref<120x128xf32, #tpu.memory_space<hbm>>
    tpu.wait_dma2 semaphore(%arg13 : memref<!tpu.dma_semaphore, #tpu.memory_space<semaphore_mem>>) src(%arg7 : memref<120x128xf32, #tpu.memory_space<vmem>>) dst(%dma_wait3A_312 : memref<120x128xf32, #tpu.memory_space<hbm>>)
    %dma_start3A_313 = arith.constant 0 : i32
    %dma_start3A_314 = arith.constant 0 : i32
    %dma_start3A_315 = tpu.memref_slice %arg2[%dma_start3A_313, %dma_start3A_314] : memref<5888x128xf32, #tpu.memory_space<hbm>> -> memref<5888x128xf32, #tpu.memory_space<hbm>>
    tpu.enqueue_indirect_dma source(%dma_start3A_315 : memref<5888x128xf32, #tpu.memory_space<hbm>>) target(%arg7 : memref<120x128xf32, #tpu.memory_space<vmem>>) offsets(%arg5 : memref<120xi32, #tpu.memory_space<vmem>>) semaphore(%arg11 : memref<!tpu.dma_semaphore, #tpu.memory_space<semaphore_mem>>)
    %dma_wait3A_316 = arith.constant 0 : i32
    %dma_wait3A_317 = arith.constant 0 : i32
    %dma_wait3A_318 = tpu.memref_slice %arg2[%dma_wait3A_316, %dma_wait3A_317] : memref<5888x128xf32, #tpu.memory_space<hbm>> -> memref<5888x128xf32, #tpu.memory_space<hbm>>
    tpu.wait_indirect_dma semaphore(%arg11 : memref<!tpu.dma_semaphore, #tpu.memory_space<semaphore_mem>>) src(%dma_wait3A_318 : memref<5888x128xf32, #tpu.memory_space<hbm>>) dst(%arg7 : memref<120x128xf32, #tpu.memory_space<vmem>>)
    %add3A_319 = arith.constant 1680 : i32
    %add3A_320 = arith.addi %mul3A_2, %add3A_319 : i32
    %dma_start3A_321 = arith.constant 0 : i32
    %dma_start3A_322 = tpu.memref_slice %arg4[%add3A_320, %dma_start3A_321] : memref<65280x128xf32, #tpu.memory_space<hbm>> -> memref<120x128xf32, #tpu.memory_space<hbm>>
    %dma_start3A_323 = arith.constant 0 : i32
    %dma_start3A_324 = tpu.memref_slice %arg4[%add3A_320, %dma_start3A_323] : memref<65280x128xf32, #tpu.memory_space<hbm>> -> memref<120x128xf32, #tpu.memory_space<hbm>>
    tpu.enqueue_dma source(%arg7 : memref<120x128xf32, #tpu.memory_space<vmem>>) target(%dma_start3A_324 : memref<120x128xf32, #tpu.memory_space<hbm>>) target_semaphore(%arg13 : memref<!tpu.dma_semaphore, #tpu.memory_space<semaphore_mem>>)
    %add3A_325 = arith.constant 1920 : i32
    %add3A_326 = arith.addi %mul3A_2, %add3A_325 : i32
    %dma_start3A_327 = tpu.memref_slice %arg3[%add3A_326] : memref<65280xi32, #tpu.memory_space<hbm>> -> memref<120xi32, #tpu.memory_space<hbm>>
    %dma_start3A_328 = tpu.memref_slice %arg3[%add3A_326] : memref<65280xi32, #tpu.memory_space<hbm>> -> memref<120xi32, #tpu.memory_space<hbm>>
    tpu.enqueue_dma source(%dma_start3A_328 : memref<120xi32, #tpu.memory_space<hbm>>) target(%arg5 : memref<120xi32, #tpu.memory_space<vmem>>) target_semaphore(%arg9 : memref<!tpu.dma_semaphore, #tpu.memory_space<semaphore_mem>>)
    %dma_wait3A_329 = tpu.memref_slice %arg3[%add3A_304] : memref<65280xi32, #tpu.memory_space<hbm>> -> memref<120xi32, #tpu.memory_space<hbm>>
    %dma_wait3A_330 = tpu.memref_slice %arg3[%add3A_304] : memref<65280xi32, #tpu.memory_space<hbm>> -> memref<120xi32, #tpu.memory_space<hbm>>
    tpu.wait_dma2 semaphore(%arg10 : memref<!tpu.dma_semaphore, #tpu.memory_space<semaphore_mem>>) src(%dma_wait3A_330 : memref<120xi32, #tpu.memory_space<hbm>>) dst(%arg6 : memref<120xi32, #tpu.memory_space<vmem>>)
    %dma_wait3A_331 = arith.constant 0 : i32
    %dma_wait3A_332 = tpu.memref_slice %arg4[%add3A_298, %dma_wait3A_331] : memref<65280x128xf32, #tpu.memory_space<hbm>> -> memref<120x128xf32, #tpu.memory_space<hbm>>
    %dma_wait3A_333 = arith.constant 0 : i32
    %dma_wait3A_334 = tpu.memref_slice %arg4[%add3A_298, %dma_wait3A_333] : memref<65280x128xf32, #tpu.memory_space<hbm>> -> memref<120x128xf32, #tpu.memory_space<hbm>>
    tpu.wait_dma2 semaphore(%arg14 : memref<!tpu.dma_semaphore, #tpu.memory_space<semaphore_mem>>) src(%arg8 : memref<120x128xf32, #tpu.memory_space<vmem>>) dst(%dma_wait3A_334 : memref<120x128xf32, #tpu.memory_space<hbm>>)
    %dma_start3A_335 = arith.constant 0 : i32
    %dma_start3A_336 = arith.constant 0 : i32
    %dma_start3A_337 = tpu.memref_slice %arg2[%dma_start3A_335, %dma_start3A_336] : memref<5888x128xf32, #tpu.memory_space<hbm>> -> memref<5888x128xf32, #tpu.memory_space<hbm>>
    tpu.enqueue_indirect_dma source(%dma_start3A_337 : memref<5888x128xf32, #tpu.memory_space<hbm>>) target(%arg8 : memref<120x128xf32, #tpu.memory_space<vmem>>) offsets(%arg6 : memref<120xi32, #tpu.memory_space<vmem>>) semaphore(%arg12 : memref<!tpu.dma_semaphore, #tpu.memory_space<semaphore_mem>>)
    %dma_wait3A_338 = arith.constant 0 : i32
    %dma_wait3A_339 = arith.constant 0 : i32
    %dma_wait3A_340 = tpu.memref_slice %arg2[%dma_wait3A_338, %dma_wait3A_339] : memref<5888x128xf32, #tpu.memory_space<hbm>> -> memref<5888x128xf32, #tpu.memory_space<hbm>>
    tpu.wait_indirect_dma semaphore(%arg12 : memref<!tpu.dma_semaphore, #tpu.memory_space<semaphore_mem>>) src(%dma_wait3A_340 : memref<5888x128xf32, #tpu.memory_space<hbm>>) dst(%arg8 : memref<120x128xf32, #tpu.memory_space<vmem>>)
    %add3A_341 = arith.constant 1800 : i32
    %add3A_342 = arith.addi %mul3A_2, %add3A_341 : i32
    %dma_start3A_343 = arith.constant 0 : i32
    %dma_start3A_344 = tpu.memref_slice %arg4[%add3A_342, %dma_start3A_343] : memref<65280x128xf32, #tpu.memory_space<hbm>> -> memref<120x128xf32, #tpu.memory_space<hbm>>
    %dma_start3A_345 = arith.constant 0 : i32
    %dma_start3A_346 = tpu.memref_slice %arg4[%add3A_342, %dma_start3A_345] : memref<65280x128xf32, #tpu.memory_space<hbm>> -> memref<120x128xf32, #tpu.memory_space<hbm>>
    tpu.enqueue_dma source(%arg8 : memref<120x128xf32, #tpu.memory_space<vmem>>) target(%dma_start3A_346 : memref<120x128xf32, #tpu.memory_space<hbm>>) target_semaphore(%arg14 : memref<!tpu.dma_semaphore, #tpu.memory_space<semaphore_mem>>)
    %dma_wait3A_347 = tpu.memref_slice %arg3[%add3A_326] : memref<65280xi32, #tpu.memory_space<hbm>> -> memref<120xi32, #tpu.memory_space<hbm>>
    %dma_wait3A_348 = tpu.memref_slice %arg3[%add3A_326] : memref<65280xi32, #tpu.memory_space<hbm>> -> memref<120xi32, #tpu.memory_space<hbm>>
    tpu.wait_dma2 semaphore(%arg9 : memref<!tpu.dma_semaphore, #tpu.memory_space<semaphore_mem>>) src(%dma_wait3A_348 : memref<120xi32, #tpu.memory_space<hbm>>) dst(%arg5 : memref<120xi32, #tpu.memory_space<vmem>>)
    %dma_wait3A_349 = arith.constant 0 : i32
    %dma_wait3A_350 = tpu.memref_slice %arg4[%add3A_320, %dma_wait3A_349] : memref<65280x128xf32, #tpu.memory_space<hbm>> -> memref<120x128xf32, #tpu.memory_space<hbm>>
    %dma_wait3A_351 = arith.constant 0 : i32
    %dma_wait3A_352 = tpu.memref_slice %arg4[%add3A_320, %dma_wait3A_351] : memref<65280x128xf32, #tpu.memory_space<hbm>> -> memref<120x128xf32, #tpu.memory_space<hbm>>
    tpu.wait_dma2 semaphore(%arg13 : memref<!tpu.dma_semaphore, #tpu.memory_space<semaphore_mem>>) src(%arg7 : memref<120x128xf32, #tpu.memory_space<vmem>>) dst(%dma_wait3A_352 : memref<120x128xf32, #tpu.memory_space<hbm>>)
    %dma_start3A_353 = arith.constant 0 : i32
    %dma_start3A_354 = arith.constant 0 : i32
    %dma_start3A_355 = tpu.memref_slice %arg2[%dma_start3A_353, %dma_start3A_354] : memref<5888x128xf32, #tpu.memory_space<hbm>> -> memref<5888x128xf32, #tpu.memory_space<hbm>>
    tpu.enqueue_indirect_dma source(%dma_start3A_355 : memref<5888x128xf32, #tpu.memory_space<hbm>>) target(%arg7 : memref<120x128xf32, #tpu.memory_space<vmem>>) offsets(%arg5 : memref<120xi32, #tpu.memory_space<vmem>>) semaphore(%arg11 : memref<!tpu.dma_semaphore, #tpu.memory_space<semaphore_mem>>)
    %dma_wait3A_356 = arith.constant 0 : i32
    %dma_wait3A_357 = arith.constant 0 : i32
    %dma_wait3A_358 = tpu.memref_slice %arg2[%dma_wait3A_356, %dma_wait3A_357] : memref<5888x128xf32, #tpu.memory_space<hbm>> -> memref<5888x128xf32, #tpu.memory_space<hbm>>
    tpu.wait_indirect_dma semaphore(%arg11 : memref<!tpu.dma_semaphore, #tpu.memory_space<semaphore_mem>>) src(%dma_wait3A_358 : memref<5888x128xf32, #tpu.memory_space<hbm>>) dst(%arg7 : memref<120x128xf32, #tpu.memory_space<vmem>>)
    %add3A_359 = arith.constant 1920 : i32
    %add3A_360 = arith.addi %mul3A_2, %add3A_359 : i32
    %dma_start3A_361 = arith.constant 0 : i32
    %dma_start3A_362 = tpu.memref_slice %arg4[%add3A_360, %dma_start3A_361] : memref<65280x128xf32, #tpu.memory_space<hbm>> -> memref<120x128xf32, #tpu.memory_space<hbm>>
    %dma_start3A_363 = arith.constant 0 : i32
    %dma_start3A_364 = tpu.memref_slice %arg4[%add3A_360, %dma_start3A_363] : memref<65280x128xf32, #tpu.memory_space<hbm>> -> memref<120x128xf32, #tpu.memory_space<hbm>>
    tpu.enqueue_dma source(%arg7 : memref<120x128xf32, #tpu.memory_space<vmem>>) target(%dma_start3A_364 : memref<120x128xf32, #tpu.memory_space<hbm>>) target_semaphore(%arg13 : memref<!tpu.dma_semaphore, #tpu.memory_space<semaphore_mem>>)
    %dma_wait3A_365 = arith.constant 0 : i32
    %dma_wait3A_366 = tpu.memref_slice %arg4[%add3A_360, %dma_wait3A_365] : memref<65280x128xf32, #tpu.memory_space<hbm>> -> memref<120x128xf32, #tpu.memory_space<hbm>>
    %dma_wait3A_367 = arith.constant 0 : i32
    %dma_wait3A_368 = tpu.memref_slice %arg4[%add3A_360, %dma_wait3A_367] : memref<65280x128xf32, #tpu.memory_space<hbm>> -> memref<120x128xf32, #tpu.memory_space<hbm>>
    tpu.wait_dma2 semaphore(%arg13 : memref<!tpu.dma_semaphore, #tpu.memory_space<semaphore_mem>>) src(%arg7 : memref<120x128xf32, #tpu.memory_space<vmem>>) dst(%dma_wait3A_368 : memref<120x128xf32, #tpu.memory_space<hbm>>)
    %dma_wait3A_369 = arith.constant 0 : i32
    %dma_wait3A_370 = tpu.memref_slice %arg4[%add3A_342, %dma_wait3A_369] : memref<65280x128xf32, #tpu.memory_space<hbm>> -> memref<120x128xf32, #tpu.memory_space<hbm>>
    %dma_wait3A_371 = arith.constant 0 : i32
    %dma_wait3A_372 = tpu.memref_slice %arg4[%add3A_342, %dma_wait3A_371] : memref<65280x128xf32, #tpu.memory_space<hbm>> -> memref<120x128xf32, #tpu.memory_space<hbm>>
    tpu.wait_dma2 semaphore(%arg14 : memref<!tpu.dma_semaphore, #tpu.memory_space<semaphore_mem>>) src(%arg8 : memref<120x128xf32, #tpu.memory_space<vmem>>) dst(%dma_wait3A_372 : memref<120x128xf32, #tpu.memory_space<hbm>>)
    return
  }
}

#map = affine_map<(d0, d1) -> (0, 0)>
#map1 = affine_map<(d0, d1) -> (0)>
#map2 = affine_map<(d0, d1) -> (0, 0, 0)>
module attributes {stable_mosaic.version = 14 : i64} {
  func.func @scatter_k(%arg0: i32, %arg1: i32, %arg2: memref<65280x128xf32, #tpu.memory_space<hbm>>, %arg3: memref<65280xi32, #tpu.memory_space<hbm>>, %arg4: memref<368x128xf32, #tpu.memory_space<hbm>>, %arg5: memref<2x5888x128xf32, #tpu.memory_space<hbm>>, %arg6: memref<120xi32, #tpu.memory_space<vmem>>, %arg7: memref<120xi32, #tpu.memory_space<vmem>>, %arg8: memref<120x128xf32, #tpu.memory_space<vmem>>, %arg9: memref<120x128xf32, #tpu.memory_space<vmem>>, %arg10: memref<5888x128xf32, #tpu.memory_space<vmem_shared>>, %arg11: memref<!tpu.dma_semaphore, #tpu.memory_space<semaphore_mem>>, %arg12: memref<!tpu.dma_semaphore, #tpu.memory_space<semaphore_mem>>, %arg13: memref<!tpu.dma_semaphore, #tpu.memory_space<semaphore_mem>>, %arg14: memref<!tpu.dma_semaphore, #tpu.memory_space<semaphore_mem>>, %arg15: memref<!tpu.dma_semaphore, #tpu.memory_space<semaphore_mem>>, %arg16: memref<!tpu.dma_semaphore, #tpu.memory_space<semaphore_mem>>) attributes {dimension_semantics = [#tpu.dimension_semantics<core_parallel>, #tpu.dimension_semantics<subcore_parallel>], iteration_bounds = array<i64: 2, 16>, scalar_prefetch = 0 : i64, scratch_operands = 11 : i64, tpu.core_type = #tpu.core_type<sc_vector_subcore>, window_params = [{transform_indices = #map}, {transform_indices = #map1}, {transform_indices = #map}, {transform_indices = #map2}]} {
    %mul3A = arith.constant 2 : i32
    %mul3A_0 = arith.muli %arg1, %mul3A : i32
    %add3A = arith.addi %mul3A_0, %arg0 : i32
    %mul3A_1 = arith.constant 368 : i32
    %mul3A_2 = arith.muli %arg1, %mul3A_1 : i32
    "tpu.region"() ({
      %run_scoped3A = tpu.sem_alloc : memref<!tpu.dma_semaphore, #tpu.memory_space<semaphore_mem>>
      %dma_start3A_374 = arith.constant 0 : i32
      %dma_start3A_375 = tpu.memref_slice %arg10[%mul3A_2, %dma_start3A_374] : memref<5888x128xf32, #tpu.memory_space<vmem_shared>> -> memref<368x128xf32, #tpu.memory_space<vmem_shared>>
      tpu.enqueue_dma source(%arg4 : memref<368x128xf32, #tpu.memory_space<hbm>>) target(%dma_start3A_375 : memref<368x128xf32, #tpu.memory_space<vmem_shared>>) target_semaphore(%run_scoped3A : memref<!tpu.dma_semaphore, #tpu.memory_space<semaphore_mem>>)
      %dma_wait3A_376 = arith.constant 0 : i32
      %dma_wait3A_377 = tpu.memref_slice %arg10[%mul3A_2, %dma_wait3A_376] : memref<5888x128xf32, #tpu.memory_space<vmem_shared>> -> memref<368x128xf32, #tpu.memory_space<vmem_shared>>
      tpu.wait_dma2 semaphore(%run_scoped3A : memref<!tpu.dma_semaphore, #tpu.memory_space<semaphore_mem>>) src(%arg4 : memref<368x128xf32, #tpu.memory_space<hbm>>) dst(%dma_wait3A_377 : memref<368x128xf32, #tpu.memory_space<vmem_shared>>)
      tpu.yield
    }) : () -> ()
    %barrier3A = arith.constant 0 : index
    tpu.barrier barrier_id(%barrier3A)
    %mul3A_3 = arith.constant 2040 : i32
    %mul3A_4 = arith.muli %add3A, %mul3A_3 : i32
    %dma_start3A = tpu.memref_slice %arg3[%mul3A_4] : memref<65280xi32, #tpu.memory_space<hbm>> -> memref<120xi32, #tpu.memory_space<hbm>>
    %dma_start3A_5 = tpu.memref_slice %arg3[%mul3A_4] : memref<65280xi32, #tpu.memory_space<hbm>> -> memref<120xi32, #tpu.memory_space<hbm>>
    tpu.enqueue_dma source(%dma_start3A_5 : memref<120xi32, #tpu.memory_space<hbm>>) target(%arg6 : memref<120xi32, #tpu.memory_space<vmem>>) target_semaphore(%arg11 : memref<!tpu.dma_semaphore, #tpu.memory_space<semaphore_mem>>)
    %dma_start3A_6 = arith.constant 0 : i32
    %dma_start3A_7 = tpu.memref_slice %arg2[%mul3A_4, %dma_start3A_6] : memref<65280x128xf32, #tpu.memory_space<hbm>> -> memref<120x128xf32, #tpu.memory_space<hbm>>
    %dma_start3A_8 = arith.constant 0 : i32
    %dma_start3A_9 = tpu.memref_slice %arg2[%mul3A_4, %dma_start3A_8] : memref<65280x128xf32, #tpu.memory_space<hbm>> -> memref<120x128xf32, #tpu.memory_space<hbm>>
    tpu.enqueue_dma source(%dma_start3A_9 : memref<120x128xf32, #tpu.memory_space<hbm>>) target(%arg8 : memref<120x128xf32, #tpu.memory_space<vmem>>) target_semaphore(%arg13 : memref<!tpu.dma_semaphore, #tpu.memory_space<semaphore_mem>>)
    %add3A_10 = arith.constant 120 : i32
    %add3A_11 = arith.addi %mul3A_4, %add3A_10 : i32
    %dma_start3A_12 = tpu.memref_slice %arg3[%add3A_11] : memref<65280xi32, #tpu.memory_space<hbm>> -> memref<120xi32, #tpu.memory_space<hbm>>
    %dma_start3A_13 = tpu.memref_slice %arg3[%add3A_11] : memref<65280xi32, #tpu.memory_space<hbm>> -> memref<120xi32, #tpu.memory_space<hbm>>
    tpu.enqueue_dma source(%dma_start3A_13 : memref<120xi32, #tpu.memory_space<hbm>>) target(%arg7 : memref<120xi32, #tpu.memory_space<vmem>>) target_semaphore(%arg12 : memref<!tpu.dma_semaphore, #tpu.memory_space<semaphore_mem>>)
    %add3A_14 = arith.constant 120 : i32
    %add3A_15 = arith.addi %mul3A_4, %add3A_14 : i32
    %dma_start3A_16 = arith.constant 0 : i32
    %dma_start3A_17 = tpu.memref_slice %arg2[%add3A_15, %dma_start3A_16] : memref<65280x128xf32, #tpu.memory_space<hbm>> -> memref<120x128xf32, #tpu.memory_space<hbm>>
    %dma_start3A_18 = arith.constant 0 : i32
    %dma_start3A_19 = tpu.memref_slice %arg2[%add3A_15, %dma_start3A_18] : memref<65280x128xf32, #tpu.memory_space<hbm>> -> memref<120x128xf32, #tpu.memory_space<hbm>>
    tpu.enqueue_dma source(%dma_start3A_19 : memref<120x128xf32, #tpu.memory_space<hbm>>) target(%arg9 : memref<120x128xf32, #tpu.memory_space<vmem>>) target_semaphore(%arg14 : memref<!tpu.dma_semaphore, #tpu.memory_space<semaphore_mem>>)
    %dma_wait3A = tpu.memref_slice %arg3[%mul3A_4] : memref<65280xi32, #tpu.memory_space<hbm>> -> memref<120xi32, #tpu.memory_space<hbm>>
    %dma_wait3A_20 = tpu.memref_slice %arg3[%mul3A_4] : memref<65280xi32, #tpu.memory_space<hbm>> -> memref<120xi32, #tpu.memory_space<hbm>>
    tpu.wait_dma2 semaphore(%arg11 : memref<!tpu.dma_semaphore, #tpu.memory_space<semaphore_mem>>) src(%dma_wait3A_20 : memref<120xi32, #tpu.memory_space<hbm>>) dst(%arg6 : memref<120xi32, #tpu.memory_space<vmem>>)
    %dma_wait3A_21 = arith.constant 0 : i32
    %dma_wait3A_22 = tpu.memref_slice %arg2[%mul3A_4, %dma_wait3A_21] : memref<65280x128xf32, #tpu.memory_space<hbm>> -> memref<120x128xf32, #tpu.memory_space<hbm>>
    %dma_wait3A_23 = arith.constant 0 : i32
    %dma_wait3A_24 = tpu.memref_slice %arg2[%mul3A_4, %dma_wait3A_23] : memref<65280x128xf32, #tpu.memory_space<hbm>> -> memref<120x128xf32, #tpu.memory_space<hbm>>
    tpu.wait_dma2 semaphore(%arg13 : memref<!tpu.dma_semaphore, #tpu.memory_space<semaphore_mem>>) src(%dma_wait3A_24 : memref<120x128xf32, #tpu.memory_space<hbm>>) dst(%arg8 : memref<120x128xf32, #tpu.memory_space<vmem>>)
    %dma_start3A_25 = arith.constant 0 : i32
    %dma_start3A_26 = arith.constant 0 : i32
    %dma_start3A_27 = tpu.memref_slice %arg10[%dma_start3A_25, %dma_start3A_26] : memref<5888x128xf32, #tpu.memory_space<vmem_shared>> -> memref<5888x128xf32, #tpu.memory_space<vmem_shared>>
    tpu.enqueue_indirect_dma source(%arg8 : memref<120x128xf32, #tpu.memory_space<vmem>>) target(%dma_start3A_27 : memref<5888x128xf32, #tpu.memory_space<vmem_shared>>) offsets(%arg6 : memref<120xi32, #tpu.memory_space<vmem>>) semaphore(%arg15 : memref<!tpu.dma_semaphore, #tpu.memory_space<semaphore_mem>>) {add = true}
    %dma_wait3A_28 = arith.constant 0 : i32
    %dma_wait3A_29 = arith.constant 0 : i32
    %dma_wait3A_30 = tpu.memref_slice %arg10[%dma_wait3A_28, %dma_wait3A_29] : memref<5888x128xf32, #tpu.memory_space<vmem_shared>> -> memref<5888x128xf32, #tpu.memory_space<vmem_shared>>
    tpu.wait_indirect_dma semaphore(%arg15 : memref<!tpu.dma_semaphore, #tpu.memory_space<semaphore_mem>>) src(%arg8 : memref<120x128xf32, #tpu.memory_space<vmem>>) dst(%dma_wait3A_30 : memref<5888x128xf32, #tpu.memory_space<vmem_shared>>)
    %add3A_31 = arith.constant 240 : i32
    %add3A_32 = arith.addi %mul3A_4, %add3A_31 : i32
    %dma_start3A_33 = tpu.memref_slice %arg3[%add3A_32] : memref<65280xi32, #tpu.memory_space<hbm>> -> memref<120xi32, #tpu.memory_space<hbm>>
    %dma_start3A_34 = tpu.memref_slice %arg3[%add3A_32] : memref<65280xi32, #tpu.memory_space<hbm>> -> memref<120xi32, #tpu.memory_space<hbm>>
    tpu.enqueue_dma source(%dma_start3A_34 : memref<120xi32, #tpu.memory_space<hbm>>) target(%arg6 : memref<120xi32, #tpu.memory_space<vmem>>) target_semaphore(%arg11 : memref<!tpu.dma_semaphore, #tpu.memory_space<semaphore_mem>>)
    %add3A_35 = arith.constant 240 : i32
    %add3A_36 = arith.addi %mul3A_4, %add3A_35 : i32
    %dma_start3A_37 = arith.constant 0 : i32
    %dma_start3A_38 = tpu.memref_slice %arg2[%add3A_36, %dma_start3A_37] : memref<65280x128xf32, #tpu.memory_space<hbm>> -> memref<120x128xf32, #tpu.memory_space<hbm>>
    %dma_start3A_39 = arith.constant 0 : i32
    %dma_start3A_40 = tpu.memref_slice %arg2[%add3A_36, %dma_start3A_39] : memref<65280x128xf32, #tpu.memory_space<hbm>> -> memref<120x128xf32, #tpu.memory_space<hbm>>
    tpu.enqueue_dma source(%dma_start3A_40 : memref<120x128xf32, #tpu.memory_space<hbm>>) target(%arg8 : memref<120x128xf32, #tpu.memory_space<vmem>>) target_semaphore(%arg13 : memref<!tpu.dma_semaphore, #tpu.memory_space<semaphore_mem>>)
    %dma_wait3A_41 = tpu.memref_slice %arg3[%add3A_11] : memref<65280xi32, #tpu.memory_space<hbm>> -> memref<120xi32, #tpu.memory_space<hbm>>
    %dma_wait3A_42 = tpu.memref_slice %arg3[%add3A_11] : memref<65280xi32, #tpu.memory_space<hbm>> -> memref<120xi32, #tpu.memory_space<hbm>>
    tpu.wait_dma2 semaphore(%arg12 : memref<!tpu.dma_semaphore, #tpu.memory_space<semaphore_mem>>) src(%dma_wait3A_42 : memref<120xi32, #tpu.memory_space<hbm>>) dst(%arg7 : memref<120xi32, #tpu.memory_space<vmem>>)
    %dma_wait3A_43 = arith.constant 0 : i32
    %dma_wait3A_44 = tpu.memref_slice %arg2[%add3A_15, %dma_wait3A_43] : memref<65280x128xf32, #tpu.memory_space<hbm>> -> memref<120x128xf32, #tpu.memory_space<hbm>>
    %dma_wait3A_45 = arith.constant 0 : i32
    %dma_wait3A_46 = tpu.memref_slice %arg2[%add3A_15, %dma_wait3A_45] : memref<65280x128xf32, #tpu.memory_space<hbm>> -> memref<120x128xf32, #tpu.memory_space<hbm>>
    tpu.wait_dma2 semaphore(%arg14 : memref<!tpu.dma_semaphore, #tpu.memory_space<semaphore_mem>>) src(%dma_wait3A_46 : memref<120x128xf32, #tpu.memory_space<hbm>>) dst(%arg9 : memref<120x128xf32, #tpu.memory_space<vmem>>)
    %dma_start3A_47 = arith.constant 0 : i32
    %dma_start3A_48 = arith.constant 0 : i32
    %dma_start3A_49 = tpu.memref_slice %arg10[%dma_start3A_47, %dma_start3A_48] : memref<5888x128xf32, #tpu.memory_space<vmem_shared>> -> memref<5888x128xf32, #tpu.memory_space<vmem_shared>>
    tpu.enqueue_indirect_dma source(%arg9 : memref<120x128xf32, #tpu.memory_space<vmem>>) target(%dma_start3A_49 : memref<5888x128xf32, #tpu.memory_space<vmem_shared>>) offsets(%arg7 : memref<120xi32, #tpu.memory_space<vmem>>) semaphore(%arg16 : memref<!tpu.dma_semaphore, #tpu.memory_space<semaphore_mem>>) {add = true}
    %dma_wait3A_50 = arith.constant 0 : i32
    %dma_wait3A_51 = arith.constant 0 : i32
    %dma_wait3A_52 = tpu.memref_slice %arg10[%dma_wait3A_50, %dma_wait3A_51] : memref<5888x128xf32, #tpu.memory_space<vmem_shared>> -> memref<5888x128xf32, #tpu.memory_space<vmem_shared>>
    tpu.wait_indirect_dma semaphore(%arg16 : memref<!tpu.dma_semaphore, #tpu.memory_space<semaphore_mem>>) src(%arg9 : memref<120x128xf32, #tpu.memory_space<vmem>>) dst(%dma_wait3A_52 : memref<5888x128xf32, #tpu.memory_space<vmem_shared>>)
    %add3A_53 = arith.constant 360 : i32
    %add3A_54 = arith.addi %mul3A_4, %add3A_53 : i32
    %dma_start3A_55 = tpu.memref_slice %arg3[%add3A_54] : memref<65280xi32, #tpu.memory_space<hbm>> -> memref<120xi32, #tpu.memory_space<hbm>>
    %dma_start3A_56 = tpu.memref_slice %arg3[%add3A_54] : memref<65280xi32, #tpu.memory_space<hbm>> -> memref<120xi32, #tpu.memory_space<hbm>>
    tpu.enqueue_dma source(%dma_start3A_56 : memref<120xi32, #tpu.memory_space<hbm>>) target(%arg7 : memref<120xi32, #tpu.memory_space<vmem>>) target_semaphore(%arg12 : memref<!tpu.dma_semaphore, #tpu.memory_space<semaphore_mem>>)
    %add3A_57 = arith.constant 360 : i32
    %add3A_58 = arith.addi %mul3A_4, %add3A_57 : i32
    %dma_start3A_59 = arith.constant 0 : i32
    %dma_start3A_60 = tpu.memref_slice %arg2[%add3A_58, %dma_start3A_59] : memref<65280x128xf32, #tpu.memory_space<hbm>> -> memref<120x128xf32, #tpu.memory_space<hbm>>
    %dma_start3A_61 = arith.constant 0 : i32
    %dma_start3A_62 = tpu.memref_slice %arg2[%add3A_58, %dma_start3A_61] : memref<65280x128xf32, #tpu.memory_space<hbm>> -> memref<120x128xf32, #tpu.memory_space<hbm>>
    tpu.enqueue_dma source(%dma_start3A_62 : memref<120x128xf32, #tpu.memory_space<hbm>>) target(%arg9 : memref<120x128xf32, #tpu.memory_space<vmem>>) target_semaphore(%arg14 : memref<!tpu.dma_semaphore, #tpu.memory_space<semaphore_mem>>)
    %dma_wait3A_63 = tpu.memref_slice %arg3[%add3A_32] : memref<65280xi32, #tpu.memory_space<hbm>> -> memref<120xi32, #tpu.memory_space<hbm>>
    %dma_wait3A_64 = tpu.memref_slice %arg3[%add3A_32] : memref<65280xi32, #tpu.memory_space<hbm>> -> memref<120xi32, #tpu.memory_space<hbm>>
    tpu.wait_dma2 semaphore(%arg11 : memref<!tpu.dma_semaphore, #tpu.memory_space<semaphore_mem>>) src(%dma_wait3A_64 : memref<120xi32, #tpu.memory_space<hbm>>) dst(%arg6 : memref<120xi32, #tpu.memory_space<vmem>>)
    %dma_wait3A_65 = arith.constant 0 : i32
    %dma_wait3A_66 = tpu.memref_slice %arg2[%add3A_36, %dma_wait3A_65] : memref<65280x128xf32, #tpu.memory_space<hbm>> -> memref<120x128xf32, #tpu.memory_space<hbm>>
    %dma_wait3A_67 = arith.constant 0 : i32
    %dma_wait3A_68 = tpu.memref_slice %arg2[%add3A_36, %dma_wait3A_67] : memref<65280x128xf32, #tpu.memory_space<hbm>> -> memref<120x128xf32, #tpu.memory_space<hbm>>
    tpu.wait_dma2 semaphore(%arg13 : memref<!tpu.dma_semaphore, #tpu.memory_space<semaphore_mem>>) src(%dma_wait3A_68 : memref<120x128xf32, #tpu.memory_space<hbm>>) dst(%arg8 : memref<120x128xf32, #tpu.memory_space<vmem>>)
    %dma_start3A_69 = arith.constant 0 : i32
    %dma_start3A_70 = arith.constant 0 : i32
    %dma_start3A_71 = tpu.memref_slice %arg10[%dma_start3A_69, %dma_start3A_70] : memref<5888x128xf32, #tpu.memory_space<vmem_shared>> -> memref<5888x128xf32, #tpu.memory_space<vmem_shared>>
    tpu.enqueue_indirect_dma source(%arg8 : memref<120x128xf32, #tpu.memory_space<vmem>>) target(%dma_start3A_71 : memref<5888x128xf32, #tpu.memory_space<vmem_shared>>) offsets(%arg6 : memref<120xi32, #tpu.memory_space<vmem>>) semaphore(%arg15 : memref<!tpu.dma_semaphore, #tpu.memory_space<semaphore_mem>>) {add = true}
    %dma_wait3A_72 = arith.constant 0 : i32
    %dma_wait3A_73 = arith.constant 0 : i32
    %dma_wait3A_74 = tpu.memref_slice %arg10[%dma_wait3A_72, %dma_wait3A_73] : memref<5888x128xf32, #tpu.memory_space<vmem_shared>> -> memref<5888x128xf32, #tpu.memory_space<vmem_shared>>
    tpu.wait_indirect_dma semaphore(%arg15 : memref<!tpu.dma_semaphore, #tpu.memory_space<semaphore_mem>>) src(%arg8 : memref<120x128xf32, #tpu.memory_space<vmem>>) dst(%dma_wait3A_74 : memref<5888x128xf32, #tpu.memory_space<vmem_shared>>)
    %add3A_75 = arith.constant 480 : i32
    %add3A_76 = arith.addi %mul3A_4, %add3A_75 : i32
    %dma_start3A_77 = tpu.memref_slice %arg3[%add3A_76] : memref<65280xi32, #tpu.memory_space<hbm>> -> memref<120xi32, #tpu.memory_space<hbm>>
    %dma_start3A_78 = tpu.memref_slice %arg3[%add3A_76] : memref<65280xi32, #tpu.memory_space<hbm>> -> memref<120xi32, #tpu.memory_space<hbm>>
    tpu.enqueue_dma source(%dma_start3A_78 : memref<120xi32, #tpu.memory_space<hbm>>) target(%arg6 : memref<120xi32, #tpu.memory_space<vmem>>) target_semaphore(%arg11 : memref<!tpu.dma_semaphore, #tpu.memory_space<semaphore_mem>>)
    %add3A_79 = arith.constant 480 : i32
    %add3A_80 = arith.addi %mul3A_4, %add3A_79 : i32
    %dma_start3A_81 = arith.constant 0 : i32
    %dma_start3A_82 = tpu.memref_slice %arg2[%add3A_80, %dma_start3A_81] : memref<65280x128xf32, #tpu.memory_space<hbm>> -> memref<120x128xf32, #tpu.memory_space<hbm>>
    %dma_start3A_83 = arith.constant 0 : i32
    %dma_start3A_84 = tpu.memref_slice %arg2[%add3A_80, %dma_start3A_83] : memref<65280x128xf32, #tpu.memory_space<hbm>> -> memref<120x128xf32, #tpu.memory_space<hbm>>
    tpu.enqueue_dma source(%dma_start3A_84 : memref<120x128xf32, #tpu.memory_space<hbm>>) target(%arg8 : memref<120x128xf32, #tpu.memory_space<vmem>>) target_semaphore(%arg13 : memref<!tpu.dma_semaphore, #tpu.memory_space<semaphore_mem>>)
    %dma_wait3A_85 = tpu.memref_slice %arg3[%add3A_54] : memref<65280xi32, #tpu.memory_space<hbm>> -> memref<120xi32, #tpu.memory_space<hbm>>
    %dma_wait3A_86 = tpu.memref_slice %arg3[%add3A_54] : memref<65280xi32, #tpu.memory_space<hbm>> -> memref<120xi32, #tpu.memory_space<hbm>>
    tpu.wait_dma2 semaphore(%arg12 : memref<!tpu.dma_semaphore, #tpu.memory_space<semaphore_mem>>) src(%dma_wait3A_86 : memref<120xi32, #tpu.memory_space<hbm>>) dst(%arg7 : memref<120xi32, #tpu.memory_space<vmem>>)
    %dma_wait3A_87 = arith.constant 0 : i32
    %dma_wait3A_88 = tpu.memref_slice %arg2[%add3A_58, %dma_wait3A_87] : memref<65280x128xf32, #tpu.memory_space<hbm>> -> memref<120x128xf32, #tpu.memory_space<hbm>>
    %dma_wait3A_89 = arith.constant 0 : i32
    %dma_wait3A_90 = tpu.memref_slice %arg2[%add3A_58, %dma_wait3A_89] : memref<65280x128xf32, #tpu.memory_space<hbm>> -> memref<120x128xf32, #tpu.memory_space<hbm>>
    tpu.wait_dma2 semaphore(%arg14 : memref<!tpu.dma_semaphore, #tpu.memory_space<semaphore_mem>>) src(%dma_wait3A_90 : memref<120x128xf32, #tpu.memory_space<hbm>>) dst(%arg9 : memref<120x128xf32, #tpu.memory_space<vmem>>)
    %dma_start3A_91 = arith.constant 0 : i32
    %dma_start3A_92 = arith.constant 0 : i32
    %dma_start3A_93 = tpu.memref_slice %arg10[%dma_start3A_91, %dma_start3A_92] : memref<5888x128xf32, #tpu.memory_space<vmem_shared>> -> memref<5888x128xf32, #tpu.memory_space<vmem_shared>>
    tpu.enqueue_indirect_dma source(%arg9 : memref<120x128xf32, #tpu.memory_space<vmem>>) target(%dma_start3A_93 : memref<5888x128xf32, #tpu.memory_space<vmem_shared>>) offsets(%arg7 : memref<120xi32, #tpu.memory_space<vmem>>) semaphore(%arg16 : memref<!tpu.dma_semaphore, #tpu.memory_space<semaphore_mem>>) {add = true}
    %dma_wait3A_94 = arith.constant 0 : i32
    %dma_wait3A_95 = arith.constant 0 : i32
    %dma_wait3A_96 = tpu.memref_slice %arg10[%dma_wait3A_94, %dma_wait3A_95] : memref<5888x128xf32, #tpu.memory_space<vmem_shared>> -> memref<5888x128xf32, #tpu.memory_space<vmem_shared>>
    tpu.wait_indirect_dma semaphore(%arg16 : memref<!tpu.dma_semaphore, #tpu.memory_space<semaphore_mem>>) src(%arg9 : memref<120x128xf32, #tpu.memory_space<vmem>>) dst(%dma_wait3A_96 : memref<5888x128xf32, #tpu.memory_space<vmem_shared>>)
    %add3A_97 = arith.constant 600 : i32
    %add3A_98 = arith.addi %mul3A_4, %add3A_97 : i32
    %dma_start3A_99 = tpu.memref_slice %arg3[%add3A_98] : memref<65280xi32, #tpu.memory_space<hbm>> -> memref<120xi32, #tpu.memory_space<hbm>>
    %dma_start3A_100 = tpu.memref_slice %arg3[%add3A_98] : memref<65280xi32, #tpu.memory_space<hbm>> -> memref<120xi32, #tpu.memory_space<hbm>>
    tpu.enqueue_dma source(%dma_start3A_100 : memref<120xi32, #tpu.memory_space<hbm>>) target(%arg7 : memref<120xi32, #tpu.memory_space<vmem>>) target_semaphore(%arg12 : memref<!tpu.dma_semaphore, #tpu.memory_space<semaphore_mem>>)
    %add3A_101 = arith.constant 600 : i32
    %add3A_102 = arith.addi %mul3A_4, %add3A_101 : i32
    %dma_start3A_103 = arith.constant 0 : i32
    %dma_start3A_104 = tpu.memref_slice %arg2[%add3A_102, %dma_start3A_103] : memref<65280x128xf32, #tpu.memory_space<hbm>> -> memref<120x128xf32, #tpu.memory_space<hbm>>
    %dma_start3A_105 = arith.constant 0 : i32
    %dma_start3A_106 = tpu.memref_slice %arg2[%add3A_102, %dma_start3A_105] : memref<65280x128xf32, #tpu.memory_space<hbm>> -> memref<120x128xf32, #tpu.memory_space<hbm>>
    tpu.enqueue_dma source(%dma_start3A_106 : memref<120x128xf32, #tpu.memory_space<hbm>>) target(%arg9 : memref<120x128xf32, #tpu.memory_space<vmem>>) target_semaphore(%arg14 : memref<!tpu.dma_semaphore, #tpu.memory_space<semaphore_mem>>)
    %dma_wait3A_107 = tpu.memref_slice %arg3[%add3A_76] : memref<65280xi32, #tpu.memory_space<hbm>> -> memref<120xi32, #tpu.memory_space<hbm>>
    %dma_wait3A_108 = tpu.memref_slice %arg3[%add3A_76] : memref<65280xi32, #tpu.memory_space<hbm>> -> memref<120xi32, #tpu.memory_space<hbm>>
    tpu.wait_dma2 semaphore(%arg11 : memref<!tpu.dma_semaphore, #tpu.memory_space<semaphore_mem>>) src(%dma_wait3A_108 : memref<120xi32, #tpu.memory_space<hbm>>) dst(%arg6 : memref<120xi32, #tpu.memory_space<vmem>>)
    %dma_wait3A_109 = arith.constant 0 : i32
    %dma_wait3A_110 = tpu.memref_slice %arg2[%add3A_80, %dma_wait3A_109] : memref<65280x128xf32, #tpu.memory_space<hbm>> -> memref<120x128xf32, #tpu.memory_space<hbm>>
    %dma_wait3A_111 = arith.constant 0 : i32
    %dma_wait3A_112 = tpu.memref_slice %arg2[%add3A_80, %dma_wait3A_111] : memref<65280x128xf32, #tpu.memory_space<hbm>> -> memref<120x128xf32, #tpu.memory_space<hbm>>
    tpu.wait_dma2 semaphore(%arg13 : memref<!tpu.dma_semaphore, #tpu.memory_space<semaphore_mem>>) src(%dma_wait3A_112 : memref<120x128xf32, #tpu.memory_space<hbm>>) dst(%arg8 : memref<120x128xf32, #tpu.memory_space<vmem>>)
    %dma_start3A_113 = arith.constant 0 : i32
    %dma_start3A_114 = arith.constant 0 : i32
    %dma_start3A_115 = tpu.memref_slice %arg10[%dma_start3A_113, %dma_start3A_114] : memref<5888x128xf32, #tpu.memory_space<vmem_shared>> -> memref<5888x128xf32, #tpu.memory_space<vmem_shared>>
    tpu.enqueue_indirect_dma source(%arg8 : memref<120x128xf32, #tpu.memory_space<vmem>>) target(%dma_start3A_115 : memref<5888x128xf32, #tpu.memory_space<vmem_shared>>) offsets(%arg6 : memref<120xi32, #tpu.memory_space<vmem>>) semaphore(%arg15 : memref<!tpu.dma_semaphore, #tpu.memory_space<semaphore_mem>>) {add = true}
    %dma_wait3A_116 = arith.constant 0 : i32
    %dma_wait3A_117 = arith.constant 0 : i32
    %dma_wait3A_118 = tpu.memref_slice %arg10[%dma_wait3A_116, %dma_wait3A_117] : memref<5888x128xf32, #tpu.memory_space<vmem_shared>> -> memref<5888x128xf32, #tpu.memory_space<vmem_shared>>
    tpu.wait_indirect_dma semaphore(%arg15 : memref<!tpu.dma_semaphore, #tpu.memory_space<semaphore_mem>>) src(%arg8 : memref<120x128xf32, #tpu.memory_space<vmem>>) dst(%dma_wait3A_118 : memref<5888x128xf32, #tpu.memory_space<vmem_shared>>)
    %add3A_119 = arith.constant 720 : i32
    %add3A_120 = arith.addi %mul3A_4, %add3A_119 : i32
    %dma_start3A_121 = tpu.memref_slice %arg3[%add3A_120] : memref<65280xi32, #tpu.memory_space<hbm>> -> memref<120xi32, #tpu.memory_space<hbm>>
    %dma_start3A_122 = tpu.memref_slice %arg3[%add3A_120] : memref<65280xi32, #tpu.memory_space<hbm>> -> memref<120xi32, #tpu.memory_space<hbm>>
    tpu.enqueue_dma source(%dma_start3A_122 : memref<120xi32, #tpu.memory_space<hbm>>) target(%arg6 : memref<120xi32, #tpu.memory_space<vmem>>) target_semaphore(%arg11 : memref<!tpu.dma_semaphore, #tpu.memory_space<semaphore_mem>>)
    %add3A_123 = arith.constant 720 : i32
    %add3A_124 = arith.addi %mul3A_4, %add3A_123 : i32
    %dma_start3A_125 = arith.constant 0 : i32
    %dma_start3A_126 = tpu.memref_slice %arg2[%add3A_124, %dma_start3A_125] : memref<65280x128xf32, #tpu.memory_space<hbm>> -> memref<120x128xf32, #tpu.memory_space<hbm>>
    %dma_start3A_127 = arith.constant 0 : i32
    %dma_start3A_128 = tpu.memref_slice %arg2[%add3A_124, %dma_start3A_127] : memref<65280x128xf32, #tpu.memory_space<hbm>> -> memref<120x128xf32, #tpu.memory_space<hbm>>
    tpu.enqueue_dma source(%dma_start3A_128 : memref<120x128xf32, #tpu.memory_space<hbm>>) target(%arg8 : memref<120x128xf32, #tpu.memory_space<vmem>>) target_semaphore(%arg13 : memref<!tpu.dma_semaphore, #tpu.memory_space<semaphore_mem>>)
    %dma_wait3A_129 = tpu.memref_slice %arg3[%add3A_98] : memref<65280xi32, #tpu.memory_space<hbm>> -> memref<120xi32, #tpu.memory_space<hbm>>
    %dma_wait3A_130 = tpu.memref_slice %arg3[%add3A_98] : memref<65280xi32, #tpu.memory_space<hbm>> -> memref<120xi32, #tpu.memory_space<hbm>>
    tpu.wait_dma2 semaphore(%arg12 : memref<!tpu.dma_semaphore, #tpu.memory_space<semaphore_mem>>) src(%dma_wait3A_130 : memref<120xi32, #tpu.memory_space<hbm>>) dst(%arg7 : memref<120xi32, #tpu.memory_space<vmem>>)
    %dma_wait3A_131 = arith.constant 0 : i32
    %dma_wait3A_132 = tpu.memref_slice %arg2[%add3A_102, %dma_wait3A_131] : memref<65280x128xf32, #tpu.memory_space<hbm>> -> memref<120x128xf32, #tpu.memory_space<hbm>>
    %dma_wait3A_133 = arith.constant 0 : i32
    %dma_wait3A_134 = tpu.memref_slice %arg2[%add3A_102, %dma_wait3A_133] : memref<65280x128xf32, #tpu.memory_space<hbm>> -> memref<120x128xf32, #tpu.memory_space<hbm>>
    tpu.wait_dma2 semaphore(%arg14 : memref<!tpu.dma_semaphore, #tpu.memory_space<semaphore_mem>>) src(%dma_wait3A_134 : memref<120x128xf32, #tpu.memory_space<hbm>>) dst(%arg9 : memref<120x128xf32, #tpu.memory_space<vmem>>)
    %dma_start3A_135 = arith.constant 0 : i32
    %dma_start3A_136 = arith.constant 0 : i32
    %dma_start3A_137 = tpu.memref_slice %arg10[%dma_start3A_135, %dma_start3A_136] : memref<5888x128xf32, #tpu.memory_space<vmem_shared>> -> memref<5888x128xf32, #tpu.memory_space<vmem_shared>>
    tpu.enqueue_indirect_dma source(%arg9 : memref<120x128xf32, #tpu.memory_space<vmem>>) target(%dma_start3A_137 : memref<5888x128xf32, #tpu.memory_space<vmem_shared>>) offsets(%arg7 : memref<120xi32, #tpu.memory_space<vmem>>) semaphore(%arg16 : memref<!tpu.dma_semaphore, #tpu.memory_space<semaphore_mem>>) {add = true}
    %dma_wait3A_138 = arith.constant 0 : i32
    %dma_wait3A_139 = arith.constant 0 : i32
    %dma_wait3A_140 = tpu.memref_slice %arg10[%dma_wait3A_138, %dma_wait3A_139] : memref<5888x128xf32, #tpu.memory_space<vmem_shared>> -> memref<5888x128xf32, #tpu.memory_space<vmem_shared>>
    tpu.wait_indirect_dma semaphore(%arg16 : memref<!tpu.dma_semaphore, #tpu.memory_space<semaphore_mem>>) src(%arg9 : memref<120x128xf32, #tpu.memory_space<vmem>>) dst(%dma_wait3A_140 : memref<5888x128xf32, #tpu.memory_space<vmem_shared>>)
    %add3A_141 = arith.constant 840 : i32
    %add3A_142 = arith.addi %mul3A_4, %add3A_141 : i32
    %dma_start3A_143 = tpu.memref_slice %arg3[%add3A_142] : memref<65280xi32, #tpu.memory_space<hbm>> -> memref<120xi32, #tpu.memory_space<hbm>>
    %dma_start3A_144 = tpu.memref_slice %arg3[%add3A_142] : memref<65280xi32, #tpu.memory_space<hbm>> -> memref<120xi32, #tpu.memory_space<hbm>>
    tpu.enqueue_dma source(%dma_start3A_144 : memref<120xi32, #tpu.memory_space<hbm>>) target(%arg7 : memref<120xi32, #tpu.memory_space<vmem>>) target_semaphore(%arg12 : memref<!tpu.dma_semaphore, #tpu.memory_space<semaphore_mem>>)
    %add3A_145 = arith.constant 840 : i32
    %add3A_146 = arith.addi %mul3A_4, %add3A_145 : i32
    %dma_start3A_147 = arith.constant 0 : i32
    %dma_start3A_148 = tpu.memref_slice %arg2[%add3A_146, %dma_start3A_147] : memref<65280x128xf32, #tpu.memory_space<hbm>> -> memref<120x128xf32, #tpu.memory_space<hbm>>
    %dma_start3A_149 = arith.constant 0 : i32
    %dma_start3A_150 = tpu.memref_slice %arg2[%add3A_146, %dma_start3A_149] : memref<65280x128xf32, #tpu.memory_space<hbm>> -> memref<120x128xf32, #tpu.memory_space<hbm>>
    tpu.enqueue_dma source(%dma_start3A_150 : memref<120x128xf32, #tpu.memory_space<hbm>>) target(%arg9 : memref<120x128xf32, #tpu.memory_space<vmem>>) target_semaphore(%arg14 : memref<!tpu.dma_semaphore, #tpu.memory_space<semaphore_mem>>)
    %dma_wait3A_151 = tpu.memref_slice %arg3[%add3A_120] : memref<65280xi32, #tpu.memory_space<hbm>> -> memref<120xi32, #tpu.memory_space<hbm>>
    %dma_wait3A_152 = tpu.memref_slice %arg3[%add3A_120] : memref<65280xi32, #tpu.memory_space<hbm>> -> memref<120xi32, #tpu.memory_space<hbm>>
    tpu.wait_dma2 semaphore(%arg11 : memref<!tpu.dma_semaphore, #tpu.memory_space<semaphore_mem>>) src(%dma_wait3A_152 : memref<120xi32, #tpu.memory_space<hbm>>) dst(%arg6 : memref<120xi32, #tpu.memory_space<vmem>>)
    %dma_wait3A_153 = arith.constant 0 : i32
    %dma_wait3A_154 = tpu.memref_slice %arg2[%add3A_124, %dma_wait3A_153] : memref<65280x128xf32, #tpu.memory_space<hbm>> -> memref<120x128xf32, #tpu.memory_space<hbm>>
    %dma_wait3A_155 = arith.constant 0 : i32
    %dma_wait3A_156 = tpu.memref_slice %arg2[%add3A_124, %dma_wait3A_155] : memref<65280x128xf32, #tpu.memory_space<hbm>> -> memref<120x128xf32, #tpu.memory_space<hbm>>
    tpu.wait_dma2 semaphore(%arg13 : memref<!tpu.dma_semaphore, #tpu.memory_space<semaphore_mem>>) src(%dma_wait3A_156 : memref<120x128xf32, #tpu.memory_space<hbm>>) dst(%arg8 : memref<120x128xf32, #tpu.memory_space<vmem>>)
    %dma_start3A_157 = arith.constant 0 : i32
    %dma_start3A_158 = arith.constant 0 : i32
    %dma_start3A_159 = tpu.memref_slice %arg10[%dma_start3A_157, %dma_start3A_158] : memref<5888x128xf32, #tpu.memory_space<vmem_shared>> -> memref<5888x128xf32, #tpu.memory_space<vmem_shared>>
    tpu.enqueue_indirect_dma source(%arg8 : memref<120x128xf32, #tpu.memory_space<vmem>>) target(%dma_start3A_159 : memref<5888x128xf32, #tpu.memory_space<vmem_shared>>) offsets(%arg6 : memref<120xi32, #tpu.memory_space<vmem>>) semaphore(%arg15 : memref<!tpu.dma_semaphore, #tpu.memory_space<semaphore_mem>>) {add = true}
    %dma_wait3A_160 = arith.constant 0 : i32
    %dma_wait3A_161 = arith.constant 0 : i32
    %dma_wait3A_162 = tpu.memref_slice %arg10[%dma_wait3A_160, %dma_wait3A_161] : memref<5888x128xf32, #tpu.memory_space<vmem_shared>> -> memref<5888x128xf32, #tpu.memory_space<vmem_shared>>
    tpu.wait_indirect_dma semaphore(%arg15 : memref<!tpu.dma_semaphore, #tpu.memory_space<semaphore_mem>>) src(%arg8 : memref<120x128xf32, #tpu.memory_space<vmem>>) dst(%dma_wait3A_162 : memref<5888x128xf32, #tpu.memory_space<vmem_shared>>)
    %add3A_163 = arith.constant 960 : i32
    %add3A_164 = arith.addi %mul3A_4, %add3A_163 : i32
    %dma_start3A_165 = tpu.memref_slice %arg3[%add3A_164] : memref<65280xi32, #tpu.memory_space<hbm>> -> memref<120xi32, #tpu.memory_space<hbm>>
    %dma_start3A_166 = tpu.memref_slice %arg3[%add3A_164] : memref<65280xi32, #tpu.memory_space<hbm>> -> memref<120xi32, #tpu.memory_space<hbm>>
    tpu.enqueue_dma source(%dma_start3A_166 : memref<120xi32, #tpu.memory_space<hbm>>) target(%arg6 : memref<120xi32, #tpu.memory_space<vmem>>) target_semaphore(%arg11 : memref<!tpu.dma_semaphore, #tpu.memory_space<semaphore_mem>>)
    %add3A_167 = arith.constant 960 : i32
    %add3A_168 = arith.addi %mul3A_4, %add3A_167 : i32
    %dma_start3A_169 = arith.constant 0 : i32
    %dma_start3A_170 = tpu.memref_slice %arg2[%add3A_168, %dma_start3A_169] : memref<65280x128xf32, #tpu.memory_space<hbm>> -> memref<120x128xf32, #tpu.memory_space<hbm>>
    %dma_start3A_171 = arith.constant 0 : i32
    %dma_start3A_172 = tpu.memref_slice %arg2[%add3A_168, %dma_start3A_171] : memref<65280x128xf32, #tpu.memory_space<hbm>> -> memref<120x128xf32, #tpu.memory_space<hbm>>
    tpu.enqueue_dma source(%dma_start3A_172 : memref<120x128xf32, #tpu.memory_space<hbm>>) target(%arg8 : memref<120x128xf32, #tpu.memory_space<vmem>>) target_semaphore(%arg13 : memref<!tpu.dma_semaphore, #tpu.memory_space<semaphore_mem>>)
    %dma_wait3A_173 = tpu.memref_slice %arg3[%add3A_142] : memref<65280xi32, #tpu.memory_space<hbm>> -> memref<120xi32, #tpu.memory_space<hbm>>
    %dma_wait3A_174 = tpu.memref_slice %arg3[%add3A_142] : memref<65280xi32, #tpu.memory_space<hbm>> -> memref<120xi32, #tpu.memory_space<hbm>>
    tpu.wait_dma2 semaphore(%arg12 : memref<!tpu.dma_semaphore, #tpu.memory_space<semaphore_mem>>) src(%dma_wait3A_174 : memref<120xi32, #tpu.memory_space<hbm>>) dst(%arg7 : memref<120xi32, #tpu.memory_space<vmem>>)
    %dma_wait3A_175 = arith.constant 0 : i32
    %dma_wait3A_176 = tpu.memref_slice %arg2[%add3A_146, %dma_wait3A_175] : memref<65280x128xf32, #tpu.memory_space<hbm>> -> memref<120x128xf32, #tpu.memory_space<hbm>>
    %dma_wait3A_177 = arith.constant 0 : i32
    %dma_wait3A_178 = tpu.memref_slice %arg2[%add3A_146, %dma_wait3A_177] : memref<65280x128xf32, #tpu.memory_space<hbm>> -> memref<120x128xf32, #tpu.memory_space<hbm>>
    tpu.wait_dma2 semaphore(%arg14 : memref<!tpu.dma_semaphore, #tpu.memory_space<semaphore_mem>>) src(%dma_wait3A_178 : memref<120x128xf32, #tpu.memory_space<hbm>>) dst(%arg9 : memref<120x128xf32, #tpu.memory_space<vmem>>)
    %dma_start3A_179 = arith.constant 0 : i32
    %dma_start3A_180 = arith.constant 0 : i32
    %dma_start3A_181 = tpu.memref_slice %arg10[%dma_start3A_179, %dma_start3A_180] : memref<5888x128xf32, #tpu.memory_space<vmem_shared>> -> memref<5888x128xf32, #tpu.memory_space<vmem_shared>>
    tpu.enqueue_indirect_dma source(%arg9 : memref<120x128xf32, #tpu.memory_space<vmem>>) target(%dma_start3A_181 : memref<5888x128xf32, #tpu.memory_space<vmem_shared>>) offsets(%arg7 : memref<120xi32, #tpu.memory_space<vmem>>) semaphore(%arg16 : memref<!tpu.dma_semaphore, #tpu.memory_space<semaphore_mem>>) {add = true}
    %dma_wait3A_182 = arith.constant 0 : i32
    %dma_wait3A_183 = arith.constant 0 : i32
    %dma_wait3A_184 = tpu.memref_slice %arg10[%dma_wait3A_182, %dma_wait3A_183] : memref<5888x128xf32, #tpu.memory_space<vmem_shared>> -> memref<5888x128xf32, #tpu.memory_space<vmem_shared>>
    tpu.wait_indirect_dma semaphore(%arg16 : memref<!tpu.dma_semaphore, #tpu.memory_space<semaphore_mem>>) src(%arg9 : memref<120x128xf32, #tpu.memory_space<vmem>>) dst(%dma_wait3A_184 : memref<5888x128xf32, #tpu.memory_space<vmem_shared>>)
    %add3A_185 = arith.constant 1080 : i32
    %add3A_186 = arith.addi %mul3A_4, %add3A_185 : i32
    %dma_start3A_187 = tpu.memref_slice %arg3[%add3A_186] : memref<65280xi32, #tpu.memory_space<hbm>> -> memref<120xi32, #tpu.memory_space<hbm>>
    %dma_start3A_188 = tpu.memref_slice %arg3[%add3A_186] : memref<65280xi32, #tpu.memory_space<hbm>> -> memref<120xi32, #tpu.memory_space<hbm>>
    tpu.enqueue_dma source(%dma_start3A_188 : memref<120xi32, #tpu.memory_space<hbm>>) target(%arg7 : memref<120xi32, #tpu.memory_space<vmem>>) target_semaphore(%arg12 : memref<!tpu.dma_semaphore, #tpu.memory_space<semaphore_mem>>)
    %add3A_189 = arith.constant 1080 : i32
    %add3A_190 = arith.addi %mul3A_4, %add3A_189 : i32
    %dma_start3A_191 = arith.constant 0 : i32
    %dma_start3A_192 = tpu.memref_slice %arg2[%add3A_190, %dma_start3A_191] : memref<65280x128xf32, #tpu.memory_space<hbm>> -> memref<120x128xf32, #tpu.memory_space<hbm>>
    %dma_start3A_193 = arith.constant 0 : i32
    %dma_start3A_194 = tpu.memref_slice %arg2[%add3A_190, %dma_start3A_193] : memref<65280x128xf32, #tpu.memory_space<hbm>> -> memref<120x128xf32, #tpu.memory_space<hbm>>
    tpu.enqueue_dma source(%dma_start3A_194 : memref<120x128xf32, #tpu.memory_space<hbm>>) target(%arg9 : memref<120x128xf32, #tpu.memory_space<vmem>>) target_semaphore(%arg14 : memref<!tpu.dma_semaphore, #tpu.memory_space<semaphore_mem>>)
    %dma_wait3A_195 = tpu.memref_slice %arg3[%add3A_164] : memref<65280xi32, #tpu.memory_space<hbm>> -> memref<120xi32, #tpu.memory_space<hbm>>
    %dma_wait3A_196 = tpu.memref_slice %arg3[%add3A_164] : memref<65280xi32, #tpu.memory_space<hbm>> -> memref<120xi32, #tpu.memory_space<hbm>>
    tpu.wait_dma2 semaphore(%arg11 : memref<!tpu.dma_semaphore, #tpu.memory_space<semaphore_mem>>) src(%dma_wait3A_196 : memref<120xi32, #tpu.memory_space<hbm>>) dst(%arg6 : memref<120xi32, #tpu.memory_space<vmem>>)
    %dma_wait3A_197 = arith.constant 0 : i32
    %dma_wait3A_198 = tpu.memref_slice %arg2[%add3A_168, %dma_wait3A_197] : memref<65280x128xf32, #tpu.memory_space<hbm>> -> memref<120x128xf32, #tpu.memory_space<hbm>>
    %dma_wait3A_199 = arith.constant 0 : i32
    %dma_wait3A_200 = tpu.memref_slice %arg2[%add3A_168, %dma_wait3A_199] : memref<65280x128xf32, #tpu.memory_space<hbm>> -> memref<120x128xf32, #tpu.memory_space<hbm>>
    tpu.wait_dma2 semaphore(%arg13 : memref<!tpu.dma_semaphore, #tpu.memory_space<semaphore_mem>>) src(%dma_wait3A_200 : memref<120x128xf32, #tpu.memory_space<hbm>>) dst(%arg8 : memref<120x128xf32, #tpu.memory_space<vmem>>)
    %dma_start3A_201 = arith.constant 0 : i32
    %dma_start3A_202 = arith.constant 0 : i32
    %dma_start3A_203 = tpu.memref_slice %arg10[%dma_start3A_201, %dma_start3A_202] : memref<5888x128xf32, #tpu.memory_space<vmem_shared>> -> memref<5888x128xf32, #tpu.memory_space<vmem_shared>>
    tpu.enqueue_indirect_dma source(%arg8 : memref<120x128xf32, #tpu.memory_space<vmem>>) target(%dma_start3A_203 : memref<5888x128xf32, #tpu.memory_space<vmem_shared>>) offsets(%arg6 : memref<120xi32, #tpu.memory_space<vmem>>) semaphore(%arg15 : memref<!tpu.dma_semaphore, #tpu.memory_space<semaphore_mem>>) {add = true}
    %dma_wait3A_204 = arith.constant 0 : i32
    %dma_wait3A_205 = arith.constant 0 : i32
    %dma_wait3A_206 = tpu.memref_slice %arg10[%dma_wait3A_204, %dma_wait3A_205] : memref<5888x128xf32, #tpu.memory_space<vmem_shared>> -> memref<5888x128xf32, #tpu.memory_space<vmem_shared>>
    tpu.wait_indirect_dma semaphore(%arg15 : memref<!tpu.dma_semaphore, #tpu.memory_space<semaphore_mem>>) src(%arg8 : memref<120x128xf32, #tpu.memory_space<vmem>>) dst(%dma_wait3A_206 : memref<5888x128xf32, #tpu.memory_space<vmem_shared>>)
    %add3A_207 = arith.constant 1200 : i32
    %add3A_208 = arith.addi %mul3A_4, %add3A_207 : i32
    %dma_start3A_209 = tpu.memref_slice %arg3[%add3A_208] : memref<65280xi32, #tpu.memory_space<hbm>> -> memref<120xi32, #tpu.memory_space<hbm>>
    %dma_start3A_210 = tpu.memref_slice %arg3[%add3A_208] : memref<65280xi32, #tpu.memory_space<hbm>> -> memref<120xi32, #tpu.memory_space<hbm>>
    tpu.enqueue_dma source(%dma_start3A_210 : memref<120xi32, #tpu.memory_space<hbm>>) target(%arg6 : memref<120xi32, #tpu.memory_space<vmem>>) target_semaphore(%arg11 : memref<!tpu.dma_semaphore, #tpu.memory_space<semaphore_mem>>)
    %add3A_211 = arith.constant 1200 : i32
    %add3A_212 = arith.addi %mul3A_4, %add3A_211 : i32
    %dma_start3A_213 = arith.constant 0 : i32
    %dma_start3A_214 = tpu.memref_slice %arg2[%add3A_212, %dma_start3A_213] : memref<65280x128xf32, #tpu.memory_space<hbm>> -> memref<120x128xf32, #tpu.memory_space<hbm>>
    %dma_start3A_215 = arith.constant 0 : i32
    %dma_start3A_216 = tpu.memref_slice %arg2[%add3A_212, %dma_start3A_215] : memref<65280x128xf32, #tpu.memory_space<hbm>> -> memref<120x128xf32, #tpu.memory_space<hbm>>
    tpu.enqueue_dma source(%dma_start3A_216 : memref<120x128xf32, #tpu.memory_space<hbm>>) target(%arg8 : memref<120x128xf32, #tpu.memory_space<vmem>>) target_semaphore(%arg13 : memref<!tpu.dma_semaphore, #tpu.memory_space<semaphore_mem>>)
    %dma_wait3A_217 = tpu.memref_slice %arg3[%add3A_186] : memref<65280xi32, #tpu.memory_space<hbm>> -> memref<120xi32, #tpu.memory_space<hbm>>
    %dma_wait3A_218 = tpu.memref_slice %arg3[%add3A_186] : memref<65280xi32, #tpu.memory_space<hbm>> -> memref<120xi32, #tpu.memory_space<hbm>>
    tpu.wait_dma2 semaphore(%arg12 : memref<!tpu.dma_semaphore, #tpu.memory_space<semaphore_mem>>) src(%dma_wait3A_218 : memref<120xi32, #tpu.memory_space<hbm>>) dst(%arg7 : memref<120xi32, #tpu.memory_space<vmem>>)
    %dma_wait3A_219 = arith.constant 0 : i32
    %dma_wait3A_220 = tpu.memref_slice %arg2[%add3A_190, %dma_wait3A_219] : memref<65280x128xf32, #tpu.memory_space<hbm>> -> memref<120x128xf32, #tpu.memory_space<hbm>>
    %dma_wait3A_221 = arith.constant 0 : i32
    %dma_wait3A_222 = tpu.memref_slice %arg2[%add3A_190, %dma_wait3A_221] : memref<65280x128xf32, #tpu.memory_space<hbm>> -> memref<120x128xf32, #tpu.memory_space<hbm>>
    tpu.wait_dma2 semaphore(%arg14 : memref<!tpu.dma_semaphore, #tpu.memory_space<semaphore_mem>>) src(%dma_wait3A_222 : memref<120x128xf32, #tpu.memory_space<hbm>>) dst(%arg9 : memref<120x128xf32, #tpu.memory_space<vmem>>)
    %dma_start3A_223 = arith.constant 0 : i32
    %dma_start3A_224 = arith.constant 0 : i32
    %dma_start3A_225 = tpu.memref_slice %arg10[%dma_start3A_223, %dma_start3A_224] : memref<5888x128xf32, #tpu.memory_space<vmem_shared>> -> memref<5888x128xf32, #tpu.memory_space<vmem_shared>>
    tpu.enqueue_indirect_dma source(%arg9 : memref<120x128xf32, #tpu.memory_space<vmem>>) target(%dma_start3A_225 : memref<5888x128xf32, #tpu.memory_space<vmem_shared>>) offsets(%arg7 : memref<120xi32, #tpu.memory_space<vmem>>) semaphore(%arg16 : memref<!tpu.dma_semaphore, #tpu.memory_space<semaphore_mem>>) {add = true}
    %dma_wait3A_226 = arith.constant 0 : i32
    %dma_wait3A_227 = arith.constant 0 : i32
    %dma_wait3A_228 = tpu.memref_slice %arg10[%dma_wait3A_226, %dma_wait3A_227] : memref<5888x128xf32, #tpu.memory_space<vmem_shared>> -> memref<5888x128xf32, #tpu.memory_space<vmem_shared>>
    tpu.wait_indirect_dma semaphore(%arg16 : memref<!tpu.dma_semaphore, #tpu.memory_space<semaphore_mem>>) src(%arg9 : memref<120x128xf32, #tpu.memory_space<vmem>>) dst(%dma_wait3A_228 : memref<5888x128xf32, #tpu.memory_space<vmem_shared>>)
    %add3A_229 = arith.constant 1320 : i32
    %add3A_230 = arith.addi %mul3A_4, %add3A_229 : i32
    %dma_start3A_231 = tpu.memref_slice %arg3[%add3A_230] : memref<65280xi32, #tpu.memory_space<hbm>> -> memref<120xi32, #tpu.memory_space<hbm>>
    %dma_start3A_232 = tpu.memref_slice %arg3[%add3A_230] : memref<65280xi32, #tpu.memory_space<hbm>> -> memref<120xi32, #tpu.memory_space<hbm>>
    tpu.enqueue_dma source(%dma_start3A_232 : memref<120xi32, #tpu.memory_space<hbm>>) target(%arg7 : memref<120xi32, #tpu.memory_space<vmem>>) target_semaphore(%arg12 : memref<!tpu.dma_semaphore, #tpu.memory_space<semaphore_mem>>)
    %add3A_233 = arith.constant 1320 : i32
    %add3A_234 = arith.addi %mul3A_4, %add3A_233 : i32
    %dma_start3A_235 = arith.constant 0 : i32
    %dma_start3A_236 = tpu.memref_slice %arg2[%add3A_234, %dma_start3A_235] : memref<65280x128xf32, #tpu.memory_space<hbm>> -> memref<120x128xf32, #tpu.memory_space<hbm>>
    %dma_start3A_237 = arith.constant 0 : i32
    %dma_start3A_238 = tpu.memref_slice %arg2[%add3A_234, %dma_start3A_237] : memref<65280x128xf32, #tpu.memory_space<hbm>> -> memref<120x128xf32, #tpu.memory_space<hbm>>
    tpu.enqueue_dma source(%dma_start3A_238 : memref<120x128xf32, #tpu.memory_space<hbm>>) target(%arg9 : memref<120x128xf32, #tpu.memory_space<vmem>>) target_semaphore(%arg14 : memref<!tpu.dma_semaphore, #tpu.memory_space<semaphore_mem>>)
    %dma_wait3A_239 = tpu.memref_slice %arg3[%add3A_208] : memref<65280xi32, #tpu.memory_space<hbm>> -> memref<120xi32, #tpu.memory_space<hbm>>
    %dma_wait3A_240 = tpu.memref_slice %arg3[%add3A_208] : memref<65280xi32, #tpu.memory_space<hbm>> -> memref<120xi32, #tpu.memory_space<hbm>>
    tpu.wait_dma2 semaphore(%arg11 : memref<!tpu.dma_semaphore, #tpu.memory_space<semaphore_mem>>) src(%dma_wait3A_240 : memref<120xi32, #tpu.memory_space<hbm>>) dst(%arg6 : memref<120xi32, #tpu.memory_space<vmem>>)
    %dma_wait3A_241 = arith.constant 0 : i32
    %dma_wait3A_242 = tpu.memref_slice %arg2[%add3A_212, %dma_wait3A_241] : memref<65280x128xf32, #tpu.memory_space<hbm>> -> memref<120x128xf32, #tpu.memory_space<hbm>>
    %dma_wait3A_243 = arith.constant 0 : i32
    %dma_wait3A_244 = tpu.memref_slice %arg2[%add3A_212, %dma_wait3A_243] : memref<65280x128xf32, #tpu.memory_space<hbm>> -> memref<120x128xf32, #tpu.memory_space<hbm>>
    tpu.wait_dma2 semaphore(%arg13 : memref<!tpu.dma_semaphore, #tpu.memory_space<semaphore_mem>>) src(%dma_wait3A_244 : memref<120x128xf32, #tpu.memory_space<hbm>>) dst(%arg8 : memref<120x128xf32, #tpu.memory_space<vmem>>)
    %dma_start3A_245 = arith.constant 0 : i32
    %dma_start3A_246 = arith.constant 0 : i32
    %dma_start3A_247 = tpu.memref_slice %arg10[%dma_start3A_245, %dma_start3A_246] : memref<5888x128xf32, #tpu.memory_space<vmem_shared>> -> memref<5888x128xf32, #tpu.memory_space<vmem_shared>>
    tpu.enqueue_indirect_dma source(%arg8 : memref<120x128xf32, #tpu.memory_space<vmem>>) target(%dma_start3A_247 : memref<5888x128xf32, #tpu.memory_space<vmem_shared>>) offsets(%arg6 : memref<120xi32, #tpu.memory_space<vmem>>) semaphore(%arg15 : memref<!tpu.dma_semaphore, #tpu.memory_space<semaphore_mem>>) {add = true}
    %dma_wait3A_248 = arith.constant 0 : i32
    %dma_wait3A_249 = arith.constant 0 : i32
    %dma_wait3A_250 = tpu.memref_slice %arg10[%dma_wait3A_248, %dma_wait3A_249] : memref<5888x128xf32, #tpu.memory_space<vmem_shared>> -> memref<5888x128xf32, #tpu.memory_space<vmem_shared>>
    tpu.wait_indirect_dma semaphore(%arg15 : memref<!tpu.dma_semaphore, #tpu.memory_space<semaphore_mem>>) src(%arg8 : memref<120x128xf32, #tpu.memory_space<vmem>>) dst(%dma_wait3A_250 : memref<5888x128xf32, #tpu.memory_space<vmem_shared>>)
    %add3A_251 = arith.constant 1440 : i32
    %add3A_252 = arith.addi %mul3A_4, %add3A_251 : i32
    %dma_start3A_253 = tpu.memref_slice %arg3[%add3A_252] : memref<65280xi32, #tpu.memory_space<hbm>> -> memref<120xi32, #tpu.memory_space<hbm>>
    %dma_start3A_254 = tpu.memref_slice %arg3[%add3A_252] : memref<65280xi32, #tpu.memory_space<hbm>> -> memref<120xi32, #tpu.memory_space<hbm>>
    tpu.enqueue_dma source(%dma_start3A_254 : memref<120xi32, #tpu.memory_space<hbm>>) target(%arg6 : memref<120xi32, #tpu.memory_space<vmem>>) target_semaphore(%arg11 : memref<!tpu.dma_semaphore, #tpu.memory_space<semaphore_mem>>)
    %add3A_255 = arith.constant 1440 : i32
    %add3A_256 = arith.addi %mul3A_4, %add3A_255 : i32
    %dma_start3A_257 = arith.constant 0 : i32
    %dma_start3A_258 = tpu.memref_slice %arg2[%add3A_256, %dma_start3A_257] : memref<65280x128xf32, #tpu.memory_space<hbm>> -> memref<120x128xf32, #tpu.memory_space<hbm>>
    %dma_start3A_259 = arith.constant 0 : i32
    %dma_start3A_260 = tpu.memref_slice %arg2[%add3A_256, %dma_start3A_259] : memref<65280x128xf32, #tpu.memory_space<hbm>> -> memref<120x128xf32, #tpu.memory_space<hbm>>
    tpu.enqueue_dma source(%dma_start3A_260 : memref<120x128xf32, #tpu.memory_space<hbm>>) target(%arg8 : memref<120x128xf32, #tpu.memory_space<vmem>>) target_semaphore(%arg13 : memref<!tpu.dma_semaphore, #tpu.memory_space<semaphore_mem>>)
    %dma_wait3A_261 = tpu.memref_slice %arg3[%add3A_230] : memref<65280xi32, #tpu.memory_space<hbm>> -> memref<120xi32, #tpu.memory_space<hbm>>
    %dma_wait3A_262 = tpu.memref_slice %arg3[%add3A_230] : memref<65280xi32, #tpu.memory_space<hbm>> -> memref<120xi32, #tpu.memory_space<hbm>>
    tpu.wait_dma2 semaphore(%arg12 : memref<!tpu.dma_semaphore, #tpu.memory_space<semaphore_mem>>) src(%dma_wait3A_262 : memref<120xi32, #tpu.memory_space<hbm>>) dst(%arg7 : memref<120xi32, #tpu.memory_space<vmem>>)
    %dma_wait3A_263 = arith.constant 0 : i32
    %dma_wait3A_264 = tpu.memref_slice %arg2[%add3A_234, %dma_wait3A_263] : memref<65280x128xf32, #tpu.memory_space<hbm>> -> memref<120x128xf32, #tpu.memory_space<hbm>>
    %dma_wait3A_265 = arith.constant 0 : i32
    %dma_wait3A_266 = tpu.memref_slice %arg2[%add3A_234, %dma_wait3A_265] : memref<65280x128xf32, #tpu.memory_space<hbm>> -> memref<120x128xf32, #tpu.memory_space<hbm>>
    tpu.wait_dma2 semaphore(%arg14 : memref<!tpu.dma_semaphore, #tpu.memory_space<semaphore_mem>>) src(%dma_wait3A_266 : memref<120x128xf32, #tpu.memory_space<hbm>>) dst(%arg9 : memref<120x128xf32, #tpu.memory_space<vmem>>)
    %dma_start3A_267 = arith.constant 0 : i32
    %dma_start3A_268 = arith.constant 0 : i32
    %dma_start3A_269 = tpu.memref_slice %arg10[%dma_start3A_267, %dma_start3A_268] : memref<5888x128xf32, #tpu.memory_space<vmem_shared>> -> memref<5888x128xf32, #tpu.memory_space<vmem_shared>>
    tpu.enqueue_indirect_dma source(%arg9 : memref<120x128xf32, #tpu.memory_space<vmem>>) target(%dma_start3A_269 : memref<5888x128xf32, #tpu.memory_space<vmem_shared>>) offsets(%arg7 : memref<120xi32, #tpu.memory_space<vmem>>) semaphore(%arg16 : memref<!tpu.dma_semaphore, #tpu.memory_space<semaphore_mem>>) {add = true}
    %dma_wait3A_270 = arith.constant 0 : i32
    %dma_wait3A_271 = arith.constant 0 : i32
    %dma_wait3A_272 = tpu.memref_slice %arg10[%dma_wait3A_270, %dma_wait3A_271] : memref<5888x128xf32, #tpu.memory_space<vmem_shared>> -> memref<5888x128xf32, #tpu.memory_space<vmem_shared>>
    tpu.wait_indirect_dma semaphore(%arg16 : memref<!tpu.dma_semaphore, #tpu.memory_space<semaphore_mem>>) src(%arg9 : memref<120x128xf32, #tpu.memory_space<vmem>>) dst(%dma_wait3A_272 : memref<5888x128xf32, #tpu.memory_space<vmem_shared>>)
    %add3A_273 = arith.constant 1560 : i32
    %add3A_274 = arith.addi %mul3A_4, %add3A_273 : i32
    %dma_start3A_275 = tpu.memref_slice %arg3[%add3A_274] : memref<65280xi32, #tpu.memory_space<hbm>> -> memref<120xi32, #tpu.memory_space<hbm>>
    %dma_start3A_276 = tpu.memref_slice %arg3[%add3A_274] : memref<65280xi32, #tpu.memory_space<hbm>> -> memref<120xi32, #tpu.memory_space<hbm>>
    tpu.enqueue_dma source(%dma_start3A_276 : memref<120xi32, #tpu.memory_space<hbm>>) target(%arg7 : memref<120xi32, #tpu.memory_space<vmem>>) target_semaphore(%arg12 : memref<!tpu.dma_semaphore, #tpu.memory_space<semaphore_mem>>)
    %add3A_277 = arith.constant 1560 : i32
    %add3A_278 = arith.addi %mul3A_4, %add3A_277 : i32
    %dma_start3A_279 = arith.constant 0 : i32
    %dma_start3A_280 = tpu.memref_slice %arg2[%add3A_278, %dma_start3A_279] : memref<65280x128xf32, #tpu.memory_space<hbm>> -> memref<120x128xf32, #tpu.memory_space<hbm>>
    %dma_start3A_281 = arith.constant 0 : i32
    %dma_start3A_282 = tpu.memref_slice %arg2[%add3A_278, %dma_start3A_281] : memref<65280x128xf32, #tpu.memory_space<hbm>> -> memref<120x128xf32, #tpu.memory_space<hbm>>
    tpu.enqueue_dma source(%dma_start3A_282 : memref<120x128xf32, #tpu.memory_space<hbm>>) target(%arg9 : memref<120x128xf32, #tpu.memory_space<vmem>>) target_semaphore(%arg14 : memref<!tpu.dma_semaphore, #tpu.memory_space<semaphore_mem>>)
    %dma_wait3A_283 = tpu.memref_slice %arg3[%add3A_252] : memref<65280xi32, #tpu.memory_space<hbm>> -> memref<120xi32, #tpu.memory_space<hbm>>
    %dma_wait3A_284 = tpu.memref_slice %arg3[%add3A_252] : memref<65280xi32, #tpu.memory_space<hbm>> -> memref<120xi32, #tpu.memory_space<hbm>>
    tpu.wait_dma2 semaphore(%arg11 : memref<!tpu.dma_semaphore, #tpu.memory_space<semaphore_mem>>) src(%dma_wait3A_284 : memref<120xi32, #tpu.memory_space<hbm>>) dst(%arg6 : memref<120xi32, #tpu.memory_space<vmem>>)
    %dma_wait3A_285 = arith.constant 0 : i32
    %dma_wait3A_286 = tpu.memref_slice %arg2[%add3A_256, %dma_wait3A_285] : memref<65280x128xf32, #tpu.memory_space<hbm>> -> memref<120x128xf32, #tpu.memory_space<hbm>>
    %dma_wait3A_287 = arith.constant 0 : i32
    %dma_wait3A_288 = tpu.memref_slice %arg2[%add3A_256, %dma_wait3A_287] : memref<65280x128xf32, #tpu.memory_space<hbm>> -> memref<120x128xf32, #tpu.memory_space<hbm>>
    tpu.wait_dma2 semaphore(%arg13 : memref<!tpu.dma_semaphore, #tpu.memory_space<semaphore_mem>>) src(%dma_wait3A_288 : memref<120x128xf32, #tpu.memory_space<hbm>>) dst(%arg8 : memref<120x128xf32, #tpu.memory_space<vmem>>)
    %dma_start3A_289 = arith.constant 0 : i32
    %dma_start3A_290 = arith.constant 0 : i32
    %dma_start3A_291 = tpu.memref_slice %arg10[%dma_start3A_289, %dma_start3A_290] : memref<5888x128xf32, #tpu.memory_space<vmem_shared>> -> memref<5888x128xf32, #tpu.memory_space<vmem_shared>>
    tpu.enqueue_indirect_dma source(%arg8 : memref<120x128xf32, #tpu.memory_space<vmem>>) target(%dma_start3A_291 : memref<5888x128xf32, #tpu.memory_space<vmem_shared>>) offsets(%arg6 : memref<120xi32, #tpu.memory_space<vmem>>) semaphore(%arg15 : memref<!tpu.dma_semaphore, #tpu.memory_space<semaphore_mem>>) {add = true}
    %dma_wait3A_292 = arith.constant 0 : i32
    %dma_wait3A_293 = arith.constant 0 : i32
    %dma_wait3A_294 = tpu.memref_slice %arg10[%dma_wait3A_292, %dma_wait3A_293] : memref<5888x128xf32, #tpu.memory_space<vmem_shared>> -> memref<5888x128xf32, #tpu.memory_space<vmem_shared>>
    tpu.wait_indirect_dma semaphore(%arg15 : memref<!tpu.dma_semaphore, #tpu.memory_space<semaphore_mem>>) src(%arg8 : memref<120x128xf32, #tpu.memory_space<vmem>>) dst(%dma_wait3A_294 : memref<5888x128xf32, #tpu.memory_space<vmem_shared>>)
    %add3A_295 = arith.constant 1680 : i32
    %add3A_296 = arith.addi %mul3A_4, %add3A_295 : i32
    %dma_start3A_297 = tpu.memref_slice %arg3[%add3A_296] : memref<65280xi32, #tpu.memory_space<hbm>> -> memref<120xi32, #tpu.memory_space<hbm>>
    %dma_start3A_298 = tpu.memref_slice %arg3[%add3A_296] : memref<65280xi32, #tpu.memory_space<hbm>> -> memref<120xi32, #tpu.memory_space<hbm>>
    tpu.enqueue_dma source(%dma_start3A_298 : memref<120xi32, #tpu.memory_space<hbm>>) target(%arg6 : memref<120xi32, #tpu.memory_space<vmem>>) target_semaphore(%arg11 : memref<!tpu.dma_semaphore, #tpu.memory_space<semaphore_mem>>)
    %add3A_299 = arith.constant 1680 : i32
    %add3A_300 = arith.addi %mul3A_4, %add3A_299 : i32
    %dma_start3A_301 = arith.constant 0 : i32
    %dma_start3A_302 = tpu.memref_slice %arg2[%add3A_300, %dma_start3A_301] : memref<65280x128xf32, #tpu.memory_space<hbm>> -> memref<120x128xf32, #tpu.memory_space<hbm>>
    %dma_start3A_303 = arith.constant 0 : i32
    %dma_start3A_304 = tpu.memref_slice %arg2[%add3A_300, %dma_start3A_303] : memref<65280x128xf32, #tpu.memory_space<hbm>> -> memref<120x128xf32, #tpu.memory_space<hbm>>
    tpu.enqueue_dma source(%dma_start3A_304 : memref<120x128xf32, #tpu.memory_space<hbm>>) target(%arg8 : memref<120x128xf32, #tpu.memory_space<vmem>>) target_semaphore(%arg13 : memref<!tpu.dma_semaphore, #tpu.memory_space<semaphore_mem>>)
    %dma_wait3A_305 = tpu.memref_slice %arg3[%add3A_274] : memref<65280xi32, #tpu.memory_space<hbm>> -> memref<120xi32, #tpu.memory_space<hbm>>
    %dma_wait3A_306 = tpu.memref_slice %arg3[%add3A_274] : memref<65280xi32, #tpu.memory_space<hbm>> -> memref<120xi32, #tpu.memory_space<hbm>>
    tpu.wait_dma2 semaphore(%arg12 : memref<!tpu.dma_semaphore, #tpu.memory_space<semaphore_mem>>) src(%dma_wait3A_306 : memref<120xi32, #tpu.memory_space<hbm>>) dst(%arg7 : memref<120xi32, #tpu.memory_space<vmem>>)
    %dma_wait3A_307 = arith.constant 0 : i32
    %dma_wait3A_308 = tpu.memref_slice %arg2[%add3A_278, %dma_wait3A_307] : memref<65280x128xf32, #tpu.memory_space<hbm>> -> memref<120x128xf32, #tpu.memory_space<hbm>>
    %dma_wait3A_309 = arith.constant 0 : i32
    %dma_wait3A_310 = tpu.memref_slice %arg2[%add3A_278, %dma_wait3A_309] : memref<65280x128xf32, #tpu.memory_space<hbm>> -> memref<120x128xf32, #tpu.memory_space<hbm>>
    tpu.wait_dma2 semaphore(%arg14 : memref<!tpu.dma_semaphore, #tpu.memory_space<semaphore_mem>>) src(%dma_wait3A_310 : memref<120x128xf32, #tpu.memory_space<hbm>>) dst(%arg9 : memref<120x128xf32, #tpu.memory_space<vmem>>)
    %dma_start3A_311 = arith.constant 0 : i32
    %dma_start3A_312 = arith.constant 0 : i32
    %dma_start3A_313 = tpu.memref_slice %arg10[%dma_start3A_311, %dma_start3A_312] : memref<5888x128xf32, #tpu.memory_space<vmem_shared>> -> memref<5888x128xf32, #tpu.memory_space<vmem_shared>>
    tpu.enqueue_indirect_dma source(%arg9 : memref<120x128xf32, #tpu.memory_space<vmem>>) target(%dma_start3A_313 : memref<5888x128xf32, #tpu.memory_space<vmem_shared>>) offsets(%arg7 : memref<120xi32, #tpu.memory_space<vmem>>) semaphore(%arg16 : memref<!tpu.dma_semaphore, #tpu.memory_space<semaphore_mem>>) {add = true}
    %dma_wait3A_314 = arith.constant 0 : i32
    %dma_wait3A_315 = arith.constant 0 : i32
    %dma_wait3A_316 = tpu.memref_slice %arg10[%dma_wait3A_314, %dma_wait3A_315] : memref<5888x128xf32, #tpu.memory_space<vmem_shared>> -> memref<5888x128xf32, #tpu.memory_space<vmem_shared>>
    tpu.wait_indirect_dma semaphore(%arg16 : memref<!tpu.dma_semaphore, #tpu.memory_space<semaphore_mem>>) src(%arg9 : memref<120x128xf32, #tpu.memory_space<vmem>>) dst(%dma_wait3A_316 : memref<5888x128xf32, #tpu.memory_space<vmem_shared>>)
    %add3A_317 = arith.constant 1800 : i32
    %add3A_318 = arith.addi %mul3A_4, %add3A_317 : i32
    %dma_start3A_319 = tpu.memref_slice %arg3[%add3A_318] : memref<65280xi32, #tpu.memory_space<hbm>> -> memref<120xi32, #tpu.memory_space<hbm>>
    %dma_start3A_320 = tpu.memref_slice %arg3[%add3A_318] : memref<65280xi32, #tpu.memory_space<hbm>> -> memref<120xi32, #tpu.memory_space<hbm>>
    tpu.enqueue_dma source(%dma_start3A_320 : memref<120xi32, #tpu.memory_space<hbm>>) target(%arg7 : memref<120xi32, #tpu.memory_space<vmem>>) target_semaphore(%arg12 : memref<!tpu.dma_semaphore, #tpu.memory_space<semaphore_mem>>)
    %add3A_321 = arith.constant 1800 : i32
    %add3A_322 = arith.addi %mul3A_4, %add3A_321 : i32
    %dma_start3A_323 = arith.constant 0 : i32
    %dma_start3A_324 = tpu.memref_slice %arg2[%add3A_322, %dma_start3A_323] : memref<65280x128xf32, #tpu.memory_space<hbm>> -> memref<120x128xf32, #tpu.memory_space<hbm>>
    %dma_start3A_325 = arith.constant 0 : i32
    %dma_start3A_326 = tpu.memref_slice %arg2[%add3A_322, %dma_start3A_325] : memref<65280x128xf32, #tpu.memory_space<hbm>> -> memref<120x128xf32, #tpu.memory_space<hbm>>
    tpu.enqueue_dma source(%dma_start3A_326 : memref<120x128xf32, #tpu.memory_space<hbm>>) target(%arg9 : memref<120x128xf32, #tpu.memory_space<vmem>>) target_semaphore(%arg14 : memref<!tpu.dma_semaphore, #tpu.memory_space<semaphore_mem>>)
    %dma_wait3A_327 = tpu.memref_slice %arg3[%add3A_296] : memref<65280xi32, #tpu.memory_space<hbm>> -> memref<120xi32, #tpu.memory_space<hbm>>
    %dma_wait3A_328 = tpu.memref_slice %arg3[%add3A_296] : memref<65280xi32, #tpu.memory_space<hbm>> -> memref<120xi32, #tpu.memory_space<hbm>>
    tpu.wait_dma2 semaphore(%arg11 : memref<!tpu.dma_semaphore, #tpu.memory_space<semaphore_mem>>) src(%dma_wait3A_328 : memref<120xi32, #tpu.memory_space<hbm>>) dst(%arg6 : memref<120xi32, #tpu.memory_space<vmem>>)
    %dma_wait3A_329 = arith.constant 0 : i32
    %dma_wait3A_330 = tpu.memref_slice %arg2[%add3A_300, %dma_wait3A_329] : memref<65280x128xf32, #tpu.memory_space<hbm>> -> memref<120x128xf32, #tpu.memory_space<hbm>>
    %dma_wait3A_331 = arith.constant 0 : i32
    %dma_wait3A_332 = tpu.memref_slice %arg2[%add3A_300, %dma_wait3A_331] : memref<65280x128xf32, #tpu.memory_space<hbm>> -> memref<120x128xf32, #tpu.memory_space<hbm>>
    tpu.wait_dma2 semaphore(%arg13 : memref<!tpu.dma_semaphore, #tpu.memory_space<semaphore_mem>>) src(%dma_wait3A_332 : memref<120x128xf32, #tpu.memory_space<hbm>>) dst(%arg8 : memref<120x128xf32, #tpu.memory_space<vmem>>)
    %dma_start3A_333 = arith.constant 0 : i32
    %dma_start3A_334 = arith.constant 0 : i32
    %dma_start3A_335 = tpu.memref_slice %arg10[%dma_start3A_333, %dma_start3A_334] : memref<5888x128xf32, #tpu.memory_space<vmem_shared>> -> memref<5888x128xf32, #tpu.memory_space<vmem_shared>>
    tpu.enqueue_indirect_dma source(%arg8 : memref<120x128xf32, #tpu.memory_space<vmem>>) target(%dma_start3A_335 : memref<5888x128xf32, #tpu.memory_space<vmem_shared>>) offsets(%arg6 : memref<120xi32, #tpu.memory_space<vmem>>) semaphore(%arg15 : memref<!tpu.dma_semaphore, #tpu.memory_space<semaphore_mem>>) {add = true}
    %dma_wait3A_336 = arith.constant 0 : i32
    %dma_wait3A_337 = arith.constant 0 : i32
    %dma_wait3A_338 = tpu.memref_slice %arg10[%dma_wait3A_336, %dma_wait3A_337] : memref<5888x128xf32, #tpu.memory_space<vmem_shared>> -> memref<5888x128xf32, #tpu.memory_space<vmem_shared>>
    tpu.wait_indirect_dma semaphore(%arg15 : memref<!tpu.dma_semaphore, #tpu.memory_space<semaphore_mem>>) src(%arg8 : memref<120x128xf32, #tpu.memory_space<vmem>>) dst(%dma_wait3A_338 : memref<5888x128xf32, #tpu.memory_space<vmem_shared>>)
    %add3A_339 = arith.constant 1920 : i32
    %add3A_340 = arith.addi %mul3A_4, %add3A_339 : i32
    %dma_start3A_341 = tpu.memref_slice %arg3[%add3A_340] : memref<65280xi32, #tpu.memory_space<hbm>> -> memref<120xi32, #tpu.memory_space<hbm>>
    %dma_start3A_342 = tpu.memref_slice %arg3[%add3A_340] : memref<65280xi32, #tpu.memory_space<hbm>> -> memref<120xi32, #tpu.memory_space<hbm>>
    tpu.enqueue_dma source(%dma_start3A_342 : memref<120xi32, #tpu.memory_space<hbm>>) target(%arg6 : memref<120xi32, #tpu.memory_space<vmem>>) target_semaphore(%arg11 : memref<!tpu.dma_semaphore, #tpu.memory_space<semaphore_mem>>)
    %add3A_343 = arith.constant 1920 : i32
    %add3A_344 = arith.addi %mul3A_4, %add3A_343 : i32
    %dma_start3A_345 = arith.constant 0 : i32
    %dma_start3A_346 = tpu.memref_slice %arg2[%add3A_344, %dma_start3A_345] : memref<65280x128xf32, #tpu.memory_space<hbm>> -> memref<120x128xf32, #tpu.memory_space<hbm>>
    %dma_start3A_347 = arith.constant 0 : i32
    %dma_start3A_348 = tpu.memref_slice %arg2[%add3A_344, %dma_start3A_347] : memref<65280x128xf32, #tpu.memory_space<hbm>> -> memref<120x128xf32, #tpu.memory_space<hbm>>
    tpu.enqueue_dma source(%dma_start3A_348 : memref<120x128xf32, #tpu.memory_space<hbm>>) target(%arg8 : memref<120x128xf32, #tpu.memory_space<vmem>>) target_semaphore(%arg13 : memref<!tpu.dma_semaphore, #tpu.memory_space<semaphore_mem>>)
    %dma_wait3A_349 = tpu.memref_slice %arg3[%add3A_318] : memref<65280xi32, #tpu.memory_space<hbm>> -> memref<120xi32, #tpu.memory_space<hbm>>
    %dma_wait3A_350 = tpu.memref_slice %arg3[%add3A_318] : memref<65280xi32, #tpu.memory_space<hbm>> -> memref<120xi32, #tpu.memory_space<hbm>>
    tpu.wait_dma2 semaphore(%arg12 : memref<!tpu.dma_semaphore, #tpu.memory_space<semaphore_mem>>) src(%dma_wait3A_350 : memref<120xi32, #tpu.memory_space<hbm>>) dst(%arg7 : memref<120xi32, #tpu.memory_space<vmem>>)
    %dma_wait3A_351 = arith.constant 0 : i32
    %dma_wait3A_352 = tpu.memref_slice %arg2[%add3A_322, %dma_wait3A_351] : memref<65280x128xf32, #tpu.memory_space<hbm>> -> memref<120x128xf32, #tpu.memory_space<hbm>>
    %dma_wait3A_353 = arith.constant 0 : i32
    %dma_wait3A_354 = tpu.memref_slice %arg2[%add3A_322, %dma_wait3A_353] : memref<65280x128xf32, #tpu.memory_space<hbm>> -> memref<120x128xf32, #tpu.memory_space<hbm>>
    tpu.wait_dma2 semaphore(%arg14 : memref<!tpu.dma_semaphore, #tpu.memory_space<semaphore_mem>>) src(%dma_wait3A_354 : memref<120x128xf32, #tpu.memory_space<hbm>>) dst(%arg9 : memref<120x128xf32, #tpu.memory_space<vmem>>)
    %dma_start3A_355 = arith.constant 0 : i32
    %dma_start3A_356 = arith.constant 0 : i32
    %dma_start3A_357 = tpu.memref_slice %arg10[%dma_start3A_355, %dma_start3A_356] : memref<5888x128xf32, #tpu.memory_space<vmem_shared>> -> memref<5888x128xf32, #tpu.memory_space<vmem_shared>>
    tpu.enqueue_indirect_dma source(%arg9 : memref<120x128xf32, #tpu.memory_space<vmem>>) target(%dma_start3A_357 : memref<5888x128xf32, #tpu.memory_space<vmem_shared>>) offsets(%arg7 : memref<120xi32, #tpu.memory_space<vmem>>) semaphore(%arg16 : memref<!tpu.dma_semaphore, #tpu.memory_space<semaphore_mem>>) {add = true}
    %dma_wait3A_358 = tpu.memref_slice %arg3[%add3A_340] : memref<65280xi32, #tpu.memory_space<hbm>> -> memref<120xi32, #tpu.memory_space<hbm>>
    %dma_wait3A_359 = tpu.memref_slice %arg3[%add3A_340] : memref<65280xi32, #tpu.memory_space<hbm>> -> memref<120xi32, #tpu.memory_space<hbm>>
    tpu.wait_dma2 semaphore(%arg11 : memref<!tpu.dma_semaphore, #tpu.memory_space<semaphore_mem>>) src(%dma_wait3A_359 : memref<120xi32, #tpu.memory_space<hbm>>) dst(%arg6 : memref<120xi32, #tpu.memory_space<vmem>>)
    %dma_wait3A_360 = arith.constant 0 : i32
    %dma_wait3A_361 = tpu.memref_slice %arg2[%add3A_344, %dma_wait3A_360] : memref<65280x128xf32, #tpu.memory_space<hbm>> -> memref<120x128xf32, #tpu.memory_space<hbm>>
    %dma_wait3A_362 = arith.constant 0 : i32
    %dma_wait3A_363 = tpu.memref_slice %arg2[%add3A_344, %dma_wait3A_362] : memref<65280x128xf32, #tpu.memory_space<hbm>> -> memref<120x128xf32, #tpu.memory_space<hbm>>
    tpu.wait_dma2 semaphore(%arg13 : memref<!tpu.dma_semaphore, #tpu.memory_space<semaphore_mem>>) src(%dma_wait3A_363 : memref<120x128xf32, #tpu.memory_space<hbm>>) dst(%arg8 : memref<120x128xf32, #tpu.memory_space<vmem>>)
    %dma_start3A_364 = arith.constant 0 : i32
    %dma_start3A_365 = arith.constant 0 : i32
    %dma_start3A_366 = tpu.memref_slice %arg10[%dma_start3A_364, %dma_start3A_365] : memref<5888x128xf32, #tpu.memory_space<vmem_shared>> -> memref<5888x128xf32, #tpu.memory_space<vmem_shared>>
    tpu.enqueue_indirect_dma source(%arg8 : memref<120x128xf32, #tpu.memory_space<vmem>>) target(%dma_start3A_366 : memref<5888x128xf32, #tpu.memory_space<vmem_shared>>) offsets(%arg6 : memref<120xi32, #tpu.memory_space<vmem>>) semaphore(%arg15 : memref<!tpu.dma_semaphore, #tpu.memory_space<semaphore_mem>>) {add = true}
    %dma_wait3A_367 = arith.constant 0 : i32
    %dma_wait3A_368 = arith.constant 0 : i32
    %dma_wait3A_369 = tpu.memref_slice %arg10[%dma_wait3A_367, %dma_wait3A_368] : memref<5888x128xf32, #tpu.memory_space<vmem_shared>> -> memref<5888x128xf32, #tpu.memory_space<vmem_shared>>
    tpu.wait_indirect_dma semaphore(%arg15 : memref<!tpu.dma_semaphore, #tpu.memory_space<semaphore_mem>>) src(%arg8 : memref<120x128xf32, #tpu.memory_space<vmem>>) dst(%dma_wait3A_369 : memref<5888x128xf32, #tpu.memory_space<vmem_shared>>)
    %dma_wait3A_370 = arith.constant 0 : i32
    %dma_wait3A_371 = arith.constant 0 : i32
    %dma_wait3A_372 = tpu.memref_slice %arg10[%dma_wait3A_370, %dma_wait3A_371] : memref<5888x128xf32, #tpu.memory_space<vmem_shared>> -> memref<5888x128xf32, #tpu.memory_space<vmem_shared>>
    tpu.wait_indirect_dma semaphore(%arg16 : memref<!tpu.dma_semaphore, #tpu.memory_space<semaphore_mem>>) src(%arg9 : memref<120x128xf32, #tpu.memory_space<vmem>>) dst(%dma_wait3A_372 : memref<5888x128xf32, #tpu.memory_space<vmem_shared>>)
    %barrier3A_373 = arith.constant 0 : index
    tpu.barrier barrier_id(%barrier3A_373)
    "tpu.region"() ({
      %run_scoped3A = tpu.sem_alloc : memref<!tpu.dma_semaphore, #tpu.memory_space<semaphore_mem>>
      %dma_start3A_374 = arith.constant 0 : i32
      %dma_start3A_375 = tpu.memref_slice %arg5[%arg0, %mul3A_2, %dma_start3A_374] : memref<2x5888x128xf32, #tpu.memory_space<hbm>> -> memref<1x368x128xf32, #tpu.memory_space<hbm>>
      %dma_start3A_376 = tpu.memref_squeeze %dma_start3A_375 : memref<1x368x128xf32, #tpu.memory_space<hbm>> -> memref<368x128xf32, #tpu.memory_space<hbm>>
      %dma_start3A_377 = arith.constant 0 : i32
      %dma_start3A_378 = tpu.memref_slice %arg10[%mul3A_2, %dma_start3A_377] : memref<5888x128xf32, #tpu.memory_space<vmem_shared>> -> memref<368x128xf32, #tpu.memory_space<vmem_shared>>
      tpu.enqueue_dma source(%dma_start3A_378 : memref<368x128xf32, #tpu.memory_space<vmem_shared>>) target(%dma_start3A_376 : memref<368x128xf32, #tpu.memory_space<hbm>>) target_semaphore(%run_scoped3A : memref<!tpu.dma_semaphore, #tpu.memory_space<semaphore_mem>>)
      %dma_wait3A_379 = arith.constant 0 : i32
      %dma_wait3A_380 = tpu.memref_slice %arg5[%arg0, %mul3A_2, %dma_wait3A_379] : memref<2x5888x128xf32, #tpu.memory_space<hbm>> -> memref<1x368x128xf32, #tpu.memory_space<hbm>>
      %dma_wait3A_381 = tpu.memref_squeeze %dma_wait3A_380 : memref<1x368x128xf32, #tpu.memory_space<hbm>> -> memref<368x128xf32, #tpu.memory_space<hbm>>
      %dma_wait3A_382 = arith.constant 0 : i32
      %dma_wait3A_383 = tpu.memref_slice %arg10[%mul3A_2, %dma_wait3A_382] : memref<5888x128xf32, #tpu.memory_space<vmem_shared>> -> memref<368x128xf32, #tpu.memory_space<vmem_shared>>
      tpu.wait_dma2 semaphore(%run_scoped3A : memref<!tpu.dma_semaphore, #tpu.memory_space<semaphore_mem>>) src(%dma_wait3A_383 : memref<368x128xf32, #tpu.memory_space<vmem_shared>>) dst(%dma_wait3A_381 : memref<368x128xf32, #tpu.memory_space<hbm>>)
      tpu.yield
    }) : () -> ()
    return
  }
}

module attributes {stable_mosaic.version = 14 : i64} {
  func.func @_h3_encoder_body(%arg0: i32, %arg1: memref<5888x78xf32, #tpu.memory_space<vmem>>, %arg2: memref<78x128xf32, #tpu.memory_space<vmem>>, %arg3: memref<128x128xf32, #tpu.memory_space<vmem>>, %arg4: memref<128x128xf32, #tpu.memory_space<vmem>>, %arg5: memref<1x128xf32, #tpu.memory_space<vmem>>, %arg6: memref<1x128xf32, #tpu.memory_space<vmem>>, %arg7: memref<1x128xf32, #tpu.memory_space<vmem>>, %arg8: memref<1x128xf32, #tpu.memory_space<vmem>>, %arg9: memref<1x128xf32, #tpu.memory_space<vmem>>, %arg10: memref<5888x128xf32, #tpu.memory_space<vmem>>) attributes {dimension_semantics = [#tpu.dimension_semantics<arbitrary>], iteration_bounds = array<i64: 1>, scalar_prefetch = 0 : i64, scratch_operands = 0 : i64, tpu.core_type = #tpu.core_type<tc>, window_params = [{pipeline_mode = #tpu.pipeline_mode<synchronous>, transform_indices = @transform_0, window_bounds = array<i64: 5888, 78>}, {pipeline_mode = #tpu.pipeline_mode<synchronous>, transform_indices = @transform_1, window_bounds = array<i64: 78, 128>}, {pipeline_mode = #tpu.pipeline_mode<synchronous>, transform_indices = @transform_2, window_bounds = array<i64: 128, 128>}, {pipeline_mode = #tpu.pipeline_mode<synchronous>, transform_indices = @transform_3, window_bounds = array<i64: 128, 128>}, {pipeline_mode = #tpu.pipeline_mode<synchronous>, transform_indices = @transform_4, window_bounds = array<i64: 1, 128>}, {pipeline_mode = #tpu.pipeline_mode<synchronous>, transform_indices = @transform_5, window_bounds = array<i64: 1, 128>}, {pipeline_mode = #tpu.pipeline_mode<synchronous>, transform_indices = @transform_6, window_bounds = array<i64: 1, 128>}, {pipeline_mode = #tpu.pipeline_mode<synchronous>, transform_indices = @transform_7, window_bounds = array<i64: 1, 128>}, {pipeline_mode = #tpu.pipeline_mode<synchronous>, transform_indices = @transform_8, window_bounds = array<i64: 1, 128>}, {pipeline_mode = #tpu.pipeline_mode<synchronous>, transform_indices = @transform_9, window_bounds = array<i64: 5888, 128>}]} {
    %get3A = arith.constant 0 : index
    %get3A_0 = arith.constant 0 : index
    %get3A_1 = vector.load %arg1[%get3A, %get3A_0] : memref<5888x78xf32, #tpu.memory_space<vmem>>, vector<5888x78xf32>
    %get3A_2 = arith.constant 0 : index
    %get3A_3 = arith.constant 0 : index
    %get3A_4 = vector.load %arg2[%get3A_2, %get3A_3] : memref<78x128xf32, #tpu.memory_space<vmem>>, vector<78x128xf32>
    %dot_general3A = arith.constant dense<0.000000e+00> : vector<5888x128xf32>
    %dot_general3A_5 = tpu.matmul %get3A_1, %get3A_4, %dot_general3A {dimension_numbers = #tpu.dot_dimension_numbers<[1], [0], [0], [1], [0, 0, 1, 1], [], []>, transpose_lhs_hint = false} : vector<5888x78xf32>, vector<78x128xf32>, vector<5888x128xf32> -> vector<5888x128xf32>
    %get3A_6 = arith.constant 0 : index
    %get3A_7 = arith.constant 0 : index
    %get3A_8 = vector.load %arg5[%get3A_6, %get3A_7] : memref<1x128xf32, #tpu.memory_space<vmem>>, vector<1x128xf32>
    %add3A = vector.broadcast %get3A_8 : vector<1x128xf32> to vector<5888x128xf32>
    %add3A_9 = arith.addf %dot_general3A_5, %add3A : vector<5888x128xf32>
    %neg3A = arith.constant 0.000000e+00 : f32
    %neg3A_10 = vector.broadcast %neg3A : f32 to vector<5888x128xf32>
    %neg3A_11 = arith.subf %neg3A_10, %add3A_9 : vector<5888x128xf32>
    %exp3A = math.exp %neg3A_11 : vector<5888x128xf32>
    %add3A_12 = arith.constant 1.000000e+00 : f32
    %add3A_13 = vector.broadcast %add3A_12 : f32 to vector<5888x128xf32>
    %add3A_14 = arith.addf %add3A_13, %exp3A : vector<5888x128xf32>
    %div3A = arith.constant 1.000000e+00 : f32
    %div3A_15 = vector.broadcast %div3A : f32 to vector<5888x128xf32>
    %div3A_16 = arith.divf %div3A_15, %add3A_14 : vector<5888x128xf32>
    %mul3A = arith.mulf %add3A_9, %div3A_16 : vector<5888x128xf32>
    %get3A_17 = arith.constant 0 : index
    %get3A_18 = arith.constant 0 : index
    %get3A_19 = vector.load %arg3[%get3A_17, %get3A_18] : memref<128x128xf32, #tpu.memory_space<vmem>>, vector<128x128xf32>
    %dot_general3A_20 = arith.constant dense<0.000000e+00> : vector<5888x128xf32>
    %dot_general3A_21 = tpu.matmul %mul3A, %get3A_19, %dot_general3A_20 {dimension_numbers = #tpu.dot_dimension_numbers<[1], [0], [0], [1], [0, 0, 1, 1], [], []>, transpose_lhs_hint = false} : vector<5888x128xf32>, vector<128x128xf32>, vector<5888x128xf32> -> vector<5888x128xf32>
    %get3A_22 = arith.constant 0 : index
    %get3A_23 = arith.constant 0 : index
    %get3A_24 = vector.load %arg6[%get3A_22, %get3A_23] : memref<1x128xf32, #tpu.memory_space<vmem>>, vector<1x128xf32>
    %add3A_25 = vector.broadcast %get3A_24 : vector<1x128xf32> to vector<5888x128xf32>
    %add3A_26 = arith.addf %dot_general3A_21, %add3A_25 : vector<5888x128xf32>
    %neg3A_27 = arith.constant 0.000000e+00 : f32
    %neg3A_28 = vector.broadcast %neg3A_27 : f32 to vector<5888x128xf32>
    %neg3A_29 = arith.subf %neg3A_28, %add3A_26 : vector<5888x128xf32>
    %exp3A_30 = math.exp %neg3A_29 : vector<5888x128xf32>
    %add3A_31 = arith.constant 1.000000e+00 : f32
    %add3A_32 = vector.broadcast %add3A_31 : f32 to vector<5888x128xf32>
    %add3A_33 = arith.addf %add3A_32, %exp3A_30 : vector<5888x128xf32>
    %div3A_34 = arith.constant 1.000000e+00 : f32
    %div3A_35 = vector.broadcast %div3A_34 : f32 to vector<5888x128xf32>
    %div3A_36 = arith.divf %div3A_35, %add3A_33 : vector<5888x128xf32>
    %mul3A_37 = arith.mulf %add3A_26, %div3A_36 : vector<5888x128xf32>
    %get3A_38 = arith.constant 0 : index
    %get3A_39 = arith.constant 0 : index
    %get3A_40 = vector.load %arg4[%get3A_38, %get3A_39] : memref<128x128xf32, #tpu.memory_space<vmem>>, vector<128x128xf32>
    %dot_general3A_41 = arith.constant dense<0.000000e+00> : vector<5888x128xf32>
    %dot_general3A_42 = tpu.matmul %mul3A_37, %get3A_40, %dot_general3A_41 {dimension_numbers = #tpu.dot_dimension_numbers<[1], [0], [0], [1], [0, 0, 1, 1], [], []>, transpose_lhs_hint = false} : vector<5888x128xf32>, vector<128x128xf32>, vector<5888x128xf32> -> vector<5888x128xf32>
    %get3A_43 = arith.constant 0 : index
    %get3A_44 = arith.constant 0 : index
    %get3A_45 = vector.load %arg7[%get3A_43, %get3A_44] : memref<1x128xf32, #tpu.memory_space<vmem>>, vector<1x128xf32>
    %add3A_46 = vector.broadcast %get3A_45 : vector<1x128xf32> to vector<5888x128xf32>
    %add3A_47 = arith.addf %dot_general3A_42, %add3A_46 : vector<5888x128xf32>
    %get3A_48 = arith.constant 0 : index
    %get3A_49 = arith.constant 0 : index
    %get3A_50 = vector.load %arg8[%get3A_48, %get3A_49] : memref<1x128xf32, #tpu.memory_space<vmem>>, vector<1x128xf32>
    %get3A_51 = arith.constant 0 : index
    %get3A_52 = arith.constant 0 : index
    %get3A_53 = vector.load %arg9[%get3A_51, %get3A_52] : memref<1x128xf32, #tpu.memory_space<vmem>>, vector<1x128xf32>
    %reduce_sum3A = arith.constant dense<0.000000e+00> : vector<5888xf32>
    %reduce_sum3A_54 = vector.multi_reduction <add>, %add3A_47, %reduce_sum3A [1] : vector<5888x128xf32> to vector<5888xf32>
    %broadcast_in_dim3A = vector.shape_cast %reduce_sum3A_54 : vector<5888xf32> to vector<5888x1xf32>
    %div3A_55 = arith.constant 1.280000e+02 : f32
    %div3A_56 = vector.broadcast %div3A_55 : f32 to vector<5888x1xf32>
    %div3A_57 = arith.divf %broadcast_in_dim3A, %div3A_56 : vector<5888x1xf32>
    %sub3A = vector.broadcast %div3A_57 : vector<5888x1xf32> to vector<5888x128xf32>
    %sub3A_58 = arith.subf %add3A_47, %sub3A : vector<5888x128xf32>
    %mul3A_59 = arith.mulf %sub3A_58, %sub3A_58 : vector<5888x128xf32>
    %reduce_sum3A_60 = arith.constant dense<0.000000e+00> : vector<5888xf32>
    %reduce_sum3A_61 = vector.multi_reduction <add>, %mul3A_59, %reduce_sum3A_60 [1] : vector<5888x128xf32> to vector<5888xf32>
    %broadcast_in_dim3A_62 = vector.shape_cast %reduce_sum3A_61 : vector<5888xf32> to vector<5888x1xf32>
    %div3A_63 = arith.constant 1.280000e+02 : f32
    %div3A_64 = vector.broadcast %div3A_63 : f32 to vector<5888x1xf32>
    %div3A_65 = arith.divf %broadcast_in_dim3A_62, %div3A_64 : vector<5888x1xf32>
    %add3A_66 = arith.constant 9.99999974E-6 : f32
    %add3A_67 = vector.broadcast %add3A_66 : f32 to vector<5888x1xf32>
    %add3A_68 = arith.addf %div3A_65, %add3A_67 : vector<5888x1xf32>
    %rsqrt3A = math.rsqrt %add3A_68 : vector<5888x1xf32>
    %mul3A_69 = vector.broadcast %rsqrt3A : vector<5888x1xf32> to vector<5888x128xf32>
    %mul3A_70 = arith.mulf %sub3A_58, %mul3A_69 : vector<5888x128xf32>
    %mul3A_71 = vector.broadcast %get3A_50 : vector<1x128xf32> to vector<5888x128xf32>
    %mul3A_72 = arith.mulf %mul3A_70, %mul3A_71 : vector<5888x128xf32>
    %add3A_73 = vector.broadcast %get3A_53 : vector<1x128xf32> to vector<5888x128xf32>
    %add3A_74 = arith.addf %mul3A_72, %add3A_73 : vector<5888x128xf32>
    %swap3A = arith.constant 0 : index
    %swap3A_75 = arith.constant 0 : index
    %swap3A_76 = vector.load %arg10[%swap3A, %swap3A_75] : memref<5888x128xf32, #tpu.memory_space<vmem>>, vector<5888x128xf32>
    tpu.vector_store %arg10[%swap3A, %swap3A_75], %add3A_74 {strides = array<i32>} : memref<5888x128xf32, #tpu.memory_space<vmem>>, vector<5888x128xf32>,
    return
  }
  func.func @transform_0(%arg0: i32) -> (i32, i32) {
    %c0_i32 = arith.constant 0 : i32
    %c0_i32_0 = arith.constant 0 : i32
    %c0_i32_1 = arith.constant 0 : i32
    return %c0_i32, %c0_i32_0 : i32, i32
  }
  func.func @transform_1(%arg0: i32) -> (i32, i32) {
    %c0_i32 = arith.constant 0 : i32
    %c0_i32_0 = arith.constant 0 : i32
    %c0_i32_1 = arith.constant 0 : i32
    return %c0_i32, %c0_i32_0 : i32, i32
  }
  func.func @transform_2(%arg0: i32) -> (i32, i32) {
    %c0_i32 = arith.constant 0 : i32
    %c0_i32_0 = arith.constant 0 : i32
    %c0_i32_1 = arith.constant 0 : i32
    return %c0_i32, %c0_i32_0 : i32, i32
  }
  func.func @transform_3(%arg0: i32) -> (i32, i32) {
    %c0_i32 = arith.constant 0 : i32
    %c0_i32_0 = arith.constant 0 : i32
    %c0_i32_1 = arith.constant 0 : i32
    return %c0_i32, %c0_i32_0 : i32, i32
  }
  func.func @transform_4(%arg0: i32) -> (i32, i32) {
    %c0_i32 = arith.constant 0 : i32
    %c0_i32_0 = arith.constant 0 : i32
    %c0_i32_1 = arith.constant 0 : i32
    return %c0_i32, %c0_i32_0 : i32, i32
  }
  func.func @transform_5(%arg0: i32) -> (i32, i32) {
    %c0_i32 = arith.constant 0 : i32
    %c0_i32_0 = arith.constant 0 : i32
    %c0_i32_1 = arith.constant 0 : i32
    return %c0_i32, %c0_i32_0 : i32, i32
  }
  func.func @transform_6(%arg0: i32) -> (i32, i32) {
    %c0_i32 = arith.constant 0 : i32
    %c0_i32_0 = arith.constant 0 : i32
    %c0_i32_1 = arith.constant 0 : i32
    return %c0_i32, %c0_i32_0 : i32, i32
  }
  func.func @transform_7(%arg0: i32) -> (i32, i32) {
    %c0_i32 = arith.constant 0 : i32
    %c0_i32_0 = arith.constant 0 : i32
    %c0_i32_1 = arith.constant 0 : i32
    return %c0_i32, %c0_i32_0 : i32, i32
  }
  func.func @transform_8(%arg0: i32) -> (i32, i32) {
    %c0_i32 = arith.constant 0 : i32
    %c0_i32_0 = arith.constant 0 : i32
    %c0_i32_1 = arith.constant 0 : i32
    return %c0_i32, %c0_i32_0 : i32, i32
  }
  func.func @transform_9(%arg0: i32) -> (i32, i32) {
    %c0_i32 = arith.constant 0 : i32
    %c0_i32_0 = arith.constant 0 : i32
    %c0_i32_1 = arith.constant 0 : i32
    return %c0_i32, %c0_i32_0 : i32, i32
  }
}

module attributes {stable_mosaic.version = 14 : i64} {
  func.func @_edge_pipeline_body(%arg0: i32, %arg1: memref<78x640xf32, #tpu.memory_space<vmem>>, %arg2: memref<2x640xf32, #tpu.memory_space<vmem>>, %arg3: memref<640x128xf32, #tpu.memory_space<vmem>>, %arg4: memref<78x128xf32, #tpu.memory_space<vmem>>, %arg5: memref<128x128xf32, #tpu.memory_space<vmem>>, %arg6: memref<128x128xf32, #tpu.memory_space<vmem>>, %arg7: memref<1x128xf32, #tpu.memory_space<vmem>>, %arg8: memref<1x128xf32, #tpu.memory_space<vmem>>, %arg9: memref<1x128xf32, #tpu.memory_space<vmem>>, %arg10: memref<1x128xf32, #tpu.memory_space<vmem>>, %arg11: memref<1x128xf32, #tpu.memory_space<vmem>>, %arg12: memref<2x128xf32, #tpu.memory_space<vmem>>, %arg13: memref<128x128xf32, #tpu.memory_space<vmem>>, %arg14: memref<128x128xf32, #tpu.memory_space<vmem>>, %arg15: memref<1x128xf32, #tpu.memory_space<vmem>>, %arg16: memref<1x128xf32, #tpu.memory_space<vmem>>, %arg17: memref<1x128xf32, #tpu.memory_space<vmem>>, %arg18: memref<1x128xf32, #tpu.memory_space<vmem>>, %arg19: memref<1x128xf32, #tpu.memory_space<vmem>>, %arg20: memref<128x128xf32, #tpu.memory_space<vmem>>, %arg21: memref<128x128xf32, #tpu.memory_space<vmem>>, %arg22: memref<128x128xf32, #tpu.memory_space<vmem>>, %arg23: memref<128x128xf32, #tpu.memory_space<vmem>>, %arg24: memref<128x128xf32, #tpu.memory_space<vmem>>, %arg25: memref<1x128xf32, #tpu.memory_space<vmem>>, %arg26: memref<1x128xf32, #tpu.memory_space<vmem>>, %arg27: memref<1x128xf32, #tpu.memory_space<vmem>>, %arg28: memref<1x128xf32, #tpu.memory_space<vmem>>, %arg29: memref<1x128xf32, #tpu.memory_space<vmem>>, %arg30: memref<640x128xf32, #tpu.memory_space<vmem>>) attributes {dimension_semantics = [#tpu.dimension_semantics<arbitrary>], iteration_bounds = array<i64: 102>, scalar_prefetch = 0 : i64, scratch_operands = 0 : i64, tpu.core_type = #tpu.core_type<tc>, window_params = [{transform_indices = @transform_0, window_bounds = array<i64: 78, 640>}, {transform_indices = @transform_1, window_bounds = array<i64: 2, 640>}, {transform_indices = @transform_2, window_bounds = array<i64: 640, 128>}, {pipeline_mode = #tpu.pipeline_mode<synchronous>, transform_indices = @transform_3, window_bounds = array<i64: 78, 128>}, {pipeline_mode = #tpu.pipeline_mode<synchronous>, transform_indices = @transform_4, window_bounds = array<i64: 128, 128>}, {pipeline_mode = #tpu.pipeline_mode<synchronous>, transform_indices = @transform_5, window_bounds = array<i64: 128, 128>}, {pipeline_mode = #tpu.pipeline_mode<synchronous>, transform_indices = @transform_6, window_bounds = array<i64: 1, 128>}, {pipeline_mode = #tpu.pipeline_mode<synchronous>, transform_indices = @transform_7, window_bounds = array<i64: 1, 128>}, {pipeline_mode = #tpu.pipeline_mode<synchronous>, transform_indices = @transform_8, window_bounds = array<i64: 1, 128>}, {pipeline_mode = #tpu.pipeline_mode<synchronous>, transform_indices = @transform_9, window_bounds = array<i64: 1, 128>}, {pipeline_mode = #tpu.pipeline_mode<synchronous>, transform_indices = @transform_10, window_bounds = array<i64: 1, 128>}, {pipeline_mode = #tpu.pipeline_mode<synchronous>, transform_indices = @transform_11, window_bounds = array<i64: 2, 128>}, {pipeline_mode = #tpu.pipeline_mode<synchronous>, transform_indices = @transform_12, window_bounds = array<i64: 128, 128>}, {pipeline_mode = #tpu.pipeline_mode<synchronous>, transform_indices = @transform_13, window_bounds = array<i64: 128, 128>}, {pipeline_mode = #tpu.pipeline_mode<synchronous>, transform_indices = @transform_14, window_bounds = array<i64: 1, 128>}, {pipeline_mode = #tpu.pipeline_mode<synchronous>, transform_indices = @transform_15, window_bounds = array<i64: 1, 128>}, {pipeline_mode = #tpu.pipeline_mode<synchronous>, transform_indices = @transform_16, window_bounds = array<i64: 1, 128>}, {pipeline_mode = #tpu.pipeline_mode<synchronous>, transform_indices = @transform_17, window_bounds = array<i64: 1, 128>}, {pipeline_mode = #tpu.pipeline_mode<synchronous>, transform_indices = @transform_18, window_bounds = array<i64: 1, 128>}, {pipeline_mode = #tpu.pipeline_mode<synchronous>, transform_indices = @transform_19, window_bounds = array<i64: 128, 128>}, {pipeline_mode = #tpu.pipeline_mode<synchronous>, transform_indices = @transform_20, window_bounds = array<i64: 128, 128>}, {pipeline_mode = #tpu.pipeline_mode<synchronous>, transform_indices = @transform_21, window_bounds = array<i64: 128, 128>}, {pipeline_mode = #tpu.pipeline_mode<synchronous>, transform_indices = @transform_22, window_bounds = array<i64: 128, 128>}, {pipeline_mode = #tpu.pipeline_mode<synchronous>, transform_indices = @transform_23, window_bounds = array<i64: 128, 128>}, {pipeline_mode = #tpu.pipeline_mode<synchronous>, transform_indices = @transform_24, window_bounds = array<i64: 1, 128>}, {pipeline_mode = #tpu.pipeline_mode<synchronous>, transform_indices = @transform_25, window_bounds = array<i64: 1, 128>}, {pipeline_mode = #tpu.pipeline_mode<synchronous>, transform_indices = @transform_26, window_bounds = array<i64: 1, 128>}, {pipeline_mode = #tpu.pipeline_mode<synchronous>, transform_indices = @transform_27, window_bounds = array<i64: 1, 128>}, {pipeline_mode = #tpu.pipeline_mode<synchronous>, transform_indices = @transform_28, window_bounds = array<i64: 1, 128>}, {transform_indices = @transform_29, window_bounds = array<i64: 640, 128>}]} {
    %get3A = arith.constant 0 : index
    %get3A_0 = arith.constant 0 : index
    %get3A_1 = vector.load %arg1[%get3A, %get3A_0] : memref<78x640xf32, #tpu.memory_space<vmem>>, vector<78x640xf32>
    %get3A_2 = arith.constant 0 : index
    %get3A_3 = arith.constant 0 : index
    %get3A_4 = vector.load %arg4[%get3A_2, %get3A_3] : memref<78x128xf32, #tpu.memory_space<vmem>>, vector<78x128xf32>
    %dot_general3A = arith.constant dense<0.000000e+00> : vector<640x128xf32>
    %dot_general3A_5 = tpu.matmul %get3A_1, %get3A_4, %dot_general3A {dimension_numbers = #tpu.dot_dimension_numbers<[0], [0], [1], [1], [0, 1, 1, 1], [], []>, transpose_lhs_hint = false} : vector<78x640xf32>, vector<78x128xf32>, vector<640x128xf32> -> vector<640x128xf32>
    %get3A_6 = arith.constant 0 : index
    %get3A_7 = arith.constant 0 : index
    %get3A_8 = vector.load %arg7[%get3A_6, %get3A_7] : memref<1x128xf32, #tpu.memory_space<vmem>>, vector<1x128xf32>
    %add3A = vector.broadcast %get3A_8 : vector<1x128xf32> to vector<640x128xf32>
    %add3A_9 = arith.addf %dot_general3A_5, %add3A : vector<640x128xf32>
    %neg3A = arith.constant 0.000000e+00 : f32
    %neg3A_10 = vector.broadcast %neg3A : f32 to vector<640x128xf32>
    %neg3A_11 = arith.subf %neg3A_10, %add3A_9 : vector<640x128xf32>
    %exp3A = math.exp %neg3A_11 : vector<640x128xf32>
    %add3A_12 = arith.constant 1.000000e+00 : f32
    %add3A_13 = vector.broadcast %add3A_12 : f32 to vector<640x128xf32>
    %add3A_14 = arith.addf %add3A_13, %exp3A : vector<640x128xf32>
    %div3A = arith.constant 1.000000e+00 : f32
    %div3A_15 = vector.broadcast %div3A : f32 to vector<640x128xf32>
    %div3A_16 = arith.divf %div3A_15, %add3A_14 : vector<640x128xf32>
    %mul3A = arith.mulf %add3A_9, %div3A_16 : vector<640x128xf32>
    %get3A_17 = arith.constant 0 : index
    %get3A_18 = arith.constant 0 : index
    %get3A_19 = vector.load %arg5[%get3A_17, %get3A_18] : memref<128x128xf32, #tpu.memory_space<vmem>>, vector<128x128xf32>
    %dot_general3A_20 = arith.constant dense<0.000000e+00> : vector<640x128xf32>
    %dot_general3A_21 = tpu.matmul %mul3A, %get3A_19, %dot_general3A_20 {dimension_numbers = #tpu.dot_dimension_numbers<[1], [0], [0], [1], [0, 0, 1, 1], [], []>, transpose_lhs_hint = false} : vector<640x128xf32>, vector<128x128xf32>, vector<640x128xf32> -> vector<640x128xf32>
    %get3A_22 = arith.constant 0 : index
    %get3A_23 = arith.constant 0 : index
    %get3A_24 = vector.load %arg8[%get3A_22, %get3A_23] : memref<1x128xf32, #tpu.memory_space<vmem>>, vector<1x128xf32>
    %add3A_25 = vector.broadcast %get3A_24 : vector<1x128xf32> to vector<640x128xf32>
    %add3A_26 = arith.addf %dot_general3A_21, %add3A_25 : vector<640x128xf32>
    %neg3A_27 = arith.constant 0.000000e+00 : f32
    %neg3A_28 = vector.broadcast %neg3A_27 : f32 to vector<640x128xf32>
    %neg3A_29 = arith.subf %neg3A_28, %add3A_26 : vector<640x128xf32>
    %exp3A_30 = math.exp %neg3A_29 : vector<640x128xf32>
    %add3A_31 = arith.constant 1.000000e+00 : f32
    %add3A_32 = vector.broadcast %add3A_31 : f32 to vector<640x128xf32>
    %add3A_33 = arith.addf %add3A_32, %exp3A_30 : vector<640x128xf32>
    %div3A_34 = arith.constant 1.000000e+00 : f32
    %div3A_35 = vector.broadcast %div3A_34 : f32 to vector<640x128xf32>
    %div3A_36 = arith.divf %div3A_35, %add3A_33 : vector<640x128xf32>
    %mul3A_37 = arith.mulf %add3A_26, %div3A_36 : vector<640x128xf32>
    %get3A_38 = arith.constant 0 : index
    %get3A_39 = arith.constant 0 : index
    %get3A_40 = vector.load %arg6[%get3A_38, %get3A_39] : memref<128x128xf32, #tpu.memory_space<vmem>>, vector<128x128xf32>
    %dot_general3A_41 = arith.constant dense<0.000000e+00> : vector<640x128xf32>
    %dot_general3A_42 = tpu.matmul %mul3A_37, %get3A_40, %dot_general3A_41 {dimension_numbers = #tpu.dot_dimension_numbers<[1], [0], [0], [1], [0, 0, 1, 1], [], []>, transpose_lhs_hint = false} : vector<640x128xf32>, vector<128x128xf32>, vector<640x128xf32> -> vector<640x128xf32>
    %get3A_43 = arith.constant 0 : index
    %get3A_44 = arith.constant 0 : index
    %get3A_45 = vector.load %arg9[%get3A_43, %get3A_44] : memref<1x128xf32, #tpu.memory_space<vmem>>, vector<1x128xf32>
    %add3A_46 = vector.broadcast %get3A_45 : vector<1x128xf32> to vector<640x128xf32>
    %add3A_47 = arith.addf %dot_general3A_42, %add3A_46 : vector<640x128xf32>
    %get3A_48 = arith.constant 0 : index
    %get3A_49 = arith.constant 0 : index
    %get3A_50 = vector.load %arg10[%get3A_48, %get3A_49] : memref<1x128xf32, #tpu.memory_space<vmem>>, vector<1x128xf32>
    %get3A_51 = arith.constant 0 : index
    %get3A_52 = arith.constant 0 : index
    %get3A_53 = vector.load %arg11[%get3A_51, %get3A_52] : memref<1x128xf32, #tpu.memory_space<vmem>>, vector<1x128xf32>
    %reduce_sum3A = arith.constant dense<0.000000e+00> : vector<640xf32>
    %reduce_sum3A_54 = vector.multi_reduction <add>, %add3A_47, %reduce_sum3A [1] : vector<640x128xf32> to vector<640xf32>
    %broadcast_in_dim3A = vector.shape_cast %reduce_sum3A_54 : vector<640xf32> to vector<640x1xf32>
    %div3A_55 = arith.constant 1.280000e+02 : f32
    %div3A_56 = vector.broadcast %div3A_55 : f32 to vector<640x1xf32>
    %div3A_57 = arith.divf %broadcast_in_dim3A, %div3A_56 : vector<640x1xf32>
    %sub3A = vector.broadcast %div3A_57 : vector<640x1xf32> to vector<640x128xf32>
    %sub3A_58 = arith.subf %add3A_47, %sub3A : vector<640x128xf32>
    %mul3A_59 = arith.mulf %sub3A_58, %sub3A_58 : vector<640x128xf32>
    %reduce_sum3A_60 = arith.constant dense<0.000000e+00> : vector<640xf32>
    %reduce_sum3A_61 = vector.multi_reduction <add>, %mul3A_59, %reduce_sum3A_60 [1] : vector<640x128xf32> to vector<640xf32>
    %broadcast_in_dim3A_62 = vector.shape_cast %reduce_sum3A_61 : vector<640xf32> to vector<640x1xf32>
    %div3A_63 = arith.constant 1.280000e+02 : f32
    %div3A_64 = vector.broadcast %div3A_63 : f32 to vector<640x1xf32>
    %div3A_65 = arith.divf %broadcast_in_dim3A_62, %div3A_64 : vector<640x1xf32>
    %add3A_66 = arith.constant 9.99999974E-6 : f32
    %add3A_67 = vector.broadcast %add3A_66 : f32 to vector<640x1xf32>
    %add3A_68 = arith.addf %div3A_65, %add3A_67 : vector<640x1xf32>
    %rsqrt3A = math.rsqrt %add3A_68 : vector<640x1xf32>
    %mul3A_69 = vector.broadcast %rsqrt3A : vector<640x1xf32> to vector<640x128xf32>
    %mul3A_70 = arith.mulf %sub3A_58, %mul3A_69 : vector<640x128xf32>
    %mul3A_71 = vector.broadcast %get3A_50 : vector<1x128xf32> to vector<640x128xf32>
    %mul3A_72 = arith.mulf %mul3A_70, %mul3A_71 : vector<640x128xf32>
    %add3A_73 = vector.broadcast %get3A_53 : vector<1x128xf32> to vector<640x128xf32>
    %add3A_74 = arith.addf %mul3A_72, %add3A_73 : vector<640x128xf32>
    %get3A_75 = arith.constant 0 : index
    %get3A_76 = arith.constant 0 : index
    %get3A_77 = vector.load %arg2[%get3A_75, %get3A_76] : memref<2x640xf32, #tpu.memory_space<vmem>>, vector<2x640xf32>
    %get3A_78 = arith.constant 0 : index
    %get3A_79 = arith.constant 0 : index
    %get3A_80 = vector.load %arg12[%get3A_78, %get3A_79] : memref<2x128xf32, #tpu.memory_space<vmem>>, vector<2x128xf32>
    %dot_general3A_81 = arith.constant dense<0.000000e+00> : vector<640x128xf32>
    %dot_general3A_82 = tpu.matmul %get3A_77, %get3A_80, %dot_general3A_81 {dimension_numbers = #tpu.dot_dimension_numbers<[0], [0], [1], [1], [0, 1, 1, 1], [], []>, transpose_lhs_hint = false} : vector<2x640xf32>, vector<2x128xf32>, vector<640x128xf32> -> vector<640x128xf32>
    %get3A_83 = arith.constant 0 : index
    %get3A_84 = arith.constant 0 : index
    %get3A_85 = vector.load %arg15[%get3A_83, %get3A_84] : memref<1x128xf32, #tpu.memory_space<vmem>>, vector<1x128xf32>
    %add3A_86 = vector.broadcast %get3A_85 : vector<1x128xf32> to vector<640x128xf32>
    %add3A_87 = arith.addf %dot_general3A_82, %add3A_86 : vector<640x128xf32>
    %neg3A_88 = arith.constant 0.000000e+00 : f32
    %neg3A_89 = vector.broadcast %neg3A_88 : f32 to vector<640x128xf32>
    %neg3A_90 = arith.subf %neg3A_89, %add3A_87 : vector<640x128xf32>
    %exp3A_91 = math.exp %neg3A_90 : vector<640x128xf32>
    %add3A_92 = arith.constant 1.000000e+00 : f32
    %add3A_93 = vector.broadcast %add3A_92 : f32 to vector<640x128xf32>
    %add3A_94 = arith.addf %add3A_93, %exp3A_91 : vector<640x128xf32>
    %div3A_95 = arith.constant 1.000000e+00 : f32
    %div3A_96 = vector.broadcast %div3A_95 : f32 to vector<640x128xf32>
    %div3A_97 = arith.divf %div3A_96, %add3A_94 : vector<640x128xf32>
    %mul3A_98 = arith.mulf %add3A_87, %div3A_97 : vector<640x128xf32>
    %get3A_99 = arith.constant 0 : index
    %get3A_100 = arith.constant 0 : index
    %get3A_101 = vector.load %arg13[%get3A_99, %get3A_100] : memref<128x128xf32, #tpu.memory_space<vmem>>, vector<128x128xf32>
    %dot_general3A_102 = arith.constant dense<0.000000e+00> : vector<640x128xf32>
    %dot_general3A_103 = tpu.matmul %mul3A_98, %get3A_101, %dot_general3A_102 {dimension_numbers = #tpu.dot_dimension_numbers<[1], [0], [0], [1], [0, 0, 1, 1], [], []>, transpose_lhs_hint = false} : vector<640x128xf32>, vector<128x128xf32>, vector<640x128xf32> -> vector<640x128xf32>
    %get3A_104 = arith.constant 0 : index
    %get3A_105 = arith.constant 0 : index
    %get3A_106 = vector.load %arg16[%get3A_104, %get3A_105] : memref<1x128xf32, #tpu.memory_space<vmem>>, vector<1x128xf32>
    %add3A_107 = vector.broadcast %get3A_106 : vector<1x128xf32> to vector<640x128xf32>
    %add3A_108 = arith.addf %dot_general3A_103, %add3A_107 : vector<640x128xf32>
    %neg3A_109 = arith.constant 0.000000e+00 : f32
    %neg3A_110 = vector.broadcast %neg3A_109 : f32 to vector<640x128xf32>
    %neg3A_111 = arith.subf %neg3A_110, %add3A_108 : vector<640x128xf32>
    %exp3A_112 = math.exp %neg3A_111 : vector<640x128xf32>
    %add3A_113 = arith.constant 1.000000e+00 : f32
    %add3A_114 = vector.broadcast %add3A_113 : f32 to vector<640x128xf32>
    %add3A_115 = arith.addf %add3A_114, %exp3A_112 : vector<640x128xf32>
    %div3A_116 = arith.constant 1.000000e+00 : f32
    %div3A_117 = vector.broadcast %div3A_116 : f32 to vector<640x128xf32>
    %div3A_118 = arith.divf %div3A_117, %add3A_115 : vector<640x128xf32>
    %mul3A_119 = arith.mulf %add3A_108, %div3A_118 : vector<640x128xf32>
    %get3A_120 = arith.constant 0 : index
    %get3A_121 = arith.constant 0 : index
    %get3A_122 = vector.load %arg14[%get3A_120, %get3A_121] : memref<128x128xf32, #tpu.memory_space<vmem>>, vector<128x128xf32>
    %dot_general3A_123 = arith.constant dense<0.000000e+00> : vector<640x128xf32>
    %dot_general3A_124 = tpu.matmul %mul3A_119, %get3A_122, %dot_general3A_123 {dimension_numbers = #tpu.dot_dimension_numbers<[1], [0], [0], [1], [0, 0, 1, 1], [], []>, transpose_lhs_hint = false} : vector<640x128xf32>, vector<128x128xf32>, vector<640x128xf32> -> vector<640x128xf32>
    %get3A_125 = arith.constant 0 : index
    %get3A_126 = arith.constant 0 : index
    %get3A_127 = vector.load %arg17[%get3A_125, %get3A_126] : memref<1x128xf32, #tpu.memory_space<vmem>>, vector<1x128xf32>
    %add3A_128 = vector.broadcast %get3A_127 : vector<1x128xf32> to vector<640x128xf32>
    %add3A_129 = arith.addf %dot_general3A_124, %add3A_128 : vector<640x128xf32>
    %get3A_130 = arith.constant 0 : index
    %get3A_131 = arith.constant 0 : index
    %get3A_132 = vector.load %arg18[%get3A_130, %get3A_131] : memref<1x128xf32, #tpu.memory_space<vmem>>, vector<1x128xf32>
    %get3A_133 = arith.constant 0 : index
    %get3A_134 = arith.constant 0 : index
    %get3A_135 = vector.load %arg19[%get3A_133, %get3A_134] : memref<1x128xf32, #tpu.memory_space<vmem>>, vector<1x128xf32>
    %reduce_sum3A_136 = arith.constant dense<0.000000e+00> : vector<640xf32>
    %reduce_sum3A_137 = vector.multi_reduction <add>, %add3A_129, %reduce_sum3A_136 [1] : vector<640x128xf32> to vector<640xf32>
    %broadcast_in_dim3A_138 = vector.shape_cast %reduce_sum3A_137 : vector<640xf32> to vector<640x1xf32>
    %div3A_139 = arith.constant 1.280000e+02 : f32
    %div3A_140 = vector.broadcast %div3A_139 : f32 to vector<640x1xf32>
    %div3A_141 = arith.divf %broadcast_in_dim3A_138, %div3A_140 : vector<640x1xf32>
    %sub3A_142 = vector.broadcast %div3A_141 : vector<640x1xf32> to vector<640x128xf32>
    %sub3A_143 = arith.subf %add3A_129, %sub3A_142 : vector<640x128xf32>
    %mul3A_144 = arith.mulf %sub3A_143, %sub3A_143 : vector<640x128xf32>
    %reduce_sum3A_145 = arith.constant dense<0.000000e+00> : vector<640xf32>
    %reduce_sum3A_146 = vector.multi_reduction <add>, %mul3A_144, %reduce_sum3A_145 [1] : vector<640x128xf32> to vector<640xf32>
    %broadcast_in_dim3A_147 = vector.shape_cast %reduce_sum3A_146 : vector<640xf32> to vector<640x1xf32>
    %div3A_148 = arith.constant 1.280000e+02 : f32
    %div3A_149 = vector.broadcast %div3A_148 : f32 to vector<640x1xf32>
    %div3A_150 = arith.divf %broadcast_in_dim3A_147, %div3A_149 : vector<640x1xf32>
    %add3A_151 = arith.constant 9.99999974E-6 : f32
    %add3A_152 = vector.broadcast %add3A_151 : f32 to vector<640x1xf32>
    %add3A_153 = arith.addf %div3A_150, %add3A_152 : vector<640x1xf32>
    %rsqrt3A_154 = math.rsqrt %add3A_153 : vector<640x1xf32>
    %mul3A_155 = vector.broadcast %rsqrt3A_154 : vector<640x1xf32> to vector<640x128xf32>
    %mul3A_156 = arith.mulf %sub3A_143, %mul3A_155 : vector<640x128xf32>
    %mul3A_157 = vector.broadcast %get3A_132 : vector<1x128xf32> to vector<640x128xf32>
    %mul3A_158 = arith.mulf %mul3A_156, %mul3A_157 : vector<640x128xf32>
    %add3A_159 = vector.broadcast %get3A_135 : vector<1x128xf32> to vector<640x128xf32>
    %add3A_160 = arith.addf %mul3A_158, %add3A_159 : vector<640x128xf32>
    %get3A_161 = arith.constant 0 : index
    %get3A_162 = arith.constant 0 : index
    %get3A_163 = vector.load %arg3[%get3A_161, %get3A_162] : memref<640x128xf32, #tpu.memory_space<vmem>>, vector<640x128xf32>
    %get3A_164 = arith.constant 0 : index
    %get3A_165 = arith.constant 0 : index
    %get3A_166 = vector.load %arg20[%get3A_164, %get3A_165] : memref<128x128xf32, #tpu.memory_space<vmem>>, vector<128x128xf32>
    %dot_general3A_167 = arith.constant dense<0.000000e+00> : vector<640x128xf32>
    %dot_general3A_168 = tpu.matmul %add3A_74, %get3A_166, %dot_general3A_167 {dimension_numbers = #tpu.dot_dimension_numbers<[1], [0], [0], [1], [0, 0, 1, 1], [], []>, transpose_lhs_hint = false} : vector<640x128xf32>, vector<128x128xf32>, vector<640x128xf32> -> vector<640x128xf32>
    %get3A_169 = arith.constant 0 : index
    %get3A_170 = arith.constant 0 : index
    %get3A_171 = vector.load %arg21[%get3A_169, %get3A_170] : memref<128x128xf32, #tpu.memory_space<vmem>>, vector<128x128xf32>
    %dot_general3A_172 = arith.constant dense<0.000000e+00> : vector<640x128xf32>
    %dot_general3A_173 = tpu.matmul %get3A_163, %get3A_171, %dot_general3A_172 {dimension_numbers = #tpu.dot_dimension_numbers<[1], [0], [0], [1], [0, 0, 1, 1], [], []>, transpose_lhs_hint = false} : vector<640x128xf32>, vector<128x128xf32>, vector<640x128xf32> -> vector<640x128xf32>
    %add3A_174 = arith.addf %dot_general3A_168, %dot_general3A_173 : vector<640x128xf32>
    %get3A_175 = arith.constant 0 : index
    %get3A_176 = arith.constant 0 : index
    %get3A_177 = vector.load %arg22[%get3A_175, %get3A_176] : memref<128x128xf32, #tpu.memory_space<vmem>>, vector<128x128xf32>
    %dot_general3A_178 = arith.constant dense<0.000000e+00> : vector<640x128xf32>
    %dot_general3A_179 = tpu.matmul %add3A_160, %get3A_177, %dot_general3A_178 {dimension_numbers = #tpu.dot_dimension_numbers<[1], [0], [0], [1], [0, 0, 1, 1], [], []>, transpose_lhs_hint = false} : vector<640x128xf32>, vector<128x128xf32>, vector<640x128xf32> -> vector<640x128xf32>
    %add3A_180 = arith.addf %add3A_174, %dot_general3A_179 : vector<640x128xf32>
    %get3A_181 = arith.constant 0 : index
    %get3A_182 = arith.constant 0 : index
    %get3A_183 = vector.load %arg25[%get3A_181, %get3A_182] : memref<1x128xf32, #tpu.memory_space<vmem>>, vector<1x128xf32>
    %add3A_184 = vector.broadcast %get3A_183 : vector<1x128xf32> to vector<640x128xf32>
    %add3A_185 = arith.addf %add3A_180, %add3A_184 : vector<640x128xf32>
    %neg3A_186 = arith.constant 0.000000e+00 : f32
    %neg3A_187 = vector.broadcast %neg3A_186 : f32 to vector<640x128xf32>
    %neg3A_188 = arith.subf %neg3A_187, %add3A_185 : vector<640x128xf32>
    %exp3A_189 = math.exp %neg3A_188 : vector<640x128xf32>
    %add3A_190 = arith.constant 1.000000e+00 : f32
    %add3A_191 = vector.broadcast %add3A_190 : f32 to vector<640x128xf32>
    %add3A_192 = arith.addf %add3A_191, %exp3A_189 : vector<640x128xf32>
    %div3A_193 = arith.constant 1.000000e+00 : f32
    %div3A_194 = vector.broadcast %div3A_193 : f32 to vector<640x128xf32>
    %div3A_195 = arith.divf %div3A_194, %add3A_192 : vector<640x128xf32>
    %mul3A_196 = arith.mulf %add3A_185, %div3A_195 : vector<640x128xf32>
    %get3A_197 = arith.constant 0 : index
    %get3A_198 = arith.constant 0 : index
    %get3A_199 = vector.load %arg23[%get3A_197, %get3A_198] : memref<128x128xf32, #tpu.memory_space<vmem>>, vector<128x128xf32>
    %dot_general3A_200 = arith.constant dense<0.000000e+00> : vector<640x128xf32>
    %dot_general3A_201 = tpu.matmul %mul3A_196, %get3A_199, %dot_general3A_200 {dimension_numbers = #tpu.dot_dimension_numbers<[1], [0], [0], [1], [0, 0, 1, 1], [], []>, transpose_lhs_hint = false} : vector<640x128xf32>, vector<128x128xf32>, vector<640x128xf32> -> vector<640x128xf32>
    %get3A_202 = arith.constant 0 : index
    %get3A_203 = arith.constant 0 : index
    %get3A_204 = vector.load %arg26[%get3A_202, %get3A_203] : memref<1x128xf32, #tpu.memory_space<vmem>>, vector<1x128xf32>
    %add3A_205 = vector.broadcast %get3A_204 : vector<1x128xf32> to vector<640x128xf32>
    %add3A_206 = arith.addf %dot_general3A_201, %add3A_205 : vector<640x128xf32>
    %neg3A_207 = arith.constant 0.000000e+00 : f32
    %neg3A_208 = vector.broadcast %neg3A_207 : f32 to vector<640x128xf32>
    %neg3A_209 = arith.subf %neg3A_208, %add3A_206 : vector<640x128xf32>
    %exp3A_210 = math.exp %neg3A_209 : vector<640x128xf32>
    %add3A_211 = arith.constant 1.000000e+00 : f32
    %add3A_212 = vector.broadcast %add3A_211 : f32 to vector<640x128xf32>
    %add3A_213 = arith.addf %add3A_212, %exp3A_210 : vector<640x128xf32>
    %div3A_214 = arith.constant 1.000000e+00 : f32
    %div3A_215 = vector.broadcast %div3A_214 : f32 to vector<640x128xf32>
    %div3A_216 = arith.divf %div3A_215, %add3A_213 : vector<640x128xf32>
    %mul3A_217 = arith.mulf %add3A_206, %div3A_216 : vector<640x128xf32>
    %get3A_218 = arith.constant 0 : index
    %get3A_219 = arith.constant 0 : index
    %get3A_220 = vector.load %arg24[%get3A_218, %get3A_219] : memref<128x128xf32, #tpu.memory_space<vmem>>, vector<128x128xf32>
    %dot_general3A_221 = arith.constant dense<0.000000e+00> : vector<640x128xf32>
    %dot_general3A_222 = tpu.matmul %mul3A_217, %get3A_220, %dot_general3A_221 {dimension_numbers = #tpu.dot_dimension_numbers<[1], [0], [0], [1], [0, 0, 1, 1], [], []>, transpose_lhs_hint = false} : vector<640x128xf32>, vector<128x128xf32>, vector<640x128xf32> -> vector<640x128xf32>
    %get3A_223 = arith.constant 0 : index
    %get3A_224 = arith.constant 0 : index
    %get3A_225 = vector.load %arg27[%get3A_223, %get3A_224] : memref<1x128xf32, #tpu.memory_space<vmem>>, vector<1x128xf32>
    %add3A_226 = vector.broadcast %get3A_225 : vector<1x128xf32> to vector<640x128xf32>
    %add3A_227 = arith.addf %dot_general3A_222, %add3A_226 : vector<640x128xf32>
    %get3A_228 = arith.constant 0 : index
    %get3A_229 = arith.constant 0 : index
    %get3A_230 = vector.load %arg28[%get3A_228, %get3A_229] : memref<1x128xf32, #tpu.memory_space<vmem>>, vector<1x128xf32>
    %get3A_231 = arith.constant 0 : index
    %get3A_232 = arith.constant 0 : index
    %get3A_233 = vector.load %arg29[%get3A_231, %get3A_232] : memref<1x128xf32, #tpu.memory_space<vmem>>, vector<1x128xf32>
    %reduce_sum3A_234 = arith.constant dense<0.000000e+00> : vector<640xf32>
    %reduce_sum3A_235 = vector.multi_reduction <add>, %add3A_227, %reduce_sum3A_234 [1] : vector<640x128xf32> to vector<640xf32>
    %broadcast_in_dim3A_236 = vector.shape_cast %reduce_sum3A_235 : vector<640xf32> to vector<640x1xf32>
    %div3A_237 = arith.constant 1.280000e+02 : f32
    %div3A_238 = vector.broadcast %div3A_237 : f32 to vector<640x1xf32>
    %div3A_239 = arith.divf %broadcast_in_dim3A_236, %div3A_238 : vector<640x1xf32>
    %sub3A_240 = vector.broadcast %div3A_239 : vector<640x1xf32> to vector<640x128xf32>
    %sub3A_241 = arith.subf %add3A_227, %sub3A_240 : vector<640x128xf32>
    %mul3A_242 = arith.mulf %sub3A_241, %sub3A_241 : vector<640x128xf32>
    %reduce_sum3A_243 = arith.constant dense<0.000000e+00> : vector<640xf32>
    %reduce_sum3A_244 = vector.multi_reduction <add>, %mul3A_242, %reduce_sum3A_243 [1] : vector<640x128xf32> to vector<640xf32>
    %broadcast_in_dim3A_245 = vector.shape_cast %reduce_sum3A_244 : vector<640xf32> to vector<640x1xf32>
    %div3A_246 = arith.constant 1.280000e+02 : f32
    %div3A_247 = vector.broadcast %div3A_246 : f32 to vector<640x1xf32>
    %div3A_248 = arith.divf %broadcast_in_dim3A_245, %div3A_247 : vector<640x1xf32>
    %add3A_249 = arith.constant 9.99999974E-6 : f32
    %add3A_250 = vector.broadcast %add3A_249 : f32 to vector<640x1xf32>
    %add3A_251 = arith.addf %div3A_248, %add3A_250 : vector<640x1xf32>
    %rsqrt3A_252 = math.rsqrt %add3A_251 : vector<640x1xf32>
    %mul3A_253 = vector.broadcast %rsqrt3A_252 : vector<640x1xf32> to vector<640x128xf32>
    %mul3A_254 = arith.mulf %sub3A_241, %mul3A_253 : vector<640x128xf32>
    %mul3A_255 = vector.broadcast %get3A_230 : vector<1x128xf32> to vector<640x128xf32>
    %mul3A_256 = arith.mulf %mul3A_254, %mul3A_255 : vector<640x128xf32>
    %add3A_257 = vector.broadcast %get3A_233 : vector<1x128xf32> to vector<640x128xf32>
    %add3A_258 = arith.addf %mul3A_256, %add3A_257 : vector<640x128xf32>
    %add3A_259 = arith.addf %add3A_258, %add3A_160 : vector<640x128xf32>
    %swap3A = arith.constant 0 : index
    %swap3A_260 = arith.constant 0 : index
    %swap3A_261 = vector.load %arg30[%swap3A, %swap3A_260] : memref<640x128xf32, #tpu.memory_space<vmem>>, vector<640x128xf32>
    tpu.vector_store %arg30[%swap3A, %swap3A_260], %add3A_259 {strides = array<i32>} : memref<640x128xf32, #tpu.memory_space<vmem>>, vector<640x128xf32>,
    return
  }
  func.func @transform_0(%arg0: i32) -> (i32, i32) {
    %c0_i32 = arith.constant 0 : i32
    %c0_i32_0 = arith.constant 0 : i32
    return %c0_i32, %arg0 : i32, i32
  }
  func.func @transform_1(%arg0: i32) -> (i32, i32) {
    %c0_i32 = arith.constant 0 : i32
    %c0_i32_0 = arith.constant 0 : i32
    return %c0_i32, %arg0 : i32, i32
  }
  func.func @transform_2(%arg0: i32) -> (i32, i32) {
    %c0_i32 = arith.constant 0 : i32
    %c0_i32_0 = arith.constant 0 : i32
    return %arg0, %c0_i32 : i32, i32
  }
  func.func @transform_3(%arg0: i32) -> (i32, i32) {
    %c0_i32 = arith.constant 0 : i32
    %c0_i32_0 = arith.constant 0 : i32
    %c0_i32_1 = arith.constant 0 : i32
    return %c0_i32, %c0_i32_0 : i32, i32
  }
  func.func @transform_4(%arg0: i32) -> (i32, i32) {
    %c0_i32 = arith.constant 0 : i32
    %c0_i32_0 = arith.constant 0 : i32
    %c0_i32_1 = arith.constant 0 : i32
    return %c0_i32, %c0_i32_0 : i32, i32
  }
  func.func @transform_5(%arg0: i32) -> (i32, i32) {
    %c0_i32 = arith.constant 0 : i32
    %c0_i32_0 = arith.constant 0 : i32
    %c0_i32_1 = arith.constant 0 : i32
    return %c0_i32, %c0_i32_0 : i32, i32
  }
  func.func @transform_6(%arg0: i32) -> (i32, i32) {
    %c0_i32 = arith.constant 0 : i32
    %c0_i32_0 = arith.constant 0 : i32
    %c0_i32_1 = arith.constant 0 : i32
    return %c0_i32, %c0_i32_0 : i32, i32
  }
  func.func @transform_7(%arg0: i32) -> (i32, i32) {
    %c0_i32 = arith.constant 0 : i32
    %c0_i32_0 = arith.constant 0 : i32
    %c0_i32_1 = arith.constant 0 : i32
    return %c0_i32, %c0_i32_0 : i32, i32
  }
  func.func @transform_8(%arg0: i32) -> (i32, i32) {
    %c0_i32 = arith.constant 0 : i32
    %c0_i32_0 = arith.constant 0 : i32
    %c0_i32_1 = arith.constant 0 : i32
    return %c0_i32, %c0_i32_0 : i32, i32
  }
  func.func @transform_9(%arg0: i32) -> (i32, i32) {
    %c0_i32 = arith.constant 0 : i32
    %c0_i32_0 = arith.constant 0 : i32
    %c0_i32_1 = arith.constant 0 : i32
    return %c0_i32, %c0_i32_0 : i32, i32
  }
  func.func @transform_10(%arg0: i32) -> (i32, i32) {
    %c0_i32 = arith.constant 0 : i32
    %c0_i32_0 = arith.constant 0 : i32
    %c0_i32_1 = arith.constant 0 : i32
    return %c0_i32, %c0_i32_0 : i32, i32
  }
  func.func @transform_11(%arg0: i32) -> (i32, i32) {
    %c0_i32 = arith.constant 0 : i32
    %c0_i32_0 = arith.constant 0 : i32
    %c0_i32_1 = arith.constant 0 : i32
    return %c0_i32, %c0_i32_0 : i32, i32
  }
  func.func @transform_12(%arg0: i32) -> (i32, i32) {
    %c0_i32 = arith.constant 0 : i32
    %c0_i32_0 = arith.constant 0 : i32
    %c0_i32_1 = arith.constant 0 : i32
    return %c0_i32, %c0_i32_0 : i32, i32
  }
  func.func @transform_13(%arg0: i32) -> (i32, i32) {
    %c0_i32 = arith.constant 0 : i32
    %c0_i32_0 = arith.constant 0 : i32
    %c0_i32_1 = arith.constant 0 : i32
    return %c0_i32, %c0_i32_0 : i32, i32
  }
  func.func @transform_14(%arg0: i32) -> (i32, i32) {
    %c0_i32 = arith.constant 0 : i32
    %c0_i32_0 = arith.constant 0 : i32
    %c0_i32_1 = arith.constant 0 : i32
    return %c0_i32, %c0_i32_0 : i32, i32
  }
  func.func @transform_15(%arg0: i32) -> (i32, i32) {
    %c0_i32 = arith.constant 0 : i32
    %c0_i32_0 = arith.constant 0 : i32
    %c0_i32_1 = arith.constant 0 : i32
    return %c0_i32, %c0_i32_0 : i32, i32
  }
  func.func @transform_16(%arg0: i32) -> (i32, i32) {
    %c0_i32 = arith.constant 0 : i32
    %c0_i32_0 = arith.constant 0 : i32
    %c0_i32_1 = arith.constant 0 : i32
    return %c0_i32, %c0_i32_0 : i32, i32
  }
  func.func @transform_17(%arg0: i32) -> (i32, i32) {
    %c0_i32 = arith.constant 0 : i32
    %c0_i32_0 = arith.constant 0 : i32
    %c0_i32_1 = arith.constant 0 : i32
    return %c0_i32, %c0_i32_0 : i32, i32
  }
  func.func @transform_18(%arg0: i32) -> (i32, i32) {
    %c0_i32 = arith.constant 0 : i32
    %c0_i32_0 = arith.constant 0 : i32
    %c0_i32_1 = arith.constant 0 : i32
    return %c0_i32, %c0_i32_0 : i32, i32
  }
  func.func @transform_19(%arg0: i32) -> (i32, i32) {
    %c0_i32 = arith.constant 0 : i32
    %c0_i32_0 = arith.constant 0 : i32
    %c0_i32_1 = arith.constant 0 : i32
    return %c0_i32, %c0_i32_0 : i32, i32
  }
  func.func @transform_20(%arg0: i32) -> (i32, i32) {
    %c0_i32 = arith.constant 0 : i32
    %c0_i32_0 = arith.constant 0 : i32
    %c0_i32_1 = arith.constant 0 : i32
    return %c0_i32, %c0_i32_0 : i32, i32
  }
  func.func @transform_21(%arg0: i32) -> (i32, i32) {
    %c0_i32 = arith.constant 0 : i32
    %c0_i32_0 = arith.constant 0 : i32
    %c0_i32_1 = arith.constant 0 : i32
    return %c0_i32, %c0_i32_0 : i32, i32
  }
  func.func @transform_22(%arg0: i32) -> (i32, i32) {
    %c0_i32 = arith.constant 0 : i32
    %c0_i32_0 = arith.constant 0 : i32
    %c0_i32_1 = arith.constant 0 : i32
    return %c0_i32, %c0_i32_0 : i32, i32
  }
  func.func @transform_23(%arg0: i32) -> (i32, i32) {
    %c0_i32 = arith.constant 0 : i32
    %c0_i32_0 = arith.constant 0 : i32
    %c0_i32_1 = arith.constant 0 : i32
    return %c0_i32, %c0_i32_0 : i32, i32
  }
  func.func @transform_24(%arg0: i32) -> (i32, i32) {
    %c0_i32 = arith.constant 0 : i32
    %c0_i32_0 = arith.constant 0 : i32
    %c0_i32_1 = arith.constant 0 : i32
    return %c0_i32, %c0_i32_0 : i32, i32
  }
  func.func @transform_25(%arg0: i32) -> (i32, i32) {
    %c0_i32 = arith.constant 0 : i32
    %c0_i32_0 = arith.constant 0 : i32
    %c0_i32_1 = arith.constant 0 : i32
    return %c0_i32, %c0_i32_0 : i32, i32
  }
  func.func @transform_26(%arg0: i32) -> (i32, i32) {
    %c0_i32 = arith.constant 0 : i32
    %c0_i32_0 = arith.constant 0 : i32
    %c0_i32_1 = arith.constant 0 : i32
    return %c0_i32, %c0_i32_0 : i32, i32
  }
  func.func @transform_27(%arg0: i32) -> (i32, i32) {
    %c0_i32 = arith.constant 0 : i32
    %c0_i32_0 = arith.constant 0 : i32
    %c0_i32_1 = arith.constant 0 : i32
    return %c0_i32, %c0_i32_0 : i32, i32
  }
  func.func @transform_28(%arg0: i32) -> (i32, i32) {
    %c0_i32 = arith.constant 0 : i32
    %c0_i32_0 = arith.constant 0 : i32
    %c0_i32_1 = arith.constant 0 : i32
    return %c0_i32, %c0_i32_0 : i32, i32
  }
  func.func @transform_29(%arg0: i32) -> (i32, i32) {
    %c0_i32 = arith.constant 0 : i32
    %c0_i32_0 = arith.constant 0 : i32
    return %arg0, %c0_i32 : i32, i32
  }
}

module attributes {stable_mosaic.version = 14 : i64} {
  func.func @_lat_encoder_body(%arg0: i32, %arg1: memref<2x512xf32, #tpu.memory_space<vmem>>, %arg2: memref<2x128xf32, #tpu.memory_space<vmem>>, %arg3: memref<128x128xf32, #tpu.memory_space<vmem>>, %arg4: memref<128x128xf32, #tpu.memory_space<vmem>>, %arg5: memref<1x128xf32, #tpu.memory_space<vmem>>, %arg6: memref<1x128xf32, #tpu.memory_space<vmem>>, %arg7: memref<1x128xf32, #tpu.memory_space<vmem>>, %arg8: memref<1x128xf32, #tpu.memory_space<vmem>>, %arg9: memref<1x128xf32, #tpu.memory_space<vmem>>, %arg10: memref<512x128xf32, #tpu.memory_space<vmem>>) attributes {dimension_semantics = [#tpu.dimension_semantics<arbitrary>], iteration_bounds = array<i64: 81>, scalar_prefetch = 0 : i64, scratch_operands = 0 : i64, tpu.core_type = #tpu.core_type<tc>, window_params = [{transform_indices = @transform_0, window_bounds = array<i64: 2, 512>}, {pipeline_mode = #tpu.pipeline_mode<synchronous>, transform_indices = @transform_1, window_bounds = array<i64: 2, 128>}, {pipeline_mode = #tpu.pipeline_mode<synchronous>, transform_indices = @transform_2, window_bounds = array<i64: 128, 128>}, {pipeline_mode = #tpu.pipeline_mode<synchronous>, transform_indices = @transform_3, window_bounds = array<i64: 128, 128>}, {pipeline_mode = #tpu.pipeline_mode<synchronous>, transform_indices = @transform_4, window_bounds = array<i64: 1, 128>}, {pipeline_mode = #tpu.pipeline_mode<synchronous>, transform_indices = @transform_5, window_bounds = array<i64: 1, 128>}, {pipeline_mode = #tpu.pipeline_mode<synchronous>, transform_indices = @transform_6, window_bounds = array<i64: 1, 128>}, {pipeline_mode = #tpu.pipeline_mode<synchronous>, transform_indices = @transform_7, window_bounds = array<i64: 1, 128>}, {pipeline_mode = #tpu.pipeline_mode<synchronous>, transform_indices = @transform_8, window_bounds = array<i64: 1, 128>}, {transform_indices = @transform_9, window_bounds = array<i64: 512, 128>}]} {
    %get3A = arith.constant 0 : index
    %get3A_0 = arith.constant 0 : index
    %get3A_1 = vector.load %arg1[%get3A, %get3A_0] : memref<2x512xf32, #tpu.memory_space<vmem>>, vector<2x512xf32>
    %get3A_2 = arith.constant 0 : index
    %get3A_3 = arith.constant 0 : index
    %get3A_4 = vector.load %arg2[%get3A_2, %get3A_3] : memref<2x128xf32, #tpu.memory_space<vmem>>, vector<2x128xf32>
    %dot_general3A = arith.constant dense<0.000000e+00> : vector<512x128xf32>
    %dot_general3A_5 = tpu.matmul %get3A_1, %get3A_4, %dot_general3A {dimension_numbers = #tpu.dot_dimension_numbers<[0], [0], [1], [1], [0, 1, 1, 1], [], []>, transpose_lhs_hint = false} : vector<2x512xf32>, vector<2x128xf32>, vector<512x128xf32> -> vector<512x128xf32>
    %get3A_6 = arith.constant 0 : index
    %get3A_7 = arith.constant 0 : index
    %get3A_8 = vector.load %arg5[%get3A_6, %get3A_7] : memref<1x128xf32, #tpu.memory_space<vmem>>, vector<1x128xf32>
    %add3A = vector.broadcast %get3A_8 : vector<1x128xf32> to vector<512x128xf32>
    %add3A_9 = arith.addf %dot_general3A_5, %add3A : vector<512x128xf32>
    %neg3A = arith.constant 0.000000e+00 : f32
    %neg3A_10 = vector.broadcast %neg3A : f32 to vector<512x128xf32>
    %neg3A_11 = arith.subf %neg3A_10, %add3A_9 : vector<512x128xf32>
    %exp3A = math.exp %neg3A_11 : vector<512x128xf32>
    %add3A_12 = arith.constant 1.000000e+00 : f32
    %add3A_13 = vector.broadcast %add3A_12 : f32 to vector<512x128xf32>
    %add3A_14 = arith.addf %add3A_13, %exp3A : vector<512x128xf32>
    %div3A = arith.constant 1.000000e+00 : f32
    %div3A_15 = vector.broadcast %div3A : f32 to vector<512x128xf32>
    %div3A_16 = arith.divf %div3A_15, %add3A_14 : vector<512x128xf32>
    %mul3A = arith.mulf %add3A_9, %div3A_16 : vector<512x128xf32>
    %get3A_17 = arith.constant 0 : index
    %get3A_18 = arith.constant 0 : index
    %get3A_19 = vector.load %arg3[%get3A_17, %get3A_18] : memref<128x128xf32, #tpu.memory_space<vmem>>, vector<128x128xf32>
    %dot_general3A_20 = arith.constant dense<0.000000e+00> : vector<512x128xf32>
    %dot_general3A_21 = tpu.matmul %mul3A, %get3A_19, %dot_general3A_20 {dimension_numbers = #tpu.dot_dimension_numbers<[1], [0], [0], [1], [0, 0, 1, 1], [], []>, transpose_lhs_hint = false} : vector<512x128xf32>, vector<128x128xf32>, vector<512x128xf32> -> vector<512x128xf32>
    %get3A_22 = arith.constant 0 : index
    %get3A_23 = arith.constant 0 : index
    %get3A_24 = vector.load %arg6[%get3A_22, %get3A_23] : memref<1x128xf32, #tpu.memory_space<vmem>>, vector<1x128xf32>
    %add3A_25 = vector.broadcast %get3A_24 : vector<1x128xf32> to vector<512x128xf32>
    %add3A_26 = arith.addf %dot_general3A_21, %add3A_25 : vector<512x128xf32>
    %neg3A_27 = arith.constant 0.000000e+00 : f32
    %neg3A_28 = vector.broadcast %neg3A_27 : f32 to vector<512x128xf32>
    %neg3A_29 = arith.subf %neg3A_28, %add3A_26 : vector<512x128xf32>
    %exp3A_30 = math.exp %neg3A_29 : vector<512x128xf32>
    %add3A_31 = arith.constant 1.000000e+00 : f32
    %add3A_32 = vector.broadcast %add3A_31 : f32 to vector<512x128xf32>
    %add3A_33 = arith.addf %add3A_32, %exp3A_30 : vector<512x128xf32>
    %div3A_34 = arith.constant 1.000000e+00 : f32
    %div3A_35 = vector.broadcast %div3A_34 : f32 to vector<512x128xf32>
    %div3A_36 = arith.divf %div3A_35, %add3A_33 : vector<512x128xf32>
    %mul3A_37 = arith.mulf %add3A_26, %div3A_36 : vector<512x128xf32>
    %get3A_38 = arith.constant 0 : index
    %get3A_39 = arith.constant 0 : index
    %get3A_40 = vector.load %arg4[%get3A_38, %get3A_39] : memref<128x128xf32, #tpu.memory_space<vmem>>, vector<128x128xf32>
    %dot_general3A_41 = arith.constant dense<0.000000e+00> : vector<512x128xf32>
    %dot_general3A_42 = tpu.matmul %mul3A_37, %get3A_40, %dot_general3A_41 {dimension_numbers = #tpu.dot_dimension_numbers<[1], [0], [0], [1], [0, 0, 1, 1], [], []>, transpose_lhs_hint = false} : vector<512x128xf32>, vector<128x128xf32>, vector<512x128xf32> -> vector<512x128xf32>
    %get3A_43 = arith.constant 0 : index
    %get3A_44 = arith.constant 0 : index
    %get3A_45 = vector.load %arg7[%get3A_43, %get3A_44] : memref<1x128xf32, #tpu.memory_space<vmem>>, vector<1x128xf32>
    %add3A_46 = vector.broadcast %get3A_45 : vector<1x128xf32> to vector<512x128xf32>
    %add3A_47 = arith.addf %dot_general3A_42, %add3A_46 : vector<512x128xf32>
    %get3A_48 = arith.constant 0 : index
    %get3A_49 = arith.constant 0 : index
    %get3A_50 = vector.load %arg8[%get3A_48, %get3A_49] : memref<1x128xf32, #tpu.memory_space<vmem>>, vector<1x128xf32>
    %get3A_51 = arith.constant 0 : index
    %get3A_52 = arith.constant 0 : index
    %get3A_53 = vector.load %arg9[%get3A_51, %get3A_52] : memref<1x128xf32, #tpu.memory_space<vmem>>, vector<1x128xf32>
    %reduce_sum3A = arith.constant dense<0.000000e+00> : vector<512xf32>
    %reduce_sum3A_54 = vector.multi_reduction <add>, %add3A_47, %reduce_sum3A [1] : vector<512x128xf32> to vector<512xf32>
    %broadcast_in_dim3A = vector.shape_cast %reduce_sum3A_54 : vector<512xf32> to vector<512x1xf32>
    %div3A_55 = arith.constant 1.280000e+02 : f32
    %div3A_56 = vector.broadcast %div3A_55 : f32 to vector<512x1xf32>
    %div3A_57 = arith.divf %broadcast_in_dim3A, %div3A_56 : vector<512x1xf32>
    %sub3A = vector.broadcast %div3A_57 : vector<512x1xf32> to vector<512x128xf32>
    %sub3A_58 = arith.subf %add3A_47, %sub3A : vector<512x128xf32>
    %mul3A_59 = arith.mulf %sub3A_58, %sub3A_58 : vector<512x128xf32>
    %reduce_sum3A_60 = arith.constant dense<0.000000e+00> : vector<512xf32>
    %reduce_sum3A_61 = vector.multi_reduction <add>, %mul3A_59, %reduce_sum3A_60 [1] : vector<512x128xf32> to vector<512xf32>
    %broadcast_in_dim3A_62 = vector.shape_cast %reduce_sum3A_61 : vector<512xf32> to vector<512x1xf32>
    %div3A_63 = arith.constant 1.280000e+02 : f32
    %div3A_64 = vector.broadcast %div3A_63 : f32 to vector<512x1xf32>
    %div3A_65 = arith.divf %broadcast_in_dim3A_62, %div3A_64 : vector<512x1xf32>
    %add3A_66 = arith.constant 9.99999974E-6 : f32
    %add3A_67 = vector.broadcast %add3A_66 : f32 to vector<512x1xf32>
    %add3A_68 = arith.addf %div3A_65, %add3A_67 : vector<512x1xf32>
    %rsqrt3A = math.rsqrt %add3A_68 : vector<512x1xf32>
    %mul3A_69 = vector.broadcast %rsqrt3A : vector<512x1xf32> to vector<512x128xf32>
    %mul3A_70 = arith.mulf %sub3A_58, %mul3A_69 : vector<512x128xf32>
    %mul3A_71 = vector.broadcast %get3A_50 : vector<1x128xf32> to vector<512x128xf32>
    %mul3A_72 = arith.mulf %mul3A_70, %mul3A_71 : vector<512x128xf32>
    %add3A_73 = vector.broadcast %get3A_53 : vector<1x128xf32> to vector<512x128xf32>
    %add3A_74 = arith.addf %mul3A_72, %add3A_73 : vector<512x128xf32>
    %swap3A = arith.constant 0 : index
    %swap3A_75 = arith.constant 0 : index
    %swap3A_76 = vector.load %arg10[%swap3A, %swap3A_75] : memref<512x128xf32, #tpu.memory_space<vmem>>, vector<512x128xf32>
    tpu.vector_store %arg10[%swap3A, %swap3A_75], %add3A_74 {strides = array<i32>} : memref<512x128xf32, #tpu.memory_space<vmem>>, vector<512x128xf32>,
    return
  }
  func.func @transform_0(%arg0: i32) -> (i32, i32) {
    %c0_i32 = arith.constant 0 : i32
    %c0_i32_0 = arith.constant 0 : i32
    return %c0_i32, %arg0 : i32, i32
  }
  func.func @transform_1(%arg0: i32) -> (i32, i32) {
    %c0_i32 = arith.constant 0 : i32
    %c0_i32_0 = arith.constant 0 : i32
    %c0_i32_1 = arith.constant 0 : i32
    return %c0_i32, %c0_i32_0 : i32, i32
  }
  func.func @transform_2(%arg0: i32) -> (i32, i32) {
    %c0_i32 = arith.constant 0 : i32
    %c0_i32_0 = arith.constant 0 : i32
    %c0_i32_1 = arith.constant 0 : i32
    return %c0_i32, %c0_i32_0 : i32, i32
  }
  func.func @transform_3(%arg0: i32) -> (i32, i32) {
    %c0_i32 = arith.constant 0 : i32
    %c0_i32_0 = arith.constant 0 : i32
    %c0_i32_1 = arith.constant 0 : i32
    return %c0_i32, %c0_i32_0 : i32, i32
  }
  func.func @transform_4(%arg0: i32) -> (i32, i32) {
    %c0_i32 = arith.constant 0 : i32
    %c0_i32_0 = arith.constant 0 : i32
    %c0_i32_1 = arith.constant 0 : i32
    return %c0_i32, %c0_i32_0 : i32, i32
  }
  func.func @transform_5(%arg0: i32) -> (i32, i32) {
    %c0_i32 = arith.constant 0 : i32
    %c0_i32_0 = arith.constant 0 : i32
    %c0_i32_1 = arith.constant 0 : i32
    return %c0_i32, %c0_i32_0 : i32, i32
  }
  func.func @transform_6(%arg0: i32) -> (i32, i32) {
    %c0_i32 = arith.constant 0 : i32
    %c0_i32_0 = arith.constant 0 : i32
    %c0_i32_1 = arith.constant 0 : i32
    return %c0_i32, %c0_i32_0 : i32, i32
  }
  func.func @transform_7(%arg0: i32) -> (i32, i32) {
    %c0_i32 = arith.constant 0 : i32
    %c0_i32_0 = arith.constant 0 : i32
    %c0_i32_1 = arith.constant 0 : i32
    return %c0_i32, %c0_i32_0 : i32, i32
  }
  func.func @transform_8(%arg0: i32) -> (i32, i32) {
    %c0_i32 = arith.constant 0 : i32
    %c0_i32_0 = arith.constant 0 : i32
    %c0_i32_1 = arith.constant 0 : i32
    return %c0_i32, %c0_i32_0 : i32, i32
  }
  func.func @transform_9(%arg0: i32) -> (i32, i32) {
    %c0_i32 = arith.constant 0 : i32
    %c0_i32_0 = arith.constant 0 : i32
    return %arg0, %c0_i32 : i32, i32
  }
}

module attributes {stable_mosaic.version = 14 : i64} {
  func.func @_node_update_body(%arg0: i32, %arg1: memref<5888x128xf32, #tpu.memory_space<vmem>>, %arg2: memref<2x5888x128xf32, #tpu.memory_space<vmem>>, %arg3: memref<128x128xf32, #tpu.memory_space<vmem>>, %arg4: memref<128x128xf32, #tpu.memory_space<vmem>>, %arg5: memref<128x128xf32, #tpu.memory_space<vmem>>, %arg6: memref<128x128xf32, #tpu.memory_space<vmem>>, %arg7: memref<1x128xf32, #tpu.memory_space<vmem>>, %arg8: memref<1x128xf32, #tpu.memory_space<vmem>>, %arg9: memref<1x128xf32, #tpu.memory_space<vmem>>, %arg10: memref<1x128xf32, #tpu.memory_space<vmem>>, %arg11: memref<1x128xf32, #tpu.memory_space<vmem>>, %arg12: memref<5882x128xf32, #tpu.memory_space<vmem>>) attributes {dimension_semantics = [#tpu.dimension_semantics<arbitrary>], iteration_bounds = array<i64: 1>, scalar_prefetch = 0 : i64, scratch_operands = 0 : i64, tpu.core_type = #tpu.core_type<tc>, window_params = [{pipeline_mode = #tpu.pipeline_mode<synchronous>, transform_indices = @transform_0, window_bounds = array<i64: 5888, 128>}, {pipeline_mode = #tpu.pipeline_mode<synchronous>, transform_indices = @transform_1, window_bounds = array<i64: 2, 5888, 128>}, {pipeline_mode = #tpu.pipeline_mode<synchronous>, transform_indices = @transform_2, window_bounds = array<i64: 128, 128>}, {pipeline_mode = #tpu.pipeline_mode<synchronous>, transform_indices = @transform_3, window_bounds = array<i64: 128, 128>}, {pipeline_mode = #tpu.pipeline_mode<synchronous>, transform_indices = @transform_4, window_bounds = array<i64: 128, 128>}, {pipeline_mode = #tpu.pipeline_mode<synchronous>, transform_indices = @transform_5, window_bounds = array<i64: 128, 128>}, {pipeline_mode = #tpu.pipeline_mode<synchronous>, transform_indices = @transform_6, window_bounds = array<i64: 1, 128>}, {pipeline_mode = #tpu.pipeline_mode<synchronous>, transform_indices = @transform_7, window_bounds = array<i64: 1, 128>}, {pipeline_mode = #tpu.pipeline_mode<synchronous>, transform_indices = @transform_8, window_bounds = array<i64: 1, 128>}, {pipeline_mode = #tpu.pipeline_mode<synchronous>, transform_indices = @transform_9, window_bounds = array<i64: 1, 128>}, {pipeline_mode = #tpu.pipeline_mode<synchronous>, transform_indices = @transform_10, window_bounds = array<i64: 1, 128>}, {pipeline_mode = #tpu.pipeline_mode<synchronous>, transform_indices = @transform_11, window_bounds = array<i64: 5882, 128>}]} {
    %get3A = arith.constant 0 : index
    %get3A_0 = arith.constant 0 : index
    %get3A_1 = vector.load %arg1[%get3A, %get3A_0] : memref<5888x128xf32, #tpu.memory_space<vmem>>, vector<5888x128xf32>
    %get3A_2 = arith.constant 0 : index
    %get3A_3 = arith.constant 0 : index
    %get3A_4 = arith.constant 0 : index
    %get3A_5 = vector.load %arg2[%get3A_2, %get3A_3, %get3A_4] : memref<2x5888x128xf32, #tpu.memory_space<vmem>>, vector<1x5888x128xf32>
    %get3A_6 = vector.shape_cast %get3A_5 : vector<1x5888x128xf32> to vector<5888x128xf32>
    %get3A_7 = arith.constant 1 : index
    %get3A_8 = arith.constant 0 : index
    %get3A_9 = arith.constant 0 : index
    %get3A_10 = vector.load %arg2[%get3A_7, %get3A_8, %get3A_9] : memref<2x5888x128xf32, #tpu.memory_space<vmem>>, vector<1x5888x128xf32>
    %get3A_11 = vector.shape_cast %get3A_10 : vector<1x5888x128xf32> to vector<5888x128xf32>
    %add3A = arith.addf %get3A_6, %get3A_11 : vector<5888x128xf32>
    %get3A_12 = arith.constant 0 : index
    %get3A_13 = arith.constant 0 : index
    %get3A_14 = vector.load %arg3[%get3A_12, %get3A_13] : memref<128x128xf32, #tpu.memory_space<vmem>>, vector<128x128xf32>
    %dot_general3A = arith.constant dense<0.000000e+00> : vector<5888x128xf32>
    %dot_general3A_15 = tpu.matmul %get3A_1, %get3A_14, %dot_general3A {dimension_numbers = #tpu.dot_dimension_numbers<[1], [0], [0], [1], [0, 0, 1, 1], [], []>, transpose_lhs_hint = false} : vector<5888x128xf32>, vector<128x128xf32>, vector<5888x128xf32> -> vector<5888x128xf32>
    %get3A_16 = arith.constant 0 : index
    %get3A_17 = arith.constant 0 : index
    %get3A_18 = vector.load %arg4[%get3A_16, %get3A_17] : memref<128x128xf32, #tpu.memory_space<vmem>>, vector<128x128xf32>
    %dot_general3A_19 = arith.constant dense<0.000000e+00> : vector<5888x128xf32>
    %dot_general3A_20 = tpu.matmul %add3A, %get3A_18, %dot_general3A_19 {dimension_numbers = #tpu.dot_dimension_numbers<[1], [0], [0], [1], [0, 0, 1, 1], [], []>, transpose_lhs_hint = false} : vector<5888x128xf32>, vector<128x128xf32>, vector<5888x128xf32> -> vector<5888x128xf32>
    %add3A_21 = arith.addf %dot_general3A_15, %dot_general3A_20 : vector<5888x128xf32>
    %get3A_22 = arith.constant 0 : index
    %get3A_23 = arith.constant 0 : index
    %get3A_24 = vector.load %arg7[%get3A_22, %get3A_23] : memref<1x128xf32, #tpu.memory_space<vmem>>, vector<1x128xf32>
    %add3A_25 = vector.broadcast %get3A_24 : vector<1x128xf32> to vector<5888x128xf32>
    %add3A_26 = arith.addf %add3A_21, %add3A_25 : vector<5888x128xf32>
    %neg3A = arith.constant 0.000000e+00 : f32
    %neg3A_27 = vector.broadcast %neg3A : f32 to vector<5888x128xf32>
    %neg3A_28 = arith.subf %neg3A_27, %add3A_26 : vector<5888x128xf32>
    %exp3A = math.exp %neg3A_28 : vector<5888x128xf32>
    %add3A_29 = arith.constant 1.000000e+00 : f32
    %add3A_30 = vector.broadcast %add3A_29 : f32 to vector<5888x128xf32>
    %add3A_31 = arith.addf %add3A_30, %exp3A : vector<5888x128xf32>
    %div3A = arith.constant 1.000000e+00 : f32
    %div3A_32 = vector.broadcast %div3A : f32 to vector<5888x128xf32>
    %div3A_33 = arith.divf %div3A_32, %add3A_31 : vector<5888x128xf32>
    %mul3A = arith.mulf %add3A_26, %div3A_33 : vector<5888x128xf32>
    %get3A_34 = arith.constant 0 : index
    %get3A_35 = arith.constant 0 : index
    %get3A_36 = vector.load %arg5[%get3A_34, %get3A_35] : memref<128x128xf32, #tpu.memory_space<vmem>>, vector<128x128xf32>
    %dot_general3A_37 = arith.constant dense<0.000000e+00> : vector<5888x128xf32>
    %dot_general3A_38 = tpu.matmul %mul3A, %get3A_36, %dot_general3A_37 {dimension_numbers = #tpu.dot_dimension_numbers<[1], [0], [0], [1], [0, 0, 1, 1], [], []>, transpose_lhs_hint = false} : vector<5888x128xf32>, vector<128x128xf32>, vector<5888x128xf32> -> vector<5888x128xf32>
    %get3A_39 = arith.constant 0 : index
    %get3A_40 = arith.constant 0 : index
    %get3A_41 = vector.load %arg8[%get3A_39, %get3A_40] : memref<1x128xf32, #tpu.memory_space<vmem>>, vector<1x128xf32>
    %add3A_42 = vector.broadcast %get3A_41 : vector<1x128xf32> to vector<5888x128xf32>
    %add3A_43 = arith.addf %dot_general3A_38, %add3A_42 : vector<5888x128xf32>
    %neg3A_44 = arith.constant 0.000000e+00 : f32
    %neg3A_45 = vector.broadcast %neg3A_44 : f32 to vector<5888x128xf32>
    %neg3A_46 = arith.subf %neg3A_45, %add3A_43 : vector<5888x128xf32>
    %exp3A_47 = math.exp %neg3A_46 : vector<5888x128xf32>
    %add3A_48 = arith.constant 1.000000e+00 : f32
    %add3A_49 = vector.broadcast %add3A_48 : f32 to vector<5888x128xf32>
    %add3A_50 = arith.addf %add3A_49, %exp3A_47 : vector<5888x128xf32>
    %div3A_51 = arith.constant 1.000000e+00 : f32
    %div3A_52 = vector.broadcast %div3A_51 : f32 to vector<5888x128xf32>
    %div3A_53 = arith.divf %div3A_52, %add3A_50 : vector<5888x128xf32>
    %mul3A_54 = arith.mulf %add3A_43, %div3A_53 : vector<5888x128xf32>
    %get3A_55 = arith.constant 0 : index
    %get3A_56 = arith.constant 0 : index
    %get3A_57 = vector.load %arg6[%get3A_55, %get3A_56] : memref<128x128xf32, #tpu.memory_space<vmem>>, vector<128x128xf32>
    %dot_general3A_58 = arith.constant dense<0.000000e+00> : vector<5888x128xf32>
    %dot_general3A_59 = tpu.matmul %mul3A_54, %get3A_57, %dot_general3A_58 {dimension_numbers = #tpu.dot_dimension_numbers<[1], [0], [0], [1], [0, 0, 1, 1], [], []>, transpose_lhs_hint = false} : vector<5888x128xf32>, vector<128x128xf32>, vector<5888x128xf32> -> vector<5888x128xf32>
    %get3A_60 = arith.constant 0 : index
    %get3A_61 = arith.constant 0 : index
    %get3A_62 = vector.load %arg9[%get3A_60, %get3A_61] : memref<1x128xf32, #tpu.memory_space<vmem>>, vector<1x128xf32>
    %add3A_63 = vector.broadcast %get3A_62 : vector<1x128xf32> to vector<5888x128xf32>
    %add3A_64 = arith.addf %dot_general3A_59, %add3A_63 : vector<5888x128xf32>
    %get3A_65 = arith.constant 0 : index
    %get3A_66 = arith.constant 0 : index
    %get3A_67 = vector.load %arg10[%get3A_65, %get3A_66] : memref<1x128xf32, #tpu.memory_space<vmem>>, vector<1x128xf32>
    %get3A_68 = arith.constant 0 : index
    %get3A_69 = arith.constant 0 : index
    %get3A_70 = vector.load %arg11[%get3A_68, %get3A_69] : memref<1x128xf32, #tpu.memory_space<vmem>>, vector<1x128xf32>
    %reduce_sum3A = arith.constant dense<0.000000e+00> : vector<5888xf32>
    %reduce_sum3A_71 = vector.multi_reduction <add>, %add3A_64, %reduce_sum3A [1] : vector<5888x128xf32> to vector<5888xf32>
    %broadcast_in_dim3A = vector.shape_cast %reduce_sum3A_71 : vector<5888xf32> to vector<5888x1xf32>
    %div3A_72 = arith.constant 1.280000e+02 : f32
    %div3A_73 = vector.broadcast %div3A_72 : f32 to vector<5888x1xf32>
    %div3A_74 = arith.divf %broadcast_in_dim3A, %div3A_73 : vector<5888x1xf32>
    %sub3A = vector.broadcast %div3A_74 : vector<5888x1xf32> to vector<5888x128xf32>
    %sub3A_75 = arith.subf %add3A_64, %sub3A : vector<5888x128xf32>
    %mul3A_76 = arith.mulf %sub3A_75, %sub3A_75 : vector<5888x128xf32>
    %reduce_sum3A_77 = arith.constant dense<0.000000e+00> : vector<5888xf32>
    %reduce_sum3A_78 = vector.multi_reduction <add>, %mul3A_76, %reduce_sum3A_77 [1] : vector<5888x128xf32> to vector<5888xf32>
    %broadcast_in_dim3A_79 = vector.shape_cast %reduce_sum3A_78 : vector<5888xf32> to vector<5888x1xf32>
    %div3A_80 = arith.constant 1.280000e+02 : f32
    %div3A_81 = vector.broadcast %div3A_80 : f32 to vector<5888x1xf32>
    %div3A_82 = arith.divf %broadcast_in_dim3A_79, %div3A_81 : vector<5888x1xf32>
    %add3A_83 = arith.constant 9.99999974E-6 : f32
    %add3A_84 = vector.broadcast %add3A_83 : f32 to vector<5888x1xf32>
    %add3A_85 = arith.addf %div3A_82, %add3A_84 : vector<5888x1xf32>
    %rsqrt3A = math.rsqrt %add3A_85 : vector<5888x1xf32>
    %mul3A_86 = vector.broadcast %rsqrt3A : vector<5888x1xf32> to vector<5888x128xf32>
    %mul3A_87 = arith.mulf %sub3A_75, %mul3A_86 : vector<5888x128xf32>
    %mul3A_88 = vector.broadcast %get3A_67 : vector<1x128xf32> to vector<5888x128xf32>
    %mul3A_89 = arith.mulf %mul3A_87, %mul3A_88 : vector<5888x128xf32>
    %add3A_90 = vector.broadcast %get3A_70 : vector<1x128xf32> to vector<5888x128xf32>
    %add3A_91 = arith.addf %mul3A_89, %add3A_90 : vector<5888x128xf32>
    %add3A_92 = arith.addf %add3A_91, %get3A_1 : vector<5888x128xf32>
    %slice3A = vector.extract_strided_slice %add3A_92 {offsets = [0, 0], sizes = [5882, 128], strides = [1, 1]} : vector<5888x128xf32> to vector<5882x128xf32>
    %swap3A = arith.constant 0 : index
    %swap3A_93 = arith.constant 0 : index
    %swap3A_94 = vector.load %arg12[%swap3A, %swap3A_93] : memref<5882x128xf32, #tpu.memory_space<vmem>>, vector<5882x128xf32>
    tpu.vector_store %arg12[%swap3A, %swap3A_93], %slice3A {strides = array<i32>} : memref<5882x128xf32, #tpu.memory_space<vmem>>, vector<5882x128xf32>,
    return
  }
  func.func @transform_0(%arg0: i32) -> (i32, i32) {
    %c0_i32 = arith.constant 0 : i32
    %c0_i32_0 = arith.constant 0 : i32
    %c0_i32_1 = arith.constant 0 : i32
    return %c0_i32, %c0_i32_0 : i32, i32
  }
  func.func @transform_1(%arg0: i32) -> (i32, i32, i32) {
    %c0_i32 = arith.constant 0 : i32
    %c0_i32_0 = arith.constant 0 : i32
    %c0_i32_1 = arith.constant 0 : i32
    %c0_i32_2 = arith.constant 0 : i32
    return %c0_i32, %c0_i32_0, %c0_i32_1 : i32, i32, i32
  }
  func.func @transform_2(%arg0: i32) -> (i32, i32) {
    %c0_i32 = arith.constant 0 : i32
    %c0_i32_0 = arith.constant 0 : i32
    %c0_i32_1 = arith.constant 0 : i32
    return %c0_i32, %c0_i32_0 : i32, i32
  }
  func.func @transform_3(%arg0: i32) -> (i32, i32) {
    %c0_i32 = arith.constant 0 : i32
    %c0_i32_0 = arith.constant 0 : i32
    %c0_i32_1 = arith.constant 0 : i32
    return %c0_i32, %c0_i32_0 : i32, i32
  }
  func.func @transform_4(%arg0: i32) -> (i32, i32) {
    %c0_i32 = arith.constant 0 : i32
    %c0_i32_0 = arith.constant 0 : i32
    %c0_i32_1 = arith.constant 0 : i32
    return %c0_i32, %c0_i32_0 : i32, i32
  }
  func.func @transform_5(%arg0: i32) -> (i32, i32) {
    %c0_i32 = arith.constant 0 : i32
    %c0_i32_0 = arith.constant 0 : i32
    %c0_i32_1 = arith.constant 0 : i32
    return %c0_i32, %c0_i32_0 : i32, i32
  }
  func.func @transform_6(%arg0: i32) -> (i32, i32) {
    %c0_i32 = arith.constant 0 : i32
    %c0_i32_0 = arith.constant 0 : i32
    %c0_i32_1 = arith.constant 0 : i32
    return %c0_i32, %c0_i32_0 : i32, i32
  }
  func.func @transform_7(%arg0: i32) -> (i32, i32) {
    %c0_i32 = arith.constant 0 : i32
    %c0_i32_0 = arith.constant 0 : i32
    %c0_i32_1 = arith.constant 0 : i32
    return %c0_i32, %c0_i32_0 : i32, i32
  }
  func.func @transform_8(%arg0: i32) -> (i32, i32) {
    %c0_i32 = arith.constant 0 : i32
    %c0_i32_0 = arith.constant 0 : i32
    %c0_i32_1 = arith.constant 0 : i32
    return %c0_i32, %c0_i32_0 : i32, i32
  }
  func.func @transform_9(%arg0: i32) -> (i32, i32) {
    %c0_i32 = arith.constant 0 : i32
    %c0_i32_0 = arith.constant 0 : i32
    %c0_i32_1 = arith.constant 0 : i32
    return %c0_i32, %c0_i32_0 : i32, i32
  }
  func.func @transform_10(%arg0: i32) -> (i32, i32) {
    %c0_i32 = arith.constant 0 : i32
    %c0_i32_0 = arith.constant 0 : i32
    %c0_i32_1 = arith.constant 0 : i32
    return %c0_i32, %c0_i32_0 : i32, i32
  }
  func.func @transform_11(%arg0: i32) -> (i32, i32) {
    %c0_i32 = arith.constant 0 : i32
    %c0_i32_0 = arith.constant 0 : i32
    %c0_i32_1 = arith.constant 0 : i32
    return %c0_i32, %c0_i32_0 : i32, i32
  }
}

</mosaic_0001>

<sc_bundles>
// kernel: kernel.11.cloned.1.call-start
scs
__scs_entry_jumppad:
0x0: {  	(pc) =	sbr.rel $0x88, $3  }
0x1: {  	(tag) =	ssettag $0x0;
	lr =	simm.s32 $0x1  }
0x2: {  	[smem:$0x3F73] =	sst lr;
	_ =	strace $0xD0000000  }
0x3: {  	_ = 	snop  }
0x4: {  	_ = 	snop  }
0x5: {  	_ = 	snop  }
0x6: {  	_ = 	snop  }
0x7: {  	_ = 	snop  }
__scs_overlays_trampoline_lowered:
0x8: {  	[smem:$0x3F82] =	sst s0  }
0x9: {  	[smem:$0x3F83] =	sst s1  }
0xa: {  	[smem:$0x3F84] =	sst s2  }
0xb: {  	[smem:$0x3F85] =	sst s3  }
0xc: {  	[smem:$0x3F86] =	sst s4  }
0xd: {  	[smem:$0x3F87] =	sst s5  }
0xe: {  	[smem:$0x3F88] =	sst s6  }
0xf: {  	[smem:$0x3F89] =	sst s7  }
0x10: {  	[smem:$0x3F8A] =	sst s8  }
0x11: {  	[smem:$0x3F8B] =	sst s9;
	s0 =	simm.s32 @!p0 $0x0  }
0x12: {  	s1 =	sld [smem:$0x3F71];
	s0 =	simm.s32 @p0 $0x1  }
0x13: {  	[smem:$0x3F8C] =	sst s0;
	s0 =	simm.s32 @!p1 $0x0  }
0x14: {  	s2 =	sld [smem:$0x3F70];
	s0 =	simm.s32 @p1 $0x1  }
0x15: {  	[smem:$0x3F8D] =	sst s0;
	s0 =	simm.s32 @!p2 $0x0  }
0x16: {  	s3 =	sld [smem:$0x3FDB];
	s0 =	simm.s32 @p2 $0x1  }
0x17: {  	s4 =	simm.s32 $0x1BF5;
	[smem:$0x3F8F] =	sst s0  }
0x18: {  	s0 =	sld [smem:$0x3F72];
	_ =	swait.ge [sflag:s4], $0x0  }
0x19: {  	s7 =	sld [smem:$0x3F73]  }
0x1a: {  	s8 =	sadd.s32 $0xFFFFE003, lr  }
0x1b: {  	s9 =	sadd.s32 $0xFFFFFEF7, lr;
	s5 =	simm.s32 $0xFFFFFFFF;
	p2 =	slt.u32 s8, $0xFFFFF086  }
0x1c: {  	p1 =	slt.u32 s9, $0xF7A;
	s5 =	simm.s32 @!p2 $0x0  }
0x1d: {  	s5 =	simm.s32 @p1 $0x1;
	p0 =	seq.s32 s7, s2  }
0x1e: {  	s7 =	smul.u32 @!p0 $0xF7A, s2;
	p2 =	seq.s32 @!p0 s5, $0x0  }
0x1f: {  	s9 =	smul.u32 $0xF7A, s1;
	s8 =	simm.s32 @!p0 $0x1BF5;
	p2 =	por !p2, p0  }
0x20: {  	[sflag:s8] =	ssyncset.s32 @!p0 $0xFFFFF086;
	s6 =	sadd.s32 @!p0 s3, s7;
	s7 =	simm.s32 @!p0 $0x108  }
0x21: {  	s3 =	sadd.s32 s3, s9;
	s6 =	sadd.s32 @!p0 $0x88, s6;
	s7 =	simm.s32 @p2 $0x1082  }
0x22: {  	[simem:s7], [sflag:s8] =	dma.local @!p0 [hbm:s6], $0xF7A  }
0x23: {  	s9 =	sor.u32 $0xD0000000, s2;
	s6 =	simm.s32 $0x108;
	_ =	swait.ge @!p0 [sflag:s8], $0x0  }
0x24: {  	s3 =	sadd.s32 $0x88, s3;
	s6 =	simm.s32 @!p1 $0x1082;
	[sflag:s4] =	ssyncset.s32 $0xFFFFF086  }
0x25: {  	[simem:s6], [sflag:s4] =	dma.local [hbm:s3], $0xF7A  }
0x26: {  	[smem:$0x3F73] =	sst s1;
	(tag) =	ssettag s2;
	_ =	strace s9  }
0x27: {  	s1 =	sld [smem:$0x3F83]  }
0x28: {  	s2 =	sld [smem:$0x3F84]  }
0x29: {  	s4 =	sld [smem:$0x3F86]  }
0x2a: {  	p0 =	seq.s32 s5, $0x0;
	s5 =	sld [smem:$0x3F87]  }
0x2b: {  	s6 =	sld [smem:$0x3F88]  }
0x2c: {  	s7 =	sld [smem:$0x3F89]  }
0x2d: {  	s3 =	simm.s32 $0x108;
	s8 =	sld [smem:$0x3F8A]  }
0x2e: {  	s3 =	simm.s32 @!p0 $0x1082;
	s9 =	sld [smem:$0x3F8B]  }
0x2f: {  	lr =	sadd.s32 s0, s3;
	s0 =	sld [smem:$0x3F82]  }
0x30: {  	s3 =	sld [smem:$0x3F85]  }
0x31: {  	[smem:$0x3F8E] =	sst s10  }
0x32: {  	s10 =	sld [smem:$0x3F8C];
	_ =	sdelay $0x3  }
0x33: {  	p0 =	seq.s32 s10, $0x1;
	s10 =	sld [smem:$0x3F8E];
	_ =	sdelay $0x3  }
0x34: {  	[smem:$0x3F8E] =	sst s10  }
0x35: {  	s10 =	sld [smem:$0x3F8D];
	_ =	sdelay $0x3  }
0x36: {  	p1 =	seq.s32 s10, $0x1;
	s10 =	sld [smem:$0x3F8E];
	_ =	sdelay $0x3  }
0x37: {  	[smem:$0x3F8E] =	sst s10  }
0x38: {  	s10 =	sld [smem:$0x3F8F]  }
0x39: {  	_ = 	snop;
	(pc) =	sbr.ind lr, $3  }
0x3a: {  	_ = 	snop  }
0x3b: {  	_ = 	snop  }
0x3c: {  	p2 =	seq.s32 s10, $0x1;
	s10 =	sld [smem:$0x3F8E]  }
0x3d: {  	_ =	shalt  }
0x3e: {  	_ =	shalt  }
0x3f: {  	_ =	shalt  }
0x40: {  	_ =	shalt  }
0x41: {  	_ =	shalt  }
0x42: {  	_ =	shalt  }
0x43: {  	_ =	shalt  }
0x44: {  	_ =	shalt  }
0x45: {  	_ =	shalt  }
0x46: {  	_ =	shalt  }
0x47: {  	_ =	shalt  }
0x48: {  	_ =	shalt  }
0x49: {  	_ =	shalt  }
0x4a: {  	_ =	shalt  }
0x4b: {  	_ =	shalt  }
0x4c: {  	_ =	shalt  }
0x4d: {  	_ =	shalt  }
0x4e: {  	_ =	shalt  }
0x4f: {  	_ =	shalt  }
0x50: {  	_ =	shalt  }
0x51: {  	_ =	shalt  }
0x52: {  	_ =	shalt  }
0x53: {  	_ =	shalt  }
0x54: {  	_ =	shalt  }
0x55: {  	_ =	shalt  }
0x56: {  	_ =	shalt  }
0x57: {  	_ =	shalt  }
0x58: {  	_ =	shalt  }
0x59: {  	_ =	shalt  }
0x5a: {  	_ =	shalt  }
0x5b: {  	_ =	shalt  }
0x5c: {  	_ =	shalt  }
0x5d: {  	_ =	shalt  }
0x5e: {  	_ =	shalt  }
0x5f: {  	_ =	shalt  }
0x60: {  	_ =	shalt  }
0x61: {  	_ =	shalt  }
0x62: {  	_ =	shalt  }
0x63: {  	_ =	shalt  }
0x64: {  	_ =	shalt  }
0x65: {  	_ =	shalt  }
0x66: {  	_ =	shalt  }
0x67: {  	_ =	shalt  }
0x68: {  	_ =	shalt  }
0x69: {  	_ =	shalt  }
0x6a: {  	_ =	shalt  }
0x6b: {  	_ =	shalt  }
0x6c: {  	_ =	shalt  }
0x6d: {  	_ =	shalt  }
0x6e: {  	_ =	shalt  }
0x6f: {  	_ =	shalt  }
0x70: {  	_ =	shalt  }
0x71: {  	_ =	shalt  }
0x72: {  	_ =	shalt  }
0x73: {  	_ =	shalt  }
0x74: {  	_ =	shalt  }
0x75: {  	_ =	shalt  }
0x76: {  	_ =	shalt  }
0x77: {  	_ =	shalt  }
0x78: {  	_ =	shalt  }
0x79: {  	_ =	shalt  }
0x7a: {  	_ =	shalt  }
0x7b: {  	_ =	shalt  }
0x7c: {  	_ =	shalt  }
0x7d: {  	_ =	shalt  }
0x7e: {  	_ =	shalt  }
0x7f: {  	_ =	shalt  }
0x80: {  	_ =	shalt  }
0x81: {  	_ =	shalt  }
0x82: {  	_ =	shalt  }
0x83: {  	_ =	shalt  }
0x84: {  	_ =	shalt  }
0x85: {  	_ =	shalt  }
0x86: {  	_ =	shalt  }
0x87: {  	_ =	shalt  }
.Lfunc_end0:
.L_simem_size_0:
called_computation.1_lowered:
.L_overlay_start_0:
0x88: {  	s2 =	sld [smem:$0x3FD9]  }
0x89: {  	s3 =	sld [smem:$0x3FFE];
	_ =	sdelay $0x1  }
0x8a: {  	s1 =	srdreg.scid  }
0x8b: {  	s0 =	sand.u32 $0x1, s1  }
0x8c: {  	s14 =	sshll.u32 s0, $0xA;
	s2 =	sadd.s32 s3, s2  }
0x8d: {  	s2 =	sadd.s32 s2, s14  }
0x8e: {  	[smem:$0x3F9A] =	sst s2  }
0x8f: {  	_ = 	snop  }
0x90: {  	s2 =	sld [smem:$0x3FD0];
	_ =	sdelay $0x2  }
0x91: {  	s15 =	simm.s32 $0xA;
	s4 =	simm.s32 $0x10  }
0x92: {  	[smem:s4], [sflag:s15] =	dma.local [hbm:s2], $0x1  }
0x93: {  	_ =	swait.eq [sflag:s15], $0x1  }
0x94: {  	[sflag:s15] =	ssyncset.done $0x0  }
0x95: {  	[sflag:s15] =	ssyncadd.s32 $0xFFFFFFFF  }
0x96: {  	s16 =	sld [smem:$0x11];
	(tm) =	ssettm $0x1  }
0x97: {  	s17 =	sld [smem:$0x3FFB];
	_ =	sdelay $0x3  }
0x98: {  	_ =	strace s17  }
0x99: {  	s3 =	sld [smem:$0x3FFC];
	_ =	sdelay $0x3  }
0x9a: {  	_ =	strace s3  }
0x9b: {  	s3 =	sld [smem:$0x3FFD];
	_ =	sdelay $0x3  }
0x9c: {  	_ =	strace s3  }
0x9d: {  	_ =	strace $0x8FFFFFFF  }
0x9e: {  	s18 =	sld [smem:$0x3FDB];
	_ =	sdelay $0x1  }
0x9f: {  	s19 =	simm.s32 $_scs_section_size  }
0xa0: {  	s5 =	simm.s32 $_size__tile_overlayer_lowered;
	s6 =	simm.s32 $_tile_overlayer_lowered  }
0xa1: {  	s22 =	simm.s32 $0x1BFF;
	s21 =	sshll.u32 s6, $0x1;
	s3 =	sadd.s32 s19, s18  }
0xa2: {  	s7 =	simm.s32 $0x0;
	s20 =	sshll.u32 s5, $0x1;
	s5 =	sadd.s32 s21, s3  }
0xa3: {  	[timem:s7], [sflag:s22] =	dma.local [hbm:s5], s20  }
0xa4: {  	_ =	swait.ge [sflag:s22], s20  }
0xa5: {  	s4 =	ssub.s32 $0x0, s20;
	[sflag:s22] =	ssyncset.done $0x0  }
0xa6: {  	[sflag:s22] =	ssyncadd.s32 s4;
	_ =	sdelay $0x1  }
0xa7: {  	s23 =	simm.s32 $0x1B8B  }
0xa8: {  	_ =	swait.ge [sflag:s23], $0x1  }
0xa9: {  	[sflag:s23] =	ssyncset.done $0x0  }
0xaa: {  	s25 =	simm.s32 $0x1B8E;
	s24 =	sld [smem:$0x3FFE];
	[sflag:s23] =	ssyncadd.s32 $0xFFFFFFFF  }
0xab: {  	s26 =	simm.s32 $execute0_lowered;
	[smem:$0x3FD2] =	sst s25  }
0xac: {  	s5 =	sshll.u32 s26, $0x1;
	_ =	strace $0x80000049;
	[dreg:$0x1] =	wrdreg $0xFFFFFFFF  }
0xad: {  	s28 =	simm.s32 $_size_execute0_lowered;
	s3 =	sadd.s32 s3, s5;
	[dreg:$0x0] =	wrdreg $0x0  }
0xae: {  	s5 =	sshll.u32 s28, $0x1;
	[dreg:$0x2] =	wrdreg s3  }
0xaf: {  	[dreg:$0x3] =	wrdreg s5  }
0xb0: {  	[dreg:$0x4] =	wrdreg $0xC0  }
0xb1: {  	_ =	task [dreg:s7], $0x5FFFF  }
0xb2: {  	[dreg:$0x1] =	wrdreg $0xFFFFFFFF  }
0xb3: {  	[dreg:$0x0] =	wrdreg $0x60  }
0xb4: {  	[dreg:$0x2] =	wrdreg s24  }
0xb5: {  	[dreg:$0x3] =	wrdreg s16  }
0xb6: {  	[dreg:$0x4] =	wrdreg $0x79000  }
0xb7: {  	[dreg:$0x5] =	wrdreg $0x9  }
0xb8: {  	_ =	task.clear_ibuf [dreg:s7], $0x6FFFF;
	_ =	strace $0x90000049  }
0xb9: {  	s29 =	simm.s32 $0x9;
	_ =	strace $0x8000004B  }
0xba: {  	_ =	swait.ge [sflag:s29], $0x1  }
0xbb: {  	[sflag:s29] =	ssyncadd.s32 $0xFFFFFFFF  }
0xbc: {  	_ =	strace $0x9000004B  }
0xbd: {  	_ =	sfence  }
0xbe: {  	s30 =	sld [smem:$0x0];
	_ =	sdelay $0x2  }
0xbf: {  	s31 =	sshll.u32 s1, $0xD;
	s1 =	sshrl.u32 s1, $0x2  }
0xc0: {  	s3 =	sand.u32 $0x4000, s31;
	s1 =	sadd.s32 s1, s30  }
0xc1: {  	s0 =	sor.u32 s3, s0;
	s1 =	sshll.u32 s1, $0x11  }
0xc2: {  	s0 =	sor.u32 s1, s0  }
0xc3: {  	s0 =	sadd.s32 $0x8F2B, s0  }
0xc4: {  	[sflag:s0] =	ssyncadd.remote.s32 $0x1  }
0xc5: {  	_ =	sfence.sel $0xFFFF  }
0xc6: {  	[dreg:$0x0] =	wrdreg $0xFFFFFFFF;
	(pc) =	sbr.abs _section_cstart, $3  }
0xc7: {  	[dreg:$0x1] =	wrdreg $0xFFFFFFFF  }
0xc8: {  	_ =	task.clear_ibuf [dreg:s7], $0x2FFFF;
	_ =	strace $0x9FFFFFFF  }
0xc9: {  	(tm) =	ssettm $0x7FFFFFFF  }
tec
execute0_lowered:
.L_overlay_start_1:
0x0: {  	(tag) =	ssettag $0x1  }
0x1: {  	s1 =	rddreg [dreg:$0x0]  }
0x2: {  	s0 =	rddreg [dreg:$0x1]  }
0x3: {  	s2 =	rddreg [dreg:$0x2]  }
0x4: {  	s3 =	srdreg.scid;
	s11 =	stileid.u32  }
0x5: {  	p0 =	por $0x0, $0x0;
	s4 =	sand.u32 $0x1, s3;
	s6 =	smul.u32 $0xB800, s11  }
0x6: {  	s3 =	simm.s32 $0x0;
	s7 =	sshll.u32 s11, $0x1;
	s22 =	smul.u32 $0x2E000, s11  }
0x7: {  	s9 =	sadd.s32 $0x6400, s1;
	s5 =	smul.u32 $0xB8000, s4;
	s8 =	sor.u32 s4, s7  }
0x8: {  	[smem:$0x7FF] =	sst s3;
	s4 =	ssub.s32 $0x2, s4;
	s7 =	smul.u32 $0x7F8, s8  }
0x9: {  	_ =	strace $0x8000004A;
	[dreg:$0x4] =	wrdreg s9;
	s8 =	smul.u32 $0x7F80, s8  }
0xa: {  	s26 =	sshrl.u32 s4, $0x1;
	s6 =	sadd.s32 s6, s5;
	s5 =	sadd.s32 $0x105400, s1  }
0xb: {  	s6 =	sshrl.u32 s6, $0x3;
	s25 =	sshrl.u32 s7, $0x3;
	s12 =	sadd.s32 s5, s8  }
0xc: {  	s10 =	sadd.s32 $0x78, s7;
	s8 =	ssub.s32 s4, s26;
	s15 =	sadd.s32 $0xF0, s7  }
0xd: {  	s21 =	sadd.s32 $0x168, s7;
	s24 =	sadd.s32 $0x1E0, s7;
	s6 =	sadd.s32 s6, s1  }
0xe: {  	s9 =	sadd.s32 s0, s25;
	[dreg:$0x6] =	wrdreg s12;
	s13 =	sshrl.u32 s10, $0x3  }
0xf: {  	s14 =	sshll.u32 s10, $0x4;
	s17 =	sshrl.u32 s15, $0x3;
	s19 =	sshll.u32 s15, $0x4  }
0x10: {  	s23 =	sshrl.u32 s21, $0x3;
	s4 =	sshll.u32 s21, $0x4;
	s26 =	sshrl.u32 s24, $0x3  }
0x11: {  	s12 =	sshll.u32 s24, $0x4;
	[dreg:$0x5] =	wrdreg s9;
	s1 =	sadd.s32 s0, s13  }
0x12: {  	s24 =	sadd.s32 $0x3C0, s7;
	s16 =	sadd.s32 s5, s14;
	[dreg:$0x7] =	wrdreg s1  }
0x13: {  	s18 =	sadd.s32 s0, s17;
	s20 =	sadd.s32 s5, s19;
	[dreg:$0x8] =	wrdreg s16  }
0x14: {  	s25 =	sadd.s32 s5, s4;
	s4 =	sadd.s32 s0, s26;
	[dreg:$0x9] =	wrdreg s18  }
0x15: {  	s13 =	sadd.s32 s5, s12;
	s14 =	sadd.s32 $0x258, s7;
	[dreg:$0xa] =	wrdreg s20  }
0x16: {  	s9 =	sshrl.u32 s22, $0x2;
	s22 =	sadd.s32 $0x348, s7;
	[dreg:$0xc] =	wrdreg s25  }
0x17: {  	s26 =	sshrl.u32 s24, $0x3;
	s12 =	sshll.u32 s24, $0x4;
	[dreg:$0xd] =	wrdreg s4  }
0x18: {  	s1 =	sadd.s32 s0, s23;
	[dreg:$0xe] =	wrdreg s13;
	s15 =	sshrl.u32 s14, $0x3  }
0x19: {  	s4 =	sshll.u32 s14, $0x4;
	s16 =	sadd.s32 $0x2D0, s7;
	s9 =	sadd.s32 s9, s2  }
0x1a: {  	s23 =	sshrl.u32 s22, $0x3;
	s13 =	sadd.s32 s5, s12;
	[dreg:$0xb] =	wrdreg s1  }
0x1b: {  	s14 =	sadd.s32 $0x438, s7;
	s1 =	sadd.s32 s0, s15;
	[dreg:$0x16] =	wrdreg s13  }
0x1c: {  	s17 =	sadd.s32 s5, s4;
	s18 =	sshrl.u32 s16, $0x3;
	[dreg:$0xf] =	wrdreg s1  }
0x1d: {  	s20 =	sshll.u32 s16, $0x4;
	[dreg:$0x10] =	wrdreg s17;
	s19 =	sadd.s32 s0, s18  }
0x1e: {  	s4 =	sshll.u32 s22, $0x4;
	s21 =	sadd.s32 s5, s20;
	[dreg:$0x11] =	wrdreg s19  }
0x1f: {  	s15 =	sshll.u32 s11, $0x6;
	s1 =	sadd.s32 s0, s23;
	[dreg:$0x12] =	wrdreg s21  }
0x20: {  	s16 =	sshrl.u32 s14, $0x3;
	s25 =	sadd.s32 s5, s4;
	[dreg:$0x13] =	wrdreg s1  }
0x21: {  	s4 =	sadd.s32 s0, s26;
	s17 =	sadd.s32 $0x4B0, s7;
	[dreg:$0x14] =	wrdreg s25  }
0x22: {  	s23 =	sadd.s32 $0x5A0, s7;
	[dreg:$0x15] =	wrdreg s4;
	s1 =	sadd.s32 s0, s16  }
0x23: {  	s4 =	sshll.u32 s14, $0x4;
	s12 =	sshrl.u32 s17, $0x3;
	s20 =	sshll.u32 s17, $0x4  }
0x24: {  	s21 =	sadd.s32 $0x528, s7;
	s24 =	sshrl.u32 s23, $0x3;
	s25 =	sadd.s32 $0x618, s7  }
0x25: {  	s14 =	sadd.s32 $0x708, s7;
	s17 =	sadd.s32 $0x780, s7;
	[dreg:$0x17] =	wrdreg s1  }
0x26: {  	s18 =	sadd.s32 s5, s4;
	s4 =	sor.u32 $0x1C07, s15;
	s19 =	sadd.s32 s0, s12  }
0x27: {  	s31 =	sadd.s32 s5, s20;
	s22 =	sshrl.u32 s21, $0x3;
	s10 =	sshll.u32 s21, $0x4  }
0x28: {  	s1 =	sshll.u32 s23, $0x4;
	s26 =	sadd.s32 s0, s24;
	s11 =	sshll.u32 s25, $0x4  }
0x29: {  	s12 =	sadd.s32 $0x690, s7;
	s16 =	sshrl.u32 s14, $0x3;
	s20 =	sshrl.u32 s17, $0x3  }
0x2a: {  	s21 =	smax.u32 s8, $0x1;
	s7 =	sshrl.u32 s9, $0x3;
	[dreg:$0x18] =	wrdreg s18  }
0x2b: {  	s8 =	simm.s32 $0x100;
	s9 =	simm.s32 $0x5;
	[dreg:$0x19] =	wrdreg s19  }
0x2c: {  	s29 =	sadd.s32 s0, s22;
	s30 =	sadd.s32 s5, s10;
	s28 =	sadd.s32 s5, s1  }
0x2d: {  	s10 =	sshrl.u32 s25, $0x3;
	s25 =	sadd.s32 s5, s11;
	s13 =	sshrl.u32 s12, $0x3  }
0x2e: {  	s15 =	sshll.u32 s12, $0x4;
	s18 =	sadd.s32 s0, s16;
	s19 =	sshll.u32 s14, $0x4  }
0x2f: {  	s1 =	sshll.u32 s17, $0x4;
	s12 =	simm.s32 $0x80;
	s17 =	simm.s32 $0x3D00  }
0x30: {  	s11 =	simm.s32 $0x1;
	p1 =	sne.s32 s21, $0x1;
	s14 =	simm.s32 $0x78  }
.Ltmp0:
0x31: {  	s24 =	sadd.s32 s0, s10;
	s22 =	sadd.s32 s0, s13;
	(pc) =	sbr.rel @!p1 .LBB2_3-.Ltmp0, $4  }
0x32: {  	s23 =	sadd.s32 s5, s15;
	s19 =	sadd.s32 s5, s19;
	s15 =	sadd.s32 s0, s20  }
0x33: {  	s16 =	sadd.s32 s5, s1;
	s5 =	sadd.s32 $0x7C00, s6;
	s6 =	simm.s32 $0x7  }
0x34: {  	s0 =	sadd.s32 $0xFFFFFFFF, s21;
	s13 =	simm.s32 $0x3;
	s21 =	simm.s32 $0x2  }
0x35: {  	s20 =	simm.s32 $0x4;
	s10 =	simm.s32 $0x6;
	s1 =	rddreg [dreg:$0x4]  }
0x36: {  	[spmem:s7], [sflag:s4] =	dma.local [hbm:s1], $0x1700  }
0x37: {  	_ =	swait.ge [sflag:s6], $0x1700  }
0x38: {  	[sflag:s6] =	ssyncset.done $0x0  }
0x39: {  	[sflag:s6] =	ssyncadd.s32 $0xFFFFE900  }
0x3a: {  	[bflag:$0x0] =	sbarrier.arrive $0xFFFF  }
0x3b: {  	s1 =	rddreg [dreg:$0x5]  }
0x3c: {  	[dreg:$0x1a] =	wrdreg s0  }
0x3d: {  	[tilespmem:s3], [sflag:$0x1] =	stream.linear.gather [hbm4b:s1+s3], $0x78, $0x38;
	[tilespmem:$0x13100] =	vst v63  }
0x3e: {  	s0 =	rddreg [dreg:$0x6]  }
0x3f: {  	[tilespmem:s8], [sflag:$0x3] =	stream.linear.gather [hbm4b:s0+s3], $0x3C00, $0x38;
	[tilespmem:$0x13100] =	vst v63  }
0x40: {  	s1 =	rddreg [dreg:$0x7]  }
0x41: {  	[tilespmem:s12], [sflag:$0x2] =	stream.linear.gather [hbm4b:s1+s3], $0x78, $0x38;
	[tilespmem:$0x13100] =	vst v63  }
0x42: {  	s0 =	rddreg [dreg:$0x8]  }
0x43: {  	[tilespmem:s17], [sflag:$0x4] =	stream.linear.gather [hbm4b:s0+s3], $0x3C00, $0x38;
	[tilespmem:$0x13100] =	vst v63  }
0x44: {  	_ =	swait.ge [sflag:s11], $0x78  }
0x45: {  	[sflag:s11] =	ssyncset.done $0x0  }
0x46: {  	[sflag:s11] =	ssyncadd.s32 $0xFFFFFF88  }
0x47: {  	_ =	swait.ge [sflag:s13], $0x3C00  }
0x48: {  	[sflag:s13] =	ssyncset.done $0x0  }
0x49: {  	[sflag:s13] =	ssyncadd.s32 $0xFFFFC400  }
0x4a: {  	[spmem:s2] =	stream.indirect.scatter.add.f32 [tilespmem:s8], [sflag:$0x5], $0x80, s3, s14, $0xb8;
	[tilespmem:$0x13100] =	vst v63  }
0x4b: {  	_ =	swait.ge [sflag:s9], $0x3C00  }
0x4c: {  	[sflag:s9] =	ssyncset.done $0x0  }
0x4d: {  	s0 =	rddreg [dreg:$0x9];
	[sflag:s9] =	ssyncadd.s32 $0xFFFFC400  }
0x4e: {  	[tilespmem:s3], [sflag:$0x1] =	stream.linear.gather [hbm4b:s0+s3], $0x78, $0x38;
	[tilespmem:$0x13100] =	vst v63  }
0x4f: {  	s1 =	rddreg [dreg:$0xa]  }
0x50: {  	[tilespmem:s8], [sflag:$0x3] =	stream.linear.gather [hbm4b:s1+s3], $0x3C00, $0x38;
	[tilespmem:$0x13100] =	vst v63  }
0x51: {  	_ =	swait.ge [sflag:s21], $0x78  }
0x52: {  	[sflag:s21] =	ssyncset.done $0x0  }
0x53: {  	[sflag:s21] =	ssyncadd.s32 $0xFFFFFF88  }
0x54: {  	_ =	swait.ge [sflag:s20], $0x3C00  }
0x55: {  	[sflag:s20] =	ssyncset.done $0x0  }
0x56: {  	[sflag:s20] =	ssyncadd.s32 $0xFFFFC400  }
0x57: {  	[spmem:s2] =	stream.indirect.scatter.add.f32 [tilespmem:s17], [sflag:$0x6], $0x80, s12, s14, $0xb8;
	[tilespmem:$0x13100] =	vst v63  }
0x58: {  	_ =	swait.ge [sflag:s10], $0x3C00  }
0x59: {  	[sflag:s10] =	ssyncset.done $0x0  }
0x5a: {  	s0 =	rddreg [dreg:$0xb];
	[sflag:s10] =	ssyncadd.s32 $0xFFFFC400  }
0x5b: {  	[tilespmem:s12], [sflag:$0x2] =	stream.linear.gather [hbm4b:s0+s3], $0x78, $0x38;
	[tilespmem:$0x13100] =	vst v63  }
0x5c: {  	s1 =	rddreg [dreg:$0xc]  }
0x5d: {  	[tilespmem:s17], [sflag:$0x4] =	stream.linear.gather [hbm4b:s1+s3], $0x3C00, $0x38;
	[tilespmem:$0x13100] =	vst v63  }
0x5e: {  	_ =	swait.ge [sflag:s11], $0x78  }
0x5f: {  	[sflag:s11] =	ssyncset.done $0x0  }
0x60: {  	[sflag:s11] =	ssyncadd.s32 $0xFFFFFF88  }
0x61: {  	_ =	swait.ge [sflag:s13], $0x3C00  }
0x62: {  	[sflag:s13] =	ssyncset.done $0x0  }
0x63: {  	[sflag:s13] =	ssyncadd.s32 $0xFFFFC400  }
0x64: {  	[spmem:s2] =	stream.indirect.scatter.add.f32 [tilespmem:s8], [sflag:$0x5], $0x80, s3, s14, $0xb8;
	[tilespmem:$0x13100] =	vst v63  }
0x65: {  	_ =	swait.ge [sflag:s9], $0x3C00  }
0x66: {  	[sflag:s9] =	ssyncset.done $0x0  }
0x67: {  	s0 =	rddreg [dreg:$0xd];
	[sflag:s9] =	ssyncadd.s32 $0xFFFFC400  }
0x68: {  	[tilespmem:s3], [sflag:$0x1] =	stream.linear.gather [hbm4b:s0+s3], $0x78, $0x38;
	[tilespmem:$0x13100] =	vst v63  }
0x69: {  	s1 =	rddreg [dreg:$0xe]  }
0x6a: {  	[tilespmem:s8], [sflag:$0x3] =	stream.linear.gather [hbm4b:s1+s3], $0x3C00, $0x38;
	[tilespmem:$0x13100] =	vst v63  }
0x6b: {  	_ =	swait.ge [sflag:s21], $0x78  }
0x6c: {  	[sflag:s21] =	ssyncset.done $0x0  }
0x6d: {  	[sflag:s21] =	ssyncadd.s32 $0xFFFFFF88  }
0x6e: {  	_ =	swait.ge [sflag:s20], $0x3C00  }
0x6f: {  	[sflag:s20] =	ssyncset.done $0x0  }
0x70: {  	[sflag:s20] =	ssyncadd.s32 $0xFFFFC400  }
0x71: {  	[spmem:s2] =	stream.indirect.scatter.add.f32 [tilespmem:s17], [sflag:$0x6], $0x80, s12, s14, $0xb8;
	[tilespmem:$0x13100] =	vst v63  }
0x72: {  	_ =	swait.ge [sflag:s10], $0x3C00  }
0x73: {  	[sflag:s10] =	ssyncset.done $0x0  }
0x74: {  	s0 =	rddreg [dreg:$0xf];
	[sflag:s10] =	ssyncadd.s32 $0xFFFFC400  }
0x75: {  	[tilespmem:s12], [sflag:$0x2] =	stream.linear.gather [hbm4b:s0+s3], $0x78, $0x38;
	[tilespmem:$0x13100] =	vst v63  }
0x76: {  	s1 =	rddreg [dreg:$0x10]  }
0x77: {  	[tilespmem:s17], [sflag:$0x4] =	stream.linear.gather [hbm4b:s1+s3], $0x3C00, $0x38;
	[tilespmem:$0x13100] =	vst v63  }
0x78: {  	_ =	swait.ge [sflag:s11], $0x78  }
0x79: {  	[sflag:s11] =	ssyncset.done $0x0  }
0x7a: {  	[sflag:s11] =	ssyncadd.s32 $0xFFFFFF88  }
0x7b: {  	_ =	swait.ge [sflag:s13], $0x3C00  }
0x7c: {  	[sflag:s13] =	ssyncset.done $0x0  }
0x7d: {  	[sflag:s13] =	ssyncadd.s32 $0xFFFFC400  }
0x7e: {  	[spmem:s2] =	stream.indirect.scatter.add.f32 [tilespmem:s8], [sflag:$0x5], $0x80, s3, s14, $0xb8;
	[tilespmem:$0x13100] =	vst v63  }
0x7f: {  	_ =	swait.ge [sflag:s9], $0x3C00  }
0x80: {  	[sflag:s9] =	ssyncset.done $0x0  }
0x81: {  	s0 =	rddreg [dreg:$0x11];
	[sflag:s9] =	ssyncadd.s32 $0xFFFFC400  }
0x82: {  	[tilespmem:s3], [sflag:$0x1] =	stream.linear.gather [hbm4b:s0+s3], $0x78, $0x38;
	[tilespmem:$0x13100] =	vst v63  }
0x83: {  	s1 =	rddreg [dreg:$0x12]  }
0x84: {  	[tilespmem:s8], [sflag:$0x3] =	stream.linear.gather [hbm4b:s1+s3], $0x3C00, $0x38;
	[tilespmem:$0x13100] =	vst v63  }
0x85: {  	_ =	swait.ge [sflag:s21], $0x78  }
0x86: {  	[sflag:s21] =	ssyncset.done $0x0  }
0x87: {  	[sflag:s21] =	ssyncadd.s32 $0xFFFFFF88  }
0x88: {  	_ =	swait.ge [sflag:s20], $0x3C00  }
0x89: {  	[sflag:s20] =	ssyncset.done $0x0  }
0x8a: {  	[sflag:s20] =	ssyncadd.s32 $0xFFFFC400  }
0x8b: {  	[spmem:s2] =	stream.indirect.scatter.add.f32 [tilespmem:s17], [sflag:$0x6], $0x80, s12, s14, $0xb8;
	[tilespmem:$0x13100] =	vst v63  }
0x8c: {  	_ =	swait.ge [sflag:s10], $0x3C00  }
0x8d: {  	[sflag:s10] =	ssyncset.done $0x0  }
0x8e: {  	s0 =	rddreg [dreg:$0x13];
	[sflag:s10] =	ssyncadd.s32 $0xFFFFC400  }
0x8f: {  	[tilespmem:s12], [sflag:$0x2] =	stream.linear.gather [hbm4b:s0+s3], $0x78, $0x38;
	[tilespmem:$0x13100] =	vst v63  }
0x90: {  	s1 =	rddreg [dreg:$0x14]  }
0x91: {  	[tilespmem:s17], [sflag:$0x4] =	stream.linear.gather [hbm4b:s1+s3], $0x3C00, $0x38;
	[tilespmem:$0x13100] =	vst v63  }
0x92: {  	_ =	swait.ge [sflag:s11], $0x78  }
0x93: {  	[sflag:s11] =	ssyncset.done $0x0  }
0x94: {  	[sflag:s11] =	ssyncadd.s32 $0xFFFFFF88  }
0x95: {  	_ =	swait.ge [sflag:s13], $0x3C00  }
0x96: {  	[sflag:s13] =	ssyncset.done $0x0  }
0x97: {  	[sflag:s13] =	ssyncadd.s32 $0xFFFFC400  }
0x98: {  	[spmem:s2] =	stream.indirect.scatter.add.f32 [tilespmem:s8], [sflag:$0x5], $0x80, s3, s14, $0xb8;
	[tilespmem:$0x13100] =	vst v63  }
0x99: {  	_ =	swait.ge [sflag:s9], $0x3C00  }
0x9a: {  	[sflag:s9] =	ssyncset.done $0x0  }
0x9b: {  	s0 =	rddreg [dreg:$0x15];
	[sflag:s9] =	ssyncadd.s32 $0xFFFFC400  }
0x9c: {  	[tilespmem:s3], [sflag:$0x1] =	stream.linear.gather [hbm4b:s0+s3], $0x78, $0x38;
	[tilespmem:$0x13100] =	vst v63  }
0x9d: {  	s1 =	rddreg [dreg:$0x16]  }
0x9e: {  	[tilespmem:s8], [sflag:$0x3] =	stream.linear.gather [hbm4b:s1+s3], $0x3C00, $0x38;
	[tilespmem:$0x13100] =	vst v63  }
0x9f: {  	_ =	swait.ge [sflag:s21], $0x78  }
0xa0: {  	[sflag:s21] =	ssyncset.done $0x0  }
0xa1: {  	[sflag:s21] =	ssyncadd.s32 $0xFFFFFF88  }
0xa2: {  	_ =	swait.ge [sflag:s20], $0x3C00  }
0xa3: {  	[sflag:s20] =	ssyncset.done $0x0  }
0xa4: {  	[sflag:s20] =	ssyncadd.s32 $0xFFFFC400  }
0xa5: {  	[spmem:s2] =	stream.indirect.scatter.add.f32 [tilespmem:s17], [sflag:$0x6], $0x80, s12, s14, $0xb8;
	[tilespmem:$0x13100] =	vst v63  }
0xa6: {  	_ =	swait.ge [sflag:s10], $0x3C00  }
0xa7: {  	[sflag:s10] =	ssyncset.done $0x0  }
0xa8: {  	s0 =	rddreg [dreg:$0x17];
	[sflag:s10] =	ssyncadd.s32 $0xFFFFC400  }
0xa9: {  	[tilespmem:s12], [sflag:$0x2] =	stream.linear.gather [hbm4b:s0+s3], $0x78, $0x38;
	[tilespmem:$0x13100] =	vst v63  }
0xaa: {  	s1 =	rddreg [dreg:$0x18]  }
0xab: {  	[tilespmem:s17], [sflag:$0x4] =	stream.linear.gather [hbm4b:s1+s3], $0x3C00, $0x38;
	[tilespmem:$0x13100] =	vst v63  }
0xac: {  	_ =	swait.ge [sflag:s11], $0x78  }
0xad: {  	[sflag:s11] =	ssyncset.done $0x0  }
0xae: {  	[sflag:s11] =	ssyncadd.s32 $0xFFFFFF88  }
0xaf: {  	_ =	swait.ge [sflag:s13], $0x3C00  }
0xb0: {  	[sflag:s13] =	ssyncset.done $0x0  }
0xb1: {  	[sflag:s13] =	ssyncadd.s32 $0xFFFFC400  }
0xb2: {  	[spmem:s2] =	stream.indirect.scatter.add.f32 [tilespmem:s8], [sflag:$0x5], $0x80, s3, s14, $0xb8;
	[tilespmem:$0x13100] =	vst v63  }
0xb3: {  	_ =	swait.ge [sflag:s9], $0x3C00  }
0xb4: {  	[sflag:s9] =	ssyncset.done $0x0  }
0xb5: {  	s1 =	rddreg [dreg:$0x19];
	[sflag:s9] =	ssyncadd.s32 $0xFFFFC400  }
0xb6: {  	[tilespmem:s3], [sflag:$0x1] =	stream.linear.gather [hbm4b:s1+s3], $0x78, $0x38;
	[tilespmem:$0x13100] =	vst v63  }
0xb7: {  	_ = 	snop  }
0xb8: {  	[tilespmem:s8], [sflag:$0x3] =	stream.linear.gather [hbm4b:s31+s3], $0x3C00, $0x38;
	[tilespmem:$0x13100] =	vst v63  }
0xb9: {  	_ =	swait.ge [sflag:s21], $0x78  }
0xba: {  	[sflag:s21] =	ssyncset.done $0x0  }
0xbb: {  	[sflag:s21] =	ssyncadd.s32 $0xFFFFFF88  }
0xbc: {  	_ =	swait.ge [sflag:s20], $0x3C00  }
0xbd: {  	[sflag:s20] =	ssyncset.done $0x0  }
0xbe: {  	[sflag:s20] =	ssyncadd.s32 $0xFFFFC400  }
0xbf: {  	[spmem:s2] =	stream.indirect.scatter.add.f32 [tilespmem:s17], [sflag:$0x6], $0x80, s12, s14, $0xb8;
	[tilespmem:$0x13100] =	vst v63  }
0xc0: {  	_ =	swait.ge [sflag:s10], $0x3C00  }
0xc1: {  	[sflag:s10] =	ssyncset.done $0x0  }
0xc2: {  	[sflag:s10] =	ssyncadd.s32 $0xFFFFC400  }
0xc3: {  	[tilespmem:s12], [sflag:$0x2] =	stream.linear.gather [hbm4b:s29+s3], $0x78, $0x38;
	[tilespmem:$0x13100] =	vst v63  }
0xc4: {  	_ = 	snop  }
0xc5: {  	[tilespmem:s17], [sflag:$0x4] =	stream.linear.gather [hbm4b:s30+s3], $0x3C00, $0x38;
	[tilespmem:$0x13100] =	vst v63  }
0xc6: {  	_ =	swait.ge [sflag:s11], $0x78  }
0xc7: {  	[sflag:s11] =	ssyncset.done $0x0  }
0xc8: {  	[sflag:s11] =	ssyncadd.s32 $0xFFFFFF88  }
0xc9: {  	_ =	swait.ge [sflag:s13], $0x3C00  }
0xca: {  	[sflag:s13] =	ssyncset.done $0x0  }
0xcb: {  	[sflag:s13] =	ssyncadd.s32 $0xFFFFC400  }
0xcc: {  	[spmem:s2] =	stream.indirect.scatter.add.f32 [tilespmem:s8], [sflag:$0x5], $0x80, s3, s14, $0xb8;
	[tilespmem:$0x13100] =	vst v63  }
0xcd: {  	_ =	swait.ge [sflag:s9], $0x3C00  }
0xce: {  	[sflag:s9] =	ssyncset.done $0x0  }
0xcf: {  	[sflag:s9] =	ssyncadd.s32 $0xFFFFC400  }
0xd0: {  	[tilespmem:s3], [sflag:$0x1] =	stream.linear.gather [hbm4b:s26+s3], $0x78, $0x38;
	[tilespmem:$0x13100] =	vst v63  }
0xd1: {  	_ = 	snop  }
0xd2: {  	[tilespmem:s8], [sflag:$0x3] =	stream.linear.gather [hbm4b:s28+s3], $0x3C00, $0x38;
	[tilespmem:$0x13100] =	vst v63  }
0xd3: {  	_ =	swait.ge [sflag:s21], $0x78  }
0xd4: {  	[sflag:s21] =	ssyncset.done $0x0  }
0xd5: {  	[sflag:s21] =	ssyncadd.s32 $0xFFFFFF88  }
0xd6: {  	_ =	swait.ge [sflag:s20], $0x3C00  }
0xd7: {  	[sflag:s20] =	ssyncset.done $0x0  }
0xd8: {  	[sflag:s20] =	ssyncadd.s32 $0xFFFFC400  }
0xd9: {  	[spmem:s2] =	stream.indirect.scatter.add.f32 [tilespmem:s17], [sflag:$0x6], $0x80, s12, s14, $0xb8;
	[tilespmem:$0x13100] =	vst v63  }
0xda: {  	_ =	swait.ge [sflag:s10], $0x3C00  }
0xdb: {  	[sflag:s10] =	ssyncset.done $0x0  }
0xdc: {  	[sflag:s10] =	ssyncadd.s32 $0xFFFFC400  }
0xdd: {  	[tilespmem:s12], [sflag:$0x2] =	stream.linear.gather [hbm4b:s24+s3], $0x78, $0x38;
	[tilespmem:$0x13100] =	vst v63  }
0xde: {  	_ = 	snop  }
0xdf: {  	[tilespmem:s17], [sflag:$0x4] =	stream.linear.gather [hbm4b:s25+s3], $0x3C00, $0x38;
	[tilespmem:$0x13100] =	vst v63  }
0xe0: {  	_ =	swait.ge [sflag:s11], $0x78  }
0xe1: {  	[sflag:s11] =	ssyncset.done $0x0  }
0xe2: {  	[sflag:s11] =	ssyncadd.s32 $0xFFFFFF88  }
0xe3: {  	_ =	swait.ge [sflag:s13], $0x3C00  }
0xe4: {  	[sflag:s13] =	ssyncset.done $0x0  }
0xe5: {  	[sflag:s13] =	ssyncadd.s32 $0xFFFFC400  }
0xe6: {  	[spmem:s2] =	stream.indirect.scatter.add.f32 [tilespmem:s8], [sflag:$0x5], $0x80, s3, s14, $0xb8;
	[tilespmem:$0x13100] =	vst v63  }
0xe7: {  	_ =	swait.ge [sflag:s9], $0x3C00  }
0xe8: {  	[sflag:s9] =	ssyncset.done $0x0  }
0xe9: {  	[sflag:s9] =	ssyncadd.s32 $0xFFFFC400  }
0xea: {  	[tilespmem:s3], [sflag:$0x1] =	stream.linear.gather [hbm4b:s22+s3], $0x78, $0x38;
	[tilespmem:$0x13100] =	vst v63  }
0xeb: {  	_ = 	snop  }
0xec: {  	[tilespmem:s8], [sflag:$0x3] =	stream.linear.gather [hbm4b:s23+s3], $0x3C00, $0x38;
	[tilespmem:$0x13100] =	vst v63  }
0xed: {  	_ =	swait.ge [sflag:s21], $0x78  }
0xee: {  	[sflag:s21] =	ssyncset.done $0x0  }
0xef: {  	[sflag:s21] =	ssyncadd.s32 $0xFFFFFF88  }
0xf0: {  	_ =	swait.ge [sflag:s20], $0x3C00  }
0xf1: {  	[sflag:s20] =	ssyncset.done $0x0  }
0xf2: {  	[sflag:s20] =	ssyncadd.s32 $0xFFFFC400  }
0xf3: {  	[spmem:s2] =	stream.indirect.scatter.add.f32 [tilespmem:s17], [sflag:$0x6], $0x80, s12, s14, $0xb8;
	[tilespmem:$0x13100] =	vst v63  }
0xf4: {  	_ =	swait.ge [sflag:s10], $0x3C00  }
0xf5: {  	[sflag:s10] =	ssyncset.done $0x0  }
0xf6: {  	[sflag:s10] =	ssyncadd.s32 $0xFFFFC400  }
0xf7: {  	[tilespmem:s12], [sflag:$0x2] =	stream.linear.gather [hbm4b:s18+s3], $0x78, $0x38;
	[tilespmem:$0x13100] =	vst v63  }
0xf8: {  	_ = 	snop  }
0xf9: {  	[tilespmem:s17], [sflag:$0x4] =	stream.linear.gather [hbm4b:s19+s3], $0x3C00, $0x38;
	[tilespmem:$0x13100] =	vst v63  }
0xfa: {  	_ =	swait.ge [sflag:s11], $0x78  }
0xfb: {  	[sflag:s11] =	ssyncset.done $0x0  }
0xfc: {  	[sflag:s11] =	ssyncadd.s32 $0xFFFFFF88  }
0xfd: {  	_ =	swait.ge [sflag:s13], $0x3C00  }
0xfe: {  	[sflag:s13] =	ssyncset.done $0x0  }
0xff: {  	[sflag:s13] =	ssyncadd.s32 $0xFFFFC400  }
0x100: {  	[spmem:s2] =	stream.indirect.scatter.add.f32 [tilespmem:s8], [sflag:$0x5], $0x80, s3, s14, $0xb8;
	[tilespmem:$0x13100] =	vst v63  }
0x101: {  	_ =	swait.ge [sflag:s9], $0x3C00  }
0x102: {  	[sflag:s9] =	ssyncset.done $0x0  }
0x103: {  	[sflag:s9] =	ssyncadd.s32 $0xFFFFC400  }
0x104: {  	[tilespmem:s3], [sflag:$0x1] =	stream.linear.gather [hbm4b:s15+s3], $0x78, $0x38;
	[tilespmem:$0x13100] =	vst v63  }
0x105: {  	_ = 	snop  }
0x106: {  	[tilespmem:s8], [sflag:$0x3] =	stream.linear.gather [hbm4b:s16+s3], $0x3C00, $0x38;
	[tilespmem:$0x13100] =	vst v63  }
0x107: {  	_ =	swait.ge [sflag:s21], $0x78  }
0x108: {  	[sflag:s21] =	ssyncset.done $0x0  }
0x109: {  	[sflag:s21] =	ssyncadd.s32 $0xFFFFFF88  }
0x10a: {  	_ =	swait.ge [sflag:s20], $0x3C00  }
0x10b: {  	[sflag:s20] =	ssyncset.done $0x0  }
0x10c: {  	[sflag:s20] =	ssyncadd.s32 $0xFFFFC400  }
0x10d: {  	[spmem:s2] =	stream.indirect.scatter.add.f32 [tilespmem:s17], [sflag:$0x6], $0x80, s12, s14, $0xb8;
	[tilespmem:$0x13100] =	vst v63  }
0x10e: {  	_ =	swait.ge [sflag:s11], $0x78  }
0x10f: {  	[sflag:s11] =	ssyncset.done $0x0  }
0x110: {  	[sflag:s11] =	ssyncadd.s32 $0xFFFFFF88  }
0x111: {  	_ =	swait.ge [sflag:s13], $0x3C00  }
0x112: {  	[sflag:s13] =	ssyncset.done $0x0  }
0x113: {  	[sflag:s13] =	ssyncadd.s32 $0xFFFFC400  }
0x114: {  	[spmem:s2] =	stream.indirect.scatter.add.f32 [tilespmem:s8], [sflag:$0x5], $0x80, s3, s14, $0xb8;
	[tilespmem:$0x13100] =	vst v63  }
0x115: {  	_ =	swait.ge [sflag:s9], $0x3C00  }
0x116: {  	[sflag:s9] =	ssyncset.done $0x0  }
0x117: {  	[sflag:s9] =	ssyncadd.s32 $0xFFFFC400  }
0x118: {  	_ =	swait.ge [sflag:s10], $0x3C00  }
0x119: {  	[sflag:s10] =	ssyncset.done $0x0  }
0x11a: {  	[sflag:s10] =	ssyncadd.s32 $0xFFFFC400  }
0x11b: {  	[bflag:$0x0] =	sbarrier.arrive $0xFFFF  }
0x11c: {  	[hbm:s5], [sflag:s4] =	dma.local [spmem:s7], $0x1700  }
0x11d: {  	s1 =	rddreg [dreg:$0x1a]  }
0x11e: {  	p1 =	sne.s32 s1, $0x1  }
.Ltmp1:
0x11f: {  	_ = 	snop;
	(pc) =	sbr.rel @!p1 .LBB2_3-.Ltmp1, $3  }
0x120: {  	_ =	sdelay $0x1  }
0x121: {  	p0 =	por $0x1, $0x1;
	_ =	swait.ge [sflag:s6], $0x1700  }
0x122: {  	s0 =	sadd.s32 $0xFFFFFFFF, s1;
	s1 =	rddreg [dreg:$0x4];
	[sflag:s6] =	ssyncset.done $0x0  }
.LBB2_2:
0x123: {  	[sflag:s6] =	ssyncadd.s32 $0xFFFFE900  }
0x124: {  	[spmem:s7], [sflag:s4] =	dma.local [hbm:s1], $0x1700  }
0x125: {  	_ =	swait.ge [sflag:s6], $0x1700  }
0x126: {  	[sflag:s6] =	ssyncset.done $0x0  }
0x127: {  	[sflag:s6] =	ssyncadd.s32 $0xFFFFE900;
	s6 =	smov.u32 s7  }
0x128: {  	s7 =	smov.u32 s4;
	s4 =	smov.u32 s31;
	s31 =	smov.u32 s30  }
0x129: {  	s30 =	smov.u32 s29;
	s29 =	smov.u32 s28;
	s28 =	smov.u32 s26  }
0x12a: {  	s26 =	smov.u32 s25;
	s25 =	smov.u32 s24;
	s24 =	smov.u32 s23  }
0x12b: {  	s23 =	smov.u32 s22;
	s22 =	smov.u32 s19;
	[bflag:$0x0] =	sbarrier.arrive $0xFFFF  }
0x12c: {  	s19 =	smov.u32 s18;
	s18 =	smov.u32 s16;
	s1 =	rddreg [dreg:$0x5]  }
0x12d: {  	[tilespmem:s3], [sflag:$0x1] =	stream.linear.gather [hbm4b:s1+s3], $0x78, $0x38;
	[tilespmem:$0x13100] =	vst v63  }
0x12e: {  	s16 =	smov.u32 s15;
	s15 =	smov.u32 s5;
	s5 =	rddreg [dreg:$0x6]  }
0x12f: {  	[tilespmem:s8], [sflag:$0x3] =	stream.linear.gather [hbm4b:s5+s3], $0x3C00, $0x38;
	[tilespmem:$0x13100] =	vst v63  }
0x130: {  	s1 =	rddreg [dreg:$0x7]  }
0x131: {  	[tilespmem:s12], [sflag:$0x2] =	stream.linear.gather [hbm4b:s1+s3], $0x78, $0x38;
	[tilespmem:$0x13100] =	vst v63  }
0x132: {  	s5 =	rddreg [dreg:$0x8]  }
0x133: {  	[tilespmem:s17], [sflag:$0x4] =	stream.linear.gather [hbm4b:s5+s3], $0x3C00, $0x38;
	[tilespmem:$0x13100] =	vst v63  }
0x134: {  	_ =	swait.ge [sflag:s11], $0x78  }
0x135: {  	[sflag:s11] =	ssyncset.done $0x0  }
0x136: {  	[sflag:s11] =	ssyncadd.s32 $0xFFFFFF88  }
0x137: {  	_ =	swait.ge [sflag:s13], $0x3C00  }
0x138: {  	[sflag:s13] =	ssyncset.done $0x0  }
0x139: {  	[sflag:s13] =	ssyncadd.s32 $0xFFFFC400  }
0x13a: {  	[spmem:s2] =	stream.indirect.scatter.add.f32 [tilespmem:s8], [sflag:$0x5], $0x80, s3, s14, $0xb8;
	[tilespmem:$0x13100] =	vst v63  }
0x13b: {  	_ =	swait.ge [sflag:s9], $0x3C00  }
0x13c: {  	[sflag:s9] =	ssyncset.done $0x0  }
0x13d: {  	s1 =	rddreg [dreg:$0x9];
	[sflag:s9] =	ssyncadd.s32 $0xFFFFC400  }
0x13e: {  	[tilespmem:s3], [sflag:$0x1] =	stream.linear.gather [hbm4b:s1+s3], $0x78, $0x38;
	[tilespmem:$0x13100] =	vst v63  }
0x13f: {  	s5 =	rddreg [dreg:$0xa]  }
0x140: {  	[tilespmem:s8], [sflag:$0x3] =	stream.linear.gather [hbm4b:s5+s3], $0x3C00, $0x38;
	[tilespmem:$0x13100] =	vst v63  }
0x141: {  	_ =	swait.ge [sflag:s21], $0x78  }
0x142: {  	[sflag:s21] =	ssyncset.done $0x0  }
0x143: {  	[sflag:s21] =	ssyncadd.s32 $0xFFFFFF88  }
0x144: {  	_ =	swait.ge [sflag:s20], $0x3C00  }
0x145: {  	[sflag:s20] =	ssyncset.done $0x0  }
0x146: {  	[sflag:s20] =	ssyncadd.s32 $0xFFFFC400  }
0x147: {  	[spmem:s2] =	stream.indirect.scatter.add.f32 [tilespmem:s17], [sflag:$0x6], $0x80, s12, s14, $0xb8;
	[tilespmem:$0x13100] =	vst v63  }
0x148: {  	_ =	swait.ge [sflag:s10], $0x3C00  }
0x149: {  	[sflag:s10] =	ssyncset.done $0x0  }
0x14a: {  	s1 =	rddreg [dreg:$0xb];
	[sflag:s10] =	ssyncadd.s32 $0xFFFFC400  }
0x14b: {  	[tilespmem:s12], [sflag:$0x2] =	stream.linear.gather [hbm4b:s1+s3], $0x78, $0x38;
	[tilespmem:$0x13100] =	vst v63  }
0x14c: {  	s5 =	rddreg [dreg:$0xc]  }
0x14d: {  	[tilespmem:s17], [sflag:$0x4] =	stream.linear.gather [hbm4b:s5+s3], $0x3C00, $0x38;
	[tilespmem:$0x13100] =	vst v63  }
0x14e: {  	_ =	swait.ge [sflag:s11], $0x78  }
0x14f: {  	[sflag:s11] =	ssyncset.done $0x0  }
0x150: {  	[sflag:s11] =	ssyncadd.s32 $0xFFFFFF88  }
0x151: {  	_ =	swait.ge [sflag:s13], $0x3C00  }
0x152: {  	[sflag:s13] =	ssyncset.done $0x0  }
0x153: {  	[sflag:s13] =	ssyncadd.s32 $0xFFFFC400  }
0x154: {  	[spmem:s2] =	stream.indirect.scatter.add.f32 [tilespmem:s8], [sflag:$0x5], $0x80, s3, s14, $0xb8;
	[tilespmem:$0x13100] =	vst v63  }
0x155: {  	_ =	swait.ge [sflag:s9], $0x3C00  }
0x156: {  	[sflag:s9] =	ssyncset.done $0x0  }
0x157: {  	s1 =	rddreg [dreg:$0xd];
	[sflag:s9] =	ssyncadd.s32 $0xFFFFC400  }
0x158: {  	[tilespmem:s3], [sflag:$0x1] =	stream.linear.gather [hbm4b:s1+s3], $0x78, $0x38;
	[tilespmem:$0x13100] =	vst v63  }
0x159: {  	s5 =	rddreg [dreg:$0xe]  }
0x15a: {  	[tilespmem:s8], [sflag:$0x3] =	stream.linear.gather [hbm4b:s5+s3], $0x3C00, $0x38;
	[tilespmem:$0x13100] =	vst v63  }
0x15b: {  	_ =	swait.ge [sflag:s21], $0x78  }
0x15c: {  	[sflag:s21] =	ssyncset.done $0x0  }
0x15d: {  	[sflag:s21] =	ssyncadd.s32 $0xFFFFFF88  }
0x15e: {  	_ =	swait.ge [sflag:s20], $0x3C00  }
0x15f: {  	[sflag:s20] =	ssyncset.done $0x0  }
0x160: {  	[sflag:s20] =	ssyncadd.s32 $0xFFFFC400  }
0x161: {  	[spmem:s2] =	stream.indirect.scatter.add.f32 [tilespmem:s17], [sflag:$0x6], $0x80, s12, s14, $0xb8;
	[tilespmem:$0x13100] =	vst v63  }
0x162: {  	_ =	swait.ge [sflag:s10], $0x3C00  }
0x163: {  	[sflag:s10] =	ssyncset.done $0x0  }
0x164: {  	s1 =	rddreg [dreg:$0xf];
	[sflag:s10] =	ssyncadd.s32 $0xFFFFC400  }
0x165: {  	[tilespmem:s12], [sflag:$0x2] =	stream.linear.gather [hbm4b:s1+s3], $0x78, $0x38;
	[tilespmem:$0x13100] =	vst v63  }
0x166: {  	s5 =	rddreg [dreg:$0x10]  }
0x167: {  	[tilespmem:s17], [sflag:$0x4] =	stream.linear.gather [hbm4b:s5+s3], $0x3C00, $0x38;
	[tilespmem:$0x13100] =	vst v63  }
0x168: {  	_ =	swait.ge [sflag:s11], $0x78  }
0x169: {  	[sflag:s11] =	ssyncset.done $0x0  }
0x16a: {  	[sflag:s11] =	ssyncadd.s32 $0xFFFFFF88  }
0x16b: {  	_ =	swait.ge [sflag:s13], $0x3C00  }
0x16c: {  	[sflag:s13] =	ssyncset.done $0x0  }
0x16d: {  	[sflag:s13] =	ssyncadd.s32 $0xFFFFC400  }
0x16e: {  	[spmem:s2] =	stream.indirect.scatter.add.f32 [tilespmem:s8], [sflag:$0x5], $0x80, s3, s14, $0xb8;
	[tilespmem:$0x13100] =	vst v63  }
0x16f: {  	_ =	swait.ge [sflag:s9], $0x3C00  }
0x170: {  	[sflag:s9] =	ssyncset.done $0x0  }
0x171: {  	s1 =	rddreg [dreg:$0x11];
	[sflag:s9] =	ssyncadd.s32 $0xFFFFC400  }
0x172: {  	[tilespmem:s3], [sflag:$0x1] =	stream.linear.gather [hbm4b:s1+s3], $0x78, $0x38;
	[tilespmem:$0x13100] =	vst v63  }
0x173: {  	s5 =	rddreg [dreg:$0x12]  }
0x174: {  	[tilespmem:s8], [sflag:$0x3] =	stream.linear.gather [hbm4b:s5+s3], $0x3C00, $0x38;
	[tilespmem:$0x13100] =	vst v63  }
0x175: {  	_ =	swait.ge [sflag:s21], $0x78  }
0x176: {  	[sflag:s21] =	ssyncset.done $0x0  }
0x177: {  	[sflag:s21] =	ssyncadd.s32 $0xFFFFFF88  }
0x178: {  	_ =	swait.ge [sflag:s20], $0x3C00  }
0x179: {  	[sflag:s20] =	ssyncset.done $0x0  }
0x17a: {  	[sflag:s20] =	ssyncadd.s32 $0xFFFFC400  }
0x17b: {  	[spmem:s2] =	stream.indirect.scatter.add.f32 [tilespmem:s17], [sflag:$0x6], $0x80, s12, s14, $0xb8;
	[tilespmem:$0x13100] =	vst v63  }
0x17c: {  	_ =	swait.ge [sflag:s10], $0x3C00  }
0x17d: {  	[sflag:s10] =	ssyncset.done $0x0  }
0x17e: {  	s1 =	rddreg [dreg:$0x13];
	[sflag:s10] =	ssyncadd.s32 $0xFFFFC400  }
0x17f: {  	[tilespmem:s12], [sflag:$0x2] =	stream.linear.gather [hbm4b:s1+s3], $0x78, $0x38;
	[tilespmem:$0x13100] =	vst v63  }
0x180: {  	s5 =	rddreg [dreg:$0x14]  }
0x181: {  	[tilespmem:s17], [sflag:$0x4] =	stream.linear.gather [hbm4b:s5+s3], $0x3C00, $0x38;
	[tilespmem:$0x13100] =	vst v63  }
0x182: {  	_ =	swait.ge [sflag:s11], $0x78  }
0x183: {  	[sflag:s11] =	ssyncset.done $0x0  }
0x184: {  	[sflag:s11] =	ssyncadd.s32 $0xFFFFFF88  }
0x185: {  	_ =	swait.ge [sflag:s13], $0x3C00  }
0x186: {  	[sflag:s13] =	ssyncset.done $0x0  }
0x187: {  	[sflag:s13] =	ssyncadd.s32 $0xFFFFC400  }
0x188: {  	[spmem:s2] =	stream.indirect.scatter.add.f32 [tilespmem:s8], [sflag:$0x5], $0x80, s3, s14, $0xb8;
	[tilespmem:$0x13100] =	vst v63  }
0x189: {  	_ =	swait.ge [sflag:s9], $0x3C00  }
0x18a: {  	[sflag:s9] =	ssyncset.done $0x0  }
0x18b: {  	s1 =	rddreg [dreg:$0x15];
	[sflag:s9] =	ssyncadd.s32 $0xFFFFC400  }
0x18c: {  	[tilespmem:s3], [sflag:$0x1] =	stream.linear.gather [hbm4b:s1+s3], $0x78, $0x38;
	[tilespmem:$0x13100] =	vst v63  }
0x18d: {  	s5 =	rddreg [dreg:$0x16]  }
0x18e: {  	[tilespmem:s8], [sflag:$0x3] =	stream.linear.gather [hbm4b:s5+s3], $0x3C00, $0x38;
	[tilespmem:$0x13100] =	vst v63  }
0x18f: {  	_ =	swait.ge [sflag:s21], $0x78  }
0x190: {  	[sflag:s21] =	ssyncset.done $0x0  }
0x191: {  	[sflag:s21] =	ssyncadd.s32 $0xFFFFFF88  }
0x192: {  	_ =	swait.ge [sflag:s20], $0x3C00  }
0x193: {  	[sflag:s20] =	ssyncset.done $0x0  }
0x194: {  	[sflag:s20] =	ssyncadd.s32 $0xFFFFC400  }
0x195: {  	[spmem:s2] =	stream.indirect.scatter.add.f32 [tilespmem:s17], [sflag:$0x6], $0x80, s12, s14, $0xb8;
	[tilespmem:$0x13100] =	vst v63  }
0x196: {  	_ =	swait.ge [sflag:s10], $0x3C00  }
0x197: {  	[sflag:s10] =	ssyncset.done $0x0  }
0x198: {  	s1 =	rddreg [dreg:$0x17];
	[sflag:s10] =	ssyncadd.s32 $0xFFFFC400  }
0x199: {  	[tilespmem:s12], [sflag:$0x2] =	stream.linear.gather [hbm4b:s1+s3], $0x78, $0x38;
	[tilespmem:$0x13100] =	vst v63  }
0x19a: {  	s5 =	rddreg [dreg:$0x18]  }
0x19b: {  	[tilespmem:s17], [sflag:$0x4] =	stream.linear.gather [hbm4b:s5+s3], $0x3C00, $0x38;
	[tilespmem:$0x13100] =	vst v63  }
0x19c: {  	_ =	swait.ge [sflag:s11], $0x78  }
0x19d: {  	[sflag:s11] =	ssyncset.done $0x0  }
0x19e: {  	[sflag:s11] =	ssyncadd.s32 $0xFFFFFF88  }
0x19f: {  	s5 =	smov.u32 s15;
	s15 =	smov.u32 s16;
	_ =	swait.ge [sflag:s13], $0x3C00  }
0x1a0: {  	s16 =	smov.u32 s18;
	s18 =	smov.u32 s19;
	[sflag:s13] =	ssyncset.done $0x0  }
0x1a1: {  	s19 =	smov.u32 s22;
	s22 =	smov.u32 s23;
	[sflag:s13] =	ssyncadd.s32 $0xFFFFC400  }
0x1a2: {  	[spmem:s2] =	stream.indirect.scatter.add.f32 [tilespmem:s8], [sflag:$0x5], $0x80, s3, s14, $0xb8;
	[tilespmem:$0x13100] =	vst v63  }
0x1a3: {  	s23 =	smov.u32 s24;
	s24 =	smov.u32 s25;
	_ =	swait.ge [sflag:s9], $0x3C00  }
0x1a4: {  	s25 =	smov.u32 s26;
	s26 =	smov.u32 s28;
	[sflag:s9] =	ssyncset.done $0x0  }
0x1a5: {  	s28 =	smov.u32 s29;
	s1 =	rddreg [dreg:$0x19];
	[sflag:s9] =	ssyncadd.s32 $0xFFFFC400  }
0x1a6: {  	[tilespmem:s3], [sflag:$0x1] =	stream.linear.gather [hbm4b:s1+s3], $0x78, $0x38;
	[tilespmem:$0x13100] =	vst v63  }
0x1a7: {  	s29 =	smov.u32 s30;
	s30 =	smov.u32 s31;
	s31 =	smov.u32 s4  }
0x1a8: {  	[tilespmem:s8], [sflag:$0x3] =	stream.linear.gather [hbm4b:s31+s3], $0x3C00, $0x38;
	[tilespmem:$0x13100] =	vst v63  }
0x1a9: {  	_ =	swait.ge [sflag:s21], $0x78  }
0x1aa: {  	[sflag:s21] =	ssyncset.done $0x0  }
0x1ab: {  	[sflag:s21] =	ssyncadd.s32 $0xFFFFFF88  }
0x1ac: {  	_ =	swait.ge [sflag:s20], $0x3C00  }
0x1ad: {  	[sflag:s20] =	ssyncset.done $0x0  }
0x1ae: {  	[sflag:s20] =	ssyncadd.s32 $0xFFFFC400  }
0x1af: {  	[spmem:s2] =	stream.indirect.scatter.add.f32 [tilespmem:s17], [sflag:$0x6], $0x80, s12, s14, $0xb8;
	[tilespmem:$0x13100] =	vst v63  }
0x1b0: {  	_ =	swait.ge [sflag:s10], $0x3C00  }
0x1b1: {  	[sflag:s10] =	ssyncset.done $0x0  }
0x1b2: {  	[sflag:s10] =	ssyncadd.s32 $0xFFFFC400  }
0x1b3: {  	[tilespmem:s12], [sflag:$0x2] =	stream.linear.gather [hbm4b:s29+s3], $0x78, $0x38;
	[tilespmem:$0x13100] =	vst v63  }
0x1b4: {  	_ = 	snop  }
0x1b5: {  	[tilespmem:s17], [sflag:$0x4] =	stream.linear.gather [hbm4b:s30+s3], $0x3C00, $0x38;
	[tilespmem:$0x13100] =	vst v63  }
0x1b6: {  	_ =	swait.ge [sflag:s11], $0x78  }
0x1b7: {  	[sflag:s11] =	ssyncset.done $0x0  }
0x1b8: {  	[sflag:s11] =	ssyncadd.s32 $0xFFFFFF88  }
0x1b9: {  	_ =	swait.ge [sflag:s13], $0x3C00  }
0x1ba: {  	[sflag:s13] =	ssyncset.done $0x0  }
0x1bb: {  	[sflag:s13] =	ssyncadd.s32 $0xFFFFC400  }
0x1bc: {  	[spmem:s2] =	stream.indirect.scatter.add.f32 [tilespmem:s8], [sflag:$0x5], $0x80, s3, s14, $0xb8;
	[tilespmem:$0x13100] =	vst v63  }
0x1bd: {  	_ =	swait.ge [sflag:s9], $0x3C00  }
0x1be: {  	[sflag:s9] =	ssyncset.done $0x0  }
0x1bf: {  	[sflag:s9] =	ssyncadd.s32 $0xFFFFC400  }
0x1c0: {  	[tilespmem:s3], [sflag:$0x1] =	stream.linear.gather [hbm4b:s26+s3], $0x78, $0x38;
	[tilespmem:$0x13100] =	vst v63  }
0x1c1: {  	_ = 	snop  }
0x1c2: {  	[tilespmem:s8], [sflag:$0x3] =	stream.linear.gather [hbm4b:s28+s3], $0x3C00, $0x38;
	[tilespmem:$0x13100] =	vst v63  }
0x1c3: {  	_ =	swait.ge [sflag:s21], $0x78  }
0x1c4: {  	[sflag:s21] =	ssyncset.done $0x0  }
0x1c5: {  	[sflag:s21] =	ssyncadd.s32 $0xFFFFFF88  }
0x1c6: {  	_ =	swait.ge [sflag:s20], $0x3C00  }
0x1c7: {  	[sflag:s20] =	ssyncset.done $0x0  }
0x1c8: {  	[sflag:s20] =	ssyncadd.s32 $0xFFFFC400  }
0x1c9: {  	[spmem:s2] =	stream.indirect.scatter.add.f32 [tilespmem:s17], [sflag:$0x6], $0x80, s12, s14, $0xb8;
	[tilespmem:$0x13100] =	vst v63  }
0x1ca: {  	_ =	swait.ge [sflag:s10], $0x3C00  }
0x1cb: {  	[sflag:s10] =	ssyncset.done $0x0  }
0x1cc: {  	[sflag:s10] =	ssyncadd.s32 $0xFFFFC400  }
0x1cd: {  	[tilespmem:s12], [sflag:$0x2] =	stream.linear.gather [hbm4b:s24+s3], $0x78, $0x38;
	[tilespmem:$0x13100] =	vst v63  }
0x1ce: {  	_ = 	snop  }
0x1cf: {  	[tilespmem:s17], [sflag:$0x4] =	stream.linear.gather [hbm4b:s25+s3], $0x3C00, $0x38;
	[tilespmem:$0x13100] =	vst v63  }
0x1d0: {  	_ =	swait.ge [sflag:s11], $0x78  }
0x1d1: {  	[sflag:s11] =	ssyncset.done $0x0  }
0x1d2: {  	[sflag:s11] =	ssyncadd.s32 $0xFFFFFF88  }
0x1d3: {  	_ =	swait.ge [sflag:s13], $0x3C00  }
0x1d4: {  	[sflag:s13] =	ssyncset.done $0x0  }
0x1d5: {  	[sflag:s13] =	ssyncadd.s32 $0xFFFFC400  }
0x1d6: {  	[spmem:s2] =	stream.indirect.scatter.add.f32 [tilespmem:s8], [sflag:$0x5], $0x80, s3, s14, $0xb8;
	[tilespmem:$0x13100] =	vst v63  }
0x1d7: {  	_ =	swait.ge [sflag:s9], $0x3C00  }
0x1d8: {  	[sflag:s9] =	ssyncset.done $0x0  }
0x1d9: {  	[sflag:s9] =	ssyncadd.s32 $0xFFFFC400  }
0x1da: {  	[tilespmem:s3], [sflag:$0x1] =	stream.linear.gather [hbm4b:s22+s3], $0x78, $0x38;
	[tilespmem:$0x13100] =	vst v63  }
0x1db: {  	_ = 	snop  }
0x1dc: {  	[tilespmem:s8], [sflag:$0x3] =	stream.linear.gather [hbm4b:s23+s3], $0x3C00, $0x38;
	[tilespmem:$0x13100] =	vst v63  }
0x1dd: {  	_ =	swait.ge [sflag:s21], $0x78  }
0x1de: {  	[sflag:s21] =	ssyncset.done $0x0  }
0x1df: {  	[sflag:s21] =	ssyncadd.s32 $0xFFFFFF88  }
0x1e0: {  	_ =	swait.ge [sflag:s20], $0x3C00  }
0x1e1: {  	[sflag:s20] =	ssyncset.done $0x0  }
0x1e2: {  	[sflag:s20] =	ssyncadd.s32 $0xFFFFC400  }
0x1e3: {  	[spmem:s2] =	stream.indirect.scatter.add.f32 [tilespmem:s17], [sflag:$0x6], $0x80, s12, s14, $0xb8;
	[tilespmem:$0x13100] =	vst v63  }
0x1e4: {  	_ =	swait.ge [sflag:s10], $0x3C00  }
0x1e5: {  	[sflag:s10] =	ssyncset.done $0x0  }
0x1e6: {  	[sflag:s10] =	ssyncadd.s32 $0xFFFFC400  }
0x1e7: {  	[tilespmem:s12], [sflag:$0x2] =	stream.linear.gather [hbm4b:s18+s3], $0x78, $0x38;
	[tilespmem:$0x13100] =	vst v63  }
0x1e8: {  	_ = 	snop  }
0x1e9: {  	[tilespmem:s17], [sflag:$0x4] =	stream.linear.gather [hbm4b:s19+s3], $0x3C00, $0x38;
	[tilespmem:$0x13100] =	vst v63  }
0x1ea: {  	_ =	swait.ge [sflag:s11], $0x78  }
0x1eb: {  	[sflag:s11] =	ssyncset.done $0x0  }
0x1ec: {  	[sflag:s11] =	ssyncadd.s32 $0xFFFFFF88  }
0x1ed: {  	_ =	swait.ge [sflag:s13], $0x3C00  }
0x1ee: {  	[sflag:s13] =	ssyncset.done $0x0  }
0x1ef: {  	[sflag:s13] =	ssyncadd.s32 $0xFFFFC400  }
0x1f0: {  	[spmem:s2] =	stream.indirect.scatter.add.f32 [tilespmem:s8], [sflag:$0x5], $0x80, s3, s14, $0xb8;
	[tilespmem:$0x13100] =	vst v63  }
0x1f1: {  	_ =	swait.ge [sflag:s9], $0x3C00  }
0x1f2: {  	[sflag:s9] =	ssyncset.done $0x0  }
0x1f3: {  	[sflag:s9] =	ssyncadd.s32 $0xFFFFC400  }
0x1f4: {  	[tilespmem:s3], [sflag:$0x1] =	stream.linear.gather [hbm4b:s15+s3], $0x78, $0x38;
	[tilespmem:$0x13100] =	vst v63  }
0x1f5: {  	_ = 	snop  }
0x1f6: {  	[tilespmem:s8], [sflag:$0x3] =	stream.linear.gather [hbm4b:s16+s3], $0x3C00, $0x38;
	[tilespmem:$0x13100] =	vst v63  }
0x1f7: {  	_ =	swait.ge [sflag:s21], $0x78  }
0x1f8: {  	[sflag:s21] =	ssyncset.done $0x0  }
0x1f9: {  	[sflag:s21] =	ssyncadd.s32 $0xFFFFFF88  }
0x1fa: {  	_ =	swait.ge [sflag:s20], $0x3C00  }
0x1fb: {  	[sflag:s20] =	ssyncset.done $0x0  }
0x1fc: {  	[sflag:s20] =	ssyncadd.s32 $0xFFFFC400  }
0x1fd: {  	[spmem:s2] =	stream.indirect.scatter.add.f32 [tilespmem:s17], [sflag:$0x6], $0x80, s12, s14, $0xb8;
	[tilespmem:$0x13100] =	vst v63  }
0x1fe: {  	_ =	swait.ge [sflag:s11], $0x78  }
0x1ff: {  	[sflag:s11] =	ssyncset.done $0x0  }
0x200: {  	[sflag:s11] =	ssyncadd.s32 $0xFFFFFF88  }
0x201: {  	_ =	swait.ge [sflag:s13], $0x3C00  }
0x202: {  	[sflag:s13] =	ssyncset.done $0x0  }
0x203: {  	[sflag:s13] =	ssyncadd.s32 $0xFFFFC400  }
0x204: {  	[spmem:s2] =	stream.indirect.scatter.add.f32 [tilespmem:s8], [sflag:$0x5], $0x80, s3, s14, $0xb8;
	[tilespmem:$0x13100] =	vst v63  }
0x205: {  	_ =	swait.ge [sflag:s9], $0x3C00  }
0x206: {  	[sflag:s9] =	ssyncset.done $0x0  }
0x207: {  	[sflag:s9] =	ssyncadd.s32 $0xFFFFC400  }
0x208: {  	_ =	swait.ge [sflag:s10], $0x3C00  }
0x209: {  	p1 =	sne.s32 s0, $0x1;
	[sflag:s10] =	ssyncset.done $0x0  }
.Ltmp2:
0x20a: {  	s4 =	smov.u32 s7;
	[sflag:s10] =	ssyncadd.s32 $0xFFFFC400;
	(pc) =	sbr.rel @p1 .LBB2_2-.Ltmp2, $4  }
0x20b: {  	s7 =	smov.u32 s6;
	s6 =	simm.s32 $0x7;
	[bflag:$0x0] =	sbarrier.arrive $0xFFFF  }
0x20c: {  	[hbm:s5], [sflag:s4] =	dma.local [spmem:s7], $0x1700  }
0x20d: {  	_ =	swait.ge [sflag:s6], $0x1700  }
0x20e: {  	s0 =	sadd.s32 $0xFFFFFFFF, s0;
	s1 =	rddreg [dreg:$0x4];
	[sflag:s6] =	ssyncset.done $0x0  }
.LBB2_3:
0x20f: {  	[sflag:s6] =	ssyncadd.s32 @p0 $0xFFFFE900  }
0x210: {  	[spmem:s7], [sflag:s4] =	dma.local [hbm:s1], $0x1700  }
0x211: {  	_ =	swait.ge [sflag:s6], $0x1700  }
0x212: {  	[sflag:s6] =	ssyncset.done $0x0  }
0x213: {  	[sflag:s6] =	ssyncadd.s32 $0xFFFFE900  }
0x214: {  	[bflag:$0x0] =	sbarrier.arrive $0xFFFF  }
0x215: {  	s0 =	rddreg [dreg:$0x5]  }
0x216: {  	[tilespmem:s3], [sflag:$0x1] =	stream.linear.gather [hbm4b:s0+s3], $0x78, $0x38;
	[tilespmem:$0x13100] =	vst v63  }
0x217: {  	s1 =	rddreg [dreg:$0x6]  }
0x218: {  	[tilespmem:s8], [sflag:$0x3] =	stream.linear.gather [hbm4b:s1+s3], $0x3C00, $0x38;
	[tilespmem:$0x13100] =	vst v63  }
0x219: {  	s0 =	rddreg [dreg:$0x7]  }
0x21a: {  	[tilespmem:s12], [sflag:$0x2] =	stream.linear.gather [hbm4b:s0+s3], $0x78, $0x38;
	[tilespmem:$0x13100] =	vst v63  }
0x21b: {  	s1 =	rddreg [dreg:$0x8]  }
0x21c: {  	[tilespmem:s17], [sflag:$0x4] =	stream.linear.gather [hbm4b:s1+s3], $0x3C00, $0x38;
	[tilespmem:$0x13100] =	vst v63  }
0x21d: {  	_ =	swait.ge [sflag:s11], $0x78  }
0x21e: {  	[sflag:s11] =	ssyncset.done $0x0  }
0x21f: {  	[sflag:s11] =	ssyncadd.s32 $0xFFFFFF88  }
0x220: {  	_ =	swait.ge [sflag:s13], $0x3C00  }
0x221: {  	[sflag:s13] =	ssyncset.done $0x0  }
0x222: {  	[sflag:s13] =	ssyncadd.s32 $0xFFFFC400  }
0x223: {  	[spmem:s2] =	stream.indirect.scatter.add.f32 [tilespmem:s8], [sflag:$0x5], $0x80, s3, s14, $0xb8;
	[tilespmem:$0x13100] =	vst v63  }
0x224: {  	_ =	swait.ge [sflag:s9], $0x3C00  }
0x225: {  	[sflag:s9] =	ssyncset.done $0x0  }
0x226: {  	s0 =	rddreg [dreg:$0x9];
	[sflag:s9] =	ssyncadd.s32 $0xFFFFC400  }
0x227: {  	[tilespmem:s3], [sflag:$0x1] =	stream.linear.gather [hbm4b:s0+s3], $0x78, $0x38;
	[tilespmem:$0x13100] =	vst v63  }
0x228: {  	s1 =	rddreg [dreg:$0xa]  }
0x229: {  	[tilespmem:s8], [sflag:$0x3] =	stream.linear.gather [hbm4b:s1+s3], $0x3C00, $0x38;
	[tilespmem:$0x13100] =	vst v63  }
0x22a: {  	_ =	swait.ge [sflag:s21], $0x78  }
0x22b: {  	[sflag:s21] =	ssyncset.done $0x0  }
0x22c: {  	[sflag:s21] =	ssyncadd.s32 $0xFFFFFF88  }
0x22d: {  	_ =	swait.ge [sflag:s20], $0x3C00  }
0x22e: {  	[sflag:s20] =	ssyncset.done $0x0  }
0x22f: {  	[sflag:s20] =	ssyncadd.s32 $0xFFFFC400  }
0x230: {  	[spmem:s2] =	stream.indirect.scatter.add.f32 [tilespmem:s17], [sflag:$0x6], $0x80, s12, s14, $0xb8;
	[tilespmem:$0x13100] =	vst v63  }
0x231: {  	_ =	swait.ge [sflag:s10], $0x3C00  }
0x232: {  	[sflag:s10] =	ssyncset.done $0x0  }
0x233: {  	s0 =	rddreg [dreg:$0xb];
	[sflag:s10] =	ssyncadd.s32 $0xFFFFC400  }
0x234: {  	[tilespmem:s12], [sflag:$0x2] =	stream.linear.gather [hbm4b:s0+s3], $0x78, $0x38;
	[tilespmem:$0x13100] =	vst v63  }
0x235: {  	s1 =	rddreg [dreg:$0xc]  }
0x236: {  	[tilespmem:s17], [sflag:$0x4] =	stream.linear.gather [hbm4b:s1+s3], $0x3C00, $0x38;
	[tilespmem:$0x13100] =	vst v63  }
0x237: {  	_ =	swait.ge [sflag:s11], $0x78  }
0x238: {  	[sflag:s11] =	ssyncset.done $0x0  }
0x239: {  	[sflag:s11] =	ssyncadd.s32 $0xFFFFFF88  }
0x23a: {  	_ =	swait.ge [sflag:s13], $0x3C00  }
0x23b: {  	[sflag:s13] =	ssyncset.done $0x0  }
0x23c: {  	[sflag:s13] =	ssyncadd.s32 $0xFFFFC400  }
0x23d: {  	[spmem:s2] =	stream.indirect.scatter.add.f32 [tilespmem:s8], [sflag:$0x5], $0x80, s3, s14, $0xb8;
	[tilespmem:$0x13100] =	vst v63  }
0x23e: {  	_ =	swait.ge [sflag:s9], $0x3C00  }
0x23f: {  	[sflag:s9] =	ssyncset.done $0x0  }
0x240: {  	s0 =	rddreg [dreg:$0xd];
	[sflag:s9] =	ssyncadd.s32 $0xFFFFC400  }
0x241: {  	[tilespmem:s3], [sflag:$0x1] =	stream.linear.gather [hbm4b:s0+s3], $0x78, $0x38;
	[tilespmem:$0x13100] =	vst v63  }
0x242: {  	s1 =	rddreg [dreg:$0xe]  }
0x243: {  	[tilespmem:s8], [sflag:$0x3] =	stream.linear.gather [hbm4b:s1+s3], $0x3C00, $0x38;
	[tilespmem:$0x13100] =	vst v63  }
0x244: {  	_ =	swait.ge [sflag:s21], $0x78  }
0x245: {  	[sflag:s21] =	ssyncset.done $0x0  }
0x246: {  	[sflag:s21] =	ssyncadd.s32 $0xFFFFFF88  }
0x247: {  	_ =	swait.ge [sflag:s20], $0x3C00  }
0x248: {  	[sflag:s20] =	ssyncset.done $0x0  }
0x249: {  	[sflag:s20] =	ssyncadd.s32 $0xFFFFC400  }
0x24a: {  	[spmem:s2] =	stream.indirect.scatter.add.f32 [tilespmem:s17], [sflag:$0x6], $0x80, s12, s14, $0xb8;
	[tilespmem:$0x13100] =	vst v63  }
0x24b: {  	_ =	swait.ge [sflag:s10], $0x3C00  }
0x24c: {  	[sflag:s10] =	ssyncset.done $0x0  }
0x24d: {  	s0 =	rddreg [dreg:$0xf];
	[sflag:s10] =	ssyncadd.s32 $0xFFFFC400  }
0x24e: {  	[tilespmem:s12], [sflag:$0x2] =	stream.linear.gather [hbm4b:s0+s3], $0x78, $0x38;
	[tilespmem:$0x13100] =	vst v63  }
0x24f: {  	s1 =	rddreg [dreg:$0x10]  }
0x250: {  	[tilespmem:s17], [sflag:$0x4] =	stream.linear.gather [hbm4b:s1+s3], $0x3C00, $0x38;
	[tilespmem:$0x13100] =	vst v63  }
0x251: {  	_ =	swait.ge [sflag:s11], $0x78  }
0x252: {  	[sflag:s11] =	ssyncset.done $0x0  }
0x253: {  	[sflag:s11] =	ssyncadd.s32 $0xFFFFFF88  }
0x254: {  	_ =	swait.ge [sflag:s13], $0x3C00  }
0x255: {  	[sflag:s13] =	ssyncset.done $0x0  }
0x256: {  	[sflag:s13] =	ssyncadd.s32 $0xFFFFC400  }
0x257: {  	[spmem:s2] =	stream.indirect.scatter.add.f32 [tilespmem:s8], [sflag:$0x5], $0x80, s3, s14, $0xb8;
	[tilespmem:$0x13100] =	vst v63  }
0x258: {  	_ =	swait.ge [sflag:s9], $0x3C00  }
0x259: {  	[sflag:s9] =	ssyncset.done $0x0  }
0x25a: {  	s0 =	rddreg [dreg:$0x11];
	[sflag:s9] =	ssyncadd.s32 $0xFFFFC400  }
0x25b: {  	[tilespmem:s3], [sflag:$0x1] =	stream.linear.gather [hbm4b:s0+s3], $0x78, $0x38;
	[tilespmem:$0x13100] =	vst v63  }
0x25c: {  	s1 =	rddreg [dreg:$0x12]  }
0x25d: {  	[tilespmem:s8], [sflag:$0x3] =	stream.linear.gather [hbm4b:s1+s3], $0x3C00, $0x38;
	[tilespmem:$0x13100] =	vst v63  }
0x25e: {  	_ =	swait.ge [sflag:s21], $0x78  }
0x25f: {  	[sflag:s21] =	ssyncset.done $0x0  }
0x260: {  	[sflag:s21] =	ssyncadd.s32 $0xFFFFFF88  }
0x261: {  	_ =	swait.ge [sflag:s20], $0x3C00  }
0x262: {  	[sflag:s20] =	ssyncset.done $0x0  }
0x263: {  	[sflag:s20] =	ssyncadd.s32 $0xFFFFC400  }
0x264: {  	[spmem:s2] =	stream.indirect.scatter.add.f32 [tilespmem:s17], [sflag:$0x6], $0x80, s12, s14, $0xb8;
	[tilespmem:$0x13100] =	vst v63  }
0x265: {  	_ =	swait.ge [sflag:s10], $0x3C00  }
0x266: {  	[sflag:s10] =	ssyncset.done $0x0  }
0x267: {  	s0 =	rddreg [dreg:$0x13];
	[sflag:s10] =	ssyncadd.s32 $0xFFFFC400  }
0x268: {  	[tilespmem:s12], [sflag:$0x2] =	stream.linear.gather [hbm4b:s0+s3], $0x78, $0x38;
	[tilespmem:$0x13100] =	vst v63  }
0x269: {  	s1 =	rddreg [dreg:$0x14]  }
0x26a: {  	[tilespmem:s17], [sflag:$0x4] =	stream.linear.gather [hbm4b:s1+s3], $0x3C00, $0x38;
	[tilespmem:$0x13100] =	vst v63  }
0x26b: {  	_ =	swait.ge [sflag:s11], $0x78  }
0x26c: {  	[sflag:s11] =	ssyncset.done $0x0  }
0x26d: {  	[sflag:s11] =	ssyncadd.s32 $0xFFFFFF88  }
0x26e: {  	_ =	swait.ge [sflag:s13], $0x3C00  }
0x26f: {  	[sflag:s13] =	ssyncset.done $0x0  }
0x270: {  	[sflag:s13] =	ssyncadd.s32 $0xFFFFC400  }
0x271: {  	[spmem:s2] =	stream.indirect.scatter.add.f32 [tilespmem:s8], [sflag:$0x5], $0x80, s3, s14, $0xb8;
	[tilespmem:$0x13100] =	vst v63  }
0x272: {  	_ =	swait.ge [sflag:s9], $0x3C00  }
0x273: {  	[sflag:s9] =	ssyncset.done $0x0  }
0x274: {  	s0 =	rddreg [dreg:$0x15];
	[sflag:s9] =	ssyncadd.s32 $0xFFFFC400  }
0x275: {  	[tilespmem:s3], [sflag:$0x1] =	stream.linear.gather [hbm4b:s0+s3], $0x78, $0x38;
	[tilespmem:$0x13100] =	vst v63  }
0x276: {  	s1 =	rddreg [dreg:$0x16]  }
0x277: {  	[tilespmem:s8], [sflag:$0x3] =	stream.linear.gather [hbm4b:s1+s3], $0x3C00, $0x38;
	[tilespmem:$0x13100] =	vst v63  }
0x278: {  	_ =	swait.ge [sflag:s21], $0x78  }
0x279: {  	[sflag:s21] =	ssyncset.done $0x0  }
0x27a: {  	[sflag:s21] =	ssyncadd.s32 $0xFFFFFF88  }
0x27b: {  	_ =	swait.ge [sflag:s20], $0x3C00  }
0x27c: {  	[sflag:s20] =	ssyncset.done $0x0  }
0x27d: {  	[sflag:s20] =	ssyncadd.s32 $0xFFFFC400  }
0x27e: {  	[spmem:s2] =	stream.indirect.scatter.add.f32 [tilespmem:s17], [sflag:$0x6], $0x80, s12, s14, $0xb8;
	[tilespmem:$0x13100] =	vst v63  }
0x27f: {  	_ =	swait.ge [sflag:s10], $0x3C00  }
0x280: {  	[sflag:s10] =	ssyncset.done $0x0  }
0x281: {  	s0 =	rddreg [dreg:$0x17];
	[sflag:s10] =	ssyncadd.s32 $0xFFFFC400  }
0x282: {  	[tilespmem:s12], [sflag:$0x2] =	stream.linear.gather [hbm4b:s0+s3], $0x78, $0x38;
	[tilespmem:$0x13100] =	vst v63  }
0x283: {  	s1 =	rddreg [dreg:$0x18]  }
0x284: {  	[tilespmem:s17], [sflag:$0x4] =	stream.linear.gather [hbm4b:s1+s3], $0x3C00, $0x38;
	[tilespmem:$0x13100] =	vst v63  }
0x285: {  	_ =	swait.ge [sflag:s11], $0x78  }
0x286: {  	[sflag:s11] =	ssyncset.done $0x0  }
0x287: {  	[sflag:s11] =	ssyncadd.s32 $0xFFFFFF88  }
0x288: {  	_ =	swait.ge [sflag:s13], $0x3C00  }
0x289: {  	[sflag:s13] =	ssyncset.done $0x0  }
0x28a: {  	[sflag:s13] =	ssyncadd.s32 $0xFFFFC400  }
0x28b: {  	[spmem:s2] =	stream.indirect.scatter.add.f32 [tilespmem:s8], [sflag:$0x5], $0x80, s3, s14, $0xb8;
	[tilespmem:$0x13100] =	vst v63  }
0x28c: {  	_ =	swait.ge [sflag:s9], $0x3C00  }
0x28d: {  	[sflag:s9] =	ssyncset.done $0x0  }
0x28e: {  	s1 =	rddreg [dreg:$0x19];
	[sflag:s9] =	ssyncadd.s32 $0xFFFFC400  }
0x28f: {  	[tilespmem:s3], [sflag:$0x1] =	stream.linear.gather [hbm4b:s1+s3], $0x78, $0x38;
	[tilespmem:$0x13100] =	vst v63  }
0x290: {  	_ = 	snop  }
0x291: {  	[tilespmem:s8], [sflag:$0x3] =	stream.linear.gather [hbm4b:s31+s3], $0x3C00, $0x38;
	[tilespmem:$0x13100] =	vst v63  }
0x292: {  	_ =	swait.ge [sflag:s21], $0x78  }
0x293: {  	[sflag:s21] =	ssyncset.done $0x0  }
0x294: {  	[sflag:s21] =	ssyncadd.s32 $0xFFFFFF88  }
0x295: {  	_ =	swait.ge [sflag:s20], $0x3C00  }
0x296: {  	[sflag:s20] =	ssyncset.done $0x0  }
0x297: {  	[sflag:s20] =	ssyncadd.s32 $0xFFFFC400  }
0x298: {  	[spmem:s2] =	stream.indirect.scatter.add.f32 [tilespmem:s17], [sflag:$0x6], $0x80, s12, s14, $0xb8;
	[tilespmem:$0x13100] =	vst v63  }
0x299: {  	_ =	swait.ge [sflag:s10], $0x3C00  }
0x29a: {  	[sflag:s10] =	ssyncset.done $0x0  }
0x29b: {  	[sflag:s10] =	ssyncadd.s32 $0xFFFFC400  }
0x29c: {  	[tilespmem:s12], [sflag:$0x2] =	stream.linear.gather [hbm4b:s29+s3], $0x78, $0x38;
	[tilespmem:$0x13100] =	vst v63  }
0x29d: {  	_ = 	snop  }
0x29e: {  	[tilespmem:s17], [sflag:$0x4] =	stream.linear.gather [hbm4b:s30+s3], $0x3C00, $0x38;
	[tilespmem:$0x13100] =	vst v63  }
0x29f: {  	_ =	swait.ge [sflag:s11], $0x78  }
0x2a0: {  	[sflag:s11] =	ssyncset.done $0x0  }
0x2a1: {  	[sflag:s11] =	ssyncadd.s32 $0xFFFFFF88  }
0x2a2: {  	_ =	swait.ge [sflag:s13], $0x3C00  }
0x2a3: {  	[sflag:s13] =	ssyncset.done $0x0  }
0x2a4: {  	[sflag:s13] =	ssyncadd.s32 $0xFFFFC400  }
0x2a5: {  	[spmem:s2] =	stream.indirect.scatter.add.f32 [tilespmem:s8], [sflag:$0x5], $0x80, s3, s14, $0xb8;
	[tilespmem:$0x13100] =	vst v63  }
0x2a6: {  	_ =	swait.ge [sflag:s9], $0x3C00  }
0x2a7: {  	[sflag:s9] =	ssyncset.done $0x0  }
0x2a8: {  	[sflag:s9] =	ssyncadd.s32 $0xFFFFC400  }
0x2a9: {  	[tilespmem:s3], [sflag:$0x1] =	stream.linear.gather [hbm4b:s26+s3], $0x78, $0x38;
	[tilespmem:$0x13100] =	vst v63  }
0x2aa: {  	_ = 	snop  }
0x2ab: {  	[tilespmem:s8], [sflag:$0x3] =	stream.linear.gather [hbm4b:s28+s3], $0x3C00, $0x38;
	[tilespmem:$0x13100] =	vst v63  }
0x2ac: {  	_ =	swait.ge [sflag:s21], $0x78  }
0x2ad: {  	[sflag:s21] =	ssyncset.done $0x0  }
0x2ae: {  	[sflag:s21] =	ssyncadd.s32 $0xFFFFFF88  }
0x2af: {  	_ =	swait.ge [sflag:s20], $0x3C00  }
0x2b0: {  	[sflag:s20] =	ssyncset.done $0x0  }
0x2b1: {  	[sflag:s20] =	ssyncadd.s32 $0xFFFFC400  }
0x2b2: {  	[spmem:s2] =	stream.indirect.scatter.add.f32 [tilespmem:s17], [sflag:$0x6], $0x80, s12, s14, $0xb8;
	[tilespmem:$0x13100] =	vst v63  }
0x2b3: {  	_ =	swait.ge [sflag:s10], $0x3C00  }
0x2b4: {  	[sflag:s10] =	ssyncset.done $0x0  }
0x2b5: {  	[sflag:s10] =	ssyncadd.s32 $0xFFFFC400  }
0x2b6: {  	[tilespmem:s12], [sflag:$0x2] =	stream.linear.gather [hbm4b:s24+s3], $0x78, $0x38;
	[tilespmem:$0x13100] =	vst v63  }
0x2b7: {  	_ = 	snop  }
0x2b8: {  	[tilespmem:s17], [sflag:$0x4] =	stream.linear.gather [hbm4b:s25+s3], $0x3C00, $0x38;
	[tilespmem:$0x13100] =	vst v63  }
0x2b9: {  	_ =	swait.ge [sflag:s11], $0x78  }
0x2ba: {  	[sflag:s11] =	ssyncset.done $0x0  }
0x2bb: {  	[sflag:s11] =	ssyncadd.s32 $0xFFFFFF88  }
0x2bc: {  	_ =	swait.ge [sflag:s13], $0x3C00  }
0x2bd: {  	[sflag:s13] =	ssyncset.done $0x0  }
0x2be: {  	[sflag:s13] =	ssyncadd.s32 $0xFFFFC400  }
0x2bf: {  	[spmem:s2] =	stream.indirect.scatter.add.f32 [tilespmem:s8], [sflag:$0x5], $0x80, s3, s14, $0xb8;
	[tilespmem:$0x13100] =	vst v63  }
0x2c0: {  	_ =	swait.ge [sflag:s9], $0x3C00  }
0x2c1: {  	[sflag:s9] =	ssyncset.done $0x0  }
0x2c2: {  	[sflag:s9] =	ssyncadd.s32 $0xFFFFC400  }
0x2c3: {  	[tilespmem:s3], [sflag:$0x1] =	stream.linear.gather [hbm4b:s22+s3], $0x78, $0x38;
	[tilespmem:$0x13100] =	vst v63  }
0x2c4: {  	_ = 	snop  }
0x2c5: {  	[tilespmem:s8], [sflag:$0x3] =	stream.linear.gather [hbm4b:s23+s3], $0x3C00, $0x38;
	[tilespmem:$0x13100] =	vst v63  }
0x2c6: {  	_ =	swait.ge [sflag:s21], $0x78  }
0x2c7: {  	[sflag:s21] =	ssyncset.done $0x0  }
0x2c8: {  	[sflag:s21] =	ssyncadd.s32 $0xFFFFFF88  }
0x2c9: {  	_ =	swait.ge [sflag:s20], $0x3C00  }
0x2ca: {  	[sflag:s20] =	ssyncset.done $0x0  }
0x2cb: {  	[sflag:s20] =	ssyncadd.s32 $0xFFFFC400  }
0x2cc: {  	[spmem:s2] =	stream.indirect.scatter.add.f32 [tilespmem:s17], [sflag:$0x6], $0x80, s12, s14, $0xb8;
	[tilespmem:$0x13100] =	vst v63  }
0x2cd: {  	_ =	swait.ge [sflag:s10], $0x3C00  }
0x2ce: {  	[sflag:s10] =	ssyncset.done $0x0  }
0x2cf: {  	[sflag:s10] =	ssyncadd.s32 $0xFFFFC400  }
0x2d0: {  	[tilespmem:s12], [sflag:$0x2] =	stream.linear.gather [hbm4b:s18+s3], $0x78, $0x38;
	[tilespmem:$0x13100] =	vst v63  }
0x2d1: {  	_ = 	snop  }
0x2d2: {  	[tilespmem:s17], [sflag:$0x4] =	stream.linear.gather [hbm4b:s19+s3], $0x3C00, $0x38;
	[tilespmem:$0x13100] =	vst v63  }
0x2d3: {  	_ =	swait.ge [sflag:s11], $0x78  }
0x2d4: {  	[sflag:s11] =	ssyncset.done $0x0  }
0x2d5: {  	[sflag:s11] =	ssyncadd.s32 $0xFFFFFF88  }
0x2d6: {  	_ =	swait.ge [sflag:s13], $0x3C00  }
0x2d7: {  	[sflag:s13] =	ssyncset.done $0x0  }
0x2d8: {  	[sflag:s13] =	ssyncadd.s32 $0xFFFFC400  }
0x2d9: {  	[spmem:s2] =	stream.indirect.scatter.add.f32 [tilespmem:s8], [sflag:$0x5], $0x80, s3, s14, $0xb8;
	[tilespmem:$0x13100] =	vst v63  }
0x2da: {  	_ =	swait.ge [sflag:s9], $0x3C00  }
0x2db: {  	[sflag:s9] =	ssyncset.done $0x0  }
0x2dc: {  	[sflag:s9] =	ssyncadd.s32 $0xFFFFC400  }
0x2dd: {  	[tilespmem:s3], [sflag:$0x1] =	stream.linear.gather [hbm4b:s15+s3], $0x78, $0x38;
	[tilespmem:$0x13100] =	vst v63  }
0x2de: {  	_ = 	snop  }
0x2df: {  	[tilespmem:s8], [sflag:$0x3] =	stream.linear.gather [hbm4b:s16+s3], $0x3C00, $0x38;
	[tilespmem:$0x13100] =	vst v63  }
0x2e0: {  	_ =	swait.ge [sflag:s21], $0x78  }
0x2e1: {  	[sflag:s21] =	ssyncset.done $0x0  }
0x2e2: {  	[sflag:s21] =	ssyncadd.s32 $0xFFFFFF88  }
0x2e3: {  	_ =	swait.ge [sflag:s20], $0x3C00  }
0x2e4: {  	[sflag:s20] =	ssyncset.done $0x0  }
0x2e5: {  	[sflag:s20] =	ssyncadd.s32 $0xFFFFC400  }
0x2e6: {  	[spmem:s2] =	stream.indirect.scatter.add.f32 [tilespmem:s17], [sflag:$0x6], $0x80, s12, s14, $0xb8;
	[tilespmem:$0x13100] =	vst v63  }
0x2e7: {  	_ =	swait.ge [sflag:s11], $0x78  }
0x2e8: {  	[sflag:s11] =	ssyncset.done $0x0  }
0x2e9: {  	[sflag:s11] =	ssyncadd.s32 $0xFFFFFF88  }
0x2ea: {  	_ =	swait.ge [sflag:s13], $0x3C00  }
0x2eb: {  	[sflag:s13] =	ssyncset.done $0x0  }
0x2ec: {  	[sflag:s13] =	ssyncadd.s32 $0xFFFFC400  }
0x2ed: {  	[spmem:s2] =	stream.indirect.scatter.add.f32 [tilespmem:s8], [sflag:$0x5], $0x80, s3, s14, $0xb8;
	[tilespmem:$0x13100] =	vst v63  }
0x2ee: {  	_ =	swait.ge [sflag:s9], $0x3C00  }
0x2ef: {  	[sflag:s9] =	ssyncset.done $0x0  }
0x2f0: {  	[sflag:s9] =	ssyncadd.s32 $0xFFFFC400  }
0x2f1: {  	_ =	swait.ge [sflag:s10], $0x3C00  }
0x2f2: {  	[sflag:s10] =	ssyncset.done $0x0  }
0x2f3: {  	[sflag:s10] =	ssyncadd.s32 $0xFFFFC400  }
0x2f4: {  	[bflag:$0x0] =	sbarrier.arrive $0xFFFF  }
0x2f5: {  	[hbm:s5], [sflag:s4] =	dma.local [spmem:s7], $0x1700  }
0x2f6: {  	_ =	swait.ge [sflag:s6], $0x1700  }
0x2f7: {  	[sflag:s6] =	ssyncset.done $0x0  }
0x2f8: {  	[sflag:s6] =	ssyncadd.s32 $0xFFFFE900  }
0x2f9: {  	_ =	sfence.sel $0x180000  }
0x2fa: {  	[bflag:$0x0] =	sbarrier.arrive $0xFFFF  }
0x2fb: {  	_ =	strace $0x9000004A  }
0x2fc: {  	s31 =	stileid.u32;
	[bflag:$0x2] =	sbarrier.arrive $0xFFFF  }
0x2fd: {  	p0 =	sne.s32 s31, $0x0;
	s0 =	rddreg [dreg:$0x3]  }
0x2fe: {  	s0 =	sadd.s32 @!p0 $0x100000, s0  }
0x2ff: {  	[sflag:s0] =	ssyncadd.tile.s32 @!p0 $0x1;
	_ =	shalt  }
.Lfunc_end2:
_tile_overlayer_lowered:
.L_overlay_start_2:
0x300: {  	(tag) =	ssettag $0x2  }
0x301: {  	s0 =	rddreg [dreg:$0x0];
	s2 =	stileid.u32  }
0x302: {  	s1 =	rddreg [dreg:$0x1];
	p0 =	sne.s32 s2, $0x0  }
0x303: {  	s3 =	rddreg [dreg:$0x2];
	[bflag:$0x3] =	sbarrier.arrive $0xFFFF;
	s2 =	simm.s32 @!p0 $0x1C07  }
0x304: {  	[timem:s3], [sflag:s2] =	dma.local @!p0 [hbm:s0], s1  }
0x305: {  	s0 =	simm.s32 @!p0 $0x7  }
0x306: {  	_ =	swait.ge @!p0 [sflag:s0], s1  }
0x307: {  	s1 =	ssub.s32 @!p0 $0x0, s1;
	[sflag:s0] =	ssyncset.done @!p0 $0x0  }
0x308: {  	[sflag:s0] =	ssyncadd.s32 @!p0 s1  }
0x309: {  	[bflag:$0x3] =	sbarrier.arrive $0xFFFF  }
0x30a: {  	_ =	shalt  }

// kernel: kernel.8.cloned.1.call-start
scs
__scs_entry_jumppad:
0x0: {  	(pc) =	sbr.rel $0x88, $3  }
0x1: {  	(tag) =	ssettag $0x0;
	lr =	simm.s32 $0x1  }
0x2: {  	[smem:$0x3F73] =	sst lr;
	_ =	strace $0xD0000000  }
0x3: {  	_ = 	snop  }
0x4: {  	_ = 	snop  }
0x5: {  	_ = 	snop  }
0x6: {  	_ = 	snop  }
0x7: {  	_ = 	snop  }
__scs_overlays_trampoline_lowered:
0x8: {  	[smem:$0x3F82] =	sst s0  }
0x9: {  	[smem:$0x3F83] =	sst s1  }
0xa: {  	[smem:$0x3F84] =	sst s2  }
0xb: {  	[smem:$0x3F85] =	sst s3  }
0xc: {  	[smem:$0x3F86] =	sst s4  }
0xd: {  	[smem:$0x3F87] =	sst s5  }
0xe: {  	[smem:$0x3F88] =	sst s6  }
0xf: {  	[smem:$0x3F89] =	sst s7  }
0x10: {  	[smem:$0x3F8A] =	sst s8  }
0x11: {  	[smem:$0x3F8B] =	sst s9;
	s0 =	simm.s32 @!p0 $0x0  }
0x12: {  	s1 =	sld [smem:$0x3F71];
	s0 =	simm.s32 @p0 $0x1  }
0x13: {  	[smem:$0x3F8C] =	sst s0;
	s0 =	simm.s32 @!p1 $0x0  }
0x14: {  	s2 =	sld [smem:$0x3F70];
	s0 =	simm.s32 @p1 $0x1  }
0x15: {  	[smem:$0x3F8D] =	sst s0;
	s0 =	simm.s32 @!p2 $0x0  }
0x16: {  	s3 =	sld [smem:$0x3FDB];
	s0 =	simm.s32 @p2 $0x1  }
0x17: {  	s4 =	simm.s32 $0x1BF5;
	[smem:$0x3F8F] =	sst s0  }
0x18: {  	s0 =	sld [smem:$0x3F72];
	_ =	swait.ge [sflag:s4], $0x0  }
0x19: {  	s7 =	sld [smem:$0x3F73]  }
0x1a: {  	s8 =	sadd.s32 $0xFFFFE003, lr  }
0x1b: {  	s9 =	sadd.s32 $0xFFFFFEF7, lr;
	s5 =	simm.s32 $0xFFFFFFFF;
	p2 =	slt.u32 s8, $0xFFFFF086  }
0x1c: {  	p1 =	slt.u32 s9, $0xF7A;
	s5 =	simm.s32 @!p2 $0x0  }
0x1d: {  	s5 =	simm.s32 @p1 $0x1;
	p0 =	seq.s32 s7, s2  }
0x1e: {  	s7 =	smul.u32 @!p0 $0xF7A, s2;
	p2 =	seq.s32 @!p0 s5, $0x0  }
0x1f: {  	s9 =	smul.u32 $0xF7A, s1;
	s8 =	simm.s32 @!p0 $0x1BF5;
	p2 =	por !p2, p0  }
0x20: {  	[sflag:s8] =	ssyncset.s32 @!p0 $0xFFFFF086;
	s6 =	sadd.s32 @!p0 s3, s7;
	s7 =	simm.s32 @!p0 $0x108  }
0x21: {  	s3 =	sadd.s32 s3, s9;
	s6 =	sadd.s32 @!p0 $0x88, s6;
	s7 =	simm.s32 @p2 $0x1082  }
0x22: {  	[simem:s7], [sflag:s8] =	dma.local @!p0 [hbm:s6], $0xF7A  }
0x23: {  	s9 =	sor.u32 $0xD0000000, s2;
	s6 =	simm.s32 $0x108;
	_ =	swait.ge @!p0 [sflag:s8], $0x0  }
0x24: {  	s3 =	sadd.s32 $0x88, s3;
	s6 =	simm.s32 @!p1 $0x1082;
	[sflag:s4] =	ssyncset.s32 $0xFFFFF086  }
0x25: {  	[simem:s6], [sflag:s4] =	dma.local [hbm:s3], $0xF7A  }
0x26: {  	[smem:$0x3F73] =	sst s1;
	(tag) =	ssettag s2;
	_ =	strace s9  }
0x27: {  	s1 =	sld [smem:$0x3F83]  }
0x28: {  	s2 =	sld [smem:$0x3F84]  }
0x29: {  	s4 =	sld [smem:$0x3F86]  }
0x2a: {  	p0 =	seq.s32 s5, $0x0;
	s5 =	sld [smem:$0x3F87]  }
0x2b: {  	s6 =	sld [smem:$0x3F88]  }
0x2c: {  	s7 =	sld [smem:$0x3F89]  }
0x2d: {  	s3 =	simm.s32 $0x108;
	s8 =	sld [smem:$0x3F8A]  }
0x2e: {  	s3 =	simm.s32 @!p0 $0x1082;
	s9 =	sld [smem:$0x3F8B]  }
0x2f: {  	lr =	sadd.s32 s0, s3;
	s0 =	sld [smem:$0x3F82]  }
0x30: {  	s3 =	sld [smem:$0x3F85]  }
0x31: {  	[smem:$0x3F8E] =	sst s10  }
0x32: {  	s10 =	sld [smem:$0x3F8C];
	_ =	sdelay $0x3  }
0x33: {  	p0 =	seq.s32 s10, $0x1;
	s10 =	sld [smem:$0x3F8E];
	_ =	sdelay $0x3  }
0x34: {  	[smem:$0x3F8E] =	sst s10  }
0x35: {  	s10 =	sld [smem:$0x3F8D];
	_ =	sdelay $0x3  }
0x36: {  	p1 =	seq.s32 s10, $0x1;
	s10 =	sld [smem:$0x3F8E];
	_ =	sdelay $0x3  }
0x37: {  	[smem:$0x3F8E] =	sst s10  }
0x38: {  	s10 =	sld [smem:$0x3F8F]  }
0x39: {  	_ = 	snop;
	(pc) =	sbr.ind lr, $3  }
0x3a: {  	_ = 	snop  }
0x3b: {  	_ = 	snop  }
0x3c: {  	p2 =	seq.s32 s10, $0x1;
	s10 =	sld [smem:$0x3F8E]  }
0x3d: {  	_ =	shalt  }
0x3e: {  	_ =	shalt  }
0x3f: {  	_ =	shalt  }
0x40: {  	_ =	shalt  }
0x41: {  	_ =	shalt  }
0x42: {  	_ =	shalt  }
0x43: {  	_ =	shalt  }
0x44: {  	_ =	shalt  }
0x45: {  	_ =	shalt  }
0x46: {  	_ =	shalt  }
0x47: {  	_ =	shalt  }
0x48: {  	_ =	shalt  }
0x49: {  	_ =	shalt  }
0x4a: {  	_ =	shalt  }
0x4b: {  	_ =	shalt  }
0x4c: {  	_ =	shalt  }
0x4d: {  	_ =	shalt  }
0x4e: {  	_ =	shalt  }
0x4f: {  	_ =	shalt  }
0x50: {  	_ =	shalt  }
0x51: {  	_ =	shalt  }
0x52: {  	_ =	shalt  }
0x53: {  	_ =	shalt  }
0x54: {  	_ =	shalt  }
0x55: {  	_ =	shalt  }
0x56: {  	_ =	shalt  }
0x57: {  	_ =	shalt  }
0x58: {  	_ =	shalt  }
0x59: {  	_ =	shalt  }
0x5a: {  	_ =	shalt  }
0x5b: {  	_ =	shalt  }
0x5c: {  	_ =	shalt  }
0x5d: {  	_ =	shalt  }
0x5e: {  	_ =	shalt  }
0x5f: {  	_ =	shalt  }
0x60: {  	_ =	shalt  }
0x61: {  	_ =	shalt  }
0x62: {  	_ =	shalt  }
0x63: {  	_ =	shalt  }
0x64: {  	_ =	shalt  }
0x65: {  	_ =	shalt  }
0x66: {  	_ =	shalt  }
0x67: {  	_ =	shalt  }
0x68: {  	_ =	shalt  }
0x69: {  	_ =	shalt  }
0x6a: {  	_ =	shalt  }
0x6b: {  	_ =	shalt  }
0x6c: {  	_ =	shalt  }
0x6d: {  	_ =	shalt  }
0x6e: {  	_ =	shalt  }
0x6f: {  	_ =	shalt  }
0x70: {  	_ =	shalt  }
0x71: {  	_ =	shalt  }
0x72: {  	_ =	shalt  }
0x73: {  	_ =	shalt  }
0x74: {  	_ =	shalt  }
0x75: {  	_ =	shalt  }
0x76: {  	_ =	shalt  }
0x77: {  	_ =	shalt  }
0x78: {  	_ =	shalt  }
0x79: {  	_ =	shalt  }
0x7a: {  	_ =	shalt  }
0x7b: {  	_ =	shalt  }
0x7c: {  	_ =	shalt  }
0x7d: {  	_ =	shalt  }
0x7e: {  	_ =	shalt  }
0x7f: {  	_ =	shalt  }
0x80: {  	_ =	shalt  }
0x81: {  	_ =	shalt  }
0x82: {  	_ =	shalt  }
0x83: {  	_ =	shalt  }
0x84: {  	_ =	shalt  }
0x85: {  	_ =	shalt  }
0x86: {  	_ =	shalt  }
0x87: {  	_ =	shalt  }
.Lfunc_end0:
.L_simem_size_0:
called_computation_lowered:
.L_overlay_start_0:
0x88: {  	s2 =	sld [smem:$0x3FD9]  }
0x89: {  	s3 =	sld [smem:$0x3FFE];
	_ =	sdelay $0x1  }
0x8a: {  	s1 =	srdreg.scid  }
0x8b: {  	s0 =	sand.u32 $0x1, s1  }
0x8c: {  	s14 =	sshll.u32 s0, $0xA;
	s2 =	sadd.s32 s3, s2  }
0x8d: {  	s2 =	sadd.s32 s2, s14  }
0x8e: {  	[smem:$0x3F9A] =	sst s2  }
0x8f: {  	_ = 	snop  }
0x90: {  	s2 =	sld [smem:$0x3FD0];
	_ =	sdelay $0x2  }
0x91: {  	s15 =	simm.s32 $0xA;
	s4 =	simm.s32 $0x10  }
0x92: {  	[smem:s4], [sflag:s15] =	dma.local [hbm:s2], $0x1  }
0x93: {  	_ =	swait.eq [sflag:s15], $0x1  }
0x94: {  	[sflag:s15] =	ssyncset.done $0x0  }
0x95: {  	s16 =	sld [smem:$0x10];
	[sflag:s15] =	ssyncadd.s32 $0xFFFFFFFF  }
0x96: {  	s17 =	sld [smem:$0x11];
	(tm) =	ssettm $0x1  }
0x97: {  	s18 =	sld [smem:$0x3FFB];
	_ =	sdelay $0x3  }
0x98: {  	_ =	strace s18  }
0x99: {  	s4 =	sld [smem:$0x3FFC];
	_ =	sdelay $0x3  }
0x9a: {  	_ =	strace s4  }
0x9b: {  	s4 =	sld [smem:$0x3FFD];
	_ =	sdelay $0x3  }
0x9c: {  	_ =	strace s4  }
0x9d: {  	_ =	strace $0x8FFFFFFF  }
0x9e: {  	s19 =	sld [smem:$0x3FDB];
	_ =	sdelay $0x1  }
0x9f: {  	s5 =	simm.s32 $_scs_section_size  }
0xa0: {  	s6 =	simm.s32 $_size__tile_overlayer_lowered;
	s7 =	simm.s32 $_tile_overlayer_lowered  }
0xa1: {  	s22 =	simm.s32 $0x1BFF;
	s21 =	sshll.u32 s7, $0x1;
	s4 =	sadd.s32 s5, s19  }
0xa2: {  	s8 =	simm.s32 $0x0;
	s20 =	sshll.u32 s6, $0x1;
	s6 =	sadd.s32 s21, s4  }
0xa3: {  	[timem:s8], [sflag:s22] =	dma.local [hbm:s6], s20  }
0xa4: {  	_ =	swait.ge [sflag:s22], s20  }
0xa5: {  	s5 =	ssub.s32 $0x0, s20;
	[sflag:s22] =	ssyncset.done $0x0  }
0xa6: {  	[sflag:s22] =	ssyncadd.s32 s5;
	_ =	sdelay $0x1  }
0xa7: {  	s23 =	simm.s32 $0x1B8B  }
0xa8: {  	_ =	swait.ge [sflag:s23], $0x1  }
0xa9: {  	[sflag:s23] =	ssyncset.done $0x0  }
0xaa: {  	s25 =	simm.s32 $0x1B8E;
	s24 =	sld [smem:$0x3FFE];
	[sflag:s23] =	ssyncadd.s32 $0xFFFFFFFF  }
0xab: {  	s26 =	simm.s32 $execute0_lowered;
	[smem:$0x3FD2] =	sst s25  }
0xac: {  	s6 =	sshll.u32 s26, $0x1;
	_ =	strace $0x80000046;
	[dreg:$0x1] =	wrdreg $0xFFFFFFFF  }
0xad: {  	s28 =	simm.s32 $_size_execute0_lowered;
	s4 =	sadd.s32 s4, s6;
	[dreg:$0x0] =	wrdreg $0x0  }
0xae: {  	s6 =	sshll.u32 s28, $0x1;
	[dreg:$0x2] =	wrdreg s4  }
0xaf: {  	[dreg:$0x3] =	wrdreg s6  }
0xb0: {  	[dreg:$0x4] =	wrdreg $0xC0  }
0xb1: {  	_ =	task [dreg:s8], $0x5FFFF  }
0xb2: {  	[dreg:$0x1] =	wrdreg $0xFFFFFFFF  }
0xb3: {  	[dreg:$0x0] =	wrdreg $0x60  }
0xb4: {  	[dreg:$0x2] =	wrdreg s16  }
0xb5: {  	[dreg:$0x3] =	wrdreg s17  }
0xb6: {  	[dreg:$0x4] =	wrdreg s24  }
0xb7: {  	[dreg:$0x5] =	wrdreg $0x9  }
0xb8: {  	_ =	task.clear_ibuf [dreg:s8], $0x6FFFF;
	_ =	strace $0x90000046  }
0xb9: {  	s29 =	simm.s32 $0x9;
	_ =	strace $0x80000048  }
0xba: {  	_ =	swait.ge [sflag:s29], $0x1  }
0xbb: {  	[sflag:s29] =	ssyncadd.s32 $0xFFFFFFFF  }
0xbc: {  	_ =	strace $0x90000048  }
0xbd: {  	_ =	sfence  }
0xbe: {  	s30 =	sld [smem:$0x0];
	_ =	sdelay $0x2  }
0xbf: {  	s31 =	sshll.u32 s1, $0xD;
	s1 =	sshrl.u32 s1, $0x2  }
0xc0: {  	s3 =	sand.u32 $0x4000, s31;
	s1 =	sadd.s32 s1, s30  }
0xc1: {  	s0 =	sor.u32 s3, s0;
	s1 =	sshll.u32 s1, $0x11  }
0xc2: {  	s0 =	sor.u32 s1, s0  }
0xc3: {  	s0 =	sadd.s32 $0x8F2B, s0  }
0xc4: {  	[sflag:s0] =	ssyncadd.remote.s32 $0x1  }
0xc5: {  	_ =	sfence.sel $0xFFFF  }
0xc6: {  	[dreg:$0x0] =	wrdreg $0xFFFFFFFF;
	(pc) =	sbr.abs _section_cstart, $3  }
0xc7: {  	[dreg:$0x1] =	wrdreg $0xFFFFFFFF  }
0xc8: {  	_ =	task.clear_ibuf [dreg:s8], $0x2FFFF;
	_ =	strace $0x9FFFFFFF  }
0xc9: {  	(tm) =	ssettm $0x7FFFFFFF  }
tec
execute0_lowered:
.L_overlay_start_1:
0x0: {  	(tag) =	ssettag $0x1  }
0x1: {  	s2 =	rddreg [dreg:$0x0]  }
0x2: {  	s1 =	rddreg [dreg:$0x1]  }
0x3: {  	s0 =	srdreg.scid;
	s3 =	stileid.u32  }
0x4: {  	s4 =	rddreg [dreg:$0x2];
	s31 =	simm.s32 $0x100;
	p0 =	por $0x0, $0x0  }
0x5: {  	s0 =	sand.u32 $0x1, s0;
	s5 =	sshll.u32 s3, $0x1;
	s3 =	simm.s32 $0x0  }
0x6: {  	s11 =	sadd.s32 $0x6400, s4;
	s6 =	sor.u32 s0, s5;
	s0 =	ssub.s32 $0x2, s0  }
0x7: {  	[smem:$0x7FF] =	sst s3;
	s5 =	smul.u32 $0x7F8, s6;
	s21 =	sshrl.u32 s0, $0x1  }
0x8: {  	_ =	strace $0x80000047;
	s6 =	smul.u32 $0x7F80, s6;
	s0 =	ssub.s32 s0, s21  }
0x9: {  	s7 =	sshrl.u32 s5, $0x3;
	s8 =	sadd.s32 $0x78, s5;
	s26 =	sadd.s32 $0xF0, s5  }
0xa: {  	s6 =	sadd.s32 s11, s6;
	s12 =	sadd.s32 $0x168, s5;
	s15 =	sadd.s32 $0x1E0, s5  }
0xb: {  	s20 =	sadd.s32 $0x258, s5;
	s21 =	sadd.s32 $0x528, s5;
	s0 =	smax.u32 s0, $0x1  }
0xc: {  	s7 =	sadd.s32 s1, s7;
	s9 =	sshrl.u32 s8, $0x3;
	s4 =	sshrl.u32 s26, $0x3  }
0xd: {  	[dreg:$0x6] =	wrdreg s6;
	s8 =	sshll.u32 s8, $0x4;
	s13 =	sshrl.u32 s12, $0x3  }
0xe: {  	s14 =	sshll.u32 s26, $0x4;
	[dreg:$0x4] =	wrdreg s7;
	s25 =	sadd.s32 s1, s9  }
0xf: {  	s17 =	sshrl.u32 s15, $0x3;
	s7 =	sadd.s32 s1, s4;
	[dreg:$0x5] =	wrdreg s25  }
0x10: {  	s22 =	sshrl.u32 s20, $0x3;
	s10 =	sadd.s32 s11, s8;
	[dreg:$0x7] =	wrdreg s7  }
0x11: {  	p1 =	sne.s32 s0, $0x1;
	s6 =	sadd.s32 s1, s13;
	[dreg:$0x8] =	wrdreg s10  }
0x12: {  	s16 =	sadd.s32 s11, s14;
	s18 =	sadd.s32 s1, s17;
	[dreg:$0x9] =	wrdreg s6  }
0x13: {  	s9 =	sshll.u32 s15, $0x4;
	s4 =	sadd.s32 $0x348, s5;
	[dreg:$0xa] =	wrdreg s16  }
0x14: {  	s7 =	sshll.u32 s12, $0x4;
	[dreg:$0xb] =	wrdreg s18;
	s6 =	sadd.s32 s1, s22  }
0x15: {  	s10 =	sadd.s32 $0x2D0, s5;
	s23 =	sadd.s32 s11, s9;
	s8 =	sshrl.u32 s4, $0x3  }
0x16: {  	s16 =	sadd.s32 $0x438, s5;
	s22 =	sshrl.u32 s21, $0x3;
	[dreg:$0xd] =	wrdreg s6  }
0x17: {  	s19 =	sadd.s32 s11, s7;
	s24 =	sshrl.u32 s10, $0x3;
	[dreg:$0xe] =	wrdreg s23  }
0x18: {  	s7 =	sshll.u32 s20, $0x4;
	s6 =	sadd.s32 s1, s8;
	s9 =	sshll.u32 s10, $0x4  }
0x19: {  	s10 =	sadd.s32 $0x3C0, s5;
	s17 =	sshrl.u32 s16, $0x3;
	s28 =	sadd.s32 s1, s22  }
0x1a: {  	s23 =	sadd.s32 $0x5A0, s5;
	[dreg:$0xc] =	wrdreg s19;
	s25 =	sadd.s32 s1, s24  }
0x1b: {  	s26 =	sadd.s32 s11, s7;
	[dreg:$0x11] =	wrdreg s6;
	s12 =	sadd.s32 s11, s9  }
0x1c: {  	s13 =	sshrl.u32 s10, $0x3;
	s7 =	sshll.u32 s4, $0x4;
	s18 =	sshll.u32 s10, $0x4  }
0x1d: {  	s4 =	sadd.s32 s1, s17;
	s19 =	sadd.s32 $0x4B0, s5;
	[dreg:$0xf] =	wrdreg s25  }
0x1e: {  	s8 =	sshrl.u32 s23, $0x3;
	s10 =	sshll.u32 s21, $0x4;
	[dreg:$0x10] =	wrdreg s26  }
0x1f: {  	s17 =	sadd.s32 $0x708, s5;
	s9 =	simm.s32 $0x3;
	[dreg:$0x12] =	wrdreg s12  }
0x20: {  	s14 =	sadd.s32 s1, s13;
	s15 =	sadd.s32 s11, s7;
	s29 =	sadd.s32 s11, s18  }
0x21: {  	s20 =	sshrl.u32 s19, $0x3;
	s7 =	sshll.u32 s16, $0x4;
	s6 =	sshll.u32 s19, $0x4  }
0x22: {  	s25 =	sadd.s32 s1, s8;
	s12 =	sadd.s32 s11, s10;
	s13 =	sadd.s32 $0x618, s5  }
0x23: {  	s19 =	sshrl.u32 s17, $0x3;
	s10 =	simm.s32 $0x5;
	[dreg:$0x13] =	wrdreg s14  }
0x24: {  	[dreg:$0x14] =	wrdreg s15;
	s30 =	sadd.s32 s1, s20;
	s26 =	sadd.s32 s11, s7  }
0x25: {  	s24 =	sadd.s32 s11, s6;
	[dreg:$0x18] =	wrdreg s12;
	s14 =	sshrl.u32 s13, $0x3  }
0x26: {  	s7 =	sshll.u32 s23, $0x4;
	s15 =	sadd.s32 $0x690, s5;
	s6 =	sshll.u32 s13, $0x4  }
0x27: {  	s21 =	sadd.s32 s1, s19;
	s5 =	sadd.s32 $0x780, s5;
	s13 =	simm.s32 $0x80  }
0x28: {  	s19 =	simm.s32 $0x2;
	s23 =	sadd.s32 s1, s14;
	s7 =	sadd.s32 s11, s7  }
0x29: {  	s16 =	sshrl.u32 s15, $0x3;
	s18 =	sadd.s32 s11, s6;
	s20 =	sshll.u32 s15, $0x4  }
0x2a: {  	s22 =	sshrl.u32 s5, $0x3;
	s5 =	sshll.u32 s5, $0x4;
	s6 =	simm.s32 $0x78  }
.Ltmp0:
0x2b: {  	s15 =	simm.s32 $0x3D00;
	[dreg:$0x16] =	wrdreg s7;
	(pc) =	sbr.rel @!p1 .LBB2_3-.Ltmp0, $4  }
0x2c: {  	s7 =	sadd.s32 s1, s16;
	s14 =	sadd.s32 s11, s20;
	s22 =	sadd.s32 s1, s22  }
0x2d: {  	s8 =	sadd.s32 s11, s5;
	s5 =	sadd.s32 $0xFFFFFFFF, s0;
	s0 =	rddreg [dreg:$0x4]  }
0x2e: {  	[dreg:$0x17] =	wrdreg s7;
	s7 =	sshll.u32 s17, $0x4;
	s17 =	simm.s32 $0x4  }
0x2f: {  	s12 =	sadd.s32 s11, s7;
	s11 =	simm.s32 $0x1;
	s7 =	simm.s32 $0x6  }
0x30: {  	[tilespmem:s3], [sflag:$0x1] =	stream.linear.gather [hbm4b:s0+s3], $0x78, $0x38;
	[tilespmem:$0x7900] =	vst v63  }
0x31: {  	s1 =	rddreg [dreg:$0x5]  }
0x32: {  	[tilespmem:s13], [sflag:$0x2] =	stream.linear.gather [hbm4b:s1+s3], $0x78, $0x38;
	[tilespmem:$0x7900] =	vst v63  }
0x33: {  	_ =	swait.ge [sflag:s11], $0x78  }
0x34: {  	[sflag:s11] =	ssyncset.done $0x0  }
0x35: {  	[sflag:s11] =	ssyncadd.s32 $0xFFFFFF88  }
0x36: {  	[tilespmem:s31], [sflag:$0x3] =	stream.indirect.gather [hbm4b:s2+s6], $0x80, s3, s6, $0xb8;
	[tilespmem:$0x7900] =	vst v63  }
0x37: {  	_ =	swait.ge [sflag:s9], $0x3C00  }
0x38: {  	[sflag:s9] =	ssyncset.done $0x0  }
0x39: {  	s16 =	rddreg [dreg:$0x6];
	[sflag:s9] =	ssyncadd.s32 $0xFFFFC400  }
0x3a: {  	[hbm4b:s16+s3] =	stream.linear.scatter [tilespmem:s31], [sflag:$0x5], $0x3C00, $0x38;
	[tilespmem:$0x7900] =	vst v63  }
0x3b: {  	s20 =	rddreg [dreg:$0x7]  }
0x3c: {  	[tilespmem:s3], [sflag:$0x1] =	stream.linear.gather [hbm4b:s20+s3], $0x78, $0x38;
	[tilespmem:$0x7900] =	vst v63  }
0x3d: {  	_ =	swait.ge [sflag:s19], $0x78  }
0x3e: {  	[sflag:s19] =	ssyncset.done $0x0  }
0x3f: {  	[sflag:s19] =	ssyncadd.s32 $0xFFFFFF88  }
0x40: {  	[tilespmem:s15], [sflag:$0x4] =	stream.indirect.gather [hbm4b:s2+s6], $0x80, s13, s6, $0xb8;
	[tilespmem:$0x7900] =	vst v63  }
0x41: {  	_ =	swait.ge [sflag:s17], $0x3C00  }
0x42: {  	[sflag:s17] =	ssyncset.done $0x0  }
0x43: {  	s16 =	rddreg [dreg:$0x8];
	[sflag:s17] =	ssyncadd.s32 $0xFFFFC400  }
0x44: {  	[hbm4b:s16+s3] =	stream.linear.scatter [tilespmem:s15], [sflag:$0x6], $0x3C00, $0x38;
	[tilespmem:$0x7900] =	vst v63  }
0x45: {  	s20 =	rddreg [dreg:$0x9]  }
0x46: {  	[tilespmem:s13], [sflag:$0x2] =	stream.linear.gather [hbm4b:s20+s3], $0x78, $0x38;
	[tilespmem:$0x7900] =	vst v63  }
0x47: {  	_ =	swait.ge [sflag:s11], $0x78  }
0x48: {  	[sflag:s11] =	ssyncset.done $0x0  }
0x49: {  	[sflag:s11] =	ssyncadd.s32 $0xFFFFFF88  }
0x4a: {  	_ =	swait.ge [sflag:s10], $0x3C00  }
0x4b: {  	[sflag:s10] =	ssyncset.done $0x0  }
0x4c: {  	[sflag:s10] =	ssyncadd.s32 $0xFFFFC400  }
0x4d: {  	[tilespmem:s31], [sflag:$0x3] =	stream.indirect.gather [hbm4b:s2+s6], $0x80, s3, s6, $0xb8;
	[tilespmem:$0x7900] =	vst v63  }
0x4e: {  	_ =	swait.ge [sflag:s9], $0x3C00  }
0x4f: {  	[sflag:s9] =	ssyncset.done $0x0  }
0x50: {  	s16 =	rddreg [dreg:$0xa];
	[sflag:s9] =	ssyncadd.s32 $0xFFFFC400  }
0x51: {  	[hbm4b:s16+s3] =	stream.linear.scatter [tilespmem:s31], [sflag:$0x5], $0x3C00, $0x38;
	[tilespmem:$0x7900] =	vst v63  }
0x52: {  	s20 =	rddreg [dreg:$0xb]  }
0x53: {  	[tilespmem:s3], [sflag:$0x1] =	stream.linear.gather [hbm4b:s20+s3], $0x78, $0x38;
	[tilespmem:$0x7900] =	vst v63  }
0x54: {  	_ =	swait.ge [sflag:s19], $0x78  }
0x55: {  	[sflag:s19] =	ssyncset.done $0x0  }
0x56: {  	[sflag:s19] =	ssyncadd.s32 $0xFFFFFF88  }
0x57: {  	_ =	swait.ge [sflag:s7], $0x3C00  }
0x58: {  	[sflag:s7] =	ssyncset.done $0x0  }
0x59: {  	[sflag:s7] =	ssyncadd.s32 $0xFFFFC400  }
0x5a: {  	[tilespmem:s15], [sflag:$0x4] =	stream.indirect.gather [hbm4b:s2+s6], $0x80, s13, s6, $0xb8;
	[tilespmem:$0x7900] =	vst v63  }
0x5b: {  	_ =	swait.ge [sflag:s17], $0x3C00  }
0x5c: {  	[sflag:s17] =	ssyncset.done $0x0  }
0x5d: {  	s16 =	rddreg [dreg:$0xc];
	[sflag:s17] =	ssyncadd.s32 $0xFFFFC400  }
0x5e: {  	[hbm4b:s16+s3] =	stream.linear.scatter [tilespmem:s15], [sflag:$0x6], $0x3C00, $0x38;
	[tilespmem:$0x7900] =	vst v63  }
0x5f: {  	s20 =	rddreg [dreg:$0xd]  }
0x60: {  	[tilespmem:s13], [sflag:$0x2] =	stream.linear.gather [hbm4b:s20+s3], $0x78, $0x38;
	[tilespmem:$0x7900] =	vst v63  }
0x61: {  	_ =	swait.ge [sflag:s11], $0x78  }
0x62: {  	[sflag:s11] =	ssyncset.done $0x0  }
0x63: {  	[sflag:s11] =	ssyncadd.s32 $0xFFFFFF88  }
0x64: {  	_ =	swait.ge [sflag:s10], $0x3C00  }
0x65: {  	[sflag:s10] =	ssyncset.done $0x0  }
0x66: {  	[sflag:s10] =	ssyncadd.s32 $0xFFFFC400  }
0x67: {  	[tilespmem:s31], [sflag:$0x3] =	stream.indirect.gather [hbm4b:s2+s6], $0x80, s3, s6, $0xb8;
	[tilespmem:$0x7900] =	vst v63  }
0x68: {  	_ =	swait.ge [sflag:s9], $0x3C00  }
0x69: {  	[sflag:s9] =	ssyncset.done $0x0  }
0x6a: {  	s16 =	rddreg [dreg:$0xe];
	[sflag:s9] =	ssyncadd.s32 $0xFFFFC400  }
0x6b: {  	[hbm4b:s16+s3] =	stream.linear.scatter [tilespmem:s31], [sflag:$0x5], $0x3C00, $0x38;
	[tilespmem:$0x7900] =	vst v63  }
0x6c: {  	s20 =	rddreg [dreg:$0xf]  }
0x6d: {  	[tilespmem:s3], [sflag:$0x1] =	stream.linear.gather [hbm4b:s20+s3], $0x78, $0x38;
	[tilespmem:$0x7900] =	vst v63  }
0x6e: {  	_ =	swait.ge [sflag:s19], $0x78  }
0x6f: {  	[sflag:s19] =	ssyncset.done $0x0  }
0x70: {  	[sflag:s19] =	ssyncadd.s32 $0xFFFFFF88  }
0x71: {  	_ =	swait.ge [sflag:s7], $0x3C00  }
0x72: {  	[sflag:s7] =	ssyncset.done $0x0  }
0x73: {  	[sflag:s7] =	ssyncadd.s32 $0xFFFFC400  }
0x74: {  	[tilespmem:s15], [sflag:$0x4] =	stream.indirect.gather [hbm4b:s2+s6], $0x80, s13, s6, $0xb8;
	[tilespmem:$0x7900] =	vst v63  }
0x75: {  	_ =	swait.ge [sflag:s17], $0x3C00  }
0x76: {  	[sflag:s17] =	ssyncset.done $0x0  }
0x77: {  	s16 =	rddreg [dreg:$0x10];
	[sflag:s17] =	ssyncadd.s32 $0xFFFFC400  }
0x78: {  	[hbm4b:s16+s3] =	stream.linear.scatter [tilespmem:s15], [sflag:$0x6], $0x3C00, $0x38;
	[tilespmem:$0x7900] =	vst v63  }
0x79: {  	s20 =	rddreg [dreg:$0x11]  }
0x7a: {  	[tilespmem:s13], [sflag:$0x2] =	stream.linear.gather [hbm4b:s20+s3], $0x78, $0x38;
	[tilespmem:$0x7900] =	vst v63  }
0x7b: {  	_ =	swait.ge [sflag:s11], $0x78  }
0x7c: {  	[sflag:s11] =	ssyncset.done $0x0  }
0x7d: {  	[sflag:s11] =	ssyncadd.s32 $0xFFFFFF88  }
0x7e: {  	_ =	swait.ge [sflag:s10], $0x3C00  }
0x7f: {  	[sflag:s10] =	ssyncset.done $0x0  }
0x80: {  	[sflag:s10] =	ssyncadd.s32 $0xFFFFC400  }
0x81: {  	[tilespmem:s31], [sflag:$0x3] =	stream.indirect.gather [hbm4b:s2+s6], $0x80, s3, s6, $0xb8;
	[tilespmem:$0x7900] =	vst v63  }
0x82: {  	_ =	swait.ge [sflag:s9], $0x3C00  }
0x83: {  	[sflag:s9] =	ssyncset.done $0x0  }
0x84: {  	s1 =	rddreg [dreg:$0x12];
	[sflag:s9] =	ssyncadd.s32 $0xFFFFC400  }
0x85: {  	[hbm4b:s1+s3] =	stream.linear.scatter [tilespmem:s31], [sflag:$0x5], $0x3C00, $0x38;
	[tilespmem:$0x7900] =	vst v63  }
0x86: {  	s16 =	rddreg [dreg:$0x13]  }
0x87: {  	[tilespmem:s3], [sflag:$0x1] =	stream.linear.gather [hbm4b:s16+s3], $0x78, $0x38;
	[tilespmem:$0x7900] =	vst v63  }
0x88: {  	_ =	swait.ge [sflag:s19], $0x78  }
0x89: {  	[sflag:s19] =	ssyncset.done $0x0  }
0x8a: {  	[sflag:s19] =	ssyncadd.s32 $0xFFFFFF88  }
0x8b: {  	_ =	swait.ge [sflag:s7], $0x3C00  }
0x8c: {  	[sflag:s7] =	ssyncset.done $0x0  }
0x8d: {  	[sflag:s7] =	ssyncadd.s32 $0xFFFFC400  }
0x8e: {  	[tilespmem:s15], [sflag:$0x4] =	stream.indirect.gather [hbm4b:s2+s6], $0x80, s13, s6, $0xb8;
	[tilespmem:$0x7900] =	vst v63  }
0x8f: {  	_ =	swait.ge [sflag:s17], $0x3C00  }
0x90: {  	[sflag:s17] =	ssyncset.done $0x0  }
0x91: {  	s20 =	rddreg [dreg:$0x14];
	[sflag:s17] =	ssyncadd.s32 $0xFFFFC400  }
0x92: {  	[hbm4b:s20+s3] =	stream.linear.scatter [tilespmem:s15], [sflag:$0x6], $0x3C00, $0x38;
	[tilespmem:$0x7900] =	vst v63  }
0x93: {  	_ = 	snop  }
0x94: {  	[tilespmem:s13], [sflag:$0x2] =	stream.linear.gather [hbm4b:s4+s3], $0x78, $0x38;
	[tilespmem:$0x7900] =	vst v63  }
0x95: {  	_ =	swait.ge [sflag:s11], $0x78  }
0x96: {  	[sflag:s11] =	ssyncset.done $0x0  }
0x97: {  	[sflag:s11] =	ssyncadd.s32 $0xFFFFFF88  }
0x98: {  	_ =	swait.ge [sflag:s10], $0x3C00  }
0x99: {  	[sflag:s10] =	ssyncset.done $0x0  }
0x9a: {  	[sflag:s10] =	ssyncadd.s32 $0xFFFFC400  }
0x9b: {  	[tilespmem:s31], [sflag:$0x3] =	stream.indirect.gather [hbm4b:s2+s6], $0x80, s3, s6, $0xb8;
	[tilespmem:$0x7900] =	vst v63  }
0x9c: {  	_ =	swait.ge [sflag:s9], $0x3C00  }
0x9d: {  	[sflag:s9] =	ssyncset.done $0x0  }
0x9e: {  	[sflag:s9] =	ssyncadd.s32 $0xFFFFC400  }
0x9f: {  	[hbm4b:s29+s3] =	stream.linear.scatter [tilespmem:s31], [sflag:$0x5], $0x3C00, $0x38;
	[tilespmem:$0x7900] =	vst v63  }
0xa0: {  	_ = 	snop  }
0xa1: {  	[tilespmem:s3], [sflag:$0x1] =	stream.linear.gather [hbm4b:s30+s3], $0x78, $0x38;
	[tilespmem:$0x7900] =	vst v63  }
0xa2: {  	_ =	swait.ge [sflag:s19], $0x78  }
0xa3: {  	[sflag:s19] =	ssyncset.done $0x0  }
0xa4: {  	[sflag:s19] =	ssyncadd.s32 $0xFFFFFF88  }
0xa5: {  	_ =	swait.ge [sflag:s7], $0x3C00  }
0xa6: {  	[sflag:s7] =	ssyncset.done $0x0  }
0xa7: {  	[sflag:s7] =	ssyncadd.s32 $0xFFFFC400  }
0xa8: {  	[tilespmem:s15], [sflag:$0x4] =	stream.indirect.gather [hbm4b:s2+s6], $0x80, s13, s6, $0xb8;
	[tilespmem:$0x7900] =	vst v63  }
0xa9: {  	_ =	swait.ge [sflag:s17], $0x3C00  }
0xaa: {  	[sflag:s17] =	ssyncset.done $0x0  }
0xab: {  	[sflag:s17] =	ssyncadd.s32 $0xFFFFC400  }
0xac: {  	[hbm4b:s26+s3] =	stream.linear.scatter [tilespmem:s15], [sflag:$0x6], $0x3C00, $0x38;
	[tilespmem:$0x7900] =	vst v63  }
0xad: {  	_ = 	snop  }
0xae: {  	[tilespmem:s13], [sflag:$0x2] =	stream.linear.gather [hbm4b:s28+s3], $0x78, $0x38;
	[tilespmem:$0x7900] =	vst v63  }
0xaf: {  	_ =	swait.ge [sflag:s11], $0x78  }
0xb0: {  	[sflag:s11] =	ssyncset.done $0x0  }
0xb1: {  	[sflag:s11] =	ssyncadd.s32 $0xFFFFFF88  }
0xb2: {  	_ =	swait.ge [sflag:s10], $0x3C00  }
0xb3: {  	[sflag:s10] =	ssyncset.done $0x0  }
0xb4: {  	[sflag:s10] =	ssyncadd.s32 $0xFFFFC400  }
0xb5: {  	[tilespmem:s31], [sflag:$0x3] =	stream.indirect.gather [hbm4b:s2+s6], $0x80, s3, s6, $0xb8;
	[tilespmem:$0x7900] =	vst v63  }
0xb6: {  	_ =	swait.ge [sflag:s9], $0x3C00  }
0xb7: {  	[sflag:s9] =	ssyncset.done $0x0  }
0xb8: {  	[sflag:s9] =	ssyncadd.s32 $0xFFFFC400  }
0xb9: {  	[hbm4b:s24+s3] =	stream.linear.scatter [tilespmem:s31], [sflag:$0x5], $0x3C00, $0x38;
	[tilespmem:$0x7900] =	vst v63  }
0xba: {  	_ = 	snop  }
0xbb: {  	[tilespmem:s3], [sflag:$0x1] =	stream.linear.gather [hbm4b:s25+s3], $0x78, $0x38;
	[tilespmem:$0x7900] =	vst v63  }
0xbc: {  	_ =	swait.ge [sflag:s19], $0x78  }
0xbd: {  	[sflag:s19] =	ssyncset.done $0x0  }
0xbe: {  	[sflag:s19] =	ssyncadd.s32 $0xFFFFFF88  }
0xbf: {  	_ =	swait.ge [sflag:s7], $0x3C00  }
0xc0: {  	[sflag:s7] =	ssyncset.done $0x0  }
0xc1: {  	[sflag:s7] =	ssyncadd.s32 $0xFFFFC400  }
0xc2: {  	[tilespmem:s15], [sflag:$0x4] =	stream.indirect.gather [hbm4b:s2+s6], $0x80, s13, s6, $0xb8;
	[tilespmem:$0x7900] =	vst v63  }
0xc3: {  	_ =	swait.ge [sflag:s17], $0x3C00  }
0xc4: {  	[sflag:s17] =	ssyncset.done $0x0  }
0xc5: {  	s1 =	rddreg [dreg:$0x18];
	[sflag:s17] =	ssyncadd.s32 $0xFFFFC400  }
0xc6: {  	[hbm4b:s1+s3] =	stream.linear.scatter [tilespmem:s15], [sflag:$0x6], $0x3C00, $0x38;
	[tilespmem:$0x7900] =	vst v63  }
0xc7: {  	_ = 	snop  }
0xc8: {  	[tilespmem:s13], [sflag:$0x2] =	stream.linear.gather [hbm4b:s23+s3], $0x78, $0x38;
	[tilespmem:$0x7900] =	vst v63  }
0xc9: {  	_ =	swait.ge [sflag:s11], $0x78  }
0xca: {  	[sflag:s11] =	ssyncset.done $0x0  }
0xcb: {  	[sflag:s11] =	ssyncadd.s32 $0xFFFFFF88  }
0xcc: {  	_ =	swait.ge [sflag:s10], $0x3C00  }
0xcd: {  	[sflag:s10] =	ssyncset.done $0x0  }
0xce: {  	[sflag:s10] =	ssyncadd.s32 $0xFFFFC400  }
0xcf: {  	[tilespmem:s31], [sflag:$0x3] =	stream.indirect.gather [hbm4b:s2+s6], $0x80, s3, s6, $0xb8;
	[tilespmem:$0x7900] =	vst v63  }
0xd0: {  	_ =	swait.ge [sflag:s9], $0x3C00  }
0xd1: {  	[sflag:s9] =	ssyncset.done $0x0  }
0xd2: {  	s16 =	rddreg [dreg:$0x16];
	[sflag:s9] =	ssyncadd.s32 $0xFFFFC400  }
0xd3: {  	[hbm4b:s16+s3] =	stream.linear.scatter [tilespmem:s31], [sflag:$0x5], $0x3C00, $0x38;
	[tilespmem:$0x7900] =	vst v63  }
0xd4: {  	s20 =	rddreg [dreg:$0x17]  }
0xd5: {  	[tilespmem:s3], [sflag:$0x1] =	stream.linear.gather [hbm4b:s20+s3], $0x78, $0x38;
	[tilespmem:$0x7900] =	vst v63  }
0xd6: {  	_ =	swait.ge [sflag:s19], $0x78  }
0xd7: {  	[sflag:s19] =	ssyncset.done $0x0  }
0xd8: {  	[sflag:s19] =	ssyncadd.s32 $0xFFFFFF88  }
0xd9: {  	_ =	swait.ge [sflag:s7], $0x3C00  }
0xda: {  	[sflag:s7] =	ssyncset.done $0x0  }
0xdb: {  	[sflag:s7] =	ssyncadd.s32 $0xFFFFC400  }
0xdc: {  	[tilespmem:s15], [sflag:$0x4] =	stream.indirect.gather [hbm4b:s2+s6], $0x80, s13, s6, $0xb8;
	[tilespmem:$0x7900] =	vst v63  }
0xdd: {  	_ =	swait.ge [sflag:s17], $0x3C00  }
0xde: {  	[sflag:s17] =	ssyncset.done $0x0  }
0xdf: {  	[sflag:s17] =	ssyncadd.s32 $0xFFFFC400  }
0xe0: {  	[hbm4b:s18+s3] =	stream.linear.scatter [tilespmem:s15], [sflag:$0x6], $0x3C00, $0x38;
	[tilespmem:$0x7900] =	vst v63  }
0xe1: {  	_ = 	snop  }
0xe2: {  	[tilespmem:s13], [sflag:$0x2] =	stream.linear.gather [hbm4b:s21+s3], $0x78, $0x38;
	[tilespmem:$0x7900] =	vst v63  }
0xe3: {  	_ =	swait.ge [sflag:s11], $0x78  }
0xe4: {  	[sflag:s11] =	ssyncset.done $0x0  }
0xe5: {  	[sflag:s11] =	ssyncadd.s32 $0xFFFFFF88  }
0xe6: {  	_ =	swait.ge [sflag:s10], $0x3C00  }
0xe7: {  	[sflag:s10] =	ssyncset.done $0x0  }
0xe8: {  	[sflag:s10] =	ssyncadd.s32 $0xFFFFC400  }
0xe9: {  	[tilespmem:s31], [sflag:$0x3] =	stream.indirect.gather [hbm4b:s2+s6], $0x80, s3, s6, $0xb8;
	[tilespmem:$0x7900] =	vst v63  }
0xea: {  	_ =	swait.ge [sflag:s9], $0x3C00  }
0xeb: {  	[sflag:s9] =	ssyncset.done $0x0  }
0xec: {  	[sflag:s9] =	ssyncadd.s32 $0xFFFFC400  }
0xed: {  	[hbm4b:s14+s3] =	stream.linear.scatter [tilespmem:s31], [sflag:$0x5], $0x3C00, $0x38;
	[tilespmem:$0x7900] =	vst v63  }
0xee: {  	_ = 	snop  }
0xef: {  	[tilespmem:s3], [sflag:$0x1] =	stream.linear.gather [hbm4b:s22+s3], $0x78, $0x38;
	[tilespmem:$0x7900] =	vst v63  }
0xf0: {  	_ =	swait.ge [sflag:s19], $0x78  }
0xf1: {  	[sflag:s19] =	ssyncset.done $0x0  }
0xf2: {  	[sflag:s19] =	ssyncadd.s32 $0xFFFFFF88  }
0xf3: {  	_ =	swait.ge [sflag:s7], $0x3C00  }
0xf4: {  	[sflag:s7] =	ssyncset.done $0x0  }
0xf5: {  	[sflag:s7] =	ssyncadd.s32 $0xFFFFC400  }
0xf6: {  	[tilespmem:s15], [sflag:$0x4] =	stream.indirect.gather [hbm4b:s2+s6], $0x80, s13, s6, $0xb8;
	[tilespmem:$0x7900] =	vst v63  }
0xf7: {  	_ =	swait.ge [sflag:s17], $0x3C00  }
0xf8: {  	[sflag:s17] =	ssyncset.done $0x0  }
0xf9: {  	[sflag:s17] =	ssyncadd.s32 $0xFFFFC400  }
0xfa: {  	[hbm4b:s12+s3] =	stream.linear.scatter [tilespmem:s15], [sflag:$0x6], $0x3C00, $0x38;
	[tilespmem:$0x7900] =	vst v63  }
0xfb: {  	_ =	swait.ge [sflag:s11], $0x78  }
0xfc: {  	[sflag:s11] =	ssyncset.done $0x0  }
0xfd: {  	[sflag:s11] =	ssyncadd.s32 $0xFFFFFF88  }
0xfe: {  	_ =	swait.ge [sflag:s10], $0x3C00  }
0xff: {  	[sflag:s10] =	ssyncset.done $0x0  }
0x100: {  	[sflag:s10] =	ssyncadd.s32 $0xFFFFC400  }
0x101: {  	[tilespmem:s31], [sflag:$0x3] =	stream.indirect.gather [hbm4b:s2+s6], $0x80, s3, s6, $0xb8;
	[tilespmem:$0x7900] =	vst v63  }
0x102: {  	_ =	swait.ge [sflag:s9], $0x3C00  }
0x103: {  	[sflag:s9] =	ssyncset.done $0x0  }
0x104: {  	p1 =	sne.s32 s5, $0x1;
	[sflag:s9] =	ssyncadd.s32 $0xFFFFC400  }
0x105: {  	[hbm4b:s8+s3] =	stream.linear.scatter [tilespmem:s31], [sflag:$0x5], $0x3C00, $0x38;
	[tilespmem:$0x7900] =	vst v63  }
.Ltmp1:
0x106: {  	_ =	swait.ge [sflag:s10], $0x3C00;
	(pc) =	sbr.rel @!p1 .LBB2_3-.Ltmp1, $4  }
0x107: {  	[sflag:s10] =	ssyncset.done $0x0  }
0x108: {  	[sflag:s10] =	ssyncadd.s32 $0xFFFFC400  }
0x109: {  	p0 =	por $0x1, $0x1;
	_ =	swait.ge [sflag:s7], $0x3C00;
	[dreg:$0x15] =	wrdreg s4  }
0x10a: {  	s1 =	sadd.s32 $0xFFFFFFFF, s5;
	s0 =	rddreg [dreg:$0x4];
	[sflag:s7] =	ssyncset.done $0x0  }
.LBB2_2:
0x10b: {  	[sflag:s7] =	ssyncadd.s32 $0xFFFFC400  }
0x10c: {  	[tilespmem:s3], [sflag:$0x1] =	stream.linear.gather [hbm4b:s0+s3], $0x78, $0x38;
	[tilespmem:$0x7900] =	vst v63  }
0x10d: {  	s15 =	simm.s32 $0x80;
	s4 =	rddreg [dreg:$0x5]  }
0x10e: {  	[tilespmem:s15], [sflag:$0x2] =	stream.linear.gather [hbm4b:s4+s3], $0x78, $0x38;
	[tilespmem:$0x7900] =	vst v63  }
0x10f: {  	_ =	swait.ge [sflag:s11], $0x78  }
0x110: {  	[sflag:s11] =	ssyncset.done $0x0  }
0x111: {  	s5 =	simm.s32 $0x78;
	[sflag:s11] =	ssyncadd.s32 $0xFFFFFF88  }
0x112: {  	[tilespmem:s31], [sflag:$0x3] =	stream.indirect.gather [hbm4b:s2+s5], $0x80, s3, s5, $0xb8;
	[tilespmem:$0x7900] =	vst v63  }
0x113: {  	_ =	swait.ge [sflag:s9], $0x3C00  }
0x114: {  	s13 =	smov.u32 s30;
	s30 =	smov.u32 s29;
	[sflag:s9] =	ssyncset.done $0x0  }
0x115: {  	s29 =	smov.u32 s28;
	s20 =	rddreg [dreg:$0x6];
	[sflag:s9] =	ssyncadd.s32 $0xFFFFC400  }
0x116: {  	[hbm4b:s20+s3] =	stream.linear.scatter [tilespmem:s31], [sflag:$0x5], $0x3C00, $0x38;
	[tilespmem:$0x7900] =	vst v63  }
0x117: {  	s28 =	smov.u32 s26;
	s26 =	smov.u32 s25;
	s25 =	rddreg [dreg:$0x7]  }
0x118: {  	[tilespmem:s3], [sflag:$0x1] =	stream.linear.gather [hbm4b:s25+s3], $0x78, $0x38;
	[tilespmem:$0x7900] =	vst v63  }
0x119: {  	_ =	swait.ge [sflag:s19], $0x78  }
0x11a: {  	[sflag:s19] =	ssyncset.done $0x0  }
0x11b: {  	s6 =	simm.s32 $0x3D00;
	[sflag:s19] =	ssyncadd.s32 $0xFFFFFF88  }
0x11c: {  	[tilespmem:s6], [sflag:$0x4] =	stream.indirect.gather [hbm4b:s2+s5], $0x80, s15, s5, $0xb8;
	[tilespmem:$0x7900] =	vst v63  }
0x11d: {  	_ =	swait.ge [sflag:s17], $0x3C00  }
0x11e: {  	[sflag:s17] =	ssyncset.done $0x0  }
0x11f: {  	s4 =	rddreg [dreg:$0x8];
	[sflag:s17] =	ssyncadd.s32 $0xFFFFC400  }
0x120: {  	[hbm4b:s4+s3] =	stream.linear.scatter [tilespmem:s6], [sflag:$0x6], $0x3C00, $0x38;
	[tilespmem:$0x7900] =	vst v63  }
0x121: {  	s16 =	rddreg [dreg:$0x9]  }
0x122: {  	[tilespmem:s15], [sflag:$0x2] =	stream.linear.gather [hbm4b:s16+s3], $0x78, $0x38;
	[tilespmem:$0x7900] =	vst v63  }
0x123: {  	_ =	swait.ge [sflag:s11], $0x78  }
0x124: {  	[sflag:s11] =	ssyncset.done $0x0  }
0x125: {  	[sflag:s11] =	ssyncadd.s32 $0xFFFFFF88  }
0x126: {  	_ =	swait.ge [sflag:s10], $0x3C00  }
0x127: {  	[sflag:s10] =	ssyncset.done $0x0  }
0x128: {  	[sflag:s10] =	ssyncadd.s32 $0xFFFFC400  }
0x129: {  	[tilespmem:s31], [sflag:$0x3] =	stream.indirect.gather [hbm4b:s2+s5], $0x80, s3, s5, $0xb8;
	[tilespmem:$0x7900] =	vst v63  }
0x12a: {  	_ =	swait.ge [sflag:s9], $0x3C00  }
0x12b: {  	[sflag:s9] =	ssyncset.done $0x0  }
0x12c: {  	s20 =	rddreg [dreg:$0xa];
	[sflag:s9] =	ssyncadd.s32 $0xFFFFC400  }
0x12d: {  	[hbm4b:s20+s3] =	stream.linear.scatter [tilespmem:s31], [sflag:$0x5], $0x3C00, $0x38;
	[tilespmem:$0x7900] =	vst v63  }
0x12e: {  	s25 =	rddreg [dreg:$0xb]  }
0x12f: {  	[tilespmem:s3], [sflag:$0x1] =	stream.linear.gather [hbm4b:s25+s3], $0x78, $0x38;
	[tilespmem:$0x7900] =	vst v63  }
0x130: {  	_ =	swait.ge [sflag:s19], $0x78  }
0x131: {  	[sflag:s19] =	ssyncset.done $0x0  }
0x132: {  	[sflag:s19] =	ssyncadd.s32 $0xFFFFFF88  }
0x133: {  	_ =	swait.ge [sflag:s7], $0x3C00  }
0x134: {  	[sflag:s7] =	ssyncset.done $0x0  }
0x135: {  	[sflag:s7] =	ssyncadd.s32 $0xFFFFC400  }
0x136: {  	[tilespmem:s6], [sflag:$0x4] =	stream.indirect.gather [hbm4b:s2+s5], $0x80, s15, s5, $0xb8;
	[tilespmem:$0x7900] =	vst v63  }
0x137: {  	_ =	swait.ge [sflag:s17], $0x3C00  }
0x138: {  	[sflag:s17] =	ssyncset.done $0x0  }
0x139: {  	s4 =	rddreg [dreg:$0xc];
	[sflag:s17] =	ssyncadd.s32 $0xFFFFC400  }
0x13a: {  	[hbm4b:s4+s3] =	stream.linear.scatter [tilespmem:s6], [sflag:$0x6], $0x3C00, $0x38;
	[tilespmem:$0x7900] =	vst v63  }
0x13b: {  	s16 =	rddreg [dreg:$0xd]  }
0x13c: {  	[tilespmem:s15], [sflag:$0x2] =	stream.linear.gather [hbm4b:s16+s3], $0x78, $0x38;
	[tilespmem:$0x7900] =	vst v63  }
0x13d: {  	_ =	swait.ge [sflag:s11], $0x78  }
0x13e: {  	[sflag:s11] =	ssyncset.done $0x0  }
0x13f: {  	[sflag:s11] =	ssyncadd.s32 $0xFFFFFF88  }
0x140: {  	_ =	swait.ge [sflag:s10], $0x3C00  }
0x141: {  	[sflag:s10] =	ssyncset.done $0x0  }
0x142: {  	[sflag:s10] =	ssyncadd.s32 $0xFFFFC400  }
0x143: {  	[tilespmem:s31], [sflag:$0x3] =	stream.indirect.gather [hbm4b:s2+s5], $0x80, s3, s5, $0xb8;
	[tilespmem:$0x7900] =	vst v63  }
0x144: {  	_ =	swait.ge [sflag:s9], $0x3C00  }
0x145: {  	[sflag:s9] =	ssyncset.done $0x0  }
0x146: {  	s20 =	rddreg [dreg:$0xe];
	[sflag:s9] =	ssyncadd.s32 $0xFFFFC400  }
0x147: {  	[hbm4b:s20+s3] =	stream.linear.scatter [tilespmem:s31], [sflag:$0x5], $0x3C00, $0x38;
	[tilespmem:$0x7900] =	vst v63  }
0x148: {  	s25 =	rddreg [dreg:$0xf]  }
0x149: {  	[tilespmem:s3], [sflag:$0x1] =	stream.linear.gather [hbm4b:s25+s3], $0x78, $0x38;
	[tilespmem:$0x7900] =	vst v63  }
0x14a: {  	_ =	swait.ge [sflag:s19], $0x78  }
0x14b: {  	[sflag:s19] =	ssyncset.done $0x0  }
0x14c: {  	[sflag:s19] =	ssyncadd.s32 $0xFFFFFF88  }
0x14d: {  	_ =	swait.ge [sflag:s7], $0x3C00  }
0x14e: {  	[sflag:s7] =	ssyncset.done $0x0  }
0x14f: {  	[sflag:s7] =	ssyncadd.s32 $0xFFFFC400  }
0x150: {  	[tilespmem:s6], [sflag:$0x4] =	stream.indirect.gather [hbm4b:s2+s5], $0x80, s15, s5, $0xb8;
	[tilespmem:$0x7900] =	vst v63  }
0x151: {  	_ =	swait.ge [sflag:s17], $0x3C00  }
0x152: {  	[sflag:s17] =	ssyncset.done $0x0  }
0x153: {  	s5 =	rddreg [dreg:$0x10];
	[sflag:s17] =	ssyncadd.s32 $0xFFFFC400  }
0x154: {  	[hbm4b:s5+s3] =	stream.linear.scatter [tilespmem:s6], [sflag:$0x6], $0x3C00, $0x38;
	[tilespmem:$0x7900] =	vst v63  }
0x155: {  	s16 =	rddreg [dreg:$0x11]  }
0x156: {  	[tilespmem:s15], [sflag:$0x2] =	stream.linear.gather [hbm4b:s16+s3], $0x78, $0x38;
	[tilespmem:$0x7900] =	vst v63  }
0x157: {  	_ =	swait.ge [sflag:s11], $0x78  }
0x158: {  	[sflag:s11] =	ssyncset.done $0x0  }
0x159: {  	[sflag:s11] =	ssyncadd.s32 $0xFFFFFF88  }
0x15a: {  	_ =	swait.ge [sflag:s10], $0x3C00  }
0x15b: {  	[sflag:s10] =	ssyncset.done $0x0  }
0x15c: {  	s6 =	simm.s32 $0x78;
	[sflag:s10] =	ssyncadd.s32 $0xFFFFC400  }
0x15d: {  	[tilespmem:s31], [sflag:$0x3] =	stream.indirect.gather [hbm4b:s2+s6], $0x80, s3, s6, $0xb8;
	[tilespmem:$0x7900] =	vst v63  }
0x15e: {  	_ =	swait.ge [sflag:s9], $0x3C00  }
0x15f: {  	s5 =	smov.u32 s8;
	s20 =	rddreg [dreg:$0x12]  }
0x160: {  	s8 =	smov.u32 s12;
	s12 =	smov.u32 s14;
	s25 =	rddreg [dreg:$0x13]  }
0x161: {  	s14 =	smov.u32 s18;
	[sflag:s9] =	ssyncset.done $0x0;
	s18 =	rddreg [dreg:$0x16]  }
0x162: {  	s16 =	smov.u32 s22;
	s22 =	rddreg [dreg:$0x18];
	[sflag:s9] =	ssyncadd.s32 $0xFFFFC400  }
0x163: {  	[hbm4b:s20+s3] =	stream.linear.scatter [tilespmem:s31], [sflag:$0x5], $0x3C00, $0x38;
	[tilespmem:$0x7900] =	vst v63  }
0x164: {  	s4 =	rddreg [dreg:$0x15]  }
0x165: {  	[tilespmem:s3], [sflag:$0x1] =	stream.linear.gather [hbm4b:s25+s3], $0x78, $0x38;
	[tilespmem:$0x7900] =	vst v63  }
0x166: {  	s20 =	smov.u32 s21;
	s21 =	rddreg [dreg:$0x17];
	_ =	swait.ge [sflag:s19], $0x78  }
0x167: {  	[sflag:s19] =	ssyncset.done $0x0  }
0x168: {  	s15 =	simm.s32 $0x3D00;
	[sflag:s19] =	ssyncadd.s32 $0xFFFFFF88  }
0x169: {  	s25 =	smov.u32 s26;
	s26 =	smov.u32 s28;
	_ =	swait.ge [sflag:s7], $0x3C00  }
0x16a: {  	s28 =	smov.u32 s29;
	s29 =	smov.u32 s30;
	[sflag:s7] =	ssyncset.done $0x0  }
0x16b: {  	s30 =	smov.u32 s13;
	s13 =	simm.s32 $0x80;
	[sflag:s7] =	ssyncadd.s32 $0xFFFFC400  }
0x16c: {  	[tilespmem:s15], [sflag:$0x4] =	stream.indirect.gather [hbm4b:s2+s6], $0x80, s13, s6, $0xb8;
	[tilespmem:$0x7900] =	vst v63  }
0x16d: {  	_ =	swait.ge [sflag:s17], $0x3C00  }
0x16e: {  	[sflag:s17] =	ssyncset.done $0x0  }
0x16f: {  	s0 =	rddreg [dreg:$0x14];
	[sflag:s17] =	ssyncadd.s32 $0xFFFFC400  }
0x170: {  	[hbm4b:s0+s3] =	stream.linear.scatter [tilespmem:s15], [sflag:$0x6], $0x3C00, $0x38;
	[tilespmem:$0x7900] =	vst v63  }
0x171: {  	_ = 	snop  }
0x172: {  	[tilespmem:s13], [sflag:$0x2] =	stream.linear.gather [hbm4b:s4+s3], $0x78, $0x38;
	[tilespmem:$0x7900] =	vst v63  }
0x173: {  	_ =	swait.ge [sflag:s11], $0x78  }
0x174: {  	[sflag:s11] =	ssyncset.done $0x0  }
0x175: {  	[sflag:s11] =	ssyncadd.s32 $0xFFFFFF88  }
0x176: {  	_ =	swait.ge [sflag:s10], $0x3C00  }
0x177: {  	[sflag:s10] =	ssyncset.done $0x0  }
0x178: {  	[sflag:s10] =	ssyncadd.s32 $0xFFFFC400  }
0x179: {  	[tilespmem:s31], [sflag:$0x3] =	stream.indirect.gather [hbm4b:s2+s6], $0x80, s3, s6, $0xb8;
	[tilespmem:$0x7900] =	vst v63  }
0x17a: {  	_ =	swait.ge [sflag:s9], $0x3C00  }
0x17b: {  	[sflag:s9] =	ssyncset.done $0x0  }
0x17c: {  	[sflag:s9] =	ssyncadd.s32 $0xFFFFC400  }
0x17d: {  	[hbm4b:s29+s3] =	stream.linear.scatter [tilespmem:s31], [sflag:$0x5], $0x3C00, $0x38;
	[tilespmem:$0x7900] =	vst v63  }
0x17e: {  	_ = 	snop  }
0x17f: {  	[tilespmem:s3], [sflag:$0x1] =	stream.linear.gather [hbm4b:s30+s3], $0x78, $0x38;
	[tilespmem:$0x7900] =	vst v63  }
0x180: {  	_ =	swait.ge [sflag:s19], $0x78  }
0x181: {  	[sflag:s19] =	ssyncset.done $0x0  }
0x182: {  	[sflag:s19] =	ssyncadd.s32 $0xFFFFFF88  }
0x183: {  	_ =	swait.ge [sflag:s7], $0x3C00  }
0x184: {  	[sflag:s7] =	ssyncset.done $0x0  }
0x185: {  	[sflag:s7] =	ssyncadd.s32 $0xFFFFC400  }
0x186: {  	[tilespmem:s15], [sflag:$0x4] =	stream.indirect.gather [hbm4b:s2+s6], $0x80, s13, s6, $0xb8;
	[tilespmem:$0x7900] =	vst v63  }
0x187: {  	_ =	swait.ge [sflag:s17], $0x3C00  }
0x188: {  	[sflag:s17] =	ssyncset.done $0x0  }
0x189: {  	[sflag:s17] =	ssyncadd.s32 $0xFFFFC400  }
0x18a: {  	[hbm4b:s26+s3] =	stream.linear.scatter [tilespmem:s15], [sflag:$0x6], $0x3C00, $0x38;
	[tilespmem:$0x7900] =	vst v63  }
0x18b: {  	_ = 	snop  }
0x18c: {  	[tilespmem:s13], [sflag:$0x2] =	stream.linear.gather [hbm4b:s28+s3], $0x78, $0x38;
	[tilespmem:$0x7900] =	vst v63  }
0x18d: {  	_ =	swait.ge [sflag:s11], $0x78  }
0x18e: {  	[sflag:s11] =	ssyncset.done $0x0  }
0x18f: {  	[sflag:s11] =	ssyncadd.s32 $0xFFFFFF88  }
0x190: {  	_ =	swait.ge [sflag:s10], $0x3C00  }
0x191: {  	[sflag:s10] =	ssyncset.done $0x0  }
0x192: {  	[sflag:s10] =	ssyncadd.s32 $0xFFFFC400  }
0x193: {  	[tilespmem:s31], [sflag:$0x3] =	stream.indirect.gather [hbm4b:s2+s6], $0x80, s3, s6, $0xb8;
	[tilespmem:$0x7900] =	vst v63  }
0x194: {  	_ =	swait.ge [sflag:s9], $0x3C00  }
0x195: {  	[sflag:s9] =	ssyncset.done $0x0  }
0x196: {  	[sflag:s9] =	ssyncadd.s32 $0xFFFFC400  }
0x197: {  	[hbm4b:s24+s3] =	stream.linear.scatter [tilespmem:s31], [sflag:$0x5], $0x3C00, $0x38;
	[tilespmem:$0x7900] =	vst v63  }
0x198: {  	_ = 	snop  }
0x199: {  	[tilespmem:s3], [sflag:$0x1] =	stream.linear.gather [hbm4b:s25+s3], $0x78, $0x38;
	[tilespmem:$0x7900] =	vst v63  }
0x19a: {  	_ =	swait.ge [sflag:s19], $0x78  }
0x19b: {  	[sflag:s19] =	ssyncset.done $0x0  }
0x19c: {  	[sflag:s19] =	ssyncadd.s32 $0xFFFFFF88  }
0x19d: {  	_ =	swait.ge [sflag:s7], $0x3C00  }
0x19e: {  	[sflag:s7] =	ssyncset.done $0x0  }
0x19f: {  	[sflag:s7] =	ssyncadd.s32 $0xFFFFC400  }
0x1a0: {  	[tilespmem:s15], [sflag:$0x4] =	stream.indirect.gather [hbm4b:s2+s6], $0x80, s13, s6, $0xb8;
	[tilespmem:$0x7900] =	vst v63  }
0x1a1: {  	_ =	swait.ge [sflag:s17], $0x3C00  }
0x1a2: {  	[sflag:s17] =	ssyncset.done $0x0  }
0x1a3: {  	[sflag:s17] =	ssyncadd.s32 $0xFFFFC400  }
0x1a4: {  	[hbm4b:s22+s3] =	stream.linear.scatter [tilespmem:s15], [sflag:$0x6], $0x3C00, $0x38;
	[tilespmem:$0x7900] =	vst v63  }
0x1a5: {  	_ = 	snop  }
0x1a6: {  	[tilespmem:s13], [sflag:$0x2] =	stream.linear.gather [hbm4b:s23+s3], $0x78, $0x38;
	[tilespmem:$0x7900] =	vst v63  }
0x1a7: {  	_ =	swait.ge [sflag:s11], $0x78  }
0x1a8: {  	[sflag:s11] =	ssyncset.done $0x0  }
0x1a9: {  	[sflag:s11] =	ssyncadd.s32 $0xFFFFFF88  }
0x1aa: {  	_ =	swait.ge [sflag:s10], $0x3C00  }
0x1ab: {  	[sflag:s10] =	ssyncset.done $0x0  }
0x1ac: {  	[sflag:s10] =	ssyncadd.s32 $0xFFFFC400  }
0x1ad: {  	[tilespmem:s31], [sflag:$0x3] =	stream.indirect.gather [hbm4b:s2+s6], $0x80, s3, s6, $0xb8;
	[tilespmem:$0x7900] =	vst v63  }
0x1ae: {  	_ =	swait.ge [sflag:s9], $0x3C00  }
0x1af: {  	[sflag:s9] =	ssyncset.done $0x0  }
0x1b0: {  	[sflag:s9] =	ssyncadd.s32 $0xFFFFC400  }
0x1b1: {  	[hbm4b:s18+s3] =	stream.linear.scatter [tilespmem:s31], [sflag:$0x5], $0x3C00, $0x38;
	[tilespmem:$0x7900] =	vst v63  }
0x1b2: {  	_ = 	snop  }
0x1b3: {  	[tilespmem:s3], [sflag:$0x1] =	stream.linear.gather [hbm4b:s21+s3], $0x78, $0x38;
	[tilespmem:$0x7900] =	vst v63  }
0x1b4: {  	_ =	swait.ge [sflag:s19], $0x78  }
0x1b5: {  	[sflag:s19] =	ssyncset.done $0x0  }
0x1b6: {  	[sflag:s19] =	ssyncadd.s32 $0xFFFFFF88  }
0x1b7: {  	_ =	swait.ge [sflag:s7], $0x3C00  }
0x1b8: {  	[sflag:s7] =	ssyncset.done $0x0  }
0x1b9: {  	[sflag:s7] =	ssyncadd.s32 $0xFFFFC400  }
0x1ba: {  	[tilespmem:s15], [sflag:$0x4] =	stream.indirect.gather [hbm4b:s2+s6], $0x80, s13, s6, $0xb8;
	[tilespmem:$0x7900] =	vst v63  }
0x1bb: {  	_ =	swait.ge [sflag:s17], $0x3C00  }
0x1bc: {  	[sflag:s17] =	ssyncset.done $0x0  }
0x1bd: {  	[sflag:s17] =	ssyncadd.s32 $0xFFFFC400  }
0x1be: {  	[hbm4b:s14+s3] =	stream.linear.scatter [tilespmem:s15], [sflag:$0x6], $0x3C00, $0x38;
	[tilespmem:$0x7900] =	vst v63  }
0x1bf: {  	_ = 	snop  }
0x1c0: {  	[tilespmem:s13], [sflag:$0x2] =	stream.linear.gather [hbm4b:s20+s3], $0x78, $0x38;
	[tilespmem:$0x7900] =	vst v63  }
0x1c1: {  	_ =	swait.ge [sflag:s11], $0x78  }
0x1c2: {  	[sflag:s11] =	ssyncset.done $0x0  }
0x1c3: {  	[sflag:s11] =	ssyncadd.s32 $0xFFFFFF88  }
0x1c4: {  	_ =	swait.ge [sflag:s10], $0x3C00  }
0x1c5: {  	[sflag:s10] =	ssyncset.done $0x0  }
0x1c6: {  	[sflag:s10] =	ssyncadd.s32 $0xFFFFC400  }
0x1c7: {  	[tilespmem:s31], [sflag:$0x3] =	stream.indirect.gather [hbm4b:s2+s6], $0x80, s3, s6, $0xb8;
	[tilespmem:$0x7900] =	vst v63  }
0x1c8: {  	_ =	swait.ge [sflag:s9], $0x3C00  }
0x1c9: {  	[sflag:s9] =	ssyncset.done $0x0  }
0x1ca: {  	[sflag:s9] =	ssyncadd.s32 $0xFFFFC400  }
0x1cb: {  	[hbm4b:s12+s3] =	stream.linear.scatter [tilespmem:s31], [sflag:$0x5], $0x3C00, $0x38;
	[tilespmem:$0x7900] =	vst v63  }
0x1cc: {  	_ = 	snop  }
0x1cd: {  	[tilespmem:s3], [sflag:$0x1] =	stream.linear.gather [hbm4b:s16+s3], $0x78, $0x38;
	[tilespmem:$0x7900] =	vst v63  }
0x1ce: {  	_ =	swait.ge [sflag:s19], $0x78  }
0x1cf: {  	[sflag:s19] =	ssyncset.done $0x0  }
0x1d0: {  	[sflag:s19] =	ssyncadd.s32 $0xFFFFFF88  }
0x1d1: {  	_ =	swait.ge [sflag:s7], $0x3C00  }
0x1d2: {  	[sflag:s7] =	ssyncset.done $0x0  }
0x1d3: {  	[sflag:s7] =	ssyncadd.s32 $0xFFFFC400  }
0x1d4: {  	[tilespmem:s15], [sflag:$0x4] =	stream.indirect.gather [hbm4b:s2+s6], $0x80, s13, s6, $0xb8;
	[tilespmem:$0x7900] =	vst v63  }
0x1d5: {  	_ =	swait.ge [sflag:s17], $0x3C00  }
0x1d6: {  	[sflag:s17] =	ssyncset.done $0x0  }
0x1d7: {  	[sflag:s17] =	ssyncadd.s32 $0xFFFFC400  }
0x1d8: {  	[hbm4b:s8+s3] =	stream.linear.scatter [tilespmem:s15], [sflag:$0x6], $0x3C00, $0x38;
	[tilespmem:$0x7900] =	vst v63  }
0x1d9: {  	_ =	swait.ge [sflag:s11], $0x78  }
0x1da: {  	[sflag:s11] =	ssyncset.done $0x0  }
0x1db: {  	[sflag:s11] =	ssyncadd.s32 $0xFFFFFF88  }
0x1dc: {  	_ =	swait.ge [sflag:s10], $0x3C00  }
0x1dd: {  	[sflag:s10] =	ssyncset.done $0x0  }
0x1de: {  	[sflag:s10] =	ssyncadd.s32 $0xFFFFC400  }
0x1df: {  	[tilespmem:s31], [sflag:$0x3] =	stream.indirect.gather [hbm4b:s2+s6], $0x80, s3, s6, $0xb8;
	[tilespmem:$0x7900] =	vst v63  }
0x1e0: {  	_ =	swait.ge [sflag:s9], $0x3C00  }
0x1e1: {  	[sflag:s9] =	ssyncset.done $0x0  }
0x1e2: {  	p1 =	sne.s32 s1, $0x1;
	[sflag:s9] =	ssyncadd.s32 $0xFFFFC400  }
0x1e3: {  	[hbm4b:s5+s3] =	stream.linear.scatter [tilespmem:s31], [sflag:$0x5], $0x3C00, $0x38;
	[tilespmem:$0x7900] =	vst v63  }
.Ltmp2:
0x1e4: {  	_ =	swait.ge [sflag:s10], $0x3C00;
	(pc) =	sbr.rel @p1 .LBB2_2-.Ltmp2, $4  }
0x1e5: {  	s1 =	sadd.s32 $0xFFFFFFFF, s1;
	s22 =	smov.u32 s16;
	[sflag:s10] =	ssyncset.done $0x0  }
0x1e6: {  	s18 =	smov.u32 s14;
	s21 =	smov.u32 s20;
	[sflag:s10] =	ssyncadd.s32 $0xFFFFC400  }
0x1e7: {  	s14 =	smov.u32 s12;
	s12 =	smov.u32 s8;
	_ =	swait.ge [sflag:s7], $0x3C00  }
0x1e8: {  	s8 =	smov.u32 s5;
	s0 =	rddreg [dreg:$0x4];
	[sflag:s7] =	ssyncset.done $0x0  }
.LBB2_3:
0x1e9: {  	[sflag:s7] =	ssyncadd.s32 @p0 $0xFFFFC400  }
0x1ea: {  	[tilespmem:s3], [sflag:$0x1] =	stream.linear.gather [hbm4b:s0+s3], $0x78, $0x38;
	[tilespmem:$0x7900] =	vst v63  }
0x1eb: {  	s1 =	rddreg [dreg:$0x5]  }
0x1ec: {  	[tilespmem:s13], [sflag:$0x2] =	stream.linear.gather [hbm4b:s1+s3], $0x78, $0x38;
	[tilespmem:$0x7900] =	vst v63  }
0x1ed: {  	_ =	swait.ge [sflag:s11], $0x78  }
0x1ee: {  	[sflag:s11] =	ssyncset.done $0x0  }
0x1ef: {  	[sflag:s11] =	ssyncadd.s32 $0xFFFFFF88  }
0x1f0: {  	[tilespmem:s31], [sflag:$0x3] =	stream.indirect.gather [hbm4b:s2+s6], $0x80, s3, s6, $0xb8;
	[tilespmem:$0x7900] =	vst v63  }
0x1f1: {  	_ =	swait.ge [sflag:s9], $0x3C00  }
0x1f2: {  	[sflag:s9] =	ssyncset.done $0x0  }
0x1f3: {  	s1 =	rddreg [dreg:$0x6];
	[sflag:s9] =	ssyncadd.s32 $0xFFFFC400  }
0x1f4: {  	[hbm4b:s1+s3] =	stream.linear.scatter [tilespmem:s31], [sflag:$0x5], $0x3C00, $0x38;
	[tilespmem:$0x7900] =	vst v63  }
0x1f5: {  	s5 =	rddreg [dreg:$0x7]  }
0x1f6: {  	[tilespmem:s3], [sflag:$0x1] =	stream.linear.gather [hbm4b:s5+s3], $0x78, $0x38;
	[tilespmem:$0x7900] =	vst v63  }
0x1f7: {  	_ =	swait.ge [sflag:s19], $0x78  }
0x1f8: {  	[sflag:s19] =	ssyncset.done $0x0  }
0x1f9: {  	[sflag:s19] =	ssyncadd.s32 $0xFFFFFF88  }
0x1fa: {  	[tilespmem:s15], [sflag:$0x4] =	stream.indirect.gather [hbm4b:s2+s6], $0x80, s13, s6, $0xb8;
	[tilespmem:$0x7900] =	vst v63  }
0x1fb: {  	_ =	swait.ge [sflag:s17], $0x3C00  }
0x1fc: {  	[sflag:s17] =	ssyncset.done $0x0  }
0x1fd: {  	s16 =	rddreg [dreg:$0x8];
	[sflag:s17] =	ssyncadd.s32 $0xFFFFC400  }
0x1fe: {  	[hbm4b:s16+s3] =	stream.linear.scatter [tilespmem:s15], [sflag:$0x6], $0x3C00, $0x38;
	[tilespmem:$0x7900] =	vst v63  }
0x1ff: {  	s20 =	rddreg [dreg:$0x9]  }
0x200: {  	[tilespmem:s13], [sflag:$0x2] =	stream.linear.gather [hbm4b:s20+s3], $0x78, $0x38;
	[tilespmem:$0x7900] =	vst v63  }
0x201: {  	_ =	swait.ge [sflag:s11], $0x78  }
0x202: {  	[sflag:s11] =	ssyncset.done $0x0  }
0x203: {  	[sflag:s11] =	ssyncadd.s32 $0xFFFFFF88  }
0x204: {  	_ =	swait.ge [sflag:s10], $0x3C00  }
0x205: {  	[sflag:s10] =	ssyncset.done $0x0  }
0x206: {  	[sflag:s10] =	ssyncadd.s32 $0xFFFFC400  }
0x207: {  	[tilespmem:s31], [sflag:$0x3] =	stream.indirect.gather [hbm4b:s2+s6], $0x80, s3, s6, $0xb8;
	[tilespmem:$0x7900] =	vst v63  }
0x208: {  	_ =	swait.ge [sflag:s9], $0x3C00  }
0x209: {  	[sflag:s9] =	ssyncset.done $0x0  }
0x20a: {  	s1 =	rddreg [dreg:$0xa];
	[sflag:s9] =	ssyncadd.s32 $0xFFFFC400  }
0x20b: {  	[hbm4b:s1+s3] =	stream.linear.scatter [tilespmem:s31], [sflag:$0x5], $0x3C00, $0x38;
	[tilespmem:$0x7900] =	vst v63  }
0x20c: {  	s5 =	rddreg [dreg:$0xb]  }
0x20d: {  	[tilespmem:s3], [sflag:$0x1] =	stream.linear.gather [hbm4b:s5+s3], $0x78, $0x38;
	[tilespmem:$0x7900] =	vst v63  }
0x20e: {  	_ =	swait.ge [sflag:s19], $0x78  }
0x20f: {  	[sflag:s19] =	ssyncset.done $0x0  }
0x210: {  	[sflag:s19] =	ssyncadd.s32 $0xFFFFFF88  }
0x211: {  	_ =	swait.ge [sflag:s7], $0x3C00  }
0x212: {  	[sflag:s7] =	ssyncset.done $0x0  }
0x213: {  	[sflag:s7] =	ssyncadd.s32 $0xFFFFC400  }
0x214: {  	[tilespmem:s15], [sflag:$0x4] =	stream.indirect.gather [hbm4b:s2+s6], $0x80, s13, s6, $0xb8;
	[tilespmem:$0x7900] =	vst v63  }
0x215: {  	_ =	swait.ge [sflag:s17], $0x3C00  }
0x216: {  	[sflag:s17] =	ssyncset.done $0x0  }
0x217: {  	s16 =	rddreg [dreg:$0xc];
	[sflag:s17] =	ssyncadd.s32 $0xFFFFC400  }
0x218: {  	[hbm4b:s16+s3] =	stream.linear.scatter [tilespmem:s15], [sflag:$0x6], $0x3C00, $0x38;
	[tilespmem:$0x7900] =	vst v63  }
0x219: {  	s20 =	rddreg [dreg:$0xd]  }
0x21a: {  	[tilespmem:s13], [sflag:$0x2] =	stream.linear.gather [hbm4b:s20+s3], $0x78, $0x38;
	[tilespmem:$0x7900] =	vst v63  }
0x21b: {  	_ =	swait.ge [sflag:s11], $0x78  }
0x21c: {  	[sflag:s11] =	ssyncset.done $0x0  }
0x21d: {  	[sflag:s11] =	ssyncadd.s32 $0xFFFFFF88  }
0x21e: {  	_ =	swait.ge [sflag:s10], $0x3C00  }
0x21f: {  	[sflag:s10] =	ssyncset.done $0x0  }
0x220: {  	[sflag:s10] =	ssyncadd.s32 $0xFFFFC400  }
0x221: {  	[tilespmem:s31], [sflag:$0x3] =	stream.indirect.gather [hbm4b:s2+s6], $0x80, s3, s6, $0xb8;
	[tilespmem:$0x7900] =	vst v63  }
0x222: {  	_ =	swait.ge [sflag:s9], $0x3C00  }
0x223: {  	[sflag:s9] =	ssyncset.done $0x0  }
0x224: {  	s1 =	rddreg [dreg:$0xe];
	[sflag:s9] =	ssyncadd.s32 $0xFFFFC400  }
0x225: {  	[hbm4b:s1+s3] =	stream.linear.scatter [tilespmem:s31], [sflag:$0x5], $0x3C00, $0x38;
	[tilespmem:$0x7900] =	vst v63  }
0x226: {  	s5 =	rddreg [dreg:$0xf]  }
0x227: {  	[tilespmem:s3], [sflag:$0x1] =	stream.linear.gather [hbm4b:s5+s3], $0x78, $0x38;
	[tilespmem:$0x7900] =	vst v63  }
0x228: {  	_ =	swait.ge [sflag:s19], $0x78  }
0x229: {  	[sflag:s19] =	ssyncset.done $0x0  }
0x22a: {  	[sflag:s19] =	ssyncadd.s32 $0xFFFFFF88  }
0x22b: {  	_ =	swait.ge [sflag:s7], $0x3C00  }
0x22c: {  	[sflag:s7] =	ssyncset.done $0x0  }
0x22d: {  	[sflag:s7] =	ssyncadd.s32 $0xFFFFC400  }
0x22e: {  	[tilespmem:s15], [sflag:$0x4] =	stream.indirect.gather [hbm4b:s2+s6], $0x80, s13, s6, $0xb8;
	[tilespmem:$0x7900] =	vst v63  }
0x22f: {  	_ =	swait.ge [sflag:s17], $0x3C00  }
0x230: {  	[sflag:s17] =	ssyncset.done $0x0  }
0x231: {  	s16 =	rddreg [dreg:$0x10];
	[sflag:s17] =	ssyncadd.s32 $0xFFFFC400  }
0x232: {  	[hbm4b:s16+s3] =	stream.linear.scatter [tilespmem:s15], [sflag:$0x6], $0x3C00, $0x38;
	[tilespmem:$0x7900] =	vst v63  }
0x233: {  	s20 =	rddreg [dreg:$0x11]  }
0x234: {  	[tilespmem:s13], [sflag:$0x2] =	stream.linear.gather [hbm4b:s20+s3], $0x78, $0x38;
	[tilespmem:$0x7900] =	vst v63  }
0x235: {  	_ =	swait.ge [sflag:s11], $0x78  }
0x236: {  	[sflag:s11] =	ssyncset.done $0x0  }
0x237: {  	[sflag:s11] =	ssyncadd.s32 $0xFFFFFF88  }
0x238: {  	_ =	swait.ge [sflag:s10], $0x3C00  }
0x239: {  	[sflag:s10] =	ssyncset.done $0x0  }
0x23a: {  	[sflag:s10] =	ssyncadd.s32 $0xFFFFC400  }
0x23b: {  	[tilespmem:s31], [sflag:$0x3] =	stream.indirect.gather [hbm4b:s2+s6], $0x80, s3, s6, $0xb8;
	[tilespmem:$0x7900] =	vst v63  }
0x23c: {  	_ =	swait.ge [sflag:s9], $0x3C00  }
0x23d: {  	[sflag:s9] =	ssyncset.done $0x0  }
0x23e: {  	s5 =	rddreg [dreg:$0x12];
	[sflag:s9] =	ssyncadd.s32 $0xFFFFC400  }
0x23f: {  	[hbm4b:s5+s3] =	stream.linear.scatter [tilespmem:s31], [sflag:$0x5], $0x3C00, $0x38;
	[tilespmem:$0x7900] =	vst v63  }
0x240: {  	s16 =	rddreg [dreg:$0x13]  }
0x241: {  	[tilespmem:s3], [sflag:$0x1] =	stream.linear.gather [hbm4b:s16+s3], $0x78, $0x38;
	[tilespmem:$0x7900] =	vst v63  }
0x242: {  	_ =	swait.ge [sflag:s19], $0x78  }
0x243: {  	[sflag:s19] =	ssyncset.done $0x0  }
0x244: {  	[sflag:s19] =	ssyncadd.s32 $0xFFFFFF88  }
0x245: {  	_ =	swait.ge [sflag:s7], $0x3C00  }
0x246: {  	[sflag:s7] =	ssyncset.done $0x0  }
0x247: {  	[sflag:s7] =	ssyncadd.s32 $0xFFFFC400  }
0x248: {  	[tilespmem:s15], [sflag:$0x4] =	stream.indirect.gather [hbm4b:s2+s6], $0x80, s13, s6, $0xb8;
	[tilespmem:$0x7900] =	vst v63  }
0x249: {  	_ =	swait.ge [sflag:s17], $0x3C00  }
0x24a: {  	[sflag:s17] =	ssyncset.done $0x0  }
0x24b: {  	s20 =	rddreg [dreg:$0x14];
	[sflag:s17] =	ssyncadd.s32 $0xFFFFC400  }
0x24c: {  	[hbm4b:s20+s3] =	stream.linear.scatter [tilespmem:s15], [sflag:$0x6], $0x3C00, $0x38;
	[tilespmem:$0x7900] =	vst v63  }
0x24d: {  	_ = 	snop  }
0x24e: {  	[tilespmem:s13], [sflag:$0x2] =	stream.linear.gather [hbm4b:s4+s3], $0x78, $0x38;
	[tilespmem:$0x7900] =	vst v63  }
0x24f: {  	_ =	swait.ge [sflag:s11], $0x78  }
0x250: {  	[sflag:s11] =	ssyncset.done $0x0  }
0x251: {  	[sflag:s11] =	ssyncadd.s32 $0xFFFFFF88  }
0x252: {  	_ =	swait.ge [sflag:s10], $0x3C00  }
0x253: {  	[sflag:s10] =	ssyncset.done $0x0  }
0x254: {  	[sflag:s10] =	ssyncadd.s32 $0xFFFFC400  }
0x255: {  	[tilespmem:s31], [sflag:$0x3] =	stream.indirect.gather [hbm4b:s2+s6], $0x80, s3, s6, $0xb8;
	[tilespmem:$0x7900] =	vst v63  }
0x256: {  	_ =	swait.ge [sflag:s9], $0x3C00  }
0x257: {  	[sflag:s9] =	ssyncset.done $0x0  }
0x258: {  	[sflag:s9] =	ssyncadd.s32 $0xFFFFC400  }
0x259: {  	[hbm4b:s29+s3] =	stream.linear.scatter [tilespmem:s31], [sflag:$0x5], $0x3C00, $0x38;
	[tilespmem:$0x7900] =	vst v63  }
0x25a: {  	_ = 	snop  }
0x25b: {  	[tilespmem:s3], [sflag:$0x1] =	stream.linear.gather [hbm4b:s30+s3], $0x78, $0x38;
	[tilespmem:$0x7900] =	vst v63  }
0x25c: {  	_ =	swait.ge [sflag:s19], $0x78  }
0x25d: {  	[sflag:s19] =	ssyncset.done $0x0  }
0x25e: {  	[sflag:s19] =	ssyncadd.s32 $0xFFFFFF88  }
0x25f: {  	_ =	swait.ge [sflag:s7], $0x3C00  }
0x260: {  	[sflag:s7] =	ssyncset.done $0x0  }
0x261: {  	[sflag:s7] =	ssyncadd.s32 $0xFFFFC400  }
0x262: {  	[tilespmem:s15], [sflag:$0x4] =	stream.indirect.gather [hbm4b:s2+s6], $0x80, s13, s6, $0xb8;
	[tilespmem:$0x7900] =	vst v63  }
0x263: {  	_ =	swait.ge [sflag:s17], $0x3C00  }
0x264: {  	[sflag:s17] =	ssyncset.done $0x0  }
0x265: {  	[sflag:s17] =	ssyncadd.s32 $0xFFFFC400  }
0x266: {  	[hbm4b:s26+s3] =	stream.linear.scatter [tilespmem:s15], [sflag:$0x6], $0x3C00, $0x38;
	[tilespmem:$0x7900] =	vst v63  }
0x267: {  	_ = 	snop  }
0x268: {  	[tilespmem:s13], [sflag:$0x2] =	stream.linear.gather [hbm4b:s28+s3], $0x78, $0x38;
	[tilespmem:$0x7900] =	vst v63  }
0x269: {  	_ =	swait.ge [sflag:s11], $0x78  }
0x26a: {  	[sflag:s11] =	ssyncset.done $0x0  }
0x26b: {  	[sflag:s11] =	ssyncadd.s32 $0xFFFFFF88  }
0x26c: {  	_ =	swait.ge [sflag:s10], $0x3C00  }
0x26d: {  	[sflag:s10] =	ssyncset.done $0x0  }
0x26e: {  	[sflag:s10] =	ssyncadd.s32 $0xFFFFC400  }
0x26f: {  	[tilespmem:s31], [sflag:$0x3] =	stream.indirect.gather [hbm4b:s2+s6], $0x80, s3, s6, $0xb8;
	[tilespmem:$0x7900] =	vst v63  }
0x270: {  	_ =	swait.ge [sflag:s9], $0x3C00  }
0x271: {  	[sflag:s9] =	ssyncset.done $0x0  }
0x272: {  	[sflag:s9] =	ssyncadd.s32 $0xFFFFC400  }
0x273: {  	[hbm4b:s24+s3] =	stream.linear.scatter [tilespmem:s31], [sflag:$0x5], $0x3C00, $0x38;
	[tilespmem:$0x7900] =	vst v63  }
0x274: {  	_ = 	snop  }
0x275: {  	[tilespmem:s3], [sflag:$0x1] =	stream.linear.gather [hbm4b:s25+s3], $0x78, $0x38;
	[tilespmem:$0x7900] =	vst v63  }
0x276: {  	_ =	swait.ge [sflag:s19], $0x78  }
0x277: {  	[sflag:s19] =	ssyncset.done $0x0  }
0x278: {  	[sflag:s19] =	ssyncadd.s32 $0xFFFFFF88  }
0x279: {  	_ =	swait.ge [sflag:s7], $0x3C00  }
0x27a: {  	[sflag:s7] =	ssyncset.done $0x0  }
0x27b: {  	[sflag:s7] =	ssyncadd.s32 $0xFFFFC400  }
0x27c: {  	[tilespmem:s15], [sflag:$0x4] =	stream.indirect.gather [hbm4b:s2+s6], $0x80, s13, s6, $0xb8;
	[tilespmem:$0x7900] =	vst v63  }
0x27d: {  	_ =	swait.ge [sflag:s17], $0x3C00  }
0x27e: {  	[sflag:s17] =	ssyncset.done $0x0  }
0x27f: {  	s28 =	rddreg [dreg:$0x18];
	[sflag:s17] =	ssyncadd.s32 $0xFFFFC400  }
0x280: {  	[hbm4b:s28+s3] =	stream.linear.scatter [tilespmem:s15], [sflag:$0x6], $0x3C00, $0x38;
	[tilespmem:$0x7900] =	vst v63  }
0x281: {  	_ = 	snop  }
0x282: {  	[tilespmem:s13], [sflag:$0x2] =	stream.linear.gather [hbm4b:s23+s3], $0x78, $0x38;
	[tilespmem:$0x7900] =	vst v63  }
0x283: {  	_ =	swait.ge [sflag:s11], $0x78  }
0x284: {  	[sflag:s11] =	ssyncset.done $0x0  }
0x285: {  	[sflag:s11] =	ssyncadd.s32 $0xFFFFFF88  }
0x286: {  	_ =	swait.ge [sflag:s10], $0x3C00  }
0x287: {  	[sflag:s10] =	ssyncset.done $0x0  }
0x288: {  	[sflag:s10] =	ssyncadd.s32 $0xFFFFC400  }
0x289: {  	[tilespmem:s31], [sflag:$0x3] =	stream.indirect.gather [hbm4b:s2+s6], $0x80, s3, s6, $0xb8;
	[tilespmem:$0x7900] =	vst v63  }
0x28a: {  	_ =	swait.ge [sflag:s9], $0x3C00  }
0x28b: {  	[sflag:s9] =	ssyncset.done $0x0  }
0x28c: {  	s29 =	rddreg [dreg:$0x16];
	[sflag:s9] =	ssyncadd.s32 $0xFFFFC400  }
0x28d: {  	[hbm4b:s29+s3] =	stream.linear.scatter [tilespmem:s31], [sflag:$0x5], $0x3C00, $0x38;
	[tilespmem:$0x7900] =	vst v63  }
0x28e: {  	s30 =	rddreg [dreg:$0x17]  }
0x28f: {  	[tilespmem:s3], [sflag:$0x1] =	stream.linear.gather [hbm4b:s30+s3], $0x78, $0x38;
	[tilespmem:$0x7900] =	vst v63  }
0x290: {  	_ =	swait.ge [sflag:s19], $0x78  }
0x291: {  	[sflag:s19] =	ssyncset.done $0x0  }
0x292: {  	[sflag:s19] =	ssyncadd.s32 $0xFFFFFF88  }
0x293: {  	_ =	swait.ge [sflag:s7], $0x3C00  }
0x294: {  	[sflag:s7] =	ssyncset.done $0x0  }
0x295: {  	[sflag:s7] =	ssyncadd.s32 $0xFFFFC400  }
0x296: {  	[tilespmem:s15], [sflag:$0x4] =	stream.indirect.gather [hbm4b:s2+s6], $0x80, s13, s6, $0xb8;
	[tilespmem:$0x7900] =	vst v63  }
0x297: {  	_ =	swait.ge [sflag:s17], $0x3C00  }
0x298: {  	[sflag:s17] =	ssyncset.done $0x0  }
0x299: {  	[sflag:s17] =	ssyncadd.s32 $0xFFFFC400  }
0x29a: {  	[hbm4b:s18+s3] =	stream.linear.scatter [tilespmem:s15], [sflag:$0x6], $0x3C00, $0x38;
	[tilespmem:$0x7900] =	vst v63  }
0x29b: {  	_ = 	snop  }
0x29c: {  	[tilespmem:s13], [sflag:$0x2] =	stream.linear.gather [hbm4b:s21+s3], $0x78, $0x38;
	[tilespmem:$0x7900] =	vst v63  }
0x29d: {  	_ =	swait.ge [sflag:s11], $0x78  }
0x29e: {  	[sflag:s11] =	ssyncset.done $0x0  }
0x29f: {  	[sflag:s11] =	ssyncadd.s32 $0xFFFFFF88  }
0x2a0: {  	_ =	swait.ge [sflag:s10], $0x3C00  }
0x2a1: {  	[sflag:s10] =	ssyncset.done $0x0  }
0x2a2: {  	[sflag:s10] =	ssyncadd.s32 $0xFFFFC400  }
0x2a3: {  	[tilespmem:s31], [sflag:$0x3] =	stream.indirect.gather [hbm4b:s2+s6], $0x80, s3, s6, $0xb8;
	[tilespmem:$0x7900] =	vst v63  }
0x2a4: {  	_ =	swait.ge [sflag:s9], $0x3C00  }
0x2a5: {  	[sflag:s9] =	ssyncset.done $0x0  }
0x2a6: {  	[sflag:s9] =	ssyncadd.s32 $0xFFFFC400  }
0x2a7: {  	[hbm4b:s14+s3] =	stream.linear.scatter [tilespmem:s31], [sflag:$0x5], $0x3C00, $0x38;
	[tilespmem:$0x7900] =	vst v63  }
0x2a8: {  	_ = 	snop  }
0x2a9: {  	[tilespmem:s3], [sflag:$0x1] =	stream.linear.gather [hbm4b:s22+s3], $0x78, $0x38;
	[tilespmem:$0x7900] =	vst v63  }
0x2aa: {  	_ =	swait.ge [sflag:s19], $0x78  }
0x2ab: {  	[sflag:s19] =	ssyncset.done $0x0  }
0x2ac: {  	[sflag:s19] =	ssyncadd.s32 $0xFFFFFF88  }
0x2ad: {  	_ =	swait.ge [sflag:s7], $0x3C00  }
0x2ae: {  	[sflag:s7] =	ssyncset.done $0x0  }
0x2af: {  	[sflag:s7] =	ssyncadd.s32 $0xFFFFC400  }
0x2b0: {  	[tilespmem:s15], [sflag:$0x4] =	stream.indirect.gather [hbm4b:s2+s6], $0x80, s13, s6, $0xb8;
	[tilespmem:$0x7900] =	vst v63  }
0x2b1: {  	_ =	swait.ge [sflag:s17], $0x3C00  }
0x2b2: {  	[sflag:s17] =	ssyncset.done $0x0  }
0x2b3: {  	[sflag:s17] =	ssyncadd.s32 $0xFFFFC400  }
0x2b4: {  	[hbm4b:s12+s3] =	stream.linear.scatter [tilespmem:s15], [sflag:$0x6], $0x3C00, $0x38;
	[tilespmem:$0x7900] =	vst v63  }
0x2b5: {  	_ =	swait.ge [sflag:s11], $0x78  }
0x2b6: {  	[sflag:s11] =	ssyncset.done $0x0  }
0x2b7: {  	[sflag:s11] =	ssyncadd.s32 $0xFFFFFF88  }
0x2b8: {  	_ =	swait.ge [sflag:s10], $0x3C00  }
0x2b9: {  	[sflag:s10] =	ssyncset.done $0x0  }
0x2ba: {  	[sflag:s10] =	ssyncadd.s32 $0xFFFFC400  }
0x2bb: {  	[tilespmem:s31], [sflag:$0x3] =	stream.indirect.gather [hbm4b:s2+s6], $0x80, s3, s6, $0xb8;
	[tilespmem:$0x7900] =	vst v63  }
0x2bc: {  	_ =	swait.ge [sflag:s9], $0x3C00  }
0x2bd: {  	[sflag:s9] =	ssyncset.done $0x0  }
0x2be: {  	[sflag:s9] =	ssyncadd.s32 $0xFFFFC400  }
0x2bf: {  	[hbm4b:s8+s3] =	stream.linear.scatter [tilespmem:s31], [sflag:$0x5], $0x3C00, $0x38;
	[tilespmem:$0x7900] =	vst v63  }
0x2c0: {  	_ =	swait.ge [sflag:s10], $0x3C00  }
0x2c1: {  	[sflag:s10] =	ssyncset.done $0x0  }
0x2c2: {  	[sflag:s10] =	ssyncadd.s32 $0xFFFFC400  }
0x2c3: {  	_ =	swait.ge [sflag:s7], $0x3C00  }
0x2c4: {  	[sflag:s7] =	ssyncset.done $0x0  }
0x2c5: {  	[sflag:s7] =	ssyncadd.s32 $0xFFFFC400  }
0x2c6: {  	_ =	sfence.sel $0x180000  }
0x2c7: {  	[bflag:$0x0] =	sbarrier.arrive $0xFFFF  }
0x2c8: {  	_ =	strace $0x90000047  }
0x2c9: {  	s31 =	stileid.u32;
	[bflag:$0x2] =	sbarrier.arrive $0xFFFF  }
0x2ca: {  	p0 =	sne.s32 s31, $0x0;
	s0 =	rddreg [dreg:$0x3]  }
0x2cb: {  	s0 =	sadd.s32 @!p0 $0x100000, s0  }
0x2cc: {  	[sflag:s0] =	ssyncadd.tile.s32 @!p0 $0x1;
	_ =	shalt  }
.Lfunc_end2:
_tile_overlayer_lowered:
.L_overlay_start_2:
0x2cd: {  	(tag) =	ssettag $0x2  }
0x2ce: {  	s0 =	rddreg [dreg:$0x0];
	s2 =	stileid.u32  }
0x2cf: {  	s1 =	rddreg [dreg:$0x1];
	p0 =	sne.s32 s2, $0x0  }
0x2d0: {  	s3 =	rddreg [dreg:$0x2];
	[bflag:$0x3] =	sbarrier.arrive $0xFFFF;
	s2 =	simm.s32 @!p0 $0x1C07  }
0x2d1: {  	[timem:s3], [sflag:s2] =	dma.local @!p0 [hbm:s0], s1  }
0x2d2: {  	s0 =	simm.s32 @!p0 $0x7  }
0x2d3: {  	_ =	swait.ge @!p0 [sflag:s0], s1  }
0x2d4: {  	s1 =	ssub.s32 @!p0 $0x0, s1;
	[sflag:s0] =	ssyncset.done @!p0 $0x0  }
0x2d5: {  	[sflag:s0] =	ssyncadd.s32 @!p0 s1  }
0x2d6: {  	[bflag:$0x3] =	sbarrier.arrive $0xFFFF  }
0x2d7: {  	_ =	shalt  }

</sc_bundles>
